<compile_context>
chip_gen: v7x
topology: tpu7x:2x2x1
jax: 0.10.2.dev20260603
libtpu: 0.0.44.dev20260713+nightly
codegen_flags: <defaults>
</compile_context>

<pallas_src>
import functools

import jax
import jax.numpy as jnp
from jax import lax
from jax.experimental import pallas as pl
from jax.experimental.pallas import tpu as pltpu
from jax.experimental.pallas import tpu_sc as plsc

H = 64
HH = 32
EK = 512
NC = 2
NS = 16


def _ceil_to(x, m):
    return (x + m - 1) // m * m



def _dense_body(x_ref, w_ref, b_ref, o_ref, *, relu):
    acc = jnp.dot(x_ref[...], w_ref[...], preferred_element_type=jnp.float32, precision=jax.lax.Precision.HIGHEST)
    acc = acc + b_ref[...]
    o_ref[...] = jnp.maximum(acc, 0.0) if relu else acc


def _tc_dense(x, w, b, n_rows=None, relu=True, block=1000):
    n = x.shape[0] if n_rows is None else n_rows
    k = x.shape[1]
    grid = n // block
    return pl.pallas_call(
        functools.partial(_dense_body, relu=relu),
        grid=(grid,),
        in_specs=[
            pl.BlockSpec((block, k), lambda i: (i, 0)),
            pl.BlockSpec((k, H), lambda i: (0, 0)),
            pl.BlockSpec((1, H), lambda i: (0, 0)),
        ],
        out_specs=pl.BlockSpec((block, H), lambda i: (i, 0)),
        out_shape=jax.ShapeDtypeStruct((n, H), jnp.float32),
    )(x, w, b.reshape(1, H))


def _matmul_nobias(x, w, n_rows=None, block=1000):
    n = x.shape[0] if n_rows is None else n_rows
    k = x.shape[1]

    def body(x_ref, w_ref, o_ref):
        o_ref[...] = jnp.dot(x_ref[...], w_ref[...],
                             preferred_element_type=jnp.float32, precision=jax.lax.Precision.HIGHEST)

    return pl.pallas_call(
        body,
        grid=(n // block,),
        in_specs=[
            pl.BlockSpec((block, k), lambda i: (i, 0)),
            pl.BlockSpec((k, H), lambda i: (0, 0)),
        ],
        out_specs=pl.BlockSpec((block, H), lambda i: (i, 0)),
        out_shape=jax.ShapeDtypeStruct((n, H), jnp.float32),
    )(x, w)


def _upd_body(pre_ref, a0_ref, a1_ref, c0_ref, c1_ref, bm_ref, wu_ref,
              o_ref):
    cnt = c0_ref[0, :, :1] + c1_ref[0, :, :1]
    inv = 1.0 / jnp.maximum(cnt, 1.0)
    m = (cnt > 0.0).astype(jnp.float32)
    bm = bm_ref[...]
    r0 = (a0_ref[0] * inv + bm[:, :HH]) * m
    r1 = (a1_ref[0] * inv + bm[:, HH:]) * m
    hr = jnp.concatenate([r0, r1], axis=1)
    acc = jnp.dot(hr, wu_ref[...], preferred_element_type=jnp.float32, precision=jax.lax.Precision.HIGHEST)
    o_ref[...] = jnp.maximum(acc + pre_ref[...], 0.0)


def _tc_update(pre, agg, cnt2, b_msg, w_upd_bot, block=1000):
    n = pre.shape[0]
    na = agg.shape[1] // block
    return pl.pallas_call(
        _upd_body,
        grid=(n // block,),
        in_specs=[
            pl.BlockSpec((block, H), lambda i: (i, 0)),
            pl.BlockSpec((1, block, HH), lambda i: (0, jnp.minimum(i, na - 1), 0)),
            pl.BlockSpec((1, block, HH), lambda i: (1, jnp.minimum(i, na - 1), 0)),
            pl.BlockSpec((1, block, 16), lambda i: (0, i, 0)),
            pl.BlockSpec((1, block, 16), lambda i: (1, i, 0)),
            pl.BlockSpec((1, H), lambda i: (0, 0)),
            pl.BlockSpec((H, H), lambda i: (0, 0)),
        ],
        out_specs=pl.BlockSpec((block, H), lambda i: (i, 0)),
        out_shape=jax.ShapeDtypeStruct((n, H), jnp.float32),
    )(pre, agg, agg, cnt2, cnt2, b_msg.reshape(1, H), w_upd_bot)


def _colsum_body(x_ref, o_ref):
    @pl.when(pl.program_id(0) == 0)
    def _init():
        o_ref[...] = jnp.zeros_like(o_ref)

    o_ref[...] += jnp.sum(x_ref[...], axis=0, keepdims=True)


def _tc_colsum(x, block=1000):
    n = x.shape[0]
    return pl.pallas_call(
        _colsum_body,
        grid=(n // block,),
        in_specs=[pl.BlockSpec((block, H), lambda i: (i, 0))],
        out_specs=pl.BlockSpec((1, H), lambda i: (0, 0)),
        out_shape=jax.ShapeDtypeStruct((1, H), jnp.float32),
    )(x)


def _mlp_body(st_ref, sp_ref, g_ref, w1_ref, b1_ref, w2_ref, b2_ref, w3_ref,
              b3_ref, o_ref, *, nt, np_):
    t = st_ref[...] * (1.0 / nt)
    p = sp_ref[...] * (1.0 / np_)
    comb = jnp.concatenate([t, p, g_ref[...]], axis=1)
    h = jnp.dot(comb, w1_ref[...], preferred_element_type=jnp.float32, precision=jax.lax.Precision.HIGHEST)
    h = jnp.maximum(h + b1_ref[...], 0.0)
    h = jnp.dot(h, w2_ref[...], preferred_element_type=jnp.float32, precision=jax.lax.Precision.HIGHEST)
    h = jnp.maximum(h + b2_ref[...], 0.0)
    h = jnp.dot(h, w3_ref[...], preferred_element_type=jnp.float32, precision=jax.lax.Precision.HIGHEST)
    o_ref[...] = h + b3_ref[...]


def _tc_readout(sum_t, sum_p, gfeat, ro, nt, np_):
    (w1, b1), (w2, b2), (w3, b3) = ro
    full = lambda s: pl.BlockSpec(s, lambda: tuple(0 for _ in s))
    return pl.pallas_call(
        functools.partial(_mlp_body, nt=float(nt), np_=float(np_)),
        in_specs=[full((1, H)), full((1, H)), full((1, 4)),
                  full(w1.shape), full((1, H)),
                  full(w2.shape), full((1, 32)),
                  full(w3.shape), full((1, 1))],
        out_specs=full((1, 1)),
        out_shape=jax.ShapeDtypeStruct((1, 1), jnp.float32),
    )(sum_t, sum_p, gfeat.reshape(1, 4), w1, b1.reshape(1, H),
      w2, b2.reshape(1, 32), w3, b3.reshape(1, 1))



@functools.cache
def _mesh():
    return plsc.VectorSubcoreMesh(core_axis_name="c", subcore_axis_name="s")


def _sc_segsum(table2, src2, dst, n_acc, ek):
    e_rows = dst.shape[0]
    nblocks = e_rows // NS
    rpw = n_acc // NS
    zeros = jnp.zeros((rpw, HH), jnp.float32)

    @functools.partial(
        pl.kernel,
        out_type=jax.ShapeDtypeStruct((NC, n_acc, HH), jnp.float32),
        mesh=_mesh(),
        scratch_types=[
            pltpu.VMEM((ek,), jnp.int32),
            pltpu.VMEM((ek,), jnp.int32),
            pltpu.VMEM((ek, HH), jnp.float32),
            pltpu.VMEM_SHARED((n_acc, HH), jnp.float32),
            pltpu.SemaphoreType.DMA,
            pltpu.SemaphoreType.DMA,
        ],
        compiler_params=pltpu.CompilerParams(use_tc_tiling_on_sc=False),
    )
    def k(table_hbm, src_hbm, dst_hbm, z_hbm, out_hbm,
          src_v, dst_v, rows_v, acc_sh, gsem, ssem):
        cid = lax.axis_index("c")
        sid = lax.axis_index("s")
        pltpu.sync_copy(z_hbm, acc_sh.at[pl.ds(sid * rpw, rpw), :])
        plsc.subcore_barrier()

        base = sid * nblocks

        def block(b, _):
            row0 = base + b
            pltpu.sync_copy(src_hbm.at[cid, row0], src_v)
            pltpu.sync_copy(dst_hbm.at[row0], dst_v)
            pltpu.async_copy(table_hbm.at[src_v], rows_v, gsem).wait()
            pltpu.async_copy(rows_v, acc_sh.at[dst_v], ssem, add=True).wait()
            return 0

        lax.fori_loop(0, nblocks, block, 0, unroll=False)
        plsc.subcore_barrier()
        pltpu.sync_copy(acc_sh.at[pl.ds(sid * rpw, rpw), :],
                        out_hbm.at[cid, pl.ds(sid * rpw, rpw), :])

    return k(table2, src2, dst, zeros)


EK_C = 512


def _sc_counts(dst, n_acc):
    e_rows = dst.shape[0]
    nblocks = e_rows // (NC * NS)
    rpw = n_acc // NS
    zeros = jnp.zeros((rpw, 16), jnp.float32)
    ones = jnp.ones((EK_C, 16), jnp.float32)

    @functools.partial(
        pl.kernel,
        out_type=jax.ShapeDtypeStruct((NC, n_acc, 16), jnp.float32),
        mesh=_mesh(),
        scratch_types=[
            pltpu.VMEM((EK_C,), jnp.int32),
            pltpu.VMEM((EK_C, 16), jnp.float32),
            pltpu.VMEM_SHARED((n_acc, 16), jnp.float32),
            pltpu.SemaphoreType.DMA,
        ],
        compiler_params=pltpu.CompilerParams(use_tc_tiling_on_sc=False),
    )
    def k(dst_hbm, z_hbm, ones_hbm, out_hbm, dst_v, ones_v, acc_sh, ssem):
        cid = lax.axis_index("c")
        sid = lax.axis_index("s")
        pltpu.sync_copy(z_hbm, acc_sh.at[pl.ds(sid * rpw, rpw), :])
        pltpu.sync_copy(ones_hbm, ones_v)
        plsc.subcore_barrier()

        base = (cid * NS + sid) * nblocks

        def block(b, _):
            pltpu.sync_copy(dst_hbm.at[base + b], dst_v)
            pltpu.async_copy(ones_v, acc_sh.at[dst_v], ssem, add=True).wait()
            return 0

        lax.fori_loop(0, nblocks, block, 0, unroll=False)
        plsc.subcore_barrier()
        pltpu.sync_copy(acc_sh.at[pl.ds(sid * rpw, rpw), :],
                        out_hbm.at[cid, pl.ds(sid * rpw, rpw), :])

    return k(dst, zeros, ones)



def _lcm(a, b):
    import math
    return a * b // math.gcd(a, b)


def _prep_edges(edge_index, dummy_seg, dummy_cnt, ek):
    e = edge_index.shape[1]
    e_pad = _ceil_to(e, _lcm(NS * ek, NC * NS * EK_C))
    pad = e_pad - e
    src = jnp.concatenate([edge_index[0], jnp.zeros((pad,), jnp.int32)])
    dseg = jnp.concatenate([edge_index[1],
                            jnp.full((pad,), dummy_seg, jnp.int32)])
    dcnt = jnp.concatenate([edge_index[1],
                            jnp.full((pad,), dummy_cnt, jnp.int32)])
    src2 = jnp.stack([2 * src, 2 * src + 1])
    return (src2.reshape(2, e_pad // ek, ek),
            dseg.reshape(e_pad // ek, ek),
            dcnt.reshape(e_pad // EK_C, EK_C))


def _mean_msgs(h_src, w_msg, src2, dst, n_acc, ek, n_src=None):
    tmp = _matmul_nobias(h_src, w_msg, n_rows=n_src)
    table2 = tmp.reshape(-1, HH)
    return _sc_segsum(table2, src2, dst, n_acc, ek)


def kernel(tile_feats, piece_feats, tile_edge_index, piece_to_tile,
           tile_to_piece, global_feats, params):
    num_tiles = tile_feats.shape[0]
    num_pieces = piece_feats.shape[0]
    n_acc_t = _ceil_to(num_tiles + 1, NS * 8)
    n_acc_p = _ceil_to(num_pieces + 1, NS * 8)

    ek_t2p, ek_p2t, ek_t2t = 2048, 2048, 512

    t2p_src2, t2p_dst, t2p_dcnt = _prep_edges(tile_to_piece, num_pieces,
                                              num_pieces, ek_t2p)
    p2t_src2, p2t_dst, p2t_dcnt = _prep_edges(piece_to_tile, num_pieces,
                                              num_tiles, ek_p2t)
    t2t_src2, t2t_dst, t2t_dcnt = _prep_edges(tile_edge_index, num_tiles,
                                              num_tiles, ek_t2t)

    cnt_t2p = _sc_counts(t2p_dcnt, n_acc_p)
    cnt_p2t = _sc_counts(p2t_dcnt, n_acc_t)
    cnt_t2t = _sc_counts(t2t_dcnt, n_acc_t)

    tile_h = _tc_dense(tile_feats, *params['tile_embed'])
    piece_h = _tc_dense(piece_feats, *params['piece_embed'])

    for lp in params['mp']:
        pre = _tc_dense(piece_h, lp['p_upd'][0][:H], lp['p_upd'][1],
                        relu=False)
        agg = _mean_msgs(tile_h, lp['t2p'][0], t2p_src2, t2p_dst, n_acc_p,
                         ek_t2p, n_src=num_pieces)
        piece_h = _tc_update(pre, agg, cnt_t2p, lp['t2p'][1],
                             lp['p_upd'][0][H:])
        pre = _tc_dense(tile_h, lp['t_upd_p'][0][:H], lp['t_upd_p'][1],
                        relu=False)
        agg = _mean_msgs(piece_h, lp['p2t'][0], p2t_src2, p2t_dst, n_acc_p,
                         ek_p2t)
        tile_h = _tc_update(pre, agg, cnt_p2t, lp['p2t'][1],
                            lp['t_upd_p'][0][H:])
        pre = _tc_dense(tile_h, lp['t_upd_t'][0][:H], lp['t_upd_t'][1],
                        relu=False)
        agg = _mean_msgs(tile_h, lp['t2t'][0], t2t_src2, t2t_dst, n_acc_t,
                         ek_t2t)
        tile_h = _tc_update(pre, agg, cnt_t2t, lp['t2t'][1],
                            lp['t_upd_t'][0][H:])

    sum_t = _tc_colsum(tile_h)
    sum_p = _tc_colsum(piece_h)
    out = _tc_readout(sum_t, sum_p, global_feats, params['readout'],
                      num_tiles, num_pieces)
    return out.reshape(())

# --- scband reference (transcript-rebuilt; emitter-appended) ---
"""Pipeline reference for scband-board-gnn-38792144617922 (READ-ONLY COPY).

The authoritative reference and input builder live on the scoring server;
editing this copy changes nothing except your own understanding.
"""

import jax, jax.numpy as jnp
import numpy as np

H = 64

def _lin(key, fan_in, fan_out):
    k1, k2 = jax.random.split(key)
    s = 1.0 / np.sqrt(fan_in)
    W = jax.random.uniform(k1, (fan_in, fan_out), minval=-s, maxval=s, dtype=jnp.float32)
    b = jax.random.uniform(k2, (fan_out,), minval=-s, maxval=s, dtype=jnp.float32)
    return (W, b)

def _dense(x, wb):
    return x @ wb[0] + wb[1]

def _mean_agg(msgs, dst, num_dst):
    agg = jnp.zeros((num_dst, msgs.shape[1]), msgs.dtype).at[dst].add(msgs)
    cnt = jnp.zeros((num_dst, 1), msgs.dtype).at[dst].add(1.0)
    return agg / jnp.clip(cnt, 1.0, None)

def setup_inputs(seed: int = 0) -> dict:
    key = jax.random.key(seed)
    ks = jax.random.split(key, 16)
    num_tiles, num_pieces, n_tile_edges, n_on = 50000, 25000, 800000, 25000
    tile_feats = jax.random.normal(ks[0], (num_tiles, 8), dtype=jnp.float32)
    piece_feats = jax.random.normal(ks[1], (num_pieces, 8), dtype=jnp.float32)
    tile_edge_index = jax.random.randint(ks[2], (2, n_tile_edges), 0, num_tiles, dtype=jnp.int32)
    piece_to_tile = jax.random.randint(ks[3], (2, n_on), 0, num_pieces, dtype=jnp.int32)
    tile_to_piece = jax.random.randint(ks[4], (2, n_on), 0, num_pieces, dtype=jnp.int32)
    global_feats = jax.random.normal(ks[5], (4,), dtype=jnp.float32)
    params = {}
    params['tile_embed'] = _lin(ks[6], 8, H)
    params['piece_embed'] = _lin(ks[7], 8, H)
    mp = []
    for i in range(3):
        sub = jax.random.split(ks[8 + i], 6)
        mp.append({
            't2p': _lin(sub[0], H, H),
            'p_upd': _lin(sub[1], 2 * H, H),
            'p2t': _lin(sub[2], H, H),
            't_upd_p': _lin(sub[3], 2 * H, H),
            't2t': _lin(sub[4], H, H),
            't_upd_t': _lin(sub[5], 2 * H, H),
        })
    params['mp'] = mp
    params['readout'] = [_lin(ks[11], H + H + 4, H), _lin(ks[12], H, 32), _lin(ks[13], 32, 1)]
    return {
        'tile_feats': tile_feats,
        'piece_feats': piece_feats,
        'tile_edge_index': tile_edge_index,
        'piece_to_tile': piece_to_tile,
        'tile_to_piece': tile_to_piece,
        'global_feats': global_feats,
        'params': params,
    }

def reference(tile_feats, piece_feats, tile_edge_index, piece_to_tile, tile_to_piece, global_feats, params):
    num_tiles = tile_feats.shape[0]
    num_pieces = piece_feats.shape[0]
    tile_h = jax.nn.relu(_dense(tile_feats, params['tile_embed']))
    piece_h = jax.nn.relu(_dense(piece_feats, params['piece_embed']))
    for lp in params['mp']:
        msgs = _dense(tile_h[tile_to_piece[0]], lp['t2p'])
        agg = _mean_agg(msgs, tile_to_piece[1], num_pieces)
        piece_h = jax.nn.relu(_dense(jnp.concatenate([piece_h, agg], axis=1), lp['p_upd']))
        msgs = _dense(piece_h[piece_to_tile[0]], lp['p2t'])
        agg = _mean_agg(msgs, piece_to_tile[1], num_tiles)
        tile_h = jax.nn.relu(_dense(jnp.concatenate([tile_h, agg], axis=1), lp['t_upd_p']))
        msgs = _dense(tile_h[tile_edge_index[0]], lp['t2t'])
        agg = _mean_agg(msgs, tile_edge_index[1], num_tiles)
        tile_h = jax.nn.relu(_dense(jnp.concatenate([tile_h, agg], axis=1), lp['t_upd_t']))
    combined = jnp.concatenate([tile_h.mean(axis=0), piece_h.mean(axis=0), global_feats])
    h = jax.nn.relu(_dense(combined, params['readout'][0]))
    h = jax.nn.relu(_dense(h, params['readout'][1]))
    score = _dense(h, params['readout'][2])
    return jnp.squeeze(score)

if __name__ == "__main__":
    import jax
    _d = setup_inputs()
    print(jax.jit(kernel)(*tuple(_d.values())))

</pallas_src>

<mosaic_0001>
#map = affine_map<(d0, d1) -> (0, 0)>
#map1 = affine_map<(d0, d1) -> (0, 0, 0)>
module attributes {stable_mosaic.version = 14 : i64} {
  func.func @k(%arg0: i32, %arg1: i32, %arg2: memref<50000x32xf32, #tpu.memory_space<hbm>>, %arg3: memref<2x16x2048xi32, #tpu.memory_space<hbm>>, %arg4: memref<16x2048xi32, #tpu.memory_space<hbm>>, %arg5: memref<1568x32xf32, #tpu.memory_space<hbm>>, %arg6: memref<2x25088x32xf32, #tpu.memory_space<hbm>>, %arg7: memref<2048xi32, #tpu.memory_space<vmem>>, %arg8: memref<2048xi32, #tpu.memory_space<vmem>>, %arg9: memref<2048x32xf32, #tpu.memory_space<vmem>>, %arg10: memref<25088x32xf32, #tpu.memory_space<vmem_shared>>, %arg11: memref<!tpu.dma_semaphore, #tpu.memory_space<semaphore_mem>>, %arg12: memref<!tpu.dma_semaphore, #tpu.memory_space<semaphore_mem>>) attributes {dimension_semantics = [#tpu.dimension_semantics<core_parallel>, #tpu.dimension_semantics<subcore_parallel>], iteration_bounds = array<i64: 2, 16>, scalar_prefetch = 0 : i64, scratch_operands = 6 : i64, tpu.core_type = #tpu.core_type<sc_vector_subcore>, window_params = [{transform_indices = #map}, {transform_indices = #map1}, {transform_indices = #map}, {transform_indices = #map}, {transform_indices = #map1}]} {
    %mul3A = arith.constant 1568 : i32
    %mul3A_0 = arith.muli %arg1, %mul3A : i32
    "tpu.region"() ({
      %run_scoped3A = tpu.sem_alloc : memref<!tpu.dma_semaphore, #tpu.memory_space<semaphore_mem>>
      %dma_start3A_21 = arith.constant 0 : i32
      %dma_start3A_22 = tpu.memref_slice %arg10[%mul3A_0, %dma_start3A_21] : memref<25088x32xf32, #tpu.memory_space<vmem_shared>> -> memref<1568x32xf32, #tpu.memory_space<vmem_shared>>
      tpu.enqueue_dma source(%arg5 : memref<1568x32xf32, #tpu.memory_space<hbm>>) target(%dma_start3A_22 : memref<1568x32xf32, #tpu.memory_space<vmem_shared>>) target_semaphore(%run_scoped3A : memref<!tpu.dma_semaphore, #tpu.memory_space<semaphore_mem>>)
      %dma_wait3A_23 = arith.constant 0 : i32
      %dma_wait3A_24 = tpu.memref_slice %arg10[%mul3A_0, %dma_wait3A_23] : memref<25088x32xf32, #tpu.memory_space<vmem_shared>> -> memref<1568x32xf32, #tpu.memory_space<vmem_shared>>
      tpu.wait_dma2 semaphore(%run_scoped3A : memref<!tpu.dma_semaphore, #tpu.memory_space<semaphore_mem>>) src(%arg5 : memref<1568x32xf32, #tpu.memory_space<hbm>>) dst(%dma_wait3A_24 : memref<1568x32xf32, #tpu.memory_space<vmem_shared>>)
      tpu.yield
    }) : () -> ()
    %barrier3A = arith.constant 0 : index
    tpu.barrier barrier_id(%barrier3A)
    %mul3A_1 = arith.constant 1 : i32
    %mul3A_2 = arith.muli %arg1, %mul3A_1 : i32
    %scan3A = arith.constant 0 : i32
    %scan3A_3 = arith.constant 0 : i32
    %add3A = arith.addi %mul3A_2, %scan3A_3 : i32
    "tpu.region"() ({
      %run_scoped3A = tpu.sem_alloc : memref<!tpu.dma_semaphore, #tpu.memory_space<semaphore_mem>>
      %dma_start3A_21 = arith.constant 0 : i32
      %dma_start3A_22 = tpu.memref_slice %arg3[%arg0, %add3A, %dma_start3A_21] : memref<2x16x2048xi32, #tpu.memory_space<hbm>> -> memref<1x1x2048xi32, #tpu.memory_space<hbm>>
      %dma_start3A_23 = tpu.memref_squeeze %dma_start3A_22 : memref<1x1x2048xi32, #tpu.memory_space<hbm>> -> memref<2048xi32, #tpu.memory_space<hbm>>
      %dma_start3A_24 = arith.constant 0 : i32
      %dma_start3A_25 = tpu.memref_slice %arg3[%arg0, %add3A, %dma_start3A_24] : memref<2x16x2048xi32, #tpu.memory_space<hbm>> -> memref<1x1x2048xi32, #tpu.memory_space<hbm>>
      %dma_start3A_26 = tpu.memref_squeeze %dma_start3A_25 : memref<1x1x2048xi32, #tpu.memory_space<hbm>> -> memref<2048xi32, #tpu.memory_space<hbm>>
      tpu.enqueue_dma source(%dma_start3A_26 : memref<2048xi32, #tpu.memory_space<hbm>>) target(%arg7 : memref<2048xi32, #tpu.memory_space<vmem>>) target_semaphore(%run_scoped3A : memref<!tpu.dma_semaphore, #tpu.memory_space<semaphore_mem>>)
      %dma_wait3A_27 = arith.constant 0 : i32
      %dma_wait3A_28 = tpu.memref_slice %arg3[%arg0, %add3A, %dma_wait3A_27] : memref<2x16x2048xi32, #tpu.memory_space<hbm>> -> memref<1x1x2048xi32, #tpu.memory_space<hbm>>
      %dma_wait3A_29 = tpu.memref_squeeze %dma_wait3A_28 : memref<1x1x2048xi32, #tpu.memory_space<hbm>> -> memref<2048xi32, #tpu.memory_space<hbm>>
      %dma_wait3A_30 = arith.constant 0 : i32
      %dma_wait3A_31 = tpu.memref_slice %arg3[%arg0, %add3A, %dma_wait3A_30] : memref<2x16x2048xi32, #tpu.memory_space<hbm>> -> memref<1x1x2048xi32, #tpu.memory_space<hbm>>
      %dma_wait3A_32 = tpu.memref_squeeze %dma_wait3A_31 : memref<1x1x2048xi32, #tpu.memory_space<hbm>> -> memref<2048xi32, #tpu.memory_space<hbm>>
      tpu.wait_dma2 semaphore(%run_scoped3A : memref<!tpu.dma_semaphore, #tpu.memory_space<semaphore_mem>>) src(%dma_wait3A_32 : memref<2048xi32, #tpu.memory_space<hbm>>) dst(%arg7 : memref<2048xi32, #tpu.memory_space<vmem>>)
      tpu.yield
    }) : () -> ()
    "tpu.region"() ({
      %run_scoped3A = tpu.sem_alloc : memref<!tpu.dma_semaphore, #tpu.memory_space<semaphore_mem>>
      %dma_start3A_21 = arith.constant 0 : i32
      %dma_start3A_22 = tpu.memref_slice %arg4[%add3A, %dma_start3A_21] : memref<16x2048xi32, #tpu.memory_space<hbm>> -> memref<1x2048xi32, #tpu.memory_space<hbm>>
      %dma_start3A_23 = tpu.memref_squeeze %dma_start3A_22 : memref<1x2048xi32, #tpu.memory_space<hbm>> -> memref<2048xi32, #tpu.memory_space<hbm>>
      %dma_start3A_24 = arith.constant 0 : i32
      %dma_start3A_25 = tpu.memref_slice %arg4[%add3A, %dma_start3A_24] : memref<16x2048xi32, #tpu.memory_space<hbm>> -> memref<1x2048xi32, #tpu.memory_space<hbm>>
      %dma_start3A_26 = tpu.memref_squeeze %dma_start3A_25 : memref<1x2048xi32, #tpu.memory_space<hbm>> -> memref<2048xi32, #tpu.memory_space<hbm>>
      tpu.enqueue_dma source(%dma_start3A_26 : memref<2048xi32, #tpu.memory_space<hbm>>) target(%arg8 : memref<2048xi32, #tpu.memory_space<vmem>>) target_semaphore(%run_scoped3A : memref<!tpu.dma_semaphore, #tpu.memory_space<semaphore_mem>>)
      %dma_wait3A_27 = arith.constant 0 : i32
      %dma_wait3A_28 = tpu.memref_slice %arg4[%add3A, %dma_wait3A_27] : memref<16x2048xi32, #tpu.memory_space<hbm>> -> memref<1x2048xi32, #tpu.memory_space<hbm>>
      %dma_wait3A_29 = tpu.memref_squeeze %dma_wait3A_28 : memref<1x2048xi32, #tpu.memory_space<hbm>> -> memref<2048xi32, #tpu.memory_space<hbm>>
      %dma_wait3A_30 = arith.constant 0 : i32
      %dma_wait3A_31 = tpu.memref_slice %arg4[%add3A, %dma_wait3A_30] : memref<16x2048xi32, #tpu.memory_space<hbm>> -> memref<1x2048xi32, #tpu.memory_space<hbm>>
      %dma_wait3A_32 = tpu.memref_squeeze %dma_wait3A_31 : memref<1x2048xi32, #tpu.memory_space<hbm>> -> memref<2048xi32, #tpu.memory_space<hbm>>
      tpu.wait_dma2 semaphore(%run_scoped3A : memref<!tpu.dma_semaphore, #tpu.memory_space<semaphore_mem>>) src(%dma_wait3A_32 : memref<2048xi32, #tpu.memory_space<hbm>>) dst(%arg8 : memref<2048xi32, #tpu.memory_space<vmem>>)
      tpu.yield
    }) : () -> ()
    %dma_start3A = arith.constant 0 : i32
    %dma_start3A_4 = arith.constant 0 : i32
    %dma_start3A_5 = tpu.memref_slice %arg2[%dma_start3A, %dma_start3A_4] : memref<50000x32xf32, #tpu.memory_space<hbm>> -> memref<50000x32xf32, #tpu.memory_space<hbm>>
    tpu.enqueue_indirect_dma source(%dma_start3A_5 : memref<50000x32xf32, #tpu.memory_space<hbm>>) target(%arg9 : memref<2048x32xf32, #tpu.memory_space<vmem>>) offsets(%arg7 : memref<2048xi32, #tpu.memory_space<vmem>>) semaphore(%arg11 : memref<!tpu.dma_semaphore, #tpu.memory_space<semaphore_mem>>)
    %dma_wait3A = arith.constant 0 : i32
    %dma_wait3A_6 = arith.constant 0 : i32
    %dma_wait3A_7 = tpu.memref_slice %arg2[%dma_wait3A, %dma_wait3A_6] : memref<50000x32xf32, #tpu.memory_space<hbm>> -> memref<50000x32xf32, #tpu.memory_space<hbm>>
    tpu.wait_indirect_dma semaphore(%arg11 : memref<!tpu.dma_semaphore, #tpu.memory_space<semaphore_mem>>) src(%dma_wait3A_7 : memref<50000x32xf32, #tpu.memory_space<hbm>>) dst(%arg9 : memref<2048x32xf32, #tpu.memory_space<vmem>>)
    %dma_start3A_8 = arith.constant 0 : i32
    %dma_start3A_9 = arith.constant 0 : i32
    %dma_start3A_10 = tpu.memref_slice %arg10[%dma_start3A_8, %dma_start3A_9] : memref<25088x32xf32, #tpu.memory_space<vmem_shared>> -> memref<25088x32xf32, #tpu.memory_space<vmem_shared>>
    tpu.enqueue_indirect_dma source(%arg9 : memref<2048x32xf32, #tpu.memory_space<vmem>>) target(%dma_start3A_10 : memref<25088x32xf32, #tpu.memory_space<vmem_shared>>) offsets(%arg8 : memref<2048xi32, #tpu.memory_space<vmem>>) semaphore(%arg12 : memref<!tpu.dma_semaphore, #tpu.memory_space<semaphore_mem>>) {add = true}
    %dma_wait3A_11 = arith.constant 0 : i32
    %dma_wait3A_12 = arith.constant 0 : i32
    %dma_wait3A_13 = tpu.memref_slice %arg10[%dma_wait3A_11, %dma_wait3A_12] : memref<25088x32xf32, #tpu.memory_space<vmem_shared>> -> memref<25088x32xf32, #tpu.memory_space<vmem_shared>>
    tpu.wait_indirect_dma semaphore(%arg12 : memref<!tpu.dma_semaphore, #tpu.memory_space<semaphore_mem>>) src(%arg9 : memref<2048x32xf32, #tpu.memory_space<vmem>>) dst(%dma_wait3A_13 : memref<25088x32xf32, #tpu.memory_space<vmem_shared>>)
    %scan3A_14 = arith.constant 0 : i32
    %scan3A_15 = arith.constant 1 : i32
    %barrier3A_16 = arith.constant 0 : index
    tpu.barrier barrier_id(%barrier3A_16)
    %mul3A_17 = arith.constant 1568 : i32
    %mul3A_18 = arith.muli %arg1, %mul3A_17 : i32
    %mul3A_19 = arith.constant 1568 : i32
    %mul3A_20 = arith.muli %arg1, %mul3A_19 : i32
    "tpu.region"() ({
      %run_scoped3A = tpu.sem_alloc : memref<!tpu.dma_semaphore, #tpu.memory_space<semaphore_mem>>
      %dma_start3A_21 = arith.constant 0 : i32
      %dma_start3A_22 = tpu.memref_slice %arg6[%arg0, %mul3A_20, %dma_start3A_21] : memref<2x25088x32xf32, #tpu.memory_space<hbm>> -> memref<1x1568x32xf32, #tpu.memory_space<hbm>>
      %dma_start3A_23 = tpu.memref_squeeze %dma_start3A_22 : memref<1x1568x32xf32, #tpu.memory_space<hbm>> -> memref<1568x32xf32, #tpu.memory_space<hbm>>
      %dma_start3A_24 = arith.constant 0 : i32
      %dma_start3A_25 = tpu.memref_slice %arg10[%mul3A_18, %dma_start3A_24] : memref<25088x32xf32, #tpu.memory_space<vmem_shared>> -> memref<1568x32xf32, #tpu.memory_space<vmem_shared>>
      tpu.enqueue_dma source(%dma_start3A_25 : memref<1568x32xf32, #tpu.memory_space<vmem_shared>>) target(%dma_start3A_23 : memref<1568x32xf32, #tpu.memory_space<hbm>>) target_semaphore(%run_scoped3A : memref<!tpu.dma_semaphore, #tpu.memory_space<semaphore_mem>>)
      %dma_wait3A_26 = arith.constant 0 : i32
      %dma_wait3A_27 = tpu.memref_slice %arg6[%arg0, %mul3A_20, %dma_wait3A_26] : memref<2x25088x32xf32, #tpu.memory_space<hbm>> -> memref<1x1568x32xf32, #tpu.memory_space<hbm>>
      %dma_wait3A_28 = tpu.memref_squeeze %dma_wait3A_27 : memref<1x1568x32xf32, #tpu.memory_space<hbm>> -> memref<1568x32xf32, #tpu.memory_space<hbm>>
      %dma_wait3A_29 = arith.constant 0 : i32
      %dma_wait3A_30 = tpu.memref_slice %arg10[%mul3A_18, %dma_wait3A_29] : memref<25088x32xf32, #tpu.memory_space<vmem_shared>> -> memref<1568x32xf32, #tpu.memory_space<vmem_shared>>
      tpu.wait_dma2 semaphore(%run_scoped3A : memref<!tpu.dma_semaphore, #tpu.memory_space<semaphore_mem>>) src(%dma_wait3A_30 : memref<1568x32xf32, #tpu.memory_space<vmem_shared>>) dst(%dma_wait3A_28 : memref<1568x32xf32, #tpu.memory_space<hbm>>)
      tpu.yield
    }) : () -> ()
    return
  }
}

#map = affine_map<(d0, d1) -> (0, 0)>
#map1 = affine_map<(d0, d1) -> (0, 0, 0)>
module attributes {stable_mosaic.version = 14 : i64} {
  func.func @k(%arg0: i32, %arg1: i32, %arg2: memref<64x512xi32, #tpu.memory_space<hbm>>, %arg3: memref<3128x16xf32, #tpu.memory_space<hbm>>, %arg4: memref<512x16xf32, #tpu.memory_space<hbm>>, %arg5: memref<2x50048x16xf32, #tpu.memory_space<hbm>>, %arg6: memref<512xi32, #tpu.memory_space<vmem>>, %arg7: memref<512x16xf32, #tpu.memory_space<vmem>>, %arg8: memref<50048x16xf32, #tpu.memory_space<vmem_shared>>, %arg9: memref<!tpu.dma_semaphore, #tpu.memory_space<semaphore_mem>>) attributes {dimension_semantics = [#tpu.dimension_semantics<core_parallel>, #tpu.dimension_semantics<subcore_parallel>], iteration_bounds = array<i64: 2, 16>, scalar_prefetch = 0 : i64, scratch_operands = 4 : i64, tpu.core_type = #tpu.core_type<sc_vector_subcore>, window_params = [{transform_indices = #map}, {transform_indices = #map}, {transform_indices = #map}, {transform_indices = #map1}]} {
    %mul3A = arith.constant 3128 : i32
    %mul3A_0 = arith.muli %arg1, %mul3A : i32
    "tpu.region"() ({
      %run_scoped3A = tpu.sem_alloc : memref<!tpu.dma_semaphore, #tpu.memory_space<semaphore_mem>>
      %dma_start3A = arith.constant 0 : i32
      %dma_start3A_16 = tpu.memref_slice %arg8[%mul3A_0, %dma_start3A] : memref<50048x16xf32, #tpu.memory_space<vmem_shared>> -> memref<3128x16xf32, #tpu.memory_space<vmem_shared>>
      tpu.enqueue_dma source(%arg3 : memref<3128x16xf32, #tpu.memory_space<hbm>>) target(%dma_start3A_16 : memref<3128x16xf32, #tpu.memory_space<vmem_shared>>) target_semaphore(%run_scoped3A : memref<!tpu.dma_semaphore, #tpu.memory_space<semaphore_mem>>)
      %dma_wait3A = arith.constant 0 : i32
      %dma_wait3A_17 = tpu.memref_slice %arg8[%mul3A_0, %dma_wait3A] : memref<50048x16xf32, #tpu.memory_space<vmem_shared>> -> memref<3128x16xf32, #tpu.memory_space<vmem_shared>>
      tpu.wait_dma2 semaphore(%run_scoped3A : memref<!tpu.dma_semaphore, #tpu.memory_space<semaphore_mem>>) src(%arg3 : memref<3128x16xf32, #tpu.memory_space<hbm>>) dst(%dma_wait3A_17 : memref<3128x16xf32, #tpu.memory_space<vmem_shared>>)
      tpu.yield
    }) : () -> ()
    "tpu.region"() ({
      %run_scoped3A = tpu.sem_alloc : memref<!tpu.dma_semaphore, #tpu.memory_space<semaphore_mem>>
      tpu.enqueue_dma source(%arg4 : memref<512x16xf32, #tpu.memory_space<hbm>>) target(%arg7 : memref<512x16xf32, #tpu.memory_space<vmem>>) target_semaphore(%run_scoped3A : memref<!tpu.dma_semaphore, #tpu.memory_space<semaphore_mem>>)
      tpu.wait_dma2 semaphore(%run_scoped3A : memref<!tpu.dma_semaphore, #tpu.memory_space<semaphore_mem>>) src(%arg4 : memref<512x16xf32, #tpu.memory_space<hbm>>) dst(%arg7 : memref<512x16xf32, #tpu.memory_space<vmem>>)
      tpu.yield
    }) : () -> ()
    %barrier3A = arith.constant 0 : index
    tpu.barrier barrier_id(%barrier3A)
    %mul3A_1 = arith.constant 16 : i32
    %mul3A_2 = arith.muli %arg0, %mul3A_1 : i32
    %add3A = arith.addi %mul3A_2, %arg1 : i32
    %mul3A_3 = arith.constant 2 : i32
    %mul3A_4 = arith.muli %add3A, %mul3A_3 : i32
    %scan3A = arith.constant 0 : i32
    %scan3A_5 = arith.constant 0 : i32
    %scan3A_6 = arith.constant 2 : i32
    %scan3A_7 = arith.addi %scan3A_5, %scan3A_6 : i32
    %scan3A_8 = arith.constant 1 : i32
    %scan3A_9 = scf.for %scan3A_16 = %scan3A_5 to %scan3A_7 step %scan3A_8 iter_args(%scan3A_17 = %scan3A) -> (i32)  : i32 {
      %add3A_18 = arith.addi %mul3A_4, %scan3A_16 : i32
      "tpu.region"() ({
        %run_scoped3A = tpu.sem_alloc : memref<!tpu.dma_semaphore, #tpu.memory_space<semaphore_mem>>
        %dma_start3A_24 = arith.constant 0 : i32
        %dma_start3A_25 = tpu.memref_slice %arg2[%add3A_18, %dma_start3A_24] : memref<64x512xi32, #tpu.memory_space<hbm>> -> memref<1x512xi32, #tpu.memory_space<hbm>>
        %dma_start3A_26 = tpu.memref_squeeze %dma_start3A_25 : memref<1x512xi32, #tpu.memory_space<hbm>> -> memref<512xi32, #tpu.memory_space<hbm>>
        %dma_start3A_27 = arith.constant 0 : i32
        %dma_start3A_28 = tpu.memref_slice %arg2[%add3A_18, %dma_start3A_27] : memref<64x512xi32, #tpu.memory_space<hbm>> -> memref<1x512xi32, #tpu.memory_space<hbm>>
        %dma_start3A_29 = tpu.memref_squeeze %dma_start3A_28 : memref<1x512xi32, #tpu.memory_space<hbm>> -> memref<512xi32, #tpu.memory_space<hbm>>
        tpu.enqueue_dma source(%dma_start3A_29 : memref<512xi32, #tpu.memory_space<hbm>>) target(%arg6 : memref<512xi32, #tpu.memory_space<vmem>>) target_semaphore(%run_scoped3A : memref<!tpu.dma_semaphore, #tpu.memory_space<semaphore_mem>>)
        %dma_wait3A_30 = arith.constant 0 : i32
        %dma_wait3A_31 = tpu.memref_slice %arg2[%add3A_18, %dma_wait3A_30] : memref<64x512xi32, #tpu.memory_space<hbm>> -> memref<1x512xi32, #tpu.memory_space<hbm>>
        %dma_wait3A_32 = tpu.memref_squeeze %dma_wait3A_31 : memref<1x512xi32, #tpu.memory_space<hbm>> -> memref<512xi32, #tpu.memory_space<hbm>>
        %dma_wait3A_33 = arith.constant 0 : i32
        %dma_wait3A_34 = tpu.memref_slice %arg2[%add3A_18, %dma_wait3A_33] : memref<64x512xi32, #tpu.memory_space<hbm>> -> memref<1x512xi32, #tpu.memory_space<hbm>>
        %dma_wait3A_35 = tpu.memref_squeeze %dma_wait3A_34 : memref<1x512xi32, #tpu.memory_space<hbm>> -> memref<512xi32, #tpu.memory_space<hbm>>
        tpu.wait_dma2 semaphore(%run_scoped3A : memref<!tpu.dma_semaphore, #tpu.memory_space<semaphore_mem>>) src(%dma_wait3A_35 : memref<512xi32, #tpu.memory_space<hbm>>) dst(%arg6 : memref<512xi32, #tpu.memory_space<vmem>>)
        tpu.yield
      }) : () -> ()
      %dma_start3A = arith.constant 0 : i32
      %dma_start3A_19 = arith.constant 0 : i32
      %dma_start3A_20 = tpu.memref_slice %arg8[%dma_start3A, %dma_start3A_19] : memref<50048x16xf32, #tpu.memory_space<vmem_shared>> -> memref<50048x16xf32, #tpu.memory_space<vmem_shared>>
      tpu.enqueue_indirect_dma source(%arg7 : memref<512x16xf32, #tpu.memory_space<vmem>>) target(%dma_start3A_20 : memref<50048x16xf32, #tpu.memory_space<vmem_shared>>) offsets(%arg6 : memref<512xi32, #tpu.memory_space<vmem>>) semaphore(%arg9 : memref<!tpu.dma_semaphore, #tpu.memory_space<semaphore_mem>>) {add = true}
      %dma_wait3A = arith.constant 0 : i32
      %dma_wait3A_21 = arith.constant 0 : i32
      %dma_wait3A_22 = tpu.memref_slice %arg8[%dma_wait3A, %dma_wait3A_21] : memref<50048x16xf32, #tpu.memory_space<vmem_shared>> -> memref<50048x16xf32, #tpu.memory_space<vmem_shared>>
      tpu.wait_indirect_dma semaphore(%arg9 : memref<!tpu.dma_semaphore, #tpu.memory_space<semaphore_mem>>) src(%arg7 : memref<512x16xf32, #tpu.memory_space<vmem>>) dst(%dma_wait3A_22 : memref<50048x16xf32, #tpu.memory_space<vmem_shared>>)
      %scan3A_23 = arith.constant 0 : i32
      scf.yield %scan3A_23 : i32
    }
    %scan3A_10 = arith.constant 2 : i32
    %barrier3A_11 = arith.constant 0 : index
    tpu.barrier barrier_id(%barrier3A_11)
    %mul3A_12 = arith.constant 3128 : i32
    %mul3A_13 = arith.muli %arg1, %mul3A_12 : i32
    %mul3A_14 = arith.constant 3128 : i32
    %mul3A_15 = arith.muli %arg1, %mul3A_14 : i32
    "tpu.region"() ({
      %run_scoped3A = tpu.sem_alloc : memref<!tpu.dma_semaphore, #tpu.memory_space<semaphore_mem>>
      %dma_start3A = arith.constant 0 : i32
      %dma_start3A_16 = tpu.memref_slice %arg5[%arg0, %mul3A_15, %dma_start3A] : memref<2x50048x16xf32, #tpu.memory_space<hbm>> -> memref<1x3128x16xf32, #tpu.memory_space<hbm>>
      %dma_start3A_17 = tpu.memref_squeeze %dma_start3A_16 : memref<1x3128x16xf32, #tpu.memory_space<hbm>> -> memref<3128x16xf32, #tpu.memory_space<hbm>>
      %dma_start3A_18 = arith.constant 0 : i32
      %dma_start3A_19 = tpu.memref_slice %arg8[%mul3A_13, %dma_start3A_18] : memref<50048x16xf32, #tpu.memory_space<vmem_shared>> -> memref<3128x16xf32, #tpu.memory_space<vmem_shared>>
      tpu.enqueue_dma source(%dma_start3A_19 : memref<3128x16xf32, #tpu.memory_space<vmem_shared>>) target(%dma_start3A_17 : memref<3128x16xf32, #tpu.memory_space<hbm>>) target_semaphore(%run_scoped3A : memref<!tpu.dma_semaphore, #tpu.memory_space<semaphore_mem>>)
      %dma_wait3A = arith.constant 0 : i32
      %dma_wait3A_20 = tpu.memref_slice %arg5[%arg0, %mul3A_15, %dma_wait3A] : memref<2x50048x16xf32, #tpu.memory_space<hbm>> -> memref<1x3128x16xf32, #tpu.memory_space<hbm>>
      %dma_wait3A_21 = tpu.memref_squeeze %dma_wait3A_20 : memref<1x3128x16xf32, #tpu.memory_space<hbm>> -> memref<3128x16xf32, #tpu.memory_space<hbm>>
      %dma_wait3A_22 = arith.constant 0 : i32
      %dma_wait3A_23 = tpu.memref_slice %arg8[%mul3A_13, %dma_wait3A_22] : memref<50048x16xf32, #tpu.memory_space<vmem_shared>> -> memref<3128x16xf32, #tpu.memory_space<vmem_shared>>
      tpu.wait_dma2 semaphore(%run_scoped3A : memref<!tpu.dma_semaphore, #tpu.memory_space<semaphore_mem>>) src(%dma_wait3A_23 : memref<3128x16xf32, #tpu.memory_space<vmem_shared>>) dst(%dma_wait3A_21 : memref<3128x16xf32, #tpu.memory_space<hbm>>)
      tpu.yield
    }) : () -> ()
    return
  }
}

#map = affine_map<(d0, d1) -> (0, 0)>
#map1 = affine_map<(d0, d1) -> (0, 0, 0)>
module attributes {stable_mosaic.version = 14 : i64} {
  func.func @k(%arg0: i32, %arg1: i32, %arg2: memref<64x512xi32, #tpu.memory_space<hbm>>, %arg3: memref<1568x16xf32, #tpu.memory_space<hbm>>, %arg4: memref<512x16xf32, #tpu.memory_space<hbm>>, %arg5: memref<2x25088x16xf32, #tpu.memory_space<hbm>>, %arg6: memref<512xi32, #tpu.memory_space<vmem>>, %arg7: memref<512x16xf32, #tpu.memory_space<vmem>>, %arg8: memref<25088x16xf32, #tpu.memory_space<vmem_shared>>, %arg9: memref<!tpu.dma_semaphore, #tpu.memory_space<semaphore_mem>>) attributes {dimension_semantics = [#tpu.dimension_semantics<core_parallel>, #tpu.dimension_semantics<subcore_parallel>], iteration_bounds = array<i64: 2, 16>, scalar_prefetch = 0 : i64, scratch_operands = 4 : i64, tpu.core_type = #tpu.core_type<sc_vector_subcore>, window_params = [{transform_indices = #map}, {transform_indices = #map}, {transform_indices = #map}, {transform_indices = #map1}]} {
    %mul3A = arith.constant 1568 : i32
    %mul3A_0 = arith.muli %arg1, %mul3A : i32
    "tpu.region"() ({
      %run_scoped3A = tpu.sem_alloc : memref<!tpu.dma_semaphore, #tpu.memory_space<semaphore_mem>>
      %dma_start3A = arith.constant 0 : i32
      %dma_start3A_16 = tpu.memref_slice %arg8[%mul3A_0, %dma_start3A] : memref<25088x16xf32, #tpu.memory_space<vmem_shared>> -> memref<1568x16xf32, #tpu.memory_space<vmem_shared>>
      tpu.enqueue_dma source(%arg3 : memref<1568x16xf32, #tpu.memory_space<hbm>>) target(%dma_start3A_16 : memref<1568x16xf32, #tpu.memory_space<vmem_shared>>) target_semaphore(%run_scoped3A : memref<!tpu.dma_semaphore, #tpu.memory_space<semaphore_mem>>)
      %dma_wait3A = arith.constant 0 : i32
      %dma_wait3A_17 = tpu.memref_slice %arg8[%mul3A_0, %dma_wait3A] : memref<25088x16xf32, #tpu.memory_space<vmem_shared>> -> memref<1568x16xf32, #tpu.memory_space<vmem_shared>>
      tpu.wait_dma2 semaphore(%run_scoped3A : memref<!tpu.dma_semaphore, #tpu.memory_space<semaphore_mem>>) src(%arg3 : memref<1568x16xf32, #tpu.memory_space<hbm>>) dst(%dma_wait3A_17 : memref<1568x16xf32, #tpu.memory_space<vmem_shared>>)
      tpu.yield
    }) : () -> ()
    "tpu.region"() ({
      %run_scoped3A = tpu.sem_alloc : memref<!tpu.dma_semaphore, #tpu.memory_space<semaphore_mem>>
      tpu.enqueue_dma source(%arg4 : memref<512x16xf32, #tpu.memory_space<hbm>>) target(%arg7 : memref<512x16xf32, #tpu.memory_space<vmem>>) target_semaphore(%run_scoped3A : memref<!tpu.dma_semaphore, #tpu.memory_space<semaphore_mem>>)
      tpu.wait_dma2 semaphore(%run_scoped3A : memref<!tpu.dma_semaphore, #tpu.memory_space<semaphore_mem>>) src(%arg4 : memref<512x16xf32, #tpu.memory_space<hbm>>) dst(%arg7 : memref<512x16xf32, #tpu.memory_space<vmem>>)
      tpu.yield
    }) : () -> ()
    %barrier3A = arith.constant 0 : index
    tpu.barrier barrier_id(%barrier3A)
    %mul3A_1 = arith.constant 16 : i32
    %mul3A_2 = arith.muli %arg0, %mul3A_1 : i32
    %add3A = arith.addi %mul3A_2, %arg1 : i32
    %mul3A_3 = arith.constant 2 : i32
    %mul3A_4 = arith.muli %add3A, %mul3A_3 : i32
    %scan3A = arith.constant 0 : i32
    %scan3A_5 = arith.constant 0 : i32
    %scan3A_6 = arith.constant 2 : i32
    %scan3A_7 = arith.addi %scan3A_5, %scan3A_6 : i32
    %scan3A_8 = arith.constant 1 : i32
    %scan3A_9 = scf.for %scan3A_16 = %scan3A_5 to %scan3A_7 step %scan3A_8 iter_args(%scan3A_17 = %scan3A) -> (i32)  : i32 {
      %add3A_18 = arith.addi %mul3A_4, %scan3A_16 : i32
      "tpu.region"() ({
        %run_scoped3A = tpu.sem_alloc : memref<!tpu.dma_semaphore, #tpu.memory_space<semaphore_mem>>
        %dma_start3A_24 = arith.constant 0 : i32
        %dma_start3A_25 = tpu.memref_slice %arg2[%add3A_18, %dma_start3A_24] : memref<64x512xi32, #tpu.memory_space<hbm>> -> memref<1x512xi32, #tpu.memory_space<hbm>>
        %dma_start3A_26 = tpu.memref_squeeze %dma_start3A_25 : memref<1x512xi32, #tpu.memory_space<hbm>> -> memref<512xi32, #tpu.memory_space<hbm>>
        %dma_start3A_27 = arith.constant 0 : i32
        %dma_start3A_28 = tpu.memref_slice %arg2[%add3A_18, %dma_start3A_27] : memref<64x512xi32, #tpu.memory_space<hbm>> -> memref<1x512xi32, #tpu.memory_space<hbm>>
        %dma_start3A_29 = tpu.memref_squeeze %dma_start3A_28 : memref<1x512xi32, #tpu.memory_space<hbm>> -> memref<512xi32, #tpu.memory_space<hbm>>
        tpu.enqueue_dma source(%dma_start3A_29 : memref<512xi32, #tpu.memory_space<hbm>>) target(%arg6 : memref<512xi32, #tpu.memory_space<vmem>>) target_semaphore(%run_scoped3A : memref<!tpu.dma_semaphore, #tpu.memory_space<semaphore_mem>>)
        %dma_wait3A_30 = arith.constant 0 : i32
        %dma_wait3A_31 = tpu.memref_slice %arg2[%add3A_18, %dma_wait3A_30] : memref<64x512xi32, #tpu.memory_space<hbm>> -> memref<1x512xi32, #tpu.memory_space<hbm>>
        %dma_wait3A_32 = tpu.memref_squeeze %dma_wait3A_31 : memref<1x512xi32, #tpu.memory_space<hbm>> -> memref<512xi32, #tpu.memory_space<hbm>>
        %dma_wait3A_33 = arith.constant 0 : i32
        %dma_wait3A_34 = tpu.memref_slice %arg2[%add3A_18, %dma_wait3A_33] : memref<64x512xi32, #tpu.memory_space<hbm>> -> memref<1x512xi32, #tpu.memory_space<hbm>>
        %dma_wait3A_35 = tpu.memref_squeeze %dma_wait3A_34 : memref<1x512xi32, #tpu.memory_space<hbm>> -> memref<512xi32, #tpu.memory_space<hbm>>
        tpu.wait_dma2 semaphore(%run_scoped3A : memref<!tpu.dma_semaphore, #tpu.memory_space<semaphore_mem>>) src(%dma_wait3A_35 : memref<512xi32, #tpu.memory_space<hbm>>) dst(%arg6 : memref<512xi32, #tpu.memory_space<vmem>>)
        tpu.yield
      }) : () -> ()
      %dma_start3A = arith.constant 0 : i32
      %dma_start3A_19 = arith.constant 0 : i32
      %dma_start3A_20 = tpu.memref_slice %arg8[%dma_start3A, %dma_start3A_19] : memref<25088x16xf32, #tpu.memory_space<vmem_shared>> -> memref<25088x16xf32, #tpu.memory_space<vmem_shared>>
      tpu.enqueue_indirect_dma source(%arg7 : memref<512x16xf32, #tpu.memory_space<vmem>>) target(%dma_start3A_20 : memref<25088x16xf32, #tpu.memory_space<vmem_shared>>) offsets(%arg6 : memref<512xi32, #tpu.memory_space<vmem>>) semaphore(%arg9 : memref<!tpu.dma_semaphore, #tpu.memory_space<semaphore_mem>>) {add = true}
      %dma_wait3A = arith.constant 0 : i32
      %dma_wait3A_21 = arith.constant 0 : i32
      %dma_wait3A_22 = tpu.memref_slice %arg8[%dma_wait3A, %dma_wait3A_21] : memref<25088x16xf32, #tpu.memory_space<vmem_shared>> -> memref<25088x16xf32, #tpu.memory_space<vmem_shared>>
      tpu.wait_indirect_dma semaphore(%arg9 : memref<!tpu.dma_semaphore, #tpu.memory_space<semaphore_mem>>) src(%arg7 : memref<512x16xf32, #tpu.memory_space<vmem>>) dst(%dma_wait3A_22 : memref<25088x16xf32, #tpu.memory_space<vmem_shared>>)
      %scan3A_23 = arith.constant 0 : i32
      scf.yield %scan3A_23 : i32
    }
    %scan3A_10 = arith.constant 2 : i32
    %barrier3A_11 = arith.constant 0 : index
    tpu.barrier barrier_id(%barrier3A_11)
    %mul3A_12 = arith.constant 1568 : i32
    %mul3A_13 = arith.muli %arg1, %mul3A_12 : i32
    %mul3A_14 = arith.constant 1568 : i32
    %mul3A_15 = arith.muli %arg1, %mul3A_14 : i32
    "tpu.region"() ({
      %run_scoped3A = tpu.sem_alloc : memref<!tpu.dma_semaphore, #tpu.memory_space<semaphore_mem>>
      %dma_start3A = arith.constant 0 : i32
      %dma_start3A_16 = tpu.memref_slice %arg5[%arg0, %mul3A_15, %dma_start3A] : memref<2x25088x16xf32, #tpu.memory_space<hbm>> -> memref<1x1568x16xf32, #tpu.memory_space<hbm>>
      %dma_start3A_17 = tpu.memref_squeeze %dma_start3A_16 : memref<1x1568x16xf32, #tpu.memory_space<hbm>> -> memref<1568x16xf32, #tpu.memory_space<hbm>>
      %dma_start3A_18 = arith.constant 0 : i32
      %dma_start3A_19 = tpu.memref_slice %arg8[%mul3A_13, %dma_start3A_18] : memref<25088x16xf32, #tpu.memory_space<vmem_shared>> -> memref<1568x16xf32, #tpu.memory_space<vmem_shared>>
      tpu.enqueue_dma source(%dma_start3A_19 : memref<1568x16xf32, #tpu.memory_space<vmem_shared>>) target(%dma_start3A_17 : memref<1568x16xf32, #tpu.memory_space<hbm>>) target_semaphore(%run_scoped3A : memref<!tpu.dma_semaphore, #tpu.memory_space<semaphore_mem>>)
      %dma_wait3A = arith.constant 0 : i32
      %dma_wait3A_20 = tpu.memref_slice %arg5[%arg0, %mul3A_15, %dma_wait3A] : memref<2x25088x16xf32, #tpu.memory_space<hbm>> -> memref<1x1568x16xf32, #tpu.memory_space<hbm>>
      %dma_wait3A_21 = tpu.memref_squeeze %dma_wait3A_20 : memref<1x1568x16xf32, #tpu.memory_space<hbm>> -> memref<1568x16xf32, #tpu.memory_space<hbm>>
      %dma_wait3A_22 = arith.constant 0 : i32
      %dma_wait3A_23 = tpu.memref_slice %arg8[%mul3A_13, %dma_wait3A_22] : memref<25088x16xf32, #tpu.memory_space<vmem_shared>> -> memref<1568x16xf32, #tpu.memory_space<vmem_shared>>
      tpu.wait_dma2 semaphore(%run_scoped3A : memref<!tpu.dma_semaphore, #tpu.memory_space<semaphore_mem>>) src(%dma_wait3A_23 : memref<1568x16xf32, #tpu.memory_space<vmem_shared>>) dst(%dma_wait3A_21 : memref<1568x16xf32, #tpu.memory_space<hbm>>)
      tpu.yield
    }) : () -> ()
    return
  }
}

#map = affine_map<(d0, d1) -> (0, 0)>
#map1 = affine_map<(d0, d1) -> (0, 0, 0)>
module attributes {stable_mosaic.version = 14 : i64} {
  func.func @k(%arg0: i32, %arg1: i32, %arg2: memref<50000x32xf32, #tpu.memory_space<hbm>>, %arg3: memref<2x16x2048xi32, #tpu.memory_space<hbm>>, %arg4: memref<16x2048xi32, #tpu.memory_space<hbm>>, %arg5: memref<1568x32xf32, #tpu.memory_space<hbm>>, %arg6: memref<2x25088x32xf32, #tpu.memory_space<hbm>>, %arg7: memref<2048xi32, #tpu.memory_space<vmem>>, %arg8: memref<2048xi32, #tpu.memory_space<vmem>>, %arg9: memref<2048x32xf32, #tpu.memory_space<vmem>>, %arg10: memref<25088x32xf32, #tpu.memory_space<vmem_shared>>, %arg11: memref<!tpu.dma_semaphore, #tpu.memory_space<semaphore_mem>>, %arg12: memref<!tpu.dma_semaphore, #tpu.memory_space<semaphore_mem>>) attributes {dimension_semantics = [#tpu.dimension_semantics<core_parallel>, #tpu.dimension_semantics<subcore_parallel>], iteration_bounds = array<i64: 2, 16>, scalar_prefetch = 0 : i64, scratch_operands = 6 : i64, tpu.core_type = #tpu.core_type<sc_vector_subcore>, window_params = [{transform_indices = #map}, {transform_indices = #map1}, {transform_indices = #map}, {transform_indices = #map}, {transform_indices = #map1}]} {
    %mul3A = arith.constant 1568 : i32
    %mul3A_0 = arith.muli %arg1, %mul3A : i32
    "tpu.region"() ({
      %run_scoped3A = tpu.sem_alloc : memref<!tpu.dma_semaphore, #tpu.memory_space<semaphore_mem>>
      %dma_start3A_21 = arith.constant 0 : i32
      %dma_start3A_22 = tpu.memref_slice %arg10[%mul3A_0, %dma_start3A_21] : memref<25088x32xf32, #tpu.memory_space<vmem_shared>> -> memref<1568x32xf32, #tpu.memory_space<vmem_shared>>
      tpu.enqueue_dma source(%arg5 : memref<1568x32xf32, #tpu.memory_space<hbm>>) target(%dma_start3A_22 : memref<1568x32xf32, #tpu.memory_space<vmem_shared>>) target_semaphore(%run_scoped3A : memref<!tpu.dma_semaphore, #tpu.memory_space<semaphore_mem>>)
      %dma_wait3A_23 = arith.constant 0 : i32
      %dma_wait3A_24 = tpu.memref_slice %arg10[%mul3A_0, %dma_wait3A_23] : memref<25088x32xf32, #tpu.memory_space<vmem_shared>> -> memref<1568x32xf32, #tpu.memory_space<vmem_shared>>
      tpu.wait_dma2 semaphore(%run_scoped3A : memref<!tpu.dma_semaphore, #tpu.memory_space<semaphore_mem>>) src(%arg5 : memref<1568x32xf32, #tpu.memory_space<hbm>>) dst(%dma_wait3A_24 : memref<1568x32xf32, #tpu.memory_space<vmem_shared>>)
      tpu.yield
    }) : () -> ()
    %barrier3A = arith.constant 0 : index
    tpu.barrier barrier_id(%barrier3A)
    %mul3A_1 = arith.constant 1 : i32
    %mul3A_2 = arith.muli %arg1, %mul3A_1 : i32
    %scan3A = arith.constant 0 : i32
    %scan3A_3 = arith.constant 0 : i32
    %add3A = arith.addi %mul3A_2, %scan3A_3 : i32
    "tpu.region"() ({
      %run_scoped3A = tpu.sem_alloc : memref<!tpu.dma_semaphore, #tpu.memory_space<semaphore_mem>>
      %dma_start3A_21 = arith.constant 0 : i32
      %dma_start3A_22 = tpu.memref_slice %arg3[%arg0, %add3A, %dma_start3A_21] : memref<2x16x2048xi32, #tpu.memory_space<hbm>> -> memref<1x1x2048xi32, #tpu.memory_space<hbm>>
      %dma_start3A_23 = tpu.memref_squeeze %dma_start3A_22 : memref<1x1x2048xi32, #tpu.memory_space<hbm>> -> memref<2048xi32, #tpu.memory_space<hbm>>
      %dma_start3A_24 = arith.constant 0 : i32
      %dma_start3A_25 = tpu.memref_slice %arg3[%arg0, %add3A, %dma_start3A_24] : memref<2x16x2048xi32, #tpu.memory_space<hbm>> -> memref<1x1x2048xi32, #tpu.memory_space<hbm>>
      %dma_start3A_26 = tpu.memref_squeeze %dma_start3A_25 : memref<1x1x2048xi32, #tpu.memory_space<hbm>> -> memref<2048xi32, #tpu.memory_space<hbm>>
      tpu.enqueue_dma source(%dma_start3A_26 : memref<2048xi32, #tpu.memory_space<hbm>>) target(%arg7 : memref<2048xi32, #tpu.memory_space<vmem>>) target_semaphore(%run_scoped3A : memref<!tpu.dma_semaphore, #tpu.memory_space<semaphore_mem>>)
      %dma_wait3A_27 = arith.constant 0 : i32
      %dma_wait3A_28 = tpu.memref_slice %arg3[%arg0, %add3A, %dma_wait3A_27] : memref<2x16x2048xi32, #tpu.memory_space<hbm>> -> memref<1x1x2048xi32, #tpu.memory_space<hbm>>
      %dma_wait3A_29 = tpu.memref_squeeze %dma_wait3A_28 : memref<1x1x2048xi32, #tpu.memory_space<hbm>> -> memref<2048xi32, #tpu.memory_space<hbm>>
      %dma_wait3A_30 = arith.constant 0 : i32
      %dma_wait3A_31 = tpu.memref_slice %arg3[%arg0, %add3A, %dma_wait3A_30] : memref<2x16x2048xi32, #tpu.memory_space<hbm>> -> memref<1x1x2048xi32, #tpu.memory_space<hbm>>
      %dma_wait3A_32 = tpu.memref_squeeze %dma_wait3A_31 : memref<1x1x2048xi32, #tpu.memory_space<hbm>> -> memref<2048xi32, #tpu.memory_space<hbm>>
      tpu.wait_dma2 semaphore(%run_scoped3A : memref<!tpu.dma_semaphore, #tpu.memory_space<semaphore_mem>>) src(%dma_wait3A_32 : memref<2048xi32, #tpu.memory_space<hbm>>) dst(%arg7 : memref<2048xi32, #tpu.memory_space<vmem>>)
      tpu.yield
    }) : () -> ()
    "tpu.region"() ({
      %run_scoped3A = tpu.sem_alloc : memref<!tpu.dma_semaphore, #tpu.memory_space<semaphore_mem>>
      %dma_start3A_21 = arith.constant 0 : i32
      %dma_start3A_22 = tpu.memref_slice %arg4[%add3A, %dma_start3A_21] : memref<16x2048xi32, #tpu.memory_space<hbm>> -> memref<1x2048xi32, #tpu.memory_space<hbm>>
      %dma_start3A_23 = tpu.memref_squeeze %dma_start3A_22 : memref<1x2048xi32, #tpu.memory_space<hbm>> -> memref<2048xi32, #tpu.memory_space<hbm>>
      %dma_start3A_24 = arith.constant 0 : i32
      %dma_start3A_25 = tpu.memref_slice %arg4[%add3A, %dma_start3A_24] : memref<16x2048xi32, #tpu.memory_space<hbm>> -> memref<1x2048xi32, #tpu.memory_space<hbm>>
      %dma_start3A_26 = tpu.memref_squeeze %dma_start3A_25 : memref<1x2048xi32, #tpu.memory_space<hbm>> -> memref<2048xi32, #tpu.memory_space<hbm>>
      tpu.enqueue_dma source(%dma_start3A_26 : memref<2048xi32, #tpu.memory_space<hbm>>) target(%arg8 : memref<2048xi32, #tpu.memory_space<vmem>>) target_semaphore(%run_scoped3A : memref<!tpu.dma_semaphore, #tpu.memory_space<semaphore_mem>>)
      %dma_wait3A_27 = arith.constant 0 : i32
      %dma_wait3A_28 = tpu.memref_slice %arg4[%add3A, %dma_wait3A_27] : memref<16x2048xi32, #tpu.memory_space<hbm>> -> memref<1x2048xi32, #tpu.memory_space<hbm>>
      %dma_wait3A_29 = tpu.memref_squeeze %dma_wait3A_28 : memref<1x2048xi32, #tpu.memory_space<hbm>> -> memref<2048xi32, #tpu.memory_space<hbm>>
      %dma_wait3A_30 = arith.constant 0 : i32
      %dma_wait3A_31 = tpu.memref_slice %arg4[%add3A, %dma_wait3A_30] : memref<16x2048xi32, #tpu.memory_space<hbm>> -> memref<1x2048xi32, #tpu.memory_space<hbm>>
      %dma_wait3A_32 = tpu.memref_squeeze %dma_wait3A_31 : memref<1x2048xi32, #tpu.memory_space<hbm>> -> memref<2048xi32, #tpu.memory_space<hbm>>
      tpu.wait_dma2 semaphore(%run_scoped3A : memref<!tpu.dma_semaphore, #tpu.memory_space<semaphore_mem>>) src(%dma_wait3A_32 : memref<2048xi32, #tpu.memory_space<hbm>>) dst(%arg8 : memref<2048xi32, #tpu.memory_space<vmem>>)
      tpu.yield
    }) : () -> ()
    %dma_start3A = arith.constant 0 : i32
    %dma_start3A_4 = arith.constant 0 : i32
    %dma_start3A_5 = tpu.memref_slice %arg2[%dma_start3A, %dma_start3A_4] : memref<50000x32xf32, #tpu.memory_space<hbm>> -> memref<50000x32xf32, #tpu.memory_space<hbm>>
    tpu.enqueue_indirect_dma source(%dma_start3A_5 : memref<50000x32xf32, #tpu.memory_space<hbm>>) target(%arg9 : memref<2048x32xf32, #tpu.memory_space<vmem>>) offsets(%arg7 : memref<2048xi32, #tpu.memory_space<vmem>>) semaphore(%arg11 : memref<!tpu.dma_semaphore, #tpu.memory_space<semaphore_mem>>)
    %dma_wait3A = arith.constant 0 : i32
    %dma_wait3A_6 = arith.constant 0 : i32
    %dma_wait3A_7 = tpu.memref_slice %arg2[%dma_wait3A, %dma_wait3A_6] : memref<50000x32xf32, #tpu.memory_space<hbm>> -> memref<50000x32xf32, #tpu.memory_space<hbm>>
    tpu.wait_indirect_dma semaphore(%arg11 : memref<!tpu.dma_semaphore, #tpu.memory_space<semaphore_mem>>) src(%dma_wait3A_7 : memref<50000x32xf32, #tpu.memory_space<hbm>>) dst(%arg9 : memref<2048x32xf32, #tpu.memory_space<vmem>>)
    %dma_start3A_8 = arith.constant 0 : i32
    %dma_start3A_9 = arith.constant 0 : i32
    %dma_start3A_10 = tpu.memref_slice %arg10[%dma_start3A_8, %dma_start3A_9] : memref<25088x32xf32, #tpu.memory_space<vmem_shared>> -> memref<25088x32xf32, #tpu.memory_space<vmem_shared>>
    tpu.enqueue_indirect_dma source(%arg9 : memref<2048x32xf32, #tpu.memory_space<vmem>>) target(%dma_start3A_10 : memref<25088x32xf32, #tpu.memory_space<vmem_shared>>) offsets(%arg8 : memref<2048xi32, #tpu.memory_space<vmem>>) semaphore(%arg12 : memref<!tpu.dma_semaphore, #tpu.memory_space<semaphore_mem>>) {add = true}
    %dma_wait3A_11 = arith.constant 0 : i32
    %dma_wait3A_12 = arith.constant 0 : i32
    %dma_wait3A_13 = tpu.memref_slice %arg10[%dma_wait3A_11, %dma_wait3A_12] : memref<25088x32xf32, #tpu.memory_space<vmem_shared>> -> memref<25088x32xf32, #tpu.memory_space<vmem_shared>>
    tpu.wait_indirect_dma semaphore(%arg12 : memref<!tpu.dma_semaphore, #tpu.memory_space<semaphore_mem>>) src(%arg9 : memref<2048x32xf32, #tpu.memory_space<vmem>>) dst(%dma_wait3A_13 : memref<25088x32xf32, #tpu.memory_space<vmem_shared>>)
    %scan3A_14 = arith.constant 0 : i32
    %scan3A_15 = arith.constant 1 : i32
    %barrier3A_16 = arith.constant 0 : index
    tpu.barrier barrier_id(%barrier3A_16)
    %mul3A_17 = arith.constant 1568 : i32
    %mul3A_18 = arith.muli %arg1, %mul3A_17 : i32
    %mul3A_19 = arith.constant 1568 : i32
    %mul3A_20 = arith.muli %arg1, %mul3A_19 : i32
    "tpu.region"() ({
      %run_scoped3A = tpu.sem_alloc : memref<!tpu.dma_semaphore, #tpu.memory_space<semaphore_mem>>
      %dma_start3A_21 = arith.constant 0 : i32
      %dma_start3A_22 = tpu.memref_slice %arg6[%arg0, %mul3A_20, %dma_start3A_21] : memref<2x25088x32xf32, #tpu.memory_space<hbm>> -> memref<1x1568x32xf32, #tpu.memory_space<hbm>>
      %dma_start3A_23 = tpu.memref_squeeze %dma_start3A_22 : memref<1x1568x32xf32, #tpu.memory_space<hbm>> -> memref<1568x32xf32, #tpu.memory_space<hbm>>
      %dma_start3A_24 = arith.constant 0 : i32
      %dma_start3A_25 = tpu.memref_slice %arg10[%mul3A_18, %dma_start3A_24] : memref<25088x32xf32, #tpu.memory_space<vmem_shared>> -> memref<1568x32xf32, #tpu.memory_space<vmem_shared>>
      tpu.enqueue_dma source(%dma_start3A_25 : memref<1568x32xf32, #tpu.memory_space<vmem_shared>>) target(%dma_start3A_23 : memref<1568x32xf32, #tpu.memory_space<hbm>>) target_semaphore(%run_scoped3A : memref<!tpu.dma_semaphore, #tpu.memory_space<semaphore_mem>>)
      %dma_wait3A_26 = arith.constant 0 : i32
      %dma_wait3A_27 = tpu.memref_slice %arg6[%arg0, %mul3A_20, %dma_wait3A_26] : memref<2x25088x32xf32, #tpu.memory_space<hbm>> -> memref<1x1568x32xf32, #tpu.memory_space<hbm>>
      %dma_wait3A_28 = tpu.memref_squeeze %dma_wait3A_27 : memref<1x1568x32xf32, #tpu.memory_space<hbm>> -> memref<1568x32xf32, #tpu.memory_space<hbm>>
      %dma_wait3A_29 = arith.constant 0 : i32
      %dma_wait3A_30 = tpu.memref_slice %arg10[%mul3A_18, %dma_wait3A_29] : memref<25088x32xf32, #tpu.memory_space<vmem_shared>> -> memref<1568x32xf32, #tpu.memory_space<vmem_shared>>
      tpu.wait_dma2 semaphore(%run_scoped3A : memref<!tpu.dma_semaphore, #tpu.memory_space<semaphore_mem>>) src(%dma_wait3A_30 : memref<1568x32xf32, #tpu.memory_space<vmem_shared>>) dst(%dma_wait3A_28 : memref<1568x32xf32, #tpu.memory_space<hbm>>)
      tpu.yield
    }) : () -> ()
    return
  }
}

#map = affine_map<(d0, d1) -> (0, 0)>
#map1 = affine_map<(d0, d1) -> (0, 0, 0)>
module attributes {stable_mosaic.version = 14 : i64} {
  func.func @k(%arg0: i32, %arg1: i32, %arg2: memref<1568x512xi32, #tpu.memory_space<hbm>>, %arg3: memref<3128x16xf32, #tpu.memory_space<hbm>>, %arg4: memref<512x16xf32, #tpu.memory_space<hbm>>, %arg5: memref<2x50048x16xf32, #tpu.memory_space<hbm>>, %arg6: memref<512xi32, #tpu.memory_space<vmem>>, %arg7: memref<512x16xf32, #tpu.memory_space<vmem>>, %arg8: memref<50048x16xf32, #tpu.memory_space<vmem_shared>>, %arg9: memref<!tpu.dma_semaphore, #tpu.memory_space<semaphore_mem>>) attributes {dimension_semantics = [#tpu.dimension_semantics<core_parallel>, #tpu.dimension_semantics<subcore_parallel>], iteration_bounds = array<i64: 2, 16>, scalar_prefetch = 0 : i64, scratch_operands = 4 : i64, tpu.core_type = #tpu.core_type<sc_vector_subcore>, window_params = [{transform_indices = #map}, {transform_indices = #map}, {transform_indices = #map}, {transform_indices = #map1}]} {
    %mul3A = arith.constant 3128 : i32
    %mul3A_0 = arith.muli %arg1, %mul3A : i32
    "tpu.region"() ({
      %run_scoped3A = tpu.sem_alloc : memref<!tpu.dma_semaphore, #tpu.memory_space<semaphore_mem>>
      %dma_start3A = arith.constant 0 : i32
      %dma_start3A_16 = tpu.memref_slice %arg8[%mul3A_0, %dma_start3A] : memref<50048x16xf32, #tpu.memory_space<vmem_shared>> -> memref<3128x16xf32, #tpu.memory_space<vmem_shared>>
      tpu.enqueue_dma source(%arg3 : memref<3128x16xf32, #tpu.memory_space<hbm>>) target(%dma_start3A_16 : memref<3128x16xf32, #tpu.memory_space<vmem_shared>>) target_semaphore(%run_scoped3A : memref<!tpu.dma_semaphore, #tpu.memory_space<semaphore_mem>>)
      %dma_wait3A = arith.constant 0 : i32
      %dma_wait3A_17 = tpu.memref_slice %arg8[%mul3A_0, %dma_wait3A] : memref<50048x16xf32, #tpu.memory_space<vmem_shared>> -> memref<3128x16xf32, #tpu.memory_space<vmem_shared>>
      tpu.wait_dma2 semaphore(%run_scoped3A : memref<!tpu.dma_semaphore, #tpu.memory_space<semaphore_mem>>) src(%arg3 : memref<3128x16xf32, #tpu.memory_space<hbm>>) dst(%dma_wait3A_17 : memref<3128x16xf32, #tpu.memory_space<vmem_shared>>)
      tpu.yield
    }) : () -> ()
    "tpu.region"() ({
      %run_scoped3A = tpu.sem_alloc : memref<!tpu.dma_semaphore, #tpu.memory_space<semaphore_mem>>
      tpu.enqueue_dma source(%arg4 : memref<512x16xf32, #tpu.memory_space<hbm>>) target(%arg7 : memref<512x16xf32, #tpu.memory_space<vmem>>) target_semaphore(%run_scoped3A : memref<!tpu.dma_semaphore, #tpu.memory_space<semaphore_mem>>)
      tpu.wait_dma2 semaphore(%run_scoped3A : memref<!tpu.dma_semaphore, #tpu.memory_space<semaphore_mem>>) src(%arg4 : memref<512x16xf32, #tpu.memory_space<hbm>>) dst(%arg7 : memref<512x16xf32, #tpu.memory_space<vmem>>)
      tpu.yield
    }) : () -> ()
    %barrier3A = arith.constant 0 : index
    tpu.barrier barrier_id(%barrier3A)
    %mul3A_1 = arith.constant 16 : i32
    %mul3A_2 = arith.muli %arg0, %mul3A_1 : i32
    %add3A = arith.addi %mul3A_2, %arg1 : i32
    %mul3A_3 = arith.constant 49 : i32
    %mul3A_4 = arith.muli %add3A, %mul3A_3 : i32
    %scan3A = arith.constant 0 : i32
    %scan3A_5 = arith.constant 0 : i32
    %scan3A_6 = arith.constant 49 : i32
    %scan3A_7 = arith.addi %scan3A_5, %scan3A_6 : i32
    %scan3A_8 = arith.constant 1 : i32
    %scan3A_9 = scf.for %scan3A_16 = %scan3A_5 to %scan3A_7 step %scan3A_8 iter_args(%scan3A_17 = %scan3A) -> (i32)  : i32 {
      %add3A_18 = arith.addi %mul3A_4, %scan3A_16 : i32
      "tpu.region"() ({
        %run_scoped3A = tpu.sem_alloc : memref<!tpu.dma_semaphore, #tpu.memory_space<semaphore_mem>>
        %dma_start3A_24 = arith.constant 0 : i32
        %dma_start3A_25 = tpu.memref_slice %arg2[%add3A_18, %dma_start3A_24] : memref<1568x512xi32, #tpu.memory_space<hbm>> -> memref<1x512xi32, #tpu.memory_space<hbm>>
        %dma_start3A_26 = tpu.memref_squeeze %dma_start3A_25 : memref<1x512xi32, #tpu.memory_space<hbm>> -> memref<512xi32, #tpu.memory_space<hbm>>
        %dma_start3A_27 = arith.constant 0 : i32
        %dma_start3A_28 = tpu.memref_slice %arg2[%add3A_18, %dma_start3A_27] : memref<1568x512xi32, #tpu.memory_space<hbm>> -> memref<1x512xi32, #tpu.memory_space<hbm>>
        %dma_start3A_29 = tpu.memref_squeeze %dma_start3A_28 : memref<1x512xi32, #tpu.memory_space<hbm>> -> memref<512xi32, #tpu.memory_space<hbm>>
        tpu.enqueue_dma source(%dma_start3A_29 : memref<512xi32, #tpu.memory_space<hbm>>) target(%arg6 : memref<512xi32, #tpu.memory_space<vmem>>) target_semaphore(%run_scoped3A : memref<!tpu.dma_semaphore, #tpu.memory_space<semaphore_mem>>)
        %dma_wait3A_30 = arith.constant 0 : i32
        %dma_wait3A_31 = tpu.memref_slice %arg2[%add3A_18, %dma_wait3A_30] : memref<1568x512xi32, #tpu.memory_space<hbm>> -> memref<1x512xi32, #tpu.memory_space<hbm>>
        %dma_wait3A_32 = tpu.memref_squeeze %dma_wait3A_31 : memref<1x512xi32, #tpu.memory_space<hbm>> -> memref<512xi32, #tpu.memory_space<hbm>>
        %dma_wait3A_33 = arith.constant 0 : i32
        %dma_wait3A_34 = tpu.memref_slice %arg2[%add3A_18, %dma_wait3A_33] : memref<1568x512xi32, #tpu.memory_space<hbm>> -> memref<1x512xi32, #tpu.memory_space<hbm>>
        %dma_wait3A_35 = tpu.memref_squeeze %dma_wait3A_34 : memref<1x512xi32, #tpu.memory_space<hbm>> -> memref<512xi32, #tpu.memory_space<hbm>>
        tpu.wait_dma2 semaphore(%run_scoped3A : memref<!tpu.dma_semaphore, #tpu.memory_space<semaphore_mem>>) src(%dma_wait3A_35 : memref<512xi32, #tpu.memory_space<hbm>>) dst(%arg6 : memref<512xi32, #tpu.memory_space<vmem>>)
        tpu.yield
      }) : () -> ()
      %dma_start3A = arith.constant 0 : i32
      %dma_start3A_19 = arith.constant 0 : i32
      %dma_start3A_20 = tpu.memref_slice %arg8[%dma_start3A, %dma_start3A_19] : memref<50048x16xf32, #tpu.memory_space<vmem_shared>> -> memref<50048x16xf32, #tpu.memory_space<vmem_shared>>
      tpu.enqueue_indirect_dma source(%arg7 : memref<512x16xf32, #tpu.memory_space<vmem>>) target(%dma_start3A_20 : memref<50048x16xf32, #tpu.memory_space<vmem_shared>>) offsets(%arg6 : memref<512xi32, #tpu.memory_space<vmem>>) semaphore(%arg9 : memref<!tpu.dma_semaphore, #tpu.memory_space<semaphore_mem>>) {add = true}
      %dma_wait3A = arith.constant 0 : i32
      %dma_wait3A_21 = arith.constant 0 : i32
      %dma_wait3A_22 = tpu.memref_slice %arg8[%dma_wait3A, %dma_wait3A_21] : memref<50048x16xf32, #tpu.memory_space<vmem_shared>> -> memref<50048x16xf32, #tpu.memory_space<vmem_shared>>
      tpu.wait_indirect_dma semaphore(%arg9 : memref<!tpu.dma_semaphore, #tpu.memory_space<semaphore_mem>>) src(%arg7 : memref<512x16xf32, #tpu.memory_space<vmem>>) dst(%dma_wait3A_22 : memref<50048x16xf32, #tpu.memory_space<vmem_shared>>)
      %scan3A_23 = arith.constant 0 : i32
      scf.yield %scan3A_23 : i32
    }
    %scan3A_10 = arith.constant 49 : i32
    %barrier3A_11 = arith.constant 0 : index
    tpu.barrier barrier_id(%barrier3A_11)
    %mul3A_12 = arith.constant 3128 : i32
    %mul3A_13 = arith.muli %arg1, %mul3A_12 : i32
    %mul3A_14 = arith.constant 3128 : i32
    %mul3A_15 = arith.muli %arg1, %mul3A_14 : i32
    "tpu.region"() ({
      %run_scoped3A = tpu.sem_alloc : memref<!tpu.dma_semaphore, #tpu.memory_space<semaphore_mem>>
      %dma_start3A = arith.constant 0 : i32
      %dma_start3A_16 = tpu.memref_slice %arg5[%arg0, %mul3A_15, %dma_start3A] : memref<2x50048x16xf32, #tpu.memory_space<hbm>> -> memref<1x3128x16xf32, #tpu.memory_space<hbm>>
      %dma_start3A_17 = tpu.memref_squeeze %dma_start3A_16 : memref<1x3128x16xf32, #tpu.memory_space<hbm>> -> memref<3128x16xf32, #tpu.memory_space<hbm>>
      %dma_start3A_18 = arith.constant 0 : i32
      %dma_start3A_19 = tpu.memref_slice %arg8[%mul3A_13, %dma_start3A_18] : memref<50048x16xf32, #tpu.memory_space<vmem_shared>> -> memref<3128x16xf32, #tpu.memory_space<vmem_shared>>
      tpu.enqueue_dma source(%dma_start3A_19 : memref<3128x16xf32, #tpu.memory_space<vmem_shared>>) target(%dma_start3A_17 : memref<3128x16xf32, #tpu.memory_space<hbm>>) target_semaphore(%run_scoped3A : memref<!tpu.dma_semaphore, #tpu.memory_space<semaphore_mem>>)
      %dma_wait3A = arith.constant 0 : i32
      %dma_wait3A_20 = tpu.memref_slice %arg5[%arg0, %mul3A_15, %dma_wait3A] : memref<2x50048x16xf32, #tpu.memory_space<hbm>> -> memref<1x3128x16xf32, #tpu.memory_space<hbm>>
      %dma_wait3A_21 = tpu.memref_squeeze %dma_wait3A_20 : memref<1x3128x16xf32, #tpu.memory_space<hbm>> -> memref<3128x16xf32, #tpu.memory_space<hbm>>
      %dma_wait3A_22 = arith.constant 0 : i32
      %dma_wait3A_23 = tpu.memref_slice %arg8[%mul3A_13, %dma_wait3A_22] : memref<50048x16xf32, #tpu.memory_space<vmem_shared>> -> memref<3128x16xf32, #tpu.memory_space<vmem_shared>>
      tpu.wait_dma2 semaphore(%run_scoped3A : memref<!tpu.dma_semaphore, #tpu.memory_space<semaphore_mem>>) src(%dma_wait3A_23 : memref<3128x16xf32, #tpu.memory_space<vmem_shared>>) dst(%dma_wait3A_21 : memref<3128x16xf32, #tpu.memory_space<hbm>>)
      tpu.yield
    }) : () -> ()
    return
  }
}

#map = affine_map<(d0, d1) -> (0, 0)>
#map1 = affine_map<(d0, d1) -> (0, 0, 0)>
module attributes {stable_mosaic.version = 14 : i64} {
  func.func @k(%arg0: i32, %arg1: i32, %arg2: memref<100000x32xf32, #tpu.memory_space<hbm>>, %arg3: memref<2x1568x512xi32, #tpu.memory_space<hbm>>, %arg4: memref<1568x512xi32, #tpu.memory_space<hbm>>, %arg5: memref<3128x32xf32, #tpu.memory_space<hbm>>, %arg6: memref<2x50048x32xf32, #tpu.memory_space<hbm>>, %arg7: memref<512xi32, #tpu.memory_space<vmem>>, %arg8: memref<512xi32, #tpu.memory_space<vmem>>, %arg9: memref<512x32xf32, #tpu.memory_space<vmem>>, %arg10: memref<50048x32xf32, #tpu.memory_space<vmem_shared>>, %arg11: memref<!tpu.dma_semaphore, #tpu.memory_space<semaphore_mem>>, %arg12: memref<!tpu.dma_semaphore, #tpu.memory_space<semaphore_mem>>) attributes {dimension_semantics = [#tpu.dimension_semantics<core_parallel>, #tpu.dimension_semantics<subcore_parallel>], iteration_bounds = array<i64: 2, 16>, scalar_prefetch = 0 : i64, scratch_operands = 6 : i64, tpu.core_type = #tpu.core_type<sc_vector_subcore>, window_params = [{transform_indices = #map}, {transform_indices = #map1}, {transform_indices = #map}, {transform_indices = #map}, {transform_indices = #map1}]} {
    %mul3A = arith.constant 3128 : i32
    %mul3A_0 = arith.muli %arg1, %mul3A : i32
    "tpu.region"() ({
      %run_scoped3A = tpu.sem_alloc : memref<!tpu.dma_semaphore, #tpu.memory_space<semaphore_mem>>
      %dma_start3A = arith.constant 0 : i32
      %dma_start3A_14 = tpu.memref_slice %arg10[%mul3A_0, %dma_start3A] : memref<50048x32xf32, #tpu.memory_space<vmem_shared>> -> memref<3128x32xf32, #tpu.memory_space<vmem_shared>>
      tpu.enqueue_dma source(%arg5 : memref<3128x32xf32, #tpu.memory_space<hbm>>) target(%dma_start3A_14 : memref<3128x32xf32, #tpu.memory_space<vmem_shared>>) target_semaphore(%run_scoped3A : memref<!tpu.dma_semaphore, #tpu.memory_space<semaphore_mem>>)
      %dma_wait3A = arith.constant 0 : i32
      %dma_wait3A_15 = tpu.memref_slice %arg10[%mul3A_0, %dma_wait3A] : memref<50048x32xf32, #tpu.memory_space<vmem_shared>> -> memref<3128x32xf32, #tpu.memory_space<vmem_shared>>
      tpu.wait_dma2 semaphore(%run_scoped3A : memref<!tpu.dma_semaphore, #tpu.memory_space<semaphore_mem>>) src(%arg5 : memref<3128x32xf32, #tpu.memory_space<hbm>>) dst(%dma_wait3A_15 : memref<3128x32xf32, #tpu.memory_space<vmem_shared>>)
      tpu.yield
    }) : () -> ()
    %barrier3A = arith.constant 0 : index
    tpu.barrier barrier_id(%barrier3A)
    %mul3A_1 = arith.constant 98 : i32
    %mul3A_2 = arith.muli %arg1, %mul3A_1 : i32
    %scan3A = arith.constant 0 : i32
    %scan3A_3 = arith.constant 0 : i32
    %scan3A_4 = arith.constant 98 : i32
    %scan3A_5 = arith.addi %scan3A_3, %scan3A_4 : i32
    %scan3A_6 = arith.constant 1 : i32
    %scan3A_7 = scf.for %scan3A_14 = %scan3A_3 to %scan3A_5 step %scan3A_6 iter_args(%scan3A_15 = %scan3A) -> (i32)  : i32 {
      %add3A = arith.addi %mul3A_2, %scan3A_14 : i32
      "tpu.region"() ({
        %run_scoped3A = tpu.sem_alloc : memref<!tpu.dma_semaphore, #tpu.memory_space<semaphore_mem>>
        %dma_start3A_27 = arith.constant 0 : i32
        %dma_start3A_28 = tpu.memref_slice %arg3[%arg0, %add3A, %dma_start3A_27] : memref<2x1568x512xi32, #tpu.memory_space<hbm>> -> memref<1x1x512xi32, #tpu.memory_space<hbm>>
        %dma_start3A_29 = tpu.memref_squeeze %dma_start3A_28 : memref<1x1x512xi32, #tpu.memory_space<hbm>> -> memref<512xi32, #tpu.memory_space<hbm>>
        %dma_start3A_30 = arith.constant 0 : i32
        %dma_start3A_31 = tpu.memref_slice %arg3[%arg0, %add3A, %dma_start3A_30] : memref<2x1568x512xi32, #tpu.memory_space<hbm>> -> memref<1x1x512xi32, #tpu.memory_space<hbm>>
        %dma_start3A_32 = tpu.memref_squeeze %dma_start3A_31 : memref<1x1x512xi32, #tpu.memory_space<hbm>> -> memref<512xi32, #tpu.memory_space<hbm>>
        tpu.enqueue_dma source(%dma_start3A_32 : memref<512xi32, #tpu.memory_space<hbm>>) target(%arg7 : memref<512xi32, #tpu.memory_space<vmem>>) target_semaphore(%run_scoped3A : memref<!tpu.dma_semaphore, #tpu.memory_space<semaphore_mem>>)
        %dma_wait3A_33 = arith.constant 0 : i32
        %dma_wait3A_34 = tpu.memref_slice %arg3[%arg0, %add3A, %dma_wait3A_33] : memref<2x1568x512xi32, #tpu.memory_space<hbm>> -> memref<1x1x512xi32, #tpu.memory_space<hbm>>
        %dma_wait3A_35 = tpu.memref_squeeze %dma_wait3A_34 : memref<1x1x512xi32, #tpu.memory_space<hbm>> -> memref<512xi32, #tpu.memory_space<hbm>>
        %dma_wait3A_36 = arith.constant 0 : i32
        %dma_wait3A_37 = tpu.memref_slice %arg3[%arg0, %add3A, %dma_wait3A_36] : memref<2x1568x512xi32, #tpu.memory_space<hbm>> -> memref<1x1x512xi32, #tpu.memory_space<hbm>>
        %dma_wait3A_38 = tpu.memref_squeeze %dma_wait3A_37 : memref<1x1x512xi32, #tpu.memory_space<hbm>> -> memref<512xi32, #tpu.memory_space<hbm>>
        tpu.wait_dma2 semaphore(%run_scoped3A : memref<!tpu.dma_semaphore, #tpu.memory_space<semaphore_mem>>) src(%dma_wait3A_38 : memref<512xi32, #tpu.memory_space<hbm>>) dst(%arg7 : memref<512xi32, #tpu.memory_space<vmem>>)
        tpu.yield
      }) : () -> ()
      "tpu.region"() ({
        %run_scoped3A = tpu.sem_alloc : memref<!tpu.dma_semaphore, #tpu.memory_space<semaphore_mem>>
        %dma_start3A_27 = arith.constant 0 : i32
        %dma_start3A_28 = tpu.memref_slice %arg4[%add3A, %dma_start3A_27] : memref<1568x512xi32, #tpu.memory_space<hbm>> -> memref<1x512xi32, #tpu.memory_space<hbm>>
        %dma_start3A_29 = tpu.memref_squeeze %dma_start3A_28 : memref<1x512xi32, #tpu.memory_space<hbm>> -> memref<512xi32, #tpu.memory_space<hbm>>
        %dma_start3A_30 = arith.constant 0 : i32
        %dma_start3A_31 = tpu.memref_slice %arg4[%add3A, %dma_start3A_30] : memref<1568x512xi32, #tpu.memory_space<hbm>> -> memref<1x512xi32, #tpu.memory_space<hbm>>
        %dma_start3A_32 = tpu.memref_squeeze %dma_start3A_31 : memref<1x512xi32, #tpu.memory_space<hbm>> -> memref<512xi32, #tpu.memory_space<hbm>>
        tpu.enqueue_dma source(%dma_start3A_32 : memref<512xi32, #tpu.memory_space<hbm>>) target(%arg8 : memref<512xi32, #tpu.memory_space<vmem>>) target_semaphore(%run_scoped3A : memref<!tpu.dma_semaphore, #tpu.memory_space<semaphore_mem>>)
        %dma_wait3A_33 = arith.constant 0 : i32
        %dma_wait3A_34 = tpu.memref_slice %arg4[%add3A, %dma_wait3A_33] : memref<1568x512xi32, #tpu.memory_space<hbm>> -> memref<1x512xi32, #tpu.memory_space<hbm>>
        %dma_wait3A_35 = tpu.memref_squeeze %dma_wait3A_34 : memref<1x512xi32, #tpu.memory_space<hbm>> -> memref<512xi32, #tpu.memory_space<hbm>>
        %dma_wait3A_36 = arith.constant 0 : i32
        %dma_wait3A_37 = tpu.memref_slice %arg4[%add3A, %dma_wait3A_36] : memref<1568x512xi32, #tpu.memory_space<hbm>> -> memref<1x512xi32, #tpu.memory_space<hbm>>
        %dma_wait3A_38 = tpu.memref_squeeze %dma_wait3A_37 : memref<1x512xi32, #tpu.memory_space<hbm>> -> memref<512xi32, #tpu.memory_space<hbm>>
        tpu.wait_dma2 semaphore(%run_scoped3A : memref<!tpu.dma_semaphore, #tpu.memory_space<semaphore_mem>>) src(%dma_wait3A_38 : memref<512xi32, #tpu.memory_space<hbm>>) dst(%arg8 : memref<512xi32, #tpu.memory_space<vmem>>)
        tpu.yield
      }) : () -> ()
      %dma_start3A = arith.constant 0 : i32
      %dma_start3A_16 = arith.constant 0 : i32
      %dma_start3A_17 = tpu.memref_slice %arg2[%dma_start3A, %dma_start3A_16] : memref<100000x32xf32, #tpu.memory_space<hbm>> -> memref<100000x32xf32, #tpu.memory_space<hbm>>
      tpu.enqueue_indirect_dma source(%dma_start3A_17 : memref<100000x32xf32, #tpu.memory_space<hbm>>) target(%arg9 : memref<512x32xf32, #tpu.memory_space<vmem>>) offsets(%arg7 : memref<512xi32, #tpu.memory_space<vmem>>) semaphore(%arg11 : memref<!tpu.dma_semaphore, #tpu.memory_space<semaphore_mem>>)
      %dma_wait3A = arith.constant 0 : i32
      %dma_wait3A_18 = arith.constant 0 : i32
      %dma_wait3A_19 = tpu.memref_slice %arg2[%dma_wait3A, %dma_wait3A_18] : memref<100000x32xf32, #tpu.memory_space<hbm>> -> memref<100000x32xf32, #tpu.memory_space<hbm>>
      tpu.wait_indirect_dma semaphore(%arg11 : memref<!tpu.dma_semaphore, #tpu.memory_space<semaphore_mem>>) src(%dma_wait3A_19 : memref<100000x32xf32, #tpu.memory_space<hbm>>) dst(%arg9 : memref<512x32xf32, #tpu.memory_space<vmem>>)
      %dma_start3A_20 = arith.constant 0 : i32
      %dma_start3A_21 = arith.constant 0 : i32
      %dma_start3A_22 = tpu.memref_slice %arg10[%dma_start3A_20, %dma_start3A_21] : memref<50048x32xf32, #tpu.memory_space<vmem_shared>> -> memref<50048x32xf32, #tpu.memory_space<vmem_shared>>
      tpu.enqueue_indirect_dma source(%arg9 : memref<512x32xf32, #tpu.memory_space<vmem>>) target(%dma_start3A_22 : memref<50048x32xf32, #tpu.memory_space<vmem_shared>>) offsets(%arg8 : memref<512xi32, #tpu.memory_space<vmem>>) semaphore(%arg12 : memref<!tpu.dma_semaphore, #tpu.memory_space<semaphore_mem>>) {add = true}
      %dma_wait3A_23 = arith.constant 0 : i32
      %dma_wait3A_24 = arith.constant 0 : i32
      %dma_wait3A_25 = tpu.memref_slice %arg10[%dma_wait3A_23, %dma_wait3A_24] : memref<50048x32xf32, #tpu.memory_space<vmem_shared>> -> memref<50048x32xf32, #tpu.memory_space<vmem_shared>>
      tpu.wait_indirect_dma semaphore(%arg12 : memref<!tpu.dma_semaphore, #tpu.memory_space<semaphore_mem>>) src(%arg9 : memref<512x32xf32, #tpu.memory_space<vmem>>) dst(%dma_wait3A_25 : memref<50048x32xf32, #tpu.memory_space<vmem_shared>>)
      %scan3A_26 = arith.constant 0 : i32
      scf.yield %scan3A_26 : i32
    }
    %scan3A_8 = arith.constant 98 : i32
    %barrier3A_9 = arith.constant 0 : index
    tpu.barrier barrier_id(%barrier3A_9)
    %mul3A_10 = arith.constant 3128 : i32
    %mul3A_11 = arith.muli %arg1, %mul3A_10 : i32
    %mul3A_12 = arith.constant 3128 : i32
    %mul3A_13 = arith.muli %arg1, %mul3A_12 : i32
    "tpu.region"() ({
      %run_scoped3A = tpu.sem_alloc : memref<!tpu.dma_semaphore, #tpu.memory_space<semaphore_mem>>
      %dma_start3A = arith.constant 0 : i32
      %dma_start3A_14 = tpu.memref_slice %arg6[%arg0, %mul3A_13, %dma_start3A] : memref<2x50048x32xf32, #tpu.memory_space<hbm>> -> memref<1x3128x32xf32, #tpu.memory_space<hbm>>
      %dma_start3A_15 = tpu.memref_squeeze %dma_start3A_14 : memref<1x3128x32xf32, #tpu.memory_space<hbm>> -> memref<3128x32xf32, #tpu.memory_space<hbm>>
      %dma_start3A_16 = arith.constant 0 : i32
      %dma_start3A_17 = tpu.memref_slice %arg10[%mul3A_11, %dma_start3A_16] : memref<50048x32xf32, #tpu.memory_space<vmem_shared>> -> memref<3128x32xf32, #tpu.memory_space<vmem_shared>>
      tpu.enqueue_dma source(%dma_start3A_17 : memref<3128x32xf32, #tpu.memory_space<vmem_shared>>) target(%dma_start3A_15 : memref<3128x32xf32, #tpu.memory_space<hbm>>) target_semaphore(%run_scoped3A : memref<!tpu.dma_semaphore, #tpu.memory_space<semaphore_mem>>)
      %dma_wait3A = arith.constant 0 : i32
      %dma_wait3A_18 = tpu.memref_slice %arg6[%arg0, %mul3A_13, %dma_wait3A] : memref<2x50048x32xf32, #tpu.memory_space<hbm>> -> memref<1x3128x32xf32, #tpu.memory_space<hbm>>
      %dma_wait3A_19 = tpu.memref_squeeze %dma_wait3A_18 : memref<1x3128x32xf32, #tpu.memory_space<hbm>> -> memref<3128x32xf32, #tpu.memory_space<hbm>>
      %dma_wait3A_20 = arith.constant 0 : i32
      %dma_wait3A_21 = tpu.memref_slice %arg10[%mul3A_11, %dma_wait3A_20] : memref<50048x32xf32, #tpu.memory_space<vmem_shared>> -> memref<3128x32xf32, #tpu.memory_space<vmem_shared>>
      tpu.wait_dma2 semaphore(%run_scoped3A : memref<!tpu.dma_semaphore, #tpu.memory_space<semaphore_mem>>) src(%dma_wait3A_21 : memref<3128x32xf32, #tpu.memory_space<vmem_shared>>) dst(%dma_wait3A_19 : memref<3128x32xf32, #tpu.memory_space<hbm>>)
      tpu.yield
    }) : () -> ()
    return
  }
}

#map = affine_map<(d0, d1) -> (0, 0)>
#map1 = affine_map<(d0, d1) -> (0, 0, 0)>
module attributes {stable_mosaic.version = 14 : i64} {
  func.func @k(%arg0: i32, %arg1: i32, %arg2: memref<50000x32xf32, #tpu.memory_space<hbm>>, %arg3: memref<2x16x2048xi32, #tpu.memory_space<hbm>>, %arg4: memref<16x2048xi32, #tpu.memory_space<hbm>>, %arg5: memref<1568x32xf32, #tpu.memory_space<hbm>>, %arg6: memref<2x25088x32xf32, #tpu.memory_space<hbm>>, %arg7: memref<2048xi32, #tpu.memory_space<vmem>>, %arg8: memref<2048xi32, #tpu.memory_space<vmem>>, %arg9: memref<2048x32xf32, #tpu.memory_space<vmem>>, %arg10: memref<25088x32xf32, #tpu.memory_space<vmem_shared>>, %arg11: memref<!tpu.dma_semaphore, #tpu.memory_space<semaphore_mem>>, %arg12: memref<!tpu.dma_semaphore, #tpu.memory_space<semaphore_mem>>) attributes {dimension_semantics = [#tpu.dimension_semantics<core_parallel>, #tpu.dimension_semantics<subcore_parallel>], iteration_bounds = array<i64: 2, 16>, scalar_prefetch = 0 : i64, scratch_operands = 6 : i64, tpu.core_type = #tpu.core_type<sc_vector_subcore>, window_params = [{transform_indices = #map}, {transform_indices = #map1}, {transform_indices = #map}, {transform_indices = #map}, {transform_indices = #map1}]} {
    %mul3A = arith.constant 1568 : i32
    %mul3A_0 = arith.muli %arg1, %mul3A : i32
    "tpu.region"() ({
      %run_scoped3A = tpu.sem_alloc : memref<!tpu.dma_semaphore, #tpu.memory_space<semaphore_mem>>
      %dma_start3A_21 = arith.constant 0 : i32
      %dma_start3A_22 = tpu.memref_slice %arg10[%mul3A_0, %dma_start3A_21] : memref<25088x32xf32, #tpu.memory_space<vmem_shared>> -> memref<1568x32xf32, #tpu.memory_space<vmem_shared>>
      tpu.enqueue_dma source(%arg5 : memref<1568x32xf32, #tpu.memory_space<hbm>>) target(%dma_start3A_22 : memref<1568x32xf32, #tpu.memory_space<vmem_shared>>) target_semaphore(%run_scoped3A : memref<!tpu.dma_semaphore, #tpu.memory_space<semaphore_mem>>)
      %dma_wait3A_23 = arith.constant 0 : i32
      %dma_wait3A_24 = tpu.memref_slice %arg10[%mul3A_0, %dma_wait3A_23] : memref<25088x32xf32, #tpu.memory_space<vmem_shared>> -> memref<1568x32xf32, #tpu.memory_space<vmem_shared>>
      tpu.wait_dma2 semaphore(%run_scoped3A : memref<!tpu.dma_semaphore, #tpu.memory_space<semaphore_mem>>) src(%arg5 : memref<1568x32xf32, #tpu.memory_space<hbm>>) dst(%dma_wait3A_24 : memref<1568x32xf32, #tpu.memory_space<vmem_shared>>)
      tpu.yield
    }) : () -> ()
    %barrier3A = arith.constant 0 : index
    tpu.barrier barrier_id(%barrier3A)
    %mul3A_1 = arith.constant 1 : i32
    %mul3A_2 = arith.muli %arg1, %mul3A_1 : i32
    %scan3A = arith.constant 0 : i32
    %scan3A_3 = arith.constant 0 : i32
    %add3A = arith.addi %mul3A_2, %scan3A_3 : i32
    "tpu.region"() ({
      %run_scoped3A = tpu.sem_alloc : memref<!tpu.dma_semaphore, #tpu.memory_space<semaphore_mem>>
      %dma_start3A_21 = arith.constant 0 : i32
      %dma_start3A_22 = tpu.memref_slice %arg3[%arg0, %add3A, %dma_start3A_21] : memref<2x16x2048xi32, #tpu.memory_space<hbm>> -> memref<1x1x2048xi32, #tpu.memory_space<hbm>>
      %dma_start3A_23 = tpu.memref_squeeze %dma_start3A_22 : memref<1x1x2048xi32, #tpu.memory_space<hbm>> -> memref<2048xi32, #tpu.memory_space<hbm>>
      %dma_start3A_24 = arith.constant 0 : i32
      %dma_start3A_25 = tpu.memref_slice %arg3[%arg0, %add3A, %dma_start3A_24] : memref<2x16x2048xi32, #tpu.memory_space<hbm>> -> memref<1x1x2048xi32, #tpu.memory_space<hbm>>
      %dma_start3A_26 = tpu.memref_squeeze %dma_start3A_25 : memref<1x1x2048xi32, #tpu.memory_space<hbm>> -> memref<2048xi32, #tpu.memory_space<hbm>>
      tpu.enqueue_dma source(%dma_start3A_26 : memref<2048xi32, #tpu.memory_space<hbm>>) target(%arg7 : memref<2048xi32, #tpu.memory_space<vmem>>) target_semaphore(%run_scoped3A : memref<!tpu.dma_semaphore, #tpu.memory_space<semaphore_mem>>)
      %dma_wait3A_27 = arith.constant 0 : i32
      %dma_wait3A_28 = tpu.memref_slice %arg3[%arg0, %add3A, %dma_wait3A_27] : memref<2x16x2048xi32, #tpu.memory_space<hbm>> -> memref<1x1x2048xi32, #tpu.memory_space<hbm>>
      %dma_wait3A_29 = tpu.memref_squeeze %dma_wait3A_28 : memref<1x1x2048xi32, #tpu.memory_space<hbm>> -> memref<2048xi32, #tpu.memory_space<hbm>>
      %dma_wait3A_30 = arith.constant 0 : i32
      %dma_wait3A_31 = tpu.memref_slice %arg3[%arg0, %add3A, %dma_wait3A_30] : memref<2x16x2048xi32, #tpu.memory_space<hbm>> -> memref<1x1x2048xi32, #tpu.memory_space<hbm>>
      %dma_wait3A_32 = tpu.memref_squeeze %dma_wait3A_31 : memref<1x1x2048xi32, #tpu.memory_space<hbm>> -> memref<2048xi32, #tpu.memory_space<hbm>>
      tpu.wait_dma2 semaphore(%run_scoped3A : memref<!tpu.dma_semaphore, #tpu.memory_space<semaphore_mem>>) src(%dma_wait3A_32 : memref<2048xi32, #tpu.memory_space<hbm>>) dst(%arg7 : memref<2048xi32, #tpu.memory_space<vmem>>)
      tpu.yield
    }) : () -> ()
    "tpu.region"() ({
      %run_scoped3A = tpu.sem_alloc : memref<!tpu.dma_semaphore, #tpu.memory_space<semaphore_mem>>
      %dma_start3A_21 = arith.constant 0 : i32
      %dma_start3A_22 = tpu.memref_slice %arg4[%add3A, %dma_start3A_21] : memref<16x2048xi32, #tpu.memory_space<hbm>> -> memref<1x2048xi32, #tpu.memory_space<hbm>>
      %dma_start3A_23 = tpu.memref_squeeze %dma_start3A_22 : memref<1x2048xi32, #tpu.memory_space<hbm>> -> memref<2048xi32, #tpu.memory_space<hbm>>
      %dma_start3A_24 = arith.constant 0 : i32
      %dma_start3A_25 = tpu.memref_slice %arg4[%add3A, %dma_start3A_24] : memref<16x2048xi32, #tpu.memory_space<hbm>> -> memref<1x2048xi32, #tpu.memory_space<hbm>>
      %dma_start3A_26 = tpu.memref_squeeze %dma_start3A_25 : memref<1x2048xi32, #tpu.memory_space<hbm>> -> memref<2048xi32, #tpu.memory_space<hbm>>
      tpu.enqueue_dma source(%dma_start3A_26 : memref<2048xi32, #tpu.memory_space<hbm>>) target(%arg8 : memref<2048xi32, #tpu.memory_space<vmem>>) target_semaphore(%run_scoped3A : memref<!tpu.dma_semaphore, #tpu.memory_space<semaphore_mem>>)
      %dma_wait3A_27 = arith.constant 0 : i32
      %dma_wait3A_28 = tpu.memref_slice %arg4[%add3A, %dma_wait3A_27] : memref<16x2048xi32, #tpu.memory_space<hbm>> -> memref<1x2048xi32, #tpu.memory_space<hbm>>
      %dma_wait3A_29 = tpu.memref_squeeze %dma_wait3A_28 : memref<1x2048xi32, #tpu.memory_space<hbm>> -> memref<2048xi32, #tpu.memory_space<hbm>>
      %dma_wait3A_30 = arith.constant 0 : i32
      %dma_wait3A_31 = tpu.memref_slice %arg4[%add3A, %dma_wait3A_30] : memref<16x2048xi32, #tpu.memory_space<hbm>> -> memref<1x2048xi32, #tpu.memory_space<hbm>>
      %dma_wait3A_32 = tpu.memref_squeeze %dma_wait3A_31 : memref<1x2048xi32, #tpu.memory_space<hbm>> -> memref<2048xi32, #tpu.memory_space<hbm>>
      tpu.wait_dma2 semaphore(%run_scoped3A : memref<!tpu.dma_semaphore, #tpu.memory_space<semaphore_mem>>) src(%dma_wait3A_32 : memref<2048xi32, #tpu.memory_space<hbm>>) dst(%arg8 : memref<2048xi32, #tpu.memory_space<vmem>>)
      tpu.yield
    }) : () -> ()
    %dma_start3A = arith.constant 0 : i32
    %dma_start3A_4 = arith.constant 0 : i32
    %dma_start3A_5 = tpu.memref_slice %arg2[%dma_start3A, %dma_start3A_4] : memref<50000x32xf32, #tpu.memory_space<hbm>> -> memref<50000x32xf32, #tpu.memory_space<hbm>>
    tpu.enqueue_indirect_dma source(%dma_start3A_5 : memref<50000x32xf32, #tpu.memory_space<hbm>>) target(%arg9 : memref<2048x32xf32, #tpu.memory_space<vmem>>) offsets(%arg7 : memref<2048xi32, #tpu.memory_space<vmem>>) semaphore(%arg11 : memref<!tpu.dma_semaphore, #tpu.memory_space<semaphore_mem>>)
    %dma_wait3A = arith.constant 0 : i32
    %dma_wait3A_6 = arith.constant 0 : i32
    %dma_wait3A_7 = tpu.memref_slice %arg2[%dma_wait3A, %dma_wait3A_6] : memref<50000x32xf32, #tpu.memory_space<hbm>> -> memref<50000x32xf32, #tpu.memory_space<hbm>>
    tpu.wait_indirect_dma semaphore(%arg11 : memref<!tpu.dma_semaphore, #tpu.memory_space<semaphore_mem>>) src(%dma_wait3A_7 : memref<50000x32xf32, #tpu.memory_space<hbm>>) dst(%arg9 : memref<2048x32xf32, #tpu.memory_space<vmem>>)
    %dma_start3A_8 = arith.constant 0 : i32
    %dma_start3A_9 = arith.constant 0 : i32
    %dma_start3A_10 = tpu.memref_slice %arg10[%dma_start3A_8, %dma_start3A_9] : memref<25088x32xf32, #tpu.memory_space<vmem_shared>> -> memref<25088x32xf32, #tpu.memory_space<vmem_shared>>
    tpu.enqueue_indirect_dma source(%arg9 : memref<2048x32xf32, #tpu.memory_space<vmem>>) target(%dma_start3A_10 : memref<25088x32xf32, #tpu.memory_space<vmem_shared>>) offsets(%arg8 : memref<2048xi32, #tpu.memory_space<vmem>>) semaphore(%arg12 : memref<!tpu.dma_semaphore, #tpu.memory_space<semaphore_mem>>) {add = true}
    %dma_wait3A_11 = arith.constant 0 : i32
    %dma_wait3A_12 = arith.constant 0 : i32
    %dma_wait3A_13 = tpu.memref_slice %arg10[%dma_wait3A_11, %dma_wait3A_12] : memref<25088x32xf32, #tpu.memory_space<vmem_shared>> -> memref<25088x32xf32, #tpu.memory_space<vmem_shared>>
    tpu.wait_indirect_dma semaphore(%arg12 : memref<!tpu.dma_semaphore, #tpu.memory_space<semaphore_mem>>) src(%arg9 : memref<2048x32xf32, #tpu.memory_space<vmem>>) dst(%dma_wait3A_13 : memref<25088x32xf32, #tpu.memory_space<vmem_shared>>)
    %scan3A_14 = arith.constant 0 : i32
    %scan3A_15 = arith.constant 1 : i32
    %barrier3A_16 = arith.constant 0 : index
    tpu.barrier barrier_id(%barrier3A_16)
    %mul3A_17 = arith.constant 1568 : i32
    %mul3A_18 = arith.muli %arg1, %mul3A_17 : i32
    %mul3A_19 = arith.constant 1568 : i32
    %mul3A_20 = arith.muli %arg1, %mul3A_19 : i32
    "tpu.region"() ({
      %run_scoped3A = tpu.sem_alloc : memref<!tpu.dma_semaphore, #tpu.memory_space<semaphore_mem>>
      %dma_start3A_21 = arith.constant 0 : i32
      %dma_start3A_22 = tpu.memref_slice %arg6[%arg0, %mul3A_20, %dma_start3A_21] : memref<2x25088x32xf32, #tpu.memory_space<hbm>> -> memref<1x1568x32xf32, #tpu.memory_space<hbm>>
      %dma_start3A_23 = tpu.memref_squeeze %dma_start3A_22 : memref<1x1568x32xf32, #tpu.memory_space<hbm>> -> memref<1568x32xf32, #tpu.memory_space<hbm>>
      %dma_start3A_24 = arith.constant 0 : i32
      %dma_start3A_25 = tpu.memref_slice %arg10[%mul3A_18, %dma_start3A_24] : memref<25088x32xf32, #tpu.memory_space<vmem_shared>> -> memref<1568x32xf32, #tpu.memory_space<vmem_shared>>
      tpu.enqueue_dma source(%dma_start3A_25 : memref<1568x32xf32, #tpu.memory_space<vmem_shared>>) target(%dma_start3A_23 : memref<1568x32xf32, #tpu.memory_space<hbm>>) target_semaphore(%run_scoped3A : memref<!tpu.dma_semaphore, #tpu.memory_space<semaphore_mem>>)
      %dma_wait3A_26 = arith.constant 0 : i32
      %dma_wait3A_27 = tpu.memref_slice %arg6[%arg0, %mul3A_20, %dma_wait3A_26] : memref<2x25088x32xf32, #tpu.memory_space<hbm>> -> memref<1x1568x32xf32, #tpu.memory_space<hbm>>
      %dma_wait3A_28 = tpu.memref_squeeze %dma_wait3A_27 : memref<1x1568x32xf32, #tpu.memory_space<hbm>> -> memref<1568x32xf32, #tpu.memory_space<hbm>>
      %dma_wait3A_29 = arith.constant 0 : i32
      %dma_wait3A_30 = tpu.memref_slice %arg10[%mul3A_18, %dma_wait3A_29] : memref<25088x32xf32, #tpu.memory_space<vmem_shared>> -> memref<1568x32xf32, #tpu.memory_space<vmem_shared>>
      tpu.wait_dma2 semaphore(%run_scoped3A : memref<!tpu.dma_semaphore, #tpu.memory_space<semaphore_mem>>) src(%dma_wait3A_30 : memref<1568x32xf32, #tpu.memory_space<vmem_shared>>) dst(%dma_wait3A_28 : memref<1568x32xf32, #tpu.memory_space<hbm>>)
      tpu.yield
    }) : () -> ()
    return
  }
}

#map = affine_map<(d0, d1) -> (0, 0)>
#map1 = affine_map<(d0, d1) -> (0, 0, 0)>
module attributes {stable_mosaic.version = 14 : i64} {
  func.func @k(%arg0: i32, %arg1: i32, %arg2: memref<50000x32xf32, #tpu.memory_space<hbm>>, %arg3: memref<2x16x2048xi32, #tpu.memory_space<hbm>>, %arg4: memref<16x2048xi32, #tpu.memory_space<hbm>>, %arg5: memref<1568x32xf32, #tpu.memory_space<hbm>>, %arg6: memref<2x25088x32xf32, #tpu.memory_space<hbm>>, %arg7: memref<2048xi32, #tpu.memory_space<vmem>>, %arg8: memref<2048xi32, #tpu.memory_space<vmem>>, %arg9: memref<2048x32xf32, #tpu.memory_space<vmem>>, %arg10: memref<25088x32xf32, #tpu.memory_space<vmem_shared>>, %arg11: memref<!tpu.dma_semaphore, #tpu.memory_space<semaphore_mem>>, %arg12: memref<!tpu.dma_semaphore, #tpu.memory_space<semaphore_mem>>) attributes {dimension_semantics = [#tpu.dimension_semantics<core_parallel>, #tpu.dimension_semantics<subcore_parallel>], iteration_bounds = array<i64: 2, 16>, scalar_prefetch = 0 : i64, scratch_operands = 6 : i64, tpu.core_type = #tpu.core_type<sc_vector_subcore>, window_params = [{transform_indices = #map}, {transform_indices = #map1}, {transform_indices = #map}, {transform_indices = #map}, {transform_indices = #map1}]} {
    %mul3A = arith.constant 1568 : i32
    %mul3A_0 = arith.muli %arg1, %mul3A : i32
    "tpu.region"() ({
      %run_scoped3A = tpu.sem_alloc : memref<!tpu.dma_semaphore, #tpu.memory_space<semaphore_mem>>
      %dma_start3A_21 = arith.constant 0 : i32
      %dma_start3A_22 = tpu.memref_slice %arg10[%mul3A_0, %dma_start3A_21] : memref<25088x32xf32, #tpu.memory_space<vmem_shared>> -> memref<1568x32xf32, #tpu.memory_space<vmem_shared>>
      tpu.enqueue_dma source(%arg5 : memref<1568x32xf32, #tpu.memory_space<hbm>>) target(%dma_start3A_22 : memref<1568x32xf32, #tpu.memory_space<vmem_shared>>) target_semaphore(%run_scoped3A : memref<!tpu.dma_semaphore, #tpu.memory_space<semaphore_mem>>)
      %dma_wait3A_23 = arith.constant 0 : i32
      %dma_wait3A_24 = tpu.memref_slice %arg10[%mul3A_0, %dma_wait3A_23] : memref<25088x32xf32, #tpu.memory_space<vmem_shared>> -> memref<1568x32xf32, #tpu.memory_space<vmem_shared>>
      tpu.wait_dma2 semaphore(%run_scoped3A : memref<!tpu.dma_semaphore, #tpu.memory_space<semaphore_mem>>) src(%arg5 : memref<1568x32xf32, #tpu.memory_space<hbm>>) dst(%dma_wait3A_24 : memref<1568x32xf32, #tpu.memory_space<vmem_shared>>)
      tpu.yield
    }) : () -> ()
    %barrier3A = arith.constant 0 : index
    tpu.barrier barrier_id(%barrier3A)
    %mul3A_1 = arith.constant 1 : i32
    %mul3A_2 = arith.muli %arg1, %mul3A_1 : i32
    %scan3A = arith.constant 0 : i32
    %scan3A_3 = arith.constant 0 : i32
    %add3A = arith.addi %mul3A_2, %scan3A_3 : i32
    "tpu.region"() ({
      %run_scoped3A = tpu.sem_alloc : memref<!tpu.dma_semaphore, #tpu.memory_space<semaphore_mem>>
      %dma_start3A_21 = arith.constant 0 : i32
      %dma_start3A_22 = tpu.memref_slice %arg3[%arg0, %add3A, %dma_start3A_21] : memref<2x16x2048xi32, #tpu.memory_space<hbm>> -> memref<1x1x2048xi32, #tpu.memory_space<hbm>>
      %dma_start3A_23 = tpu.memref_squeeze %dma_start3A_22 : memref<1x1x2048xi32, #tpu.memory_space<hbm>> -> memref<2048xi32, #tpu.memory_space<hbm>>
      %dma_start3A_24 = arith.constant 0 : i32
      %dma_start3A_25 = tpu.memref_slice %arg3[%arg0, %add3A, %dma_start3A_24] : memref<2x16x2048xi32, #tpu.memory_space<hbm>> -> memref<1x1x2048xi32, #tpu.memory_space<hbm>>
      %dma_start3A_26 = tpu.memref_squeeze %dma_start3A_25 : memref<1x1x2048xi32, #tpu.memory_space<hbm>> -> memref<2048xi32, #tpu.memory_space<hbm>>
      tpu.enqueue_dma source(%dma_start3A_26 : memref<2048xi32, #tpu.memory_space<hbm>>) target(%arg7 : memref<2048xi32, #tpu.memory_space<vmem>>) target_semaphore(%run_scoped3A : memref<!tpu.dma_semaphore, #tpu.memory_space<semaphore_mem>>)
      %dma_wait3A_27 = arith.constant 0 : i32
      %dma_wait3A_28 = tpu.memref_slice %arg3[%arg0, %add3A, %dma_wait3A_27] : memref<2x16x2048xi32, #tpu.memory_space<hbm>> -> memref<1x1x2048xi32, #tpu.memory_space<hbm>>
      %dma_wait3A_29 = tpu.memref_squeeze %dma_wait3A_28 : memref<1x1x2048xi32, #tpu.memory_space<hbm>> -> memref<2048xi32, #tpu.memory_space<hbm>>
      %dma_wait3A_30 = arith.constant 0 : i32
      %dma_wait3A_31 = tpu.memref_slice %arg3[%arg0, %add3A, %dma_wait3A_30] : memref<2x16x2048xi32, #tpu.memory_space<hbm>> -> memref<1x1x2048xi32, #tpu.memory_space<hbm>>
      %dma_wait3A_32 = tpu.memref_squeeze %dma_wait3A_31 : memref<1x1x2048xi32, #tpu.memory_space<hbm>> -> memref<2048xi32, #tpu.memory_space<hbm>>
      tpu.wait_dma2 semaphore(%run_scoped3A : memref<!tpu.dma_semaphore, #tpu.memory_space<semaphore_mem>>) src(%dma_wait3A_32 : memref<2048xi32, #tpu.memory_space<hbm>>) dst(%arg7 : memref<2048xi32, #tpu.memory_space<vmem>>)
      tpu.yield
    }) : () -> ()
    "tpu.region"() ({
      %run_scoped3A = tpu.sem_alloc : memref<!tpu.dma_semaphore, #tpu.memory_space<semaphore_mem>>
      %dma_start3A_21 = arith.constant 0 : i32
      %dma_start3A_22 = tpu.memref_slice %arg4[%add3A, %dma_start3A_21] : memref<16x2048xi32, #tpu.memory_space<hbm>> -> memref<1x2048xi32, #tpu.memory_space<hbm>>
      %dma_start3A_23 = tpu.memref_squeeze %dma_start3A_22 : memref<1x2048xi32, #tpu.memory_space<hbm>> -> memref<2048xi32, #tpu.memory_space<hbm>>
      %dma_start3A_24 = arith.constant 0 : i32
      %dma_start3A_25 = tpu.memref_slice %arg4[%add3A, %dma_start3A_24] : memref<16x2048xi32, #tpu.memory_space<hbm>> -> memref<1x2048xi32, #tpu.memory_space<hbm>>
      %dma_start3A_26 = tpu.memref_squeeze %dma_start3A_25 : memref<1x2048xi32, #tpu.memory_space<hbm>> -> memref<2048xi32, #tpu.memory_space<hbm>>
      tpu.enqueue_dma source(%dma_start3A_26 : memref<2048xi32, #tpu.memory_space<hbm>>) target(%arg8 : memref<2048xi32, #tpu.memory_space<vmem>>) target_semaphore(%run_scoped3A : memref<!tpu.dma_semaphore, #tpu.memory_space<semaphore_mem>>)
      %dma_wait3A_27 = arith.constant 0 : i32
      %dma_wait3A_28 = tpu.memref_slice %arg4[%add3A, %dma_wait3A_27] : memref<16x2048xi32, #tpu.memory_space<hbm>> -> memref<1x2048xi32, #tpu.memory_space<hbm>>
      %dma_wait3A_29 = tpu.memref_squeeze %dma_wait3A_28 : memref<1x2048xi32, #tpu.memory_space<hbm>> -> memref<2048xi32, #tpu.memory_space<hbm>>
      %dma_wait3A_30 = arith.constant 0 : i32
      %dma_wait3A_31 = tpu.memref_slice %arg4[%add3A, %dma_wait3A_30] : memref<16x2048xi32, #tpu.memory_space<hbm>> -> memref<1x2048xi32, #tpu.memory_space<hbm>>
      %dma_wait3A_32 = tpu.memref_squeeze %dma_wait3A_31 : memref<1x2048xi32, #tpu.memory_space<hbm>> -> memref<2048xi32, #tpu.memory_space<hbm>>
      tpu.wait_dma2 semaphore(%run_scoped3A : memref<!tpu.dma_semaphore, #tpu.memory_space<semaphore_mem>>) src(%dma_wait3A_32 : memref<2048xi32, #tpu.memory_space<hbm>>) dst(%arg8 : memref<2048xi32, #tpu.memory_space<vmem>>)
      tpu.yield
    }) : () -> ()
    %dma_start3A = arith.constant 0 : i32
    %dma_start3A_4 = arith.constant 0 : i32
    %dma_start3A_5 = tpu.memref_slice %arg2[%dma_start3A, %dma_start3A_4] : memref<50000x32xf32, #tpu.memory_space<hbm>> -> memref<50000x32xf32, #tpu.memory_space<hbm>>
    tpu.enqueue_indirect_dma source(%dma_start3A_5 : memref<50000x32xf32, #tpu.memory_space<hbm>>) target(%arg9 : memref<2048x32xf32, #tpu.memory_space<vmem>>) offsets(%arg7 : memref<2048xi32, #tpu.memory_space<vmem>>) semaphore(%arg11 : memref<!tpu.dma_semaphore, #tpu.memory_space<semaphore_mem>>)
    %dma_wait3A = arith.constant 0 : i32
    %dma_wait3A_6 = arith.constant 0 : i32
    %dma_wait3A_7 = tpu.memref_slice %arg2[%dma_wait3A, %dma_wait3A_6] : memref<50000x32xf32, #tpu.memory_space<hbm>> -> memref<50000x32xf32, #tpu.memory_space<hbm>>
    tpu.wait_indirect_dma semaphore(%arg11 : memref<!tpu.dma_semaphore, #tpu.memory_space<semaphore_mem>>) src(%dma_wait3A_7 : memref<50000x32xf32, #tpu.memory_space<hbm>>) dst(%arg9 : memref<2048x32xf32, #tpu.memory_space<vmem>>)
    %dma_start3A_8 = arith.constant 0 : i32
    %dma_start3A_9 = arith.constant 0 : i32
    %dma_start3A_10 = tpu.memref_slice %arg10[%dma_start3A_8, %dma_start3A_9] : memref<25088x32xf32, #tpu.memory_space<vmem_shared>> -> memref<25088x32xf32, #tpu.memory_space<vmem_shared>>
    tpu.enqueue_indirect_dma source(%arg9 : memref<2048x32xf32, #tpu.memory_space<vmem>>) target(%dma_start3A_10 : memref<25088x32xf32, #tpu.memory_space<vmem_shared>>) offsets(%arg8 : memref<2048xi32, #tpu.memory_space<vmem>>) semaphore(%arg12 : memref<!tpu.dma_semaphore, #tpu.memory_space<semaphore_mem>>) {add = true}
    %dma_wait3A_11 = arith.constant 0 : i32
    %dma_wait3A_12 = arith.constant 0 : i32
    %dma_wait3A_13 = tpu.memref_slice %arg10[%dma_wait3A_11, %dma_wait3A_12] : memref<25088x32xf32, #tpu.memory_space<vmem_shared>> -> memref<25088x32xf32, #tpu.memory_space<vmem_shared>>
    tpu.wait_indirect_dma semaphore(%arg12 : memref<!tpu.dma_semaphore, #tpu.memory_space<semaphore_mem>>) src(%arg9 : memref<2048x32xf32, #tpu.memory_space<vmem>>) dst(%dma_wait3A_13 : memref<25088x32xf32, #tpu.memory_space<vmem_shared>>)
    %scan3A_14 = arith.constant 0 : i32
    %scan3A_15 = arith.constant 1 : i32
    %barrier3A_16 = arith.constant 0 : index
    tpu.barrier barrier_id(%barrier3A_16)
    %mul3A_17 = arith.constant 1568 : i32
    %mul3A_18 = arith.muli %arg1, %mul3A_17 : i32
    %mul3A_19 = arith.constant 1568 : i32
    %mul3A_20 = arith.muli %arg1, %mul3A_19 : i32
    "tpu.region"() ({
      %run_scoped3A = tpu.sem_alloc : memref<!tpu.dma_semaphore, #tpu.memory_space<semaphore_mem>>
      %dma_start3A_21 = arith.constant 0 : i32
      %dma_start3A_22 = tpu.memref_slice %arg6[%arg0, %mul3A_20, %dma_start3A_21] : memref<2x25088x32xf32, #tpu.memory_space<hbm>> -> memref<1x1568x32xf32, #tpu.memory_space<hbm>>
      %dma_start3A_23 = tpu.memref_squeeze %dma_start3A_22 : memref<1x1568x32xf32, #tpu.memory_space<hbm>> -> memref<1568x32xf32, #tpu.memory_space<hbm>>
      %dma_start3A_24 = arith.constant 0 : i32
      %dma_start3A_25 = tpu.memref_slice %arg10[%mul3A_18, %dma_start3A_24] : memref<25088x32xf32, #tpu.memory_space<vmem_shared>> -> memref<1568x32xf32, #tpu.memory_space<vmem_shared>>
      tpu.enqueue_dma source(%dma_start3A_25 : memref<1568x32xf32, #tpu.memory_space<vmem_shared>>) target(%dma_start3A_23 : memref<1568x32xf32, #tpu.memory_space<hbm>>) target_semaphore(%run_scoped3A : memref<!tpu.dma_semaphore, #tpu.memory_space<semaphore_mem>>)
      %dma_wait3A_26 = arith.constant 0 : i32
      %dma_wait3A_27 = tpu.memref_slice %arg6[%arg0, %mul3A_20, %dma_wait3A_26] : memref<2x25088x32xf32, #tpu.memory_space<hbm>> -> memref<1x1568x32xf32, #tpu.memory_space<hbm>>
      %dma_wait3A_28 = tpu.memref_squeeze %dma_wait3A_27 : memref<1x1568x32xf32, #tpu.memory_space<hbm>> -> memref<1568x32xf32, #tpu.memory_space<hbm>>
      %dma_wait3A_29 = arith.constant 0 : i32
      %dma_wait3A_30 = tpu.memref_slice %arg10[%mul3A_18, %dma_wait3A_29] : memref<25088x32xf32, #tpu.memory_space<vmem_shared>> -> memref<1568x32xf32, #tpu.memory_space<vmem_shared>>
      tpu.wait_dma2 semaphore(%run_scoped3A : memref<!tpu.dma_semaphore, #tpu.memory_space<semaphore_mem>>) src(%dma_wait3A_30 : memref<1568x32xf32, #tpu.memory_space<vmem_shared>>) dst(%dma_wait3A_28 : memref<1568x32xf32, #tpu.memory_space<hbm>>)
      tpu.yield
    }) : () -> ()
    return
  }
}

#map = affine_map<(d0, d1) -> (0, 0)>
#map1 = affine_map<(d0, d1) -> (0, 0, 0)>
module attributes {stable_mosaic.version = 14 : i64} {
  func.func @k(%arg0: i32, %arg1: i32, %arg2: memref<100000x32xf32, #tpu.memory_space<hbm>>, %arg3: memref<2x1568x512xi32, #tpu.memory_space<hbm>>, %arg4: memref<1568x512xi32, #tpu.memory_space<hbm>>, %arg5: memref<3128x32xf32, #tpu.memory_space<hbm>>, %arg6: memref<2x50048x32xf32, #tpu.memory_space<hbm>>, %arg7: memref<512xi32, #tpu.memory_space<vmem>>, %arg8: memref<512xi32, #tpu.memory_space<vmem>>, %arg9: memref<512x32xf32, #tpu.memory_space<vmem>>, %arg10: memref<50048x32xf32, #tpu.memory_space<vmem_shared>>, %arg11: memref<!tpu.dma_semaphore, #tpu.memory_space<semaphore_mem>>, %arg12: memref<!tpu.dma_semaphore, #tpu.memory_space<semaphore_mem>>) attributes {dimension_semantics = [#tpu.dimension_semantics<core_parallel>, #tpu.dimension_semantics<subcore_parallel>], iteration_bounds = array<i64: 2, 16>, scalar_prefetch = 0 : i64, scratch_operands = 6 : i64, tpu.core_type = #tpu.core_type<sc_vector_subcore>, window_params = [{transform_indices = #map}, {transform_indices = #map1}, {transform_indices = #map}, {transform_indices = #map}, {transform_indices = #map1}]} {
    %mul3A = arith.constant 3128 : i32
    %mul3A_0 = arith.muli %arg1, %mul3A : i32
    "tpu.region"() ({
      %run_scoped3A = tpu.sem_alloc : memref<!tpu.dma_semaphore, #tpu.memory_space<semaphore_mem>>
      %dma_start3A = arith.constant 0 : i32
      %dma_start3A_14 = tpu.memref_slice %arg10[%mul3A_0, %dma_start3A] : memref<50048x32xf32, #tpu.memory_space<vmem_shared>> -> memref<3128x32xf32, #tpu.memory_space<vmem_shared>>
      tpu.enqueue_dma source(%arg5 : memref<3128x32xf32, #tpu.memory_space<hbm>>) target(%dma_start3A_14 : memref<3128x32xf32, #tpu.memory_space<vmem_shared>>) target_semaphore(%run_scoped3A : memref<!tpu.dma_semaphore, #tpu.memory_space<semaphore_mem>>)
      %dma_wait3A = arith.constant 0 : i32
      %dma_wait3A_15 = tpu.memref_slice %arg10[%mul3A_0, %dma_wait3A] : memref<50048x32xf32, #tpu.memory_space<vmem_shared>> -> memref<3128x32xf32, #tpu.memory_space<vmem_shared>>
      tpu.wait_dma2 semaphore(%run_scoped3A : memref<!tpu.dma_semaphore, #tpu.memory_space<semaphore_mem>>) src(%arg5 : memref<3128x32xf32, #tpu.memory_space<hbm>>) dst(%dma_wait3A_15 : memref<3128x32xf32, #tpu.memory_space<vmem_shared>>)
      tpu.yield
    }) : () -> ()
    %barrier3A = arith.constant 0 : index
    tpu.barrier barrier_id(%barrier3A)
    %mul3A_1 = arith.constant 98 : i32
    %mul3A_2 = arith.muli %arg1, %mul3A_1 : i32
    %scan3A = arith.constant 0 : i32
    %scan3A_3 = arith.constant 0 : i32
    %scan3A_4 = arith.constant 98 : i32
    %scan3A_5 = arith.addi %scan3A_3, %scan3A_4 : i32
    %scan3A_6 = arith.constant 1 : i32
    %scan3A_7 = scf.for %scan3A_14 = %scan3A_3 to %scan3A_5 step %scan3A_6 iter_args(%scan3A_15 = %scan3A) -> (i32)  : i32 {
      %add3A = arith.addi %mul3A_2, %scan3A_14 : i32
      "tpu.region"() ({
        %run_scoped3A = tpu.sem_alloc : memref<!tpu.dma_semaphore, #tpu.memory_space<semaphore_mem>>
        %dma_start3A_27 = arith.constant 0 : i32
        %dma_start3A_28 = tpu.memref_slice %arg3[%arg0, %add3A, %dma_start3A_27] : memref<2x1568x512xi32, #tpu.memory_space<hbm>> -> memref<1x1x512xi32, #tpu.memory_space<hbm>>
        %dma_start3A_29 = tpu.memref_squeeze %dma_start3A_28 : memref<1x1x512xi32, #tpu.memory_space<hbm>> -> memref<512xi32, #tpu.memory_space<hbm>>
        %dma_start3A_30 = arith.constant 0 : i32
        %dma_start3A_31 = tpu.memref_slice %arg3[%arg0, %add3A, %dma_start3A_30] : memref<2x1568x512xi32, #tpu.memory_space<hbm>> -> memref<1x1x512xi32, #tpu.memory_space<hbm>>
        %dma_start3A_32 = tpu.memref_squeeze %dma_start3A_31 : memref<1x1x512xi32, #tpu.memory_space<hbm>> -> memref<512xi32, #tpu.memory_space<hbm>>
        tpu.enqueue_dma source(%dma_start3A_32 : memref<512xi32, #tpu.memory_space<hbm>>) target(%arg7 : memref<512xi32, #tpu.memory_space<vmem>>) target_semaphore(%run_scoped3A : memref<!tpu.dma_semaphore, #tpu.memory_space<semaphore_mem>>)
        %dma_wait3A_33 = arith.constant 0 : i32
        %dma_wait3A_34 = tpu.memref_slice %arg3[%arg0, %add3A, %dma_wait3A_33] : memref<2x1568x512xi32, #tpu.memory_space<hbm>> -> memref<1x1x512xi32, #tpu.memory_space<hbm>>
        %dma_wait3A_35 = tpu.memref_squeeze %dma_wait3A_34 : memref<1x1x512xi32, #tpu.memory_space<hbm>> -> memref<512xi32, #tpu.memory_space<hbm>>
        %dma_wait3A_36 = arith.constant 0 : i32
        %dma_wait3A_37 = tpu.memref_slice %arg3[%arg0, %add3A, %dma_wait3A_36] : memref<2x1568x512xi32, #tpu.memory_space<hbm>> -> memref<1x1x512xi32, #tpu.memory_space<hbm>>
        %dma_wait3A_38 = tpu.memref_squeeze %dma_wait3A_37 : memref<1x1x512xi32, #tpu.memory_space<hbm>> -> memref<512xi32, #tpu.memory_space<hbm>>
        tpu.wait_dma2 semaphore(%run_scoped3A : memref<!tpu.dma_semaphore, #tpu.memory_space<semaphore_mem>>) src(%dma_wait3A_38 : memref<512xi32, #tpu.memory_space<hbm>>) dst(%arg7 : memref<512xi32, #tpu.memory_space<vmem>>)
        tpu.yield
      }) : () -> ()
      "tpu.region"() ({
        %run_scoped3A = tpu.sem_alloc : memref<!tpu.dma_semaphore, #tpu.memory_space<semaphore_mem>>
        %dma_start3A_27 = arith.constant 0 : i32
        %dma_start3A_28 = tpu.memref_slice %arg4[%add3A, %dma_start3A_27] : memref<1568x512xi32, #tpu.memory_space<hbm>> -> memref<1x512xi32, #tpu.memory_space<hbm>>
        %dma_start3A_29 = tpu.memref_squeeze %dma_start3A_28 : memref<1x512xi32, #tpu.memory_space<hbm>> -> memref<512xi32, #tpu.memory_space<hbm>>
        %dma_start3A_30 = arith.constant 0 : i32
        %dma_start3A_31 = tpu.memref_slice %arg4[%add3A, %dma_start3A_30] : memref<1568x512xi32, #tpu.memory_space<hbm>> -> memref<1x512xi32, #tpu.memory_space<hbm>>
        %dma_start3A_32 = tpu.memref_squeeze %dma_start3A_31 : memref<1x512xi32, #tpu.memory_space<hbm>> -> memref<512xi32, #tpu.memory_space<hbm>>
        tpu.enqueue_dma source(%dma_start3A_32 : memref<512xi32, #tpu.memory_space<hbm>>) target(%arg8 : memref<512xi32, #tpu.memory_space<vmem>>) target_semaphore(%run_scoped3A : memref<!tpu.dma_semaphore, #tpu.memory_space<semaphore_mem>>)
        %dma_wait3A_33 = arith.constant 0 : i32
        %dma_wait3A_34 = tpu.memref_slice %arg4[%add3A, %dma_wait3A_33] : memref<1568x512xi32, #tpu.memory_space<hbm>> -> memref<1x512xi32, #tpu.memory_space<hbm>>
        %dma_wait3A_35 = tpu.memref_squeeze %dma_wait3A_34 : memref<1x512xi32, #tpu.memory_space<hbm>> -> memref<512xi32, #tpu.memory_space<hbm>>
        %dma_wait3A_36 = arith.constant 0 : i32
        %dma_wait3A_37 = tpu.memref_slice %arg4[%add3A, %dma_wait3A_36] : memref<1568x512xi32, #tpu.memory_space<hbm>> -> memref<1x512xi32, #tpu.memory_space<hbm>>
        %dma_wait3A_38 = tpu.memref_squeeze %dma_wait3A_37 : memref<1x512xi32, #tpu.memory_space<hbm>> -> memref<512xi32, #tpu.memory_space<hbm>>
        tpu.wait_dma2 semaphore(%run_scoped3A : memref<!tpu.dma_semaphore, #tpu.memory_space<semaphore_mem>>) src(%dma_wait3A_38 : memref<512xi32, #tpu.memory_space<hbm>>) dst(%arg8 : memref<512xi32, #tpu.memory_space<vmem>>)
        tpu.yield
      }) : () -> ()
      %dma_start3A = arith.constant 0 : i32
      %dma_start3A_16 = arith.constant 0 : i32
      %dma_start3A_17 = tpu.memref_slice %arg2[%dma_start3A, %dma_start3A_16] : memref<100000x32xf32, #tpu.memory_space<hbm>> -> memref<100000x32xf32, #tpu.memory_space<hbm>>
      tpu.enqueue_indirect_dma source(%dma_start3A_17 : memref<100000x32xf32, #tpu.memory_space<hbm>>) target(%arg9 : memref<512x32xf32, #tpu.memory_space<vmem>>) offsets(%arg7 : memref<512xi32, #tpu.memory_space<vmem>>) semaphore(%arg11 : memref<!tpu.dma_semaphore, #tpu.memory_space<semaphore_mem>>)
      %dma_wait3A = arith.constant 0 : i32
      %dma_wait3A_18 = arith.constant 0 : i32
      %dma_wait3A_19 = tpu.memref_slice %arg2[%dma_wait3A, %dma_wait3A_18] : memref<100000x32xf32, #tpu.memory_space<hbm>> -> memref<100000x32xf32, #tpu.memory_space<hbm>>
      tpu.wait_indirect_dma semaphore(%arg11 : memref<!tpu.dma_semaphore, #tpu.memory_space<semaphore_mem>>) src(%dma_wait3A_19 : memref<100000x32xf32, #tpu.memory_space<hbm>>) dst(%arg9 : memref<512x32xf32, #tpu.memory_space<vmem>>)
      %dma_start3A_20 = arith.constant 0 : i32
      %dma_start3A_21 = arith.constant 0 : i32
      %dma_start3A_22 = tpu.memref_slice %arg10[%dma_start3A_20, %dma_start3A_21] : memref<50048x32xf32, #tpu.memory_space<vmem_shared>> -> memref<50048x32xf32, #tpu.memory_space<vmem_shared>>
      tpu.enqueue_indirect_dma source(%arg9 : memref<512x32xf32, #tpu.memory_space<vmem>>) target(%dma_start3A_22 : memref<50048x32xf32, #tpu.memory_space<vmem_shared>>) offsets(%arg8 : memref<512xi32, #tpu.memory_space<vmem>>) semaphore(%arg12 : memref<!tpu.dma_semaphore, #tpu.memory_space<semaphore_mem>>) {add = true}
      %dma_wait3A_23 = arith.constant 0 : i32
      %dma_wait3A_24 = arith.constant 0 : i32
      %dma_wait3A_25 = tpu.memref_slice %arg10[%dma_wait3A_23, %dma_wait3A_24] : memref<50048x32xf32, #tpu.memory_space<vmem_shared>> -> memref<50048x32xf32, #tpu.memory_space<vmem_shared>>
      tpu.wait_indirect_dma semaphore(%arg12 : memref<!tpu.dma_semaphore, #tpu.memory_space<semaphore_mem>>) src(%arg9 : memref<512x32xf32, #tpu.memory_space<vmem>>) dst(%dma_wait3A_25 : memref<50048x32xf32, #tpu.memory_space<vmem_shared>>)
      %scan3A_26 = arith.constant 0 : i32
      scf.yield %scan3A_26 : i32
    }
    %scan3A_8 = arith.constant 98 : i32
    %barrier3A_9 = arith.constant 0 : index
    tpu.barrier barrier_id(%barrier3A_9)
    %mul3A_10 = arith.constant 3128 : i32
    %mul3A_11 = arith.muli %arg1, %mul3A_10 : i32
    %mul3A_12 = arith.constant 3128 : i32
    %mul3A_13 = arith.muli %arg1, %mul3A_12 : i32
    "tpu.region"() ({
      %run_scoped3A = tpu.sem_alloc : memref<!tpu.dma_semaphore, #tpu.memory_space<semaphore_mem>>
      %dma_start3A = arith.constant 0 : i32
      %dma_start3A_14 = tpu.memref_slice %arg6[%arg0, %mul3A_13, %dma_start3A] : memref<2x50048x32xf32, #tpu.memory_space<hbm>> -> memref<1x3128x32xf32, #tpu.memory_space<hbm>>
      %dma_start3A_15 = tpu.memref_squeeze %dma_start3A_14 : memref<1x3128x32xf32, #tpu.memory_space<hbm>> -> memref<3128x32xf32, #tpu.memory_space<hbm>>
      %dma_start3A_16 = arith.constant 0 : i32
      %dma_start3A_17 = tpu.memref_slice %arg10[%mul3A_11, %dma_start3A_16] : memref<50048x32xf32, #tpu.memory_space<vmem_shared>> -> memref<3128x32xf32, #tpu.memory_space<vmem_shared>>
      tpu.enqueue_dma source(%dma_start3A_17 : memref<3128x32xf32, #tpu.memory_space<vmem_shared>>) target(%dma_start3A_15 : memref<3128x32xf32, #tpu.memory_space<hbm>>) target_semaphore(%run_scoped3A : memref<!tpu.dma_semaphore, #tpu.memory_space<semaphore_mem>>)
      %dma_wait3A = arith.constant 0 : i32
      %dma_wait3A_18 = tpu.memref_slice %arg6[%arg0, %mul3A_13, %dma_wait3A] : memref<2x50048x32xf32, #tpu.memory_space<hbm>> -> memref<1x3128x32xf32, #tpu.memory_space<hbm>>
      %dma_wait3A_19 = tpu.memref_squeeze %dma_wait3A_18 : memref<1x3128x32xf32, #tpu.memory_space<hbm>> -> memref<3128x32xf32, #tpu.memory_space<hbm>>
      %dma_wait3A_20 = arith.constant 0 : i32
      %dma_wait3A_21 = tpu.memref_slice %arg10[%mul3A_11, %dma_wait3A_20] : memref<50048x32xf32, #tpu.memory_space<vmem_shared>> -> memref<3128x32xf32, #tpu.memory_space<vmem_shared>>
      tpu.wait_dma2 semaphore(%run_scoped3A : memref<!tpu.dma_semaphore, #tpu.memory_space<semaphore_mem>>) src(%dma_wait3A_21 : memref<3128x32xf32, #tpu.memory_space<vmem_shared>>) dst(%dma_wait3A_19 : memref<3128x32xf32, #tpu.memory_space<hbm>>)
      tpu.yield
    }) : () -> ()
    return
  }
}

#map = affine_map<(d0, d1) -> (0, 0)>
#map1 = affine_map<(d0, d1) -> (0, 0, 0)>
module attributes {stable_mosaic.version = 14 : i64} {
  func.func @k(%arg0: i32, %arg1: i32, %arg2: memref<50000x32xf32, #tpu.memory_space<hbm>>, %arg3: memref<2x16x2048xi32, #tpu.memory_space<hbm>>, %arg4: memref<16x2048xi32, #tpu.memory_space<hbm>>, %arg5: memref<1568x32xf32, #tpu.memory_space<hbm>>, %arg6: memref<2x25088x32xf32, #tpu.memory_space<hbm>>, %arg7: memref<2048xi32, #tpu.memory_space<vmem>>, %arg8: memref<2048xi32, #tpu.memory_space<vmem>>, %arg9: memref<2048x32xf32, #tpu.memory_space<vmem>>, %arg10: memref<25088x32xf32, #tpu.memory_space<vmem_shared>>, %arg11: memref<!tpu.dma_semaphore, #tpu.memory_space<semaphore_mem>>, %arg12: memref<!tpu.dma_semaphore, #tpu.memory_space<semaphore_mem>>) attributes {dimension_semantics = [#tpu.dimension_semantics<core_parallel>, #tpu.dimension_semantics<subcore_parallel>], iteration_bounds = array<i64: 2, 16>, scalar_prefetch = 0 : i64, scratch_operands = 6 : i64, tpu.core_type = #tpu.core_type<sc_vector_subcore>, window_params = [{transform_indices = #map}, {transform_indices = #map1}, {transform_indices = #map}, {transform_indices = #map}, {transform_indices = #map1}]} {
    %mul3A = arith.constant 1568 : i32
    %mul3A_0 = arith.muli %arg1, %mul3A : i32
    "tpu.region"() ({
      %run_scoped3A = tpu.sem_alloc : memref<!tpu.dma_semaphore, #tpu.memory_space<semaphore_mem>>
      %dma_start3A_21 = arith.constant 0 : i32
      %dma_start3A_22 = tpu.memref_slice %arg10[%mul3A_0, %dma_start3A_21] : memref<25088x32xf32, #tpu.memory_space<vmem_shared>> -> memref<1568x32xf32, #tpu.memory_space<vmem_shared>>
      tpu.enqueue_dma source(%arg5 : memref<1568x32xf32, #tpu.memory_space<hbm>>) target(%dma_start3A_22 : memref<1568x32xf32, #tpu.memory_space<vmem_shared>>) target_semaphore(%run_scoped3A : memref<!tpu.dma_semaphore, #tpu.memory_space<semaphore_mem>>)
      %dma_wait3A_23 = arith.constant 0 : i32
      %dma_wait3A_24 = tpu.memref_slice %arg10[%mul3A_0, %dma_wait3A_23] : memref<25088x32xf32, #tpu.memory_space<vmem_shared>> -> memref<1568x32xf32, #tpu.memory_space<vmem_shared>>
      tpu.wait_dma2 semaphore(%run_scoped3A : memref<!tpu.dma_semaphore, #tpu.memory_space<semaphore_mem>>) src(%arg5 : memref<1568x32xf32, #tpu.memory_space<hbm>>) dst(%dma_wait3A_24 : memref<1568x32xf32, #tpu.memory_space<vmem_shared>>)
      tpu.yield
    }) : () -> ()
    %barrier3A = arith.constant 0 : index
    tpu.barrier barrier_id(%barrier3A)
    %mul3A_1 = arith.constant 1 : i32
    %mul3A_2 = arith.muli %arg1, %mul3A_1 : i32
    %scan3A = arith.constant 0 : i32
    %scan3A_3 = arith.constant 0 : i32
    %add3A = arith.addi %mul3A_2, %scan3A_3 : i32
    "tpu.region"() ({
      %run_scoped3A = tpu.sem_alloc : memref<!tpu.dma_semaphore, #tpu.memory_space<semaphore_mem>>
      %dma_start3A_21 = arith.constant 0 : i32
      %dma_start3A_22 = tpu.memref_slice %arg3[%arg0, %add3A, %dma_start3A_21] : memref<2x16x2048xi32, #tpu.memory_space<hbm>> -> memref<1x1x2048xi32, #tpu.memory_space<hbm>>
      %dma_start3A_23 = tpu.memref_squeeze %dma_start3A_22 : memref<1x1x2048xi32, #tpu.memory_space<hbm>> -> memref<2048xi32, #tpu.memory_space<hbm>>
      %dma_start3A_24 = arith.constant 0 : i32
      %dma_start3A_25 = tpu.memref_slice %arg3[%arg0, %add3A, %dma_start3A_24] : memref<2x16x2048xi32, #tpu.memory_space<hbm>> -> memref<1x1x2048xi32, #tpu.memory_space<hbm>>
      %dma_start3A_26 = tpu.memref_squeeze %dma_start3A_25 : memref<1x1x2048xi32, #tpu.memory_space<hbm>> -> memref<2048xi32, #tpu.memory_space<hbm>>
      tpu.enqueue_dma source(%dma_start3A_26 : memref<2048xi32, #tpu.memory_space<hbm>>) target(%arg7 : memref<2048xi32, #tpu.memory_space<vmem>>) target_semaphore(%run_scoped3A : memref<!tpu.dma_semaphore, #tpu.memory_space<semaphore_mem>>)
      %dma_wait3A_27 = arith.constant 0 : i32
      %dma_wait3A_28 = tpu.memref_slice %arg3[%arg0, %add3A, %dma_wait3A_27] : memref<2x16x2048xi32, #tpu.memory_space<hbm>> -> memref<1x1x2048xi32, #tpu.memory_space<hbm>>
      %dma_wait3A_29 = tpu.memref_squeeze %dma_wait3A_28 : memref<1x1x2048xi32, #tpu.memory_space<hbm>> -> memref<2048xi32, #tpu.memory_space<hbm>>
      %dma_wait3A_30 = arith.constant 0 : i32
      %dma_wait3A_31 = tpu.memref_slice %arg3[%arg0, %add3A, %dma_wait3A_30] : memref<2x16x2048xi32, #tpu.memory_space<hbm>> -> memref<1x1x2048xi32, #tpu.memory_space<hbm>>
      %dma_wait3A_32 = tpu.memref_squeeze %dma_wait3A_31 : memref<1x1x2048xi32, #tpu.memory_space<hbm>> -> memref<2048xi32, #tpu.memory_space<hbm>>
      tpu.wait_dma2 semaphore(%run_scoped3A : memref<!tpu.dma_semaphore, #tpu.memory_space<semaphore_mem>>) src(%dma_wait3A_32 : memref<2048xi32, #tpu.memory_space<hbm>>) dst(%arg7 : memref<2048xi32, #tpu.memory_space<vmem>>)
      tpu.yield
    }) : () -> ()
    "tpu.region"() ({
      %run_scoped3A = tpu.sem_alloc : memref<!tpu.dma_semaphore, #tpu.memory_space<semaphore_mem>>
      %dma_start3A_21 = arith.constant 0 : i32
      %dma_start3A_22 = tpu.memref_slice %arg4[%add3A, %dma_start3A_21] : memref<16x2048xi32, #tpu.memory_space<hbm>> -> memref<1x2048xi32, #tpu.memory_space<hbm>>
      %dma_start3A_23 = tpu.memref_squeeze %dma_start3A_22 : memref<1x2048xi32, #tpu.memory_space<hbm>> -> memref<2048xi32, #tpu.memory_space<hbm>>
      %dma_start3A_24 = arith.constant 0 : i32
      %dma_start3A_25 = tpu.memref_slice %arg4[%add3A, %dma_start3A_24] : memref<16x2048xi32, #tpu.memory_space<hbm>> -> memref<1x2048xi32, #tpu.memory_space<hbm>>
      %dma_start3A_26 = tpu.memref_squeeze %dma_start3A_25 : memref<1x2048xi32, #tpu.memory_space<hbm>> -> memref<2048xi32, #tpu.memory_space<hbm>>
      tpu.enqueue_dma source(%dma_start3A_26 : memref<2048xi32, #tpu.memory_space<hbm>>) target(%arg8 : memref<2048xi32, #tpu.memory_space<vmem>>) target_semaphore(%run_scoped3A : memref<!tpu.dma_semaphore, #tpu.memory_space<semaphore_mem>>)
      %dma_wait3A_27 = arith.constant 0 : i32
      %dma_wait3A_28 = tpu.memref_slice %arg4[%add3A, %dma_wait3A_27] : memref<16x2048xi32, #tpu.memory_space<hbm>> -> memref<1x2048xi32, #tpu.memory_space<hbm>>
      %dma_wait3A_29 = tpu.memref_squeeze %dma_wait3A_28 : memref<1x2048xi32, #tpu.memory_space<hbm>> -> memref<2048xi32, #tpu.memory_space<hbm>>
      %dma_wait3A_30 = arith.constant 0 : i32
      %dma_wait3A_31 = tpu.memref_slice %arg4[%add3A, %dma_wait3A_30] : memref<16x2048xi32, #tpu.memory_space<hbm>> -> memref<1x2048xi32, #tpu.memory_space<hbm>>
      %dma_wait3A_32 = tpu.memref_squeeze %dma_wait3A_31 : memref<1x2048xi32, #tpu.memory_space<hbm>> -> memref<2048xi32, #tpu.memory_space<hbm>>
      tpu.wait_dma2 semaphore(%run_scoped3A : memref<!tpu.dma_semaphore, #tpu.memory_space<semaphore_mem>>) src(%dma_wait3A_32 : memref<2048xi32, #tpu.memory_space<hbm>>) dst(%arg8 : memref<2048xi32, #tpu.memory_space<vmem>>)
      tpu.yield
    }) : () -> ()
    %dma_start3A = arith.constant 0 : i32
    %dma_start3A_4 = arith.constant 0 : i32
    %dma_start3A_5 = tpu.memref_slice %arg2[%dma_start3A, %dma_start3A_4] : memref<50000x32xf32, #tpu.memory_space<hbm>> -> memref<50000x32xf32, #tpu.memory_space<hbm>>
    tpu.enqueue_indirect_dma source(%dma_start3A_5 : memref<50000x32xf32, #tpu.memory_space<hbm>>) target(%arg9 : memref<2048x32xf32, #tpu.memory_space<vmem>>) offsets(%arg7 : memref<2048xi32, #tpu.memory_space<vmem>>) semaphore(%arg11 : memref<!tpu.dma_semaphore, #tpu.memory_space<semaphore_mem>>)
    %dma_wait3A = arith.constant 0 : i32
    %dma_wait3A_6 = arith.constant 0 : i32
    %dma_wait3A_7 = tpu.memref_slice %arg2[%dma_wait3A, %dma_wait3A_6] : memref<50000x32xf32, #tpu.memory_space<hbm>> -> memref<50000x32xf32, #tpu.memory_space<hbm>>
    tpu.wait_indirect_dma semaphore(%arg11 : memref<!tpu.dma_semaphore, #tpu.memory_space<semaphore_mem>>) src(%dma_wait3A_7 : memref<50000x32xf32, #tpu.memory_space<hbm>>) dst(%arg9 : memref<2048x32xf32, #tpu.memory_space<vmem>>)
    %dma_start3A_8 = arith.constant 0 : i32
    %dma_start3A_9 = arith.constant 0 : i32
    %dma_start3A_10 = tpu.memref_slice %arg10[%dma_start3A_8, %dma_start3A_9] : memref<25088x32xf32, #tpu.memory_space<vmem_shared>> -> memref<25088x32xf32, #tpu.memory_space<vmem_shared>>
    tpu.enqueue_indirect_dma source(%arg9 : memref<2048x32xf32, #tpu.memory_space<vmem>>) target(%dma_start3A_10 : memref<25088x32xf32, #tpu.memory_space<vmem_shared>>) offsets(%arg8 : memref<2048xi32, #tpu.memory_space<vmem>>) semaphore(%arg12 : memref<!tpu.dma_semaphore, #tpu.memory_space<semaphore_mem>>) {add = true}
    %dma_wait3A_11 = arith.constant 0 : i32
    %dma_wait3A_12 = arith.constant 0 : i32
    %dma_wait3A_13 = tpu.memref_slice %arg10[%dma_wait3A_11, %dma_wait3A_12] : memref<25088x32xf32, #tpu.memory_space<vmem_shared>> -> memref<25088x32xf32, #tpu.memory_space<vmem_shared>>
    tpu.wait_indirect_dma semaphore(%arg12 : memref<!tpu.dma_semaphore, #tpu.memory_space<semaphore_mem>>) src(%arg9 : memref<2048x32xf32, #tpu.memory_space<vmem>>) dst(%dma_wait3A_13 : memref<25088x32xf32, #tpu.memory_space<vmem_shared>>)
    %scan3A_14 = arith.constant 0 : i32
    %scan3A_15 = arith.constant 1 : i32
    %barrier3A_16 = arith.constant 0 : index
    tpu.barrier barrier_id(%barrier3A_16)
    %mul3A_17 = arith.constant 1568 : i32
    %mul3A_18 = arith.muli %arg1, %mul3A_17 : i32
    %mul3A_19 = arith.constant 1568 : i32
    %mul3A_20 = arith.muli %arg1, %mul3A_19 : i32
    "tpu.region"() ({
      %run_scoped3A = tpu.sem_alloc : memref<!tpu.dma_semaphore, #tpu.memory_space<semaphore_mem>>
      %dma_start3A_21 = arith.constant 0 : i32
      %dma_start3A_22 = tpu.memref_slice %arg6[%arg0, %mul3A_20, %dma_start3A_21] : memref<2x25088x32xf32, #tpu.memory_space<hbm>> -> memref<1x1568x32xf32, #tpu.memory_space<hbm>>
      %dma_start3A_23 = tpu.memref_squeeze %dma_start3A_22 : memref<1x1568x32xf32, #tpu.memory_space<hbm>> -> memref<1568x32xf32, #tpu.memory_space<hbm>>
      %dma_start3A_24 = arith.constant 0 : i32
      %dma_start3A_25 = tpu.memref_slice %arg10[%mul3A_18, %dma_start3A_24] : memref<25088x32xf32, #tpu.memory_space<vmem_shared>> -> memref<1568x32xf32, #tpu.memory_space<vmem_shared>>
      tpu.enqueue_dma source(%dma_start3A_25 : memref<1568x32xf32, #tpu.memory_space<vmem_shared>>) target(%dma_start3A_23 : memref<1568x32xf32, #tpu.memory_space<hbm>>) target_semaphore(%run_scoped3A : memref<!tpu.dma_semaphore, #tpu.memory_space<semaphore_mem>>)
      %dma_wait3A_26 = arith.constant 0 : i32
      %dma_wait3A_27 = tpu.memref_slice %arg6[%arg0, %mul3A_20, %dma_wait3A_26] : memref<2x25088x32xf32, #tpu.memory_space<hbm>> -> memref<1x1568x32xf32, #tpu.memory_space<hbm>>
      %dma_wait3A_28 = tpu.memref_squeeze %dma_wait3A_27 : memref<1x1568x32xf32, #tpu.memory_space<hbm>> -> memref<1568x32xf32, #tpu.memory_space<hbm>>
      %dma_wait3A_29 = arith.constant 0 : i32
      %dma_wait3A_30 = tpu.memref_slice %arg10[%mul3A_18, %dma_wait3A_29] : memref<25088x32xf32, #tpu.memory_space<vmem_shared>> -> memref<1568x32xf32, #tpu.memory_space<vmem_shared>>
      tpu.wait_dma2 semaphore(%run_scoped3A : memref<!tpu.dma_semaphore, #tpu.memory_space<semaphore_mem>>) src(%dma_wait3A_30 : memref<1568x32xf32, #tpu.memory_space<vmem_shared>>) dst(%dma_wait3A_28 : memref<1568x32xf32, #tpu.memory_space<hbm>>)
      tpu.yield
    }) : () -> ()
    return
  }
}

#map = affine_map<(d0, d1) -> (0, 0)>
#map1 = affine_map<(d0, d1) -> (0, 0, 0)>
module attributes {stable_mosaic.version = 14 : i64} {
  func.func @k(%arg0: i32, %arg1: i32, %arg2: memref<50000x32xf32, #tpu.memory_space<hbm>>, %arg3: memref<2x16x2048xi32, #tpu.memory_space<hbm>>, %arg4: memref<16x2048xi32, #tpu.memory_space<hbm>>, %arg5: memref<1568x32xf32, #tpu.memory_space<hbm>>, %arg6: memref<2x25088x32xf32, #tpu.memory_space<hbm>>, %arg7: memref<2048xi32, #tpu.memory_space<vmem>>, %arg8: memref<2048xi32, #tpu.memory_space<vmem>>, %arg9: memref<2048x32xf32, #tpu.memory_space<vmem>>, %arg10: memref<25088x32xf32, #tpu.memory_space<vmem_shared>>, %arg11: memref<!tpu.dma_semaphore, #tpu.memory_space<semaphore_mem>>, %arg12: memref<!tpu.dma_semaphore, #tpu.memory_space<semaphore_mem>>) attributes {dimension_semantics = [#tpu.dimension_semantics<core_parallel>, #tpu.dimension_semantics<subcore_parallel>], iteration_bounds = array<i64: 2, 16>, scalar_prefetch = 0 : i64, scratch_operands = 6 : i64, tpu.core_type = #tpu.core_type<sc_vector_subcore>, window_params = [{transform_indices = #map}, {transform_indices = #map1}, {transform_indices = #map}, {transform_indices = #map}, {transform_indices = #map1}]} {
    %mul3A = arith.constant 1568 : i32
    %mul3A_0 = arith.muli %arg1, %mul3A : i32
    "tpu.region"() ({
      %run_scoped3A = tpu.sem_alloc : memref<!tpu.dma_semaphore, #tpu.memory_space<semaphore_mem>>
      %dma_start3A_21 = arith.constant 0 : i32
      %dma_start3A_22 = tpu.memref_slice %arg10[%mul3A_0, %dma_start3A_21] : memref<25088x32xf32, #tpu.memory_space<vmem_shared>> -> memref<1568x32xf32, #tpu.memory_space<vmem_shared>>
      tpu.enqueue_dma source(%arg5 : memref<1568x32xf32, #tpu.memory_space<hbm>>) target(%dma_start3A_22 : memref<1568x32xf32, #tpu.memory_space<vmem_shared>>) target_semaphore(%run_scoped3A : memref<!tpu.dma_semaphore, #tpu.memory_space<semaphore_mem>>)
      %dma_wait3A_23 = arith.constant 0 : i32
      %dma_wait3A_24 = tpu.memref_slice %arg10[%mul3A_0, %dma_wait3A_23] : memref<25088x32xf32, #tpu.memory_space<vmem_shared>> -> memref<1568x32xf32, #tpu.memory_space<vmem_shared>>
      tpu.wait_dma2 semaphore(%run_scoped3A : memref<!tpu.dma_semaphore, #tpu.memory_space<semaphore_mem>>) src(%arg5 : memref<1568x32xf32, #tpu.memory_space<hbm>>) dst(%dma_wait3A_24 : memref<1568x32xf32, #tpu.memory_space<vmem_shared>>)
      tpu.yield
    }) : () -> ()
    %barrier3A = arith.constant 0 : index
    tpu.barrier barrier_id(%barrier3A)
    %mul3A_1 = arith.constant 1 : i32
    %mul3A_2 = arith.muli %arg1, %mul3A_1 : i32
    %scan3A = arith.constant 0 : i32
    %scan3A_3 = arith.constant 0 : i32
    %add3A = arith.addi %mul3A_2, %scan3A_3 : i32
    "tpu.region"() ({
      %run_scoped3A = tpu.sem_alloc : memref<!tpu.dma_semaphore, #tpu.memory_space<semaphore_mem>>
      %dma_start3A_21 = arith.constant 0 : i32
      %dma_start3A_22 = tpu.memref_slice %arg3[%arg0, %add3A, %dma_start3A_21] : memref<2x16x2048xi32, #tpu.memory_space<hbm>> -> memref<1x1x2048xi32, #tpu.memory_space<hbm>>
      %dma_start3A_23 = tpu.memref_squeeze %dma_start3A_22 : memref<1x1x2048xi32, #tpu.memory_space<hbm>> -> memref<2048xi32, #tpu.memory_space<hbm>>
      %dma_start3A_24 = arith.constant 0 : i32
      %dma_start3A_25 = tpu.memref_slice %arg3[%arg0, %add3A, %dma_start3A_24] : memref<2x16x2048xi32, #tpu.memory_space<hbm>> -> memref<1x1x2048xi32, #tpu.memory_space<hbm>>
      %dma_start3A_26 = tpu.memref_squeeze %dma_start3A_25 : memref<1x1x2048xi32, #tpu.memory_space<hbm>> -> memref<2048xi32, #tpu.memory_space<hbm>>
      tpu.enqueue_dma source(%dma_start3A_26 : memref<2048xi32, #tpu.memory_space<hbm>>) target(%arg7 : memref<2048xi32, #tpu.memory_space<vmem>>) target_semaphore(%run_scoped3A : memref<!tpu.dma_semaphore, #tpu.memory_space<semaphore_mem>>)
      %dma_wait3A_27 = arith.constant 0 : i32
      %dma_wait3A_28 = tpu.memref_slice %arg3[%arg0, %add3A, %dma_wait3A_27] : memref<2x16x2048xi32, #tpu.memory_space<hbm>> -> memref<1x1x2048xi32, #tpu.memory_space<hbm>>
      %dma_wait3A_29 = tpu.memref_squeeze %dma_wait3A_28 : memref<1x1x2048xi32, #tpu.memory_space<hbm>> -> memref<2048xi32, #tpu.memory_space<hbm>>
      %dma_wait3A_30 = arith.constant 0 : i32
      %dma_wait3A_31 = tpu.memref_slice %arg3[%arg0, %add3A, %dma_wait3A_30] : memref<2x16x2048xi32, #tpu.memory_space<hbm>> -> memref<1x1x2048xi32, #tpu.memory_space<hbm>>
      %dma_wait3A_32 = tpu.memref_squeeze %dma_wait3A_31 : memref<1x1x2048xi32, #tpu.memory_space<hbm>> -> memref<2048xi32, #tpu.memory_space<hbm>>
      tpu.wait_dma2 semaphore(%run_scoped3A : memref<!tpu.dma_semaphore, #tpu.memory_space<semaphore_mem>>) src(%dma_wait3A_32 : memref<2048xi32, #tpu.memory_space<hbm>>) dst(%arg7 : memref<2048xi32, #tpu.memory_space<vmem>>)
      tpu.yield
    }) : () -> ()
    "tpu.region"() ({
      %run_scoped3A = tpu.sem_alloc : memref<!tpu.dma_semaphore, #tpu.memory_space<semaphore_mem>>
      %dma_start3A_21 = arith.constant 0 : i32
      %dma_start3A_22 = tpu.memref_slice %arg4[%add3A, %dma_start3A_21] : memref<16x2048xi32, #tpu.memory_space<hbm>> -> memref<1x2048xi32, #tpu.memory_space<hbm>>
      %dma_start3A_23 = tpu.memref_squeeze %dma_start3A_22 : memref<1x2048xi32, #tpu.memory_space<hbm>> -> memref<2048xi32, #tpu.memory_space<hbm>>
      %dma_start3A_24 = arith.constant 0 : i32
      %dma_start3A_25 = tpu.memref_slice %arg4[%add3A, %dma_start3A_24] : memref<16x2048xi32, #tpu.memory_space<hbm>> -> memref<1x2048xi32, #tpu.memory_space<hbm>>
      %dma_start3A_26 = tpu.memref_squeeze %dma_start3A_25 : memref<1x2048xi32, #tpu.memory_space<hbm>> -> memref<2048xi32, #tpu.memory_space<hbm>>
      tpu.enqueue_dma source(%dma_start3A_26 : memref<2048xi32, #tpu.memory_space<hbm>>) target(%arg8 : memref<2048xi32, #tpu.memory_space<vmem>>) target_semaphore(%run_scoped3A : memref<!tpu.dma_semaphore, #tpu.memory_space<semaphore_mem>>)
      %dma_wait3A_27 = arith.constant 0 : i32
      %dma_wait3A_28 = tpu.memref_slice %arg4[%add3A, %dma_wait3A_27] : memref<16x2048xi32, #tpu.memory_space<hbm>> -> memref<1x2048xi32, #tpu.memory_space<hbm>>
      %dma_wait3A_29 = tpu.memref_squeeze %dma_wait3A_28 : memref<1x2048xi32, #tpu.memory_space<hbm>> -> memref<2048xi32, #tpu.memory_space<hbm>>
      %dma_wait3A_30 = arith.constant 0 : i32
      %dma_wait3A_31 = tpu.memref_slice %arg4[%add3A, %dma_wait3A_30] : memref<16x2048xi32, #tpu.memory_space<hbm>> -> memref<1x2048xi32, #tpu.memory_space<hbm>>
      %dma_wait3A_32 = tpu.memref_squeeze %dma_wait3A_31 : memref<1x2048xi32, #tpu.memory_space<hbm>> -> memref<2048xi32, #tpu.memory_space<hbm>>
      tpu.wait_dma2 semaphore(%run_scoped3A : memref<!tpu.dma_semaphore, #tpu.memory_space<semaphore_mem>>) src(%dma_wait3A_32 : memref<2048xi32, #tpu.memory_space<hbm>>) dst(%arg8 : memref<2048xi32, #tpu.memory_space<vmem>>)
      tpu.yield
    }) : () -> ()
    %dma_start3A = arith.constant 0 : i32
    %dma_start3A_4 = arith.constant 0 : i32
    %dma_start3A_5 = tpu.memref_slice %arg2[%dma_start3A, %dma_start3A_4] : memref<50000x32xf32, #tpu.memory_space<hbm>> -> memref<50000x32xf32, #tpu.memory_space<hbm>>
    tpu.enqueue_indirect_dma source(%dma_start3A_5 : memref<50000x32xf32, #tpu.memory_space<hbm>>) target(%arg9 : memref<2048x32xf32, #tpu.memory_space<vmem>>) offsets(%arg7 : memref<2048xi32, #tpu.memory_space<vmem>>) semaphore(%arg11 : memref<!tpu.dma_semaphore, #tpu.memory_space<semaphore_mem>>)
    %dma_wait3A = arith.constant 0 : i32
    %dma_wait3A_6 = arith.constant 0 : i32
    %dma_wait3A_7 = tpu.memref_slice %arg2[%dma_wait3A, %dma_wait3A_6] : memref<50000x32xf32, #tpu.memory_space<hbm>> -> memref<50000x32xf32, #tpu.memory_space<hbm>>
    tpu.wait_indirect_dma semaphore(%arg11 : memref<!tpu.dma_semaphore, #tpu.memory_space<semaphore_mem>>) src(%dma_wait3A_7 : memref<50000x32xf32, #tpu.memory_space<hbm>>) dst(%arg9 : memref<2048x32xf32, #tpu.memory_space<vmem>>)
    %dma_start3A_8 = arith.constant 0 : i32
    %dma_start3A_9 = arith.constant 0 : i32
    %dma_start3A_10 = tpu.memref_slice %arg10[%dma_start3A_8, %dma_start3A_9] : memref<25088x32xf32, #tpu.memory_space<vmem_shared>> -> memref<25088x32xf32, #tpu.memory_space<vmem_shared>>
    tpu.enqueue_indirect_dma source(%arg9 : memref<2048x32xf32, #tpu.memory_space<vmem>>) target(%dma_start3A_10 : memref<25088x32xf32, #tpu.memory_space<vmem_shared>>) offsets(%arg8 : memref<2048xi32, #tpu.memory_space<vmem>>) semaphore(%arg12 : memref<!tpu.dma_semaphore, #tpu.memory_space<semaphore_mem>>) {add = true}
    %dma_wait3A_11 = arith.constant 0 : i32
    %dma_wait3A_12 = arith.constant 0 : i32
    %dma_wait3A_13 = tpu.memref_slice %arg10[%dma_wait3A_11, %dma_wait3A_12] : memref<25088x32xf32, #tpu.memory_space<vmem_shared>> -> memref<25088x32xf32, #tpu.memory_space<vmem_shared>>
    tpu.wait_indirect_dma semaphore(%arg12 : memref<!tpu.dma_semaphore, #tpu.memory_space<semaphore_mem>>) src(%arg9 : memref<2048x32xf32, #tpu.memory_space<vmem>>) dst(%dma_wait3A_13 : memref<25088x32xf32, #tpu.memory_space<vmem_shared>>)
    %scan3A_14 = arith.constant 0 : i32
    %scan3A_15 = arith.constant 1 : i32
    %barrier3A_16 = arith.constant 0 : index
    tpu.barrier barrier_id(%barrier3A_16)
    %mul3A_17 = arith.constant 1568 : i32
    %mul3A_18 = arith.muli %arg1, %mul3A_17 : i32
    %mul3A_19 = arith.constant 1568 : i32
    %mul3A_20 = arith.muli %arg1, %mul3A_19 : i32
    "tpu.region"() ({
      %run_scoped3A = tpu.sem_alloc : memref<!tpu.dma_semaphore, #tpu.memory_space<semaphore_mem>>
      %dma_start3A_21 = arith.constant 0 : i32
      %dma_start3A_22 = tpu.memref_slice %arg6[%arg0, %mul3A_20, %dma_start3A_21] : memref<2x25088x32xf32, #tpu.memory_space<hbm>> -> memref<1x1568x32xf32, #tpu.memory_space<hbm>>
      %dma_start3A_23 = tpu.memref_squeeze %dma_start3A_22 : memref<1x1568x32xf32, #tpu.memory_space<hbm>> -> memref<1568x32xf32, #tpu.memory_space<hbm>>
      %dma_start3A_24 = arith.constant 0 : i32
      %dma_start3A_25 = tpu.memref_slice %arg10[%mul3A_18, %dma_start3A_24] : memref<25088x32xf32, #tpu.memory_space<vmem_shared>> -> memref<1568x32xf32, #tpu.memory_space<vmem_shared>>
      tpu.enqueue_dma source(%dma_start3A_25 : memref<1568x32xf32, #tpu.memory_space<vmem_shared>>) target(%dma_start3A_23 : memref<1568x32xf32, #tpu.memory_space<hbm>>) target_semaphore(%run_scoped3A : memref<!tpu.dma_semaphore, #tpu.memory_space<semaphore_mem>>)
      %dma_wait3A_26 = arith.constant 0 : i32
      %dma_wait3A_27 = tpu.memref_slice %arg6[%arg0, %mul3A_20, %dma_wait3A_26] : memref<2x25088x32xf32, #tpu.memory_space<hbm>> -> memref<1x1568x32xf32, #tpu.memory_space<hbm>>
      %dma_wait3A_28 = tpu.memref_squeeze %dma_wait3A_27 : memref<1x1568x32xf32, #tpu.memory_space<hbm>> -> memref<1568x32xf32, #tpu.memory_space<hbm>>
      %dma_wait3A_29 = arith.constant 0 : i32
      %dma_wait3A_30 = tpu.memref_slice %arg10[%mul3A_18, %dma_wait3A_29] : memref<25088x32xf32, #tpu.memory_space<vmem_shared>> -> memref<1568x32xf32, #tpu.memory_space<vmem_shared>>
      tpu.wait_dma2 semaphore(%run_scoped3A : memref<!tpu.dma_semaphore, #tpu.memory_space<semaphore_mem>>) src(%dma_wait3A_30 : memref<1568x32xf32, #tpu.memory_space<vmem_shared>>) dst(%dma_wait3A_28 : memref<1568x32xf32, #tpu.memory_space<hbm>>)
      tpu.yield
    }) : () -> ()
    return
  }
}

#map = affine_map<(d0, d1) -> (0, 0)>
#map1 = affine_map<(d0, d1) -> (0, 0, 0)>
module attributes {stable_mosaic.version = 14 : i64} {
  func.func @k(%arg0: i32, %arg1: i32, %arg2: memref<100000x32xf32, #tpu.memory_space<hbm>>, %arg3: memref<2x1568x512xi32, #tpu.memory_space<hbm>>, %arg4: memref<1568x512xi32, #tpu.memory_space<hbm>>, %arg5: memref<3128x32xf32, #tpu.memory_space<hbm>>, %arg6: memref<2x50048x32xf32, #tpu.memory_space<hbm>>, %arg7: memref<512xi32, #tpu.memory_space<vmem>>, %arg8: memref<512xi32, #tpu.memory_space<vmem>>, %arg9: memref<512x32xf32, #tpu.memory_space<vmem>>, %arg10: memref<50048x32xf32, #tpu.memory_space<vmem_shared>>, %arg11: memref<!tpu.dma_semaphore, #tpu.memory_space<semaphore_mem>>, %arg12: memref<!tpu.dma_semaphore, #tpu.memory_space<semaphore_mem>>) attributes {dimension_semantics = [#tpu.dimension_semantics<core_parallel>, #tpu.dimension_semantics<subcore_parallel>], iteration_bounds = array<i64: 2, 16>, scalar_prefetch = 0 : i64, scratch_operands = 6 : i64, tpu.core_type = #tpu.core_type<sc_vector_subcore>, window_params = [{transform_indices = #map}, {transform_indices = #map1}, {transform_indices = #map}, {transform_indices = #map}, {transform_indices = #map1}]} {
    %mul3A = arith.constant 3128 : i32
    %mul3A_0 = arith.muli %arg1, %mul3A : i32
    "tpu.region"() ({
      %run_scoped3A = tpu.sem_alloc : memref<!tpu.dma_semaphore, #tpu.memory_space<semaphore_mem>>
      %dma_start3A = arith.constant 0 : i32
      %dma_start3A_14 = tpu.memref_slice %arg10[%mul3A_0, %dma_start3A] : memref<50048x32xf32, #tpu.memory_space<vmem_shared>> -> memref<3128x32xf32, #tpu.memory_space<vmem_shared>>
      tpu.enqueue_dma source(%arg5 : memref<3128x32xf32, #tpu.memory_space<hbm>>) target(%dma_start3A_14 : memref<3128x32xf32, #tpu.memory_space<vmem_shared>>) target_semaphore(%run_scoped3A : memref<!tpu.dma_semaphore, #tpu.memory_space<semaphore_mem>>)
      %dma_wait3A = arith.constant 0 : i32
      %dma_wait3A_15 = tpu.memref_slice %arg10[%mul3A_0, %dma_wait3A] : memref<50048x32xf32, #tpu.memory_space<vmem_shared>> -> memref<3128x32xf32, #tpu.memory_space<vmem_shared>>
      tpu.wait_dma2 semaphore(%run_scoped3A : memref<!tpu.dma_semaphore, #tpu.memory_space<semaphore_mem>>) src(%arg5 : memref<3128x32xf32, #tpu.memory_space<hbm>>) dst(%dma_wait3A_15 : memref<3128x32xf32, #tpu.memory_space<vmem_shared>>)
      tpu.yield
    }) : () -> ()
    %barrier3A = arith.constant 0 : index
    tpu.barrier barrier_id(%barrier3A)
    %mul3A_1 = arith.constant 98 : i32
    %mul3A_2 = arith.muli %arg1, %mul3A_1 : i32
    %scan3A = arith.constant 0 : i32
    %scan3A_3 = arith.constant 0 : i32
    %scan3A_4 = arith.constant 98 : i32
    %scan3A_5 = arith.addi %scan3A_3, %scan3A_4 : i32
    %scan3A_6 = arith.constant 1 : i32
    %scan3A_7 = scf.for %scan3A_14 = %scan3A_3 to %scan3A_5 step %scan3A_6 iter_args(%scan3A_15 = %scan3A) -> (i32)  : i32 {
      %add3A = arith.addi %mul3A_2, %scan3A_14 : i32
      "tpu.region"() ({
        %run_scoped3A = tpu.sem_alloc : memref<!tpu.dma_semaphore, #tpu.memory_space<semaphore_mem>>
        %dma_start3A_27 = arith.constant 0 : i32
        %dma_start3A_28 = tpu.memref_slice %arg3[%arg0, %add3A, %dma_start3A_27] : memref<2x1568x512xi32, #tpu.memory_space<hbm>> -> memref<1x1x512xi32, #tpu.memory_space<hbm>>
        %dma_start3A_29 = tpu.memref_squeeze %dma_start3A_28 : memref<1x1x512xi32, #tpu.memory_space<hbm>> -> memref<512xi32, #tpu.memory_space<hbm>>
        %dma_start3A_30 = arith.constant 0 : i32
        %dma_start3A_31 = tpu.memref_slice %arg3[%arg0, %add3A, %dma_start3A_30] : memref<2x1568x512xi32, #tpu.memory_space<hbm>> -> memref<1x1x512xi32, #tpu.memory_space<hbm>>
        %dma_start3A_32 = tpu.memref_squeeze %dma_start3A_31 : memref<1x1x512xi32, #tpu.memory_space<hbm>> -> memref<512xi32, #tpu.memory_space<hbm>>
        tpu.enqueue_dma source(%dma_start3A_32 : memref<512xi32, #tpu.memory_space<hbm>>) target(%arg7 : memref<512xi32, #tpu.memory_space<vmem>>) target_semaphore(%run_scoped3A : memref<!tpu.dma_semaphore, #tpu.memory_space<semaphore_mem>>)
        %dma_wait3A_33 = arith.constant 0 : i32
        %dma_wait3A_34 = tpu.memref_slice %arg3[%arg0, %add3A, %dma_wait3A_33] : memref<2x1568x512xi32, #tpu.memory_space<hbm>> -> memref<1x1x512xi32, #tpu.memory_space<hbm>>
        %dma_wait3A_35 = tpu.memref_squeeze %dma_wait3A_34 : memref<1x1x512xi32, #tpu.memory_space<hbm>> -> memref<512xi32, #tpu.memory_space<hbm>>
        %dma_wait3A_36 = arith.constant 0 : i32
        %dma_wait3A_37 = tpu.memref_slice %arg3[%arg0, %add3A, %dma_wait3A_36] : memref<2x1568x512xi32, #tpu.memory_space<hbm>> -> memref<1x1x512xi32, #tpu.memory_space<hbm>>
        %dma_wait3A_38 = tpu.memref_squeeze %dma_wait3A_37 : memref<1x1x512xi32, #tpu.memory_space<hbm>> -> memref<512xi32, #tpu.memory_space<hbm>>
        tpu.wait_dma2 semaphore(%run_scoped3A : memref<!tpu.dma_semaphore, #tpu.memory_space<semaphore_mem>>) src(%dma_wait3A_38 : memref<512xi32, #tpu.memory_space<hbm>>) dst(%arg7 : memref<512xi32, #tpu.memory_space<vmem>>)
        tpu.yield
      }) : () -> ()
      "tpu.region"() ({
        %run_scoped3A = tpu.sem_alloc : memref<!tpu.dma_semaphore, #tpu.memory_space<semaphore_mem>>
        %dma_start3A_27 = arith.constant 0 : i32
        %dma_start3A_28 = tpu.memref_slice %arg4[%add3A, %dma_start3A_27] : memref<1568x512xi32, #tpu.memory_space<hbm>> -> memref<1x512xi32, #tpu.memory_space<hbm>>
        %dma_start3A_29 = tpu.memref_squeeze %dma_start3A_28 : memref<1x512xi32, #tpu.memory_space<hbm>> -> memref<512xi32, #tpu.memory_space<hbm>>
        %dma_start3A_30 = arith.constant 0 : i32
        %dma_start3A_31 = tpu.memref_slice %arg4[%add3A, %dma_start3A_30] : memref<1568x512xi32, #tpu.memory_space<hbm>> -> memref<1x512xi32, #tpu.memory_space<hbm>>
        %dma_start3A_32 = tpu.memref_squeeze %dma_start3A_31 : memref<1x512xi32, #tpu.memory_space<hbm>> -> memref<512xi32, #tpu.memory_space<hbm>>
        tpu.enqueue_dma source(%dma_start3A_32 : memref<512xi32, #tpu.memory_space<hbm>>) target(%arg8 : memref<512xi32, #tpu.memory_space<vmem>>) target_semaphore(%run_scoped3A : memref<!tpu.dma_semaphore, #tpu.memory_space<semaphore_mem>>)
        %dma_wait3A_33 = arith.constant 0 : i32
        %dma_wait3A_34 = tpu.memref_slice %arg4[%add3A, %dma_wait3A_33] : memref<1568x512xi32, #tpu.memory_space<hbm>> -> memref<1x512xi32, #tpu.memory_space<hbm>>
        %dma_wait3A_35 = tpu.memref_squeeze %dma_wait3A_34 : memref<1x512xi32, #tpu.memory_space<hbm>> -> memref<512xi32, #tpu.memory_space<hbm>>
        %dma_wait3A_36 = arith.constant 0 : i32
        %dma_wait3A_37 = tpu.memref_slice %arg4[%add3A, %dma_wait3A_36] : memref<1568x512xi32, #tpu.memory_space<hbm>> -> memref<1x512xi32, #tpu.memory_space<hbm>>
        %dma_wait3A_38 = tpu.memref_squeeze %dma_wait3A_37 : memref<1x512xi32, #tpu.memory_space<hbm>> -> memref<512xi32, #tpu.memory_space<hbm>>
        tpu.wait_dma2 semaphore(%run_scoped3A : memref<!tpu.dma_semaphore, #tpu.memory_space<semaphore_mem>>) src(%dma_wait3A_38 : memref<512xi32, #tpu.memory_space<hbm>>) dst(%arg8 : memref<512xi32, #tpu.memory_space<vmem>>)
        tpu.yield
      }) : () -> ()
      %dma_start3A = arith.constant 0 : i32
      %dma_start3A_16 = arith.constant 0 : i32
      %dma_start3A_17 = tpu.memref_slice %arg2[%dma_start3A, %dma_start3A_16] : memref<100000x32xf32, #tpu.memory_space<hbm>> -> memref<100000x32xf32, #tpu.memory_space<hbm>>
      tpu.enqueue_indirect_dma source(%dma_start3A_17 : memref<100000x32xf32, #tpu.memory_space<hbm>>) target(%arg9 : memref<512x32xf32, #tpu.memory_space<vmem>>) offsets(%arg7 : memref<512xi32, #tpu.memory_space<vmem>>) semaphore(%arg11 : memref<!tpu.dma_semaphore, #tpu.memory_space<semaphore_mem>>)
      %dma_wait3A = arith.constant 0 : i32
      %dma_wait3A_18 = arith.constant 0 : i32
      %dma_wait3A_19 = tpu.memref_slice %arg2[%dma_wait3A, %dma_wait3A_18] : memref<100000x32xf32, #tpu.memory_space<hbm>> -> memref<100000x32xf32, #tpu.memory_space<hbm>>
      tpu.wait_indirect_dma semaphore(%arg11 : memref<!tpu.dma_semaphore, #tpu.memory_space<semaphore_mem>>) src(%dma_wait3A_19 : memref<100000x32xf32, #tpu.memory_space<hbm>>) dst(%arg9 : memref<512x32xf32, #tpu.memory_space<vmem>>)
      %dma_start3A_20 = arith.constant 0 : i32
      %dma_start3A_21 = arith.constant 0 : i32
      %dma_start3A_22 = tpu.memref_slice %arg10[%dma_start3A_20, %dma_start3A_21] : memref<50048x32xf32, #tpu.memory_space<vmem_shared>> -> memref<50048x32xf32, #tpu.memory_space<vmem_shared>>
      tpu.enqueue_indirect_dma source(%arg9 : memref<512x32xf32, #tpu.memory_space<vmem>>) target(%dma_start3A_22 : memref<50048x32xf32, #tpu.memory_space<vmem_shared>>) offsets(%arg8 : memref<512xi32, #tpu.memory_space<vmem>>) semaphore(%arg12 : memref<!tpu.dma_semaphore, #tpu.memory_space<semaphore_mem>>) {add = true}
      %dma_wait3A_23 = arith.constant 0 : i32
      %dma_wait3A_24 = arith.constant 0 : i32
      %dma_wait3A_25 = tpu.memref_slice %arg10[%dma_wait3A_23, %dma_wait3A_24] : memref<50048x32xf32, #tpu.memory_space<vmem_shared>> -> memref<50048x32xf32, #tpu.memory_space<vmem_shared>>
      tpu.wait_indirect_dma semaphore(%arg12 : memref<!tpu.dma_semaphore, #tpu.memory_space<semaphore_mem>>) src(%arg9 : memref<512x32xf32, #tpu.memory_space<vmem>>) dst(%dma_wait3A_25 : memref<50048x32xf32, #tpu.memory_space<vmem_shared>>)
      %scan3A_26 = arith.constant 0 : i32
      scf.yield %scan3A_26 : i32
    }
    %scan3A_8 = arith.constant 98 : i32
    %barrier3A_9 = arith.constant 0 : index
    tpu.barrier barrier_id(%barrier3A_9)
    %mul3A_10 = arith.constant 3128 : i32
    %mul3A_11 = arith.muli %arg1, %mul3A_10 : i32
    %mul3A_12 = arith.constant 3128 : i32
    %mul3A_13 = arith.muli %arg1, %mul3A_12 : i32
    "tpu.region"() ({
      %run_scoped3A = tpu.sem_alloc : memref<!tpu.dma_semaphore, #tpu.memory_space<semaphore_mem>>
      %dma_start3A = arith.constant 0 : i32
      %dma_start3A_14 = tpu.memref_slice %arg6[%arg0, %mul3A_13, %dma_start3A] : memref<2x50048x32xf32, #tpu.memory_space<hbm>> -> memref<1x3128x32xf32, #tpu.memory_space<hbm>>
      %dma_start3A_15 = tpu.memref_squeeze %dma_start3A_14 : memref<1x3128x32xf32, #tpu.memory_space<hbm>> -> memref<3128x32xf32, #tpu.memory_space<hbm>>
      %dma_start3A_16 = arith.constant 0 : i32
      %dma_start3A_17 = tpu.memref_slice %arg10[%mul3A_11, %dma_start3A_16] : memref<50048x32xf32, #tpu.memory_space<vmem_shared>> -> memref<3128x32xf32, #tpu.memory_space<vmem_shared>>
      tpu.enqueue_dma source(%dma_start3A_17 : memref<3128x32xf32, #tpu.memory_space<vmem_shared>>) target(%dma_start3A_15 : memref<3128x32xf32, #tpu.memory_space<hbm>>) target_semaphore(%run_scoped3A : memref<!tpu.dma_semaphore, #tpu.memory_space<semaphore_mem>>)
      %dma_wait3A = arith.constant 0 : i32
      %dma_wait3A_18 = tpu.memref_slice %arg6[%arg0, %mul3A_13, %dma_wait3A] : memref<2x50048x32xf32, #tpu.memory_space<hbm>> -> memref<1x3128x32xf32, #tpu.memory_space<hbm>>
      %dma_wait3A_19 = tpu.memref_squeeze %dma_wait3A_18 : memref<1x3128x32xf32, #tpu.memory_space<hbm>> -> memref<3128x32xf32, #tpu.memory_space<hbm>>
      %dma_wait3A_20 = arith.constant 0 : i32
      %dma_wait3A_21 = tpu.memref_slice %arg10[%mul3A_11, %dma_wait3A_20] : memref<50048x32xf32, #tpu.memory_space<vmem_shared>> -> memref<3128x32xf32, #tpu.memory_space<vmem_shared>>
      tpu.wait_dma2 semaphore(%run_scoped3A : memref<!tpu.dma_semaphore, #tpu.memory_space<semaphore_mem>>) src(%dma_wait3A_21 : memref<3128x32xf32, #tpu.memory_space<vmem_shared>>) dst(%dma_wait3A_19 : memref<3128x32xf32, #tpu.memory_space<hbm>>)
      tpu.yield
    }) : () -> ()
    return
  }
}

module attributes {stable_mosaic.version = 14 : i64} {
  func.func @body(%arg0: i32, %arg1: memref<1000x64xf32, #tpu.memory_space<vmem>>, %arg2: memref<64x64xf32, #tpu.memory_space<vmem>>, %arg3: memref<1000x64xf32, #tpu.memory_space<vmem>>) attributes {dimension_semantics = [#tpu.dimension_semantics<arbitrary>], iteration_bounds = array<i64: 25>, scalar_prefetch = 0 : i64, scratch_operands = 0 : i64, tpu.core_type = #tpu.core_type<tc>, window_params = [{transform_indices = @transform_0, window_bounds = array<i64: 1000, 64>}, {pipeline_mode = #tpu.pipeline_mode<synchronous>, transform_indices = @transform_1, window_bounds = array<i64: 64, 64>}, {transform_indices = @transform_2, window_bounds = array<i64: 1000, 64>}]} {
    %get3A = arith.constant 0 : index
    %get3A_0 = arith.constant 0 : index
    %get3A_1 = vector.load %arg1[%get3A, %get3A_0] : memref<1000x64xf32, #tpu.memory_space<vmem>>, vector<1000x64xf32>
    %get3A_2 = arith.constant 0 : index
    %get3A_3 = arith.constant 0 : index
    %get3A_4 = vector.load %arg2[%get3A_2, %get3A_3] : memref<64x64xf32, #tpu.memory_space<vmem>>, vector<64x64xf32>
    %dot_general3A = arith.constant dense<0.000000e+00> : vector<1000x64xf32>
    %dot_general3A_5 = tpu.matmul %get3A_1, %get3A_4, %dot_general3A {dimension_numbers = #tpu.dot_dimension_numbers<[1], [0], [0], [1], [0, 0, 1, 1], [], []>, precision = #tpu.contract_precision<fp32>, transpose_lhs_hint = false} : vector<1000x64xf32>, vector<64x64xf32>, vector<1000x64xf32> -> vector<1000x64xf32>
    %swap3A = arith.constant 0 : index
    %swap3A_6 = arith.constant 0 : index
    %swap3A_7 = vector.load %arg3[%swap3A, %swap3A_6] : memref<1000x64xf32, #tpu.memory_space<vmem>>, vector<1000x64xf32>
    tpu.vector_store %arg3[%swap3A, %swap3A_6], %dot_general3A_5 {strides = array<i32>} : memref<1000x64xf32, #tpu.memory_space<vmem>>, vector<1000x64xf32>,
    return
  }
  func.func @transform_0(%arg0: i32) -> (i32, i32) {
    %c0_i32 = arith.constant 0 : i32
    %c0_i32_0 = arith.constant 0 : i32
    return %arg0, %c0_i32 : i32, i32
  }
  func.func @transform_1(%arg0: i32) -> (i32, i32) {
    %c0_i32 = arith.constant 0 : i32
    %c0_i32_0 = arith.constant 0 : i32
    %c0_i32_1 = arith.constant 0 : i32
    return %c0_i32, %c0_i32_0 : i32, i32
  }
  func.func @transform_2(%arg0: i32) -> (i32, i32) {
    %c0_i32 = arith.constant 0 : i32
    %c0_i32_0 = arith.constant 0 : i32
    return %arg0, %c0_i32 : i32, i32
  }
}

module attributes {stable_mosaic.version = 14 : i64} {
  func.func @_dense_body(%arg0: i32, %arg1: memref<1000x8xf32, #tpu.memory_space<vmem>>, %arg2: memref<8x64xf32, #tpu.memory_space<vmem>>, %arg3: memref<1x64xf32, #tpu.memory_space<vmem>>, %arg4: memref<1000x64xf32, #tpu.memory_space<vmem>>) attributes {dimension_semantics = [#tpu.dimension_semantics<arbitrary>], iteration_bounds = array<i64: 50>, scalar_prefetch = 0 : i64, scratch_operands = 0 : i64, tpu.core_type = #tpu.core_type<tc>, window_params = [{transform_indices = @transform_0, window_bounds = array<i64: 1000, 8>}, {pipeline_mode = #tpu.pipeline_mode<synchronous>, transform_indices = @transform_1, window_bounds = array<i64: 8, 64>}, {pipeline_mode = #tpu.pipeline_mode<synchronous>, transform_indices = @transform_2, window_bounds = array<i64: 1, 64>}, {transform_indices = @transform_3, window_bounds = array<i64: 1000, 64>}]} {
    %get3A = arith.constant 0 : index
    %get3A_0 = arith.constant 0 : index
    %get3A_1 = vector.load %arg1[%get3A, %get3A_0] : memref<1000x8xf32, #tpu.memory_space<vmem>>, vector<1000x8xf32>
    %get3A_2 = arith.constant 0 : index
    %get3A_3 = arith.constant 0 : index
    %get3A_4 = vector.load %arg2[%get3A_2, %get3A_3] : memref<8x64xf32, #tpu.memory_space<vmem>>, vector<8x64xf32>
    %dot_general3A = arith.constant dense<0.000000e+00> : vector<1000x64xf32>
    %dot_general3A_5 = tpu.matmul %get3A_1, %get3A_4, %dot_general3A {dimension_numbers = #tpu.dot_dimension_numbers<[1], [0], [0], [1], [0, 0, 1, 1], [], []>, precision = #tpu.contract_precision<fp32>, transpose_lhs_hint = false} : vector<1000x8xf32>, vector<8x64xf32>, vector<1000x64xf32> -> vector<1000x64xf32>
    %get3A_6 = arith.constant 0 : index
    %get3A_7 = arith.constant 0 : index
    %get3A_8 = vector.load %arg3[%get3A_6, %get3A_7] : memref<1x64xf32, #tpu.memory_space<vmem>>, vector<1x64xf32>
    %add3A = vector.broadcast %get3A_8 : vector<1x64xf32> to vector<1000x64xf32>
    %add3A_9 = arith.addf %dot_general3A_5, %add3A : vector<1000x64xf32>
    %max3A = arith.constant 0.000000e+00 : f32
    %max3A_10 = vector.broadcast %max3A : f32 to vector<1000x64xf32>
    %max3A_11 = arith.maximumf %add3A_9, %max3A_10 : vector<1000x64xf32>
    %swap3A = arith.constant 0 : index
    %swap3A_12 = arith.constant 0 : index
    %swap3A_13 = vector.load %arg4[%swap3A, %swap3A_12] : memref<1000x64xf32, #tpu.memory_space<vmem>>, vector<1000x64xf32>
    tpu.vector_store %arg4[%swap3A, %swap3A_12], %max3A_11 {strides = array<i32>} : memref<1000x64xf32, #tpu.memory_space<vmem>>, vector<1000x64xf32>,
    return
  }
  func.func @transform_0(%arg0: i32) -> (i32, i32) {
    %c0_i32 = arith.constant 0 : i32
    %c0_i32_0 = arith.constant 0 : i32
    return %arg0, %c0_i32 : i32, i32
  }
  func.func @transform_1(%arg0: i32) -> (i32, i32) {
    %c0_i32 = arith.constant 0 : i32
    %c0_i32_0 = arith.constant 0 : i32
    %c0_i32_1 = arith.constant 0 : i32
    return %c0_i32, %c0_i32_0 : i32, i32
  }
  func.func @transform_2(%arg0: i32) -> (i32, i32) {
    %c0_i32 = arith.constant 0 : i32
    %c0_i32_0 = arith.constant 0 : i32
    %c0_i32_1 = arith.constant 0 : i32
    return %c0_i32, %c0_i32_0 : i32, i32
  }
  func.func @transform_3(%arg0: i32) -> (i32, i32) {
    %c0_i32 = arith.constant 0 : i32
    %c0_i32_0 = arith.constant 0 : i32
    return %arg0, %c0_i32 : i32, i32
  }
}

module attributes {stable_mosaic.version = 14 : i64} {
  func.func @_dense_body(%arg0: i32, %arg1: memref<1000x8xf32, #tpu.memory_space<vmem>>, %arg2: memref<8x64xf32, #tpu.memory_space<vmem>>, %arg3: memref<1x64xf32, #tpu.memory_space<vmem>>, %arg4: memref<1000x64xf32, #tpu.memory_space<vmem>>) attributes {dimension_semantics = [#tpu.dimension_semantics<arbitrary>], iteration_bounds = array<i64: 25>, scalar_prefetch = 0 : i64, scratch_operands = 0 : i64, tpu.core_type = #tpu.core_type<tc>, window_params = [{transform_indices = @transform_0, window_bounds = array<i64: 1000, 8>}, {pipeline_mode = #tpu.pipeline_mode<synchronous>, transform_indices = @transform_1, window_bounds = array<i64: 8, 64>}, {pipeline_mode = #tpu.pipeline_mode<synchronous>, transform_indices = @transform_2, window_bounds = array<i64: 1, 64>}, {transform_indices = @transform_3, window_bounds = array<i64: 1000, 64>}]} {
    %get3A = arith.constant 0 : index
    %get3A_0 = arith.constant 0 : index
    %get3A_1 = vector.load %arg1[%get3A, %get3A_0] : memref<1000x8xf32, #tpu.memory_space<vmem>>, vector<1000x8xf32>
    %get3A_2 = arith.constant 0 : index
    %get3A_3 = arith.constant 0 : index
    %get3A_4 = vector.load %arg2[%get3A_2, %get3A_3] : memref<8x64xf32, #tpu.memory_space<vmem>>, vector<8x64xf32>
    %dot_general3A = arith.constant dense<0.000000e+00> : vector<1000x64xf32>
    %dot_general3A_5 = tpu.matmul %get3A_1, %get3A_4, %dot_general3A {dimension_numbers = #tpu.dot_dimension_numbers<[1], [0], [0], [1], [0, 0, 1, 1], [], []>, precision = #tpu.contract_precision<fp32>, transpose_lhs_hint = false} : vector<1000x8xf32>, vector<8x64xf32>, vector<1000x64xf32> -> vector<1000x64xf32>
    %get3A_6 = arith.constant 0 : index
    %get3A_7 = arith.constant 0 : index
    %get3A_8 = vector.load %arg3[%get3A_6, %get3A_7] : memref<1x64xf32, #tpu.memory_space<vmem>>, vector<1x64xf32>
    %add3A = vector.broadcast %get3A_8 : vector<1x64xf32> to vector<1000x64xf32>
    %add3A_9 = arith.addf %dot_general3A_5, %add3A : vector<1000x64xf32>
    %max3A = arith.constant 0.000000e+00 : f32
    %max3A_10 = vector.broadcast %max3A : f32 to vector<1000x64xf32>
    %max3A_11 = arith.maximumf %add3A_9, %max3A_10 : vector<1000x64xf32>
    %swap3A = arith.constant 0 : index
    %swap3A_12 = arith.constant 0 : index
    %swap3A_13 = vector.load %arg4[%swap3A, %swap3A_12] : memref<1000x64xf32, #tpu.memory_space<vmem>>, vector<1000x64xf32>
    tpu.vector_store %arg4[%swap3A, %swap3A_12], %max3A_11 {strides = array<i32>} : memref<1000x64xf32, #tpu.memory_space<vmem>>, vector<1000x64xf32>,
    return
  }
  func.func @transform_0(%arg0: i32) -> (i32, i32) {
    %c0_i32 = arith.constant 0 : i32
    %c0_i32_0 = arith.constant 0 : i32
    return %arg0, %c0_i32 : i32, i32
  }
  func.func @transform_1(%arg0: i32) -> (i32, i32) {
    %c0_i32 = arith.constant 0 : i32
    %c0_i32_0 = arith.constant 0 : i32
    %c0_i32_1 = arith.constant 0 : i32
    return %c0_i32, %c0_i32_0 : i32, i32
  }
  func.func @transform_2(%arg0: i32) -> (i32, i32) {
    %c0_i32 = arith.constant 0 : i32
    %c0_i32_0 = arith.constant 0 : i32
    %c0_i32_1 = arith.constant 0 : i32
    return %c0_i32, %c0_i32_0 : i32, i32
  }
  func.func @transform_3(%arg0: i32) -> (i32, i32) {
    %c0_i32 = arith.constant 0 : i32
    %c0_i32_0 = arith.constant 0 : i32
    return %arg0, %c0_i32 : i32, i32
  }
}

module attributes {stable_mosaic.version = 14 : i64} {
  func.func @_dense_body(%arg0: i32, %arg1: memref<1000x64xf32, #tpu.memory_space<vmem>>, %arg2: memref<64x64xf32, #tpu.memory_space<vmem>>, %arg3: memref<1x64xf32, #tpu.memory_space<vmem>>, %arg4: memref<1000x64xf32, #tpu.memory_space<vmem>>) attributes {dimension_semantics = [#tpu.dimension_semantics<arbitrary>], iteration_bounds = array<i64: 25>, scalar_prefetch = 0 : i64, scratch_operands = 0 : i64, tpu.core_type = #tpu.core_type<tc>, window_params = [{transform_indices = @transform_0, window_bounds = array<i64: 1000, 64>}, {pipeline_mode = #tpu.pipeline_mode<synchronous>, transform_indices = @transform_1, window_bounds = array<i64: 64, 64>}, {pipeline_mode = #tpu.pipeline_mode<synchronous>, transform_indices = @transform_2, window_bounds = array<i64: 1, 64>}, {transform_indices = @transform_3, window_bounds = array<i64: 1000, 64>}]} {
    %get3A = arith.constant 0 : index
    %get3A_0 = arith.constant 0 : index
    %get3A_1 = vector.load %arg1[%get3A, %get3A_0] : memref<1000x64xf32, #tpu.memory_space<vmem>>, vector<1000x64xf32>
    %get3A_2 = arith.constant 0 : index
    %get3A_3 = arith.constant 0 : index
    %get3A_4 = vector.load %arg2[%get3A_2, %get3A_3] : memref<64x64xf32, #tpu.memory_space<vmem>>, vector<64x64xf32>
    %dot_general3A = arith.constant dense<0.000000e+00> : vector<1000x64xf32>
    %dot_general3A_5 = tpu.matmul %get3A_1, %get3A_4, %dot_general3A {dimension_numbers = #tpu.dot_dimension_numbers<[1], [0], [0], [1], [0, 0, 1, 1], [], []>, precision = #tpu.contract_precision<fp32>, transpose_lhs_hint = false} : vector<1000x64xf32>, vector<64x64xf32>, vector<1000x64xf32> -> vector<1000x64xf32>
    %get3A_6 = arith.constant 0 : index
    %get3A_7 = arith.constant 0 : index
    %get3A_8 = vector.load %arg3[%get3A_6, %get3A_7] : memref<1x64xf32, #tpu.memory_space<vmem>>, vector<1x64xf32>
    %add3A = vector.broadcast %get3A_8 : vector<1x64xf32> to vector<1000x64xf32>
    %add3A_9 = arith.addf %dot_general3A_5, %add3A : vector<1000x64xf32>
    %swap3A = arith.constant 0 : index
    %swap3A_10 = arith.constant 0 : index
    %swap3A_11 = vector.load %arg4[%swap3A, %swap3A_10] : memref<1000x64xf32, #tpu.memory_space<vmem>>, vector<1000x64xf32>
    tpu.vector_store %arg4[%swap3A, %swap3A_10], %add3A_9 {strides = array<i32>} : memref<1000x64xf32, #tpu.memory_space<vmem>>, vector<1000x64xf32>,
    return
  }
  func.func @transform_0(%arg0: i32) -> (i32, i32) {
    %c0_i32 = arith.constant 0 : i32
    %c0_i32_0 = arith.constant 0 : i32
    return %arg0, %c0_i32 : i32, i32
  }
  func.func @transform_1(%arg0: i32) -> (i32, i32) {
    %c0_i32 = arith.constant 0 : i32
    %c0_i32_0 = arith.constant 0 : i32
    %c0_i32_1 = arith.constant 0 : i32
    return %c0_i32, %c0_i32_0 : i32, i32
  }
  func.func @transform_2(%arg0: i32) -> (i32, i32) {
    %c0_i32 = arith.constant 0 : i32
    %c0_i32_0 = arith.constant 0 : i32
    %c0_i32_1 = arith.constant 0 : i32
    return %c0_i32, %c0_i32_0 : i32, i32
  }
  func.func @transform_3(%arg0: i32) -> (i32, i32) {
    %c0_i32 = arith.constant 0 : i32
    %c0_i32_0 = arith.constant 0 : i32
    return %arg0, %c0_i32 : i32, i32
  }
}

module attributes {stable_mosaic.version = 14 : i64} {
  func.func @_upd_body(%arg0: i32, %arg1: memref<1000x64xf32, #tpu.memory_space<vmem>>, %arg2: memref<1x1000x32xf32, #tpu.memory_space<vmem>>, %arg3: memref<1x1000x32xf32, #tpu.memory_space<vmem>>, %arg4: memref<1x1000x16xf32, #tpu.memory_space<vmem>>, %arg5: memref<1x1000x16xf32, #tpu.memory_space<vmem>>, %arg6: memref<1x64xf32, #tpu.memory_space<vmem>>, %arg7: memref<64x64xf32, #tpu.memory_space<vmem>>, %arg8: memref<1000x64xf32, #tpu.memory_space<vmem>>) attributes {dimension_semantics = [#tpu.dimension_semantics<arbitrary>], iteration_bounds = array<i64: 25>, scalar_prefetch = 0 : i64, scratch_operands = 0 : i64, tpu.core_type = #tpu.core_type<tc>, window_params = [{transform_indices = @transform_0, window_bounds = array<i64: 1000, 64>}, {transform_indices = @transform_1, window_bounds = array<i64: 1, 1000, 32>}, {transform_indices = @transform_2, window_bounds = array<i64: 1, 1000, 32>}, {transform_indices = @transform_3, window_bounds = array<i64: 1, 1000, 16>}, {transform_indices = @transform_4, window_bounds = array<i64: 1, 1000, 16>}, {pipeline_mode = #tpu.pipeline_mode<synchronous>, transform_indices = @transform_5, window_bounds = array<i64: 1, 64>}, {pipeline_mode = #tpu.pipeline_mode<synchronous>, transform_indices = @transform_6, window_bounds = array<i64: 64, 64>}, {transform_indices = @transform_7, window_bounds = array<i64: 1000, 64>}]} {
    %get3A = arith.constant 0 : index
    %get3A_0 = arith.constant 0 : index
    %get3A_1 = arith.constant 0 : index
    %get3A_2 = vector.load %arg4[%get3A, %get3A_0, %get3A_1] : memref<1x1000x16xf32, #tpu.memory_space<vmem>>, vector<1x1000x1xf32>
    %get3A_3 = vector.shape_cast %get3A_2 : vector<1x1000x1xf32> to vector<1000x1xf32>
    %get3A_4 = arith.constant 0 : index
    %get3A_5 = arith.constant 0 : index
    %get3A_6 = arith.constant 0 : index
    %get3A_7 = vector.load %arg5[%get3A_4, %get3A_5, %get3A_6] : memref<1x1000x16xf32, #tpu.memory_space<vmem>>, vector<1x1000x1xf32>
    %get3A_8 = vector.shape_cast %get3A_7 : vector<1x1000x1xf32> to vector<1000x1xf32>
    %add3A = arith.addf %get3A_3, %get3A_8 : vector<1000x1xf32>
    %max3A = arith.constant 1.000000e+00 : f32
    %max3A_9 = vector.broadcast %max3A : f32 to vector<1000x1xf32>
    %max3A_10 = arith.maximumf %add3A, %max3A_9 : vector<1000x1xf32>
    %div3A = arith.constant 1.000000e+00 : f32
    %div3A_11 = vector.broadcast %div3A : f32 to vector<1000x1xf32>
    %div3A_12 = arith.divf %div3A_11, %max3A_10 : vector<1000x1xf32>
    %gt3A = arith.constant 0.000000e+00 : f32
    %gt3A_13 = vector.broadcast %gt3A : f32 to vector<1000x1xf32>
    %gt3A_14 = arith.cmpf ogt, %add3A, %gt3A_13 : vector<1000x1xf32>
    %convert_element_type3A = arith.extui %gt3A_14 : vector<1000x1xi1> to vector<1000x1xi32>
    %convert_element_type3A_15 = arith.sitofp %convert_element_type3A : vector<1000x1xi32> to vector<1000x1xf32>
    %get3A_16 = arith.constant 0 : index
    %get3A_17 = arith.constant 0 : index
    %get3A_18 = vector.load %arg6[%get3A_16, %get3A_17] : memref<1x64xf32, #tpu.memory_space<vmem>>, vector<1x64xf32>
    %get3A_19 = arith.constant 0 : index
    %get3A_20 = arith.constant 0 : index
    %get3A_21 = arith.constant 0 : index
    %get3A_22 = vector.load %arg2[%get3A_19, %get3A_20, %get3A_21] : memref<1x1000x32xf32, #tpu.memory_space<vmem>>, vector<1x1000x32xf32>
    %get3A_23 = vector.shape_cast %get3A_22 : vector<1x1000x32xf32> to vector<1000x32xf32>
    %mul3A = vector.broadcast %div3A_12 : vector<1000x1xf32> to vector<1000x32xf32>
    %mul3A_24 = arith.mulf %get3A_23, %mul3A : vector<1000x32xf32>
    %slice3A = vector.extract_strided_slice %get3A_18 {offsets = [0, 0], sizes = [1, 32], strides = [1, 1]} : vector<1x64xf32> to vector<1x32xf32>
    %add3A_25 = vector.broadcast %slice3A : vector<1x32xf32> to vector<1000x32xf32>
    %add3A_26 = arith.addf %mul3A_24, %add3A_25 : vector<1000x32xf32>
    %mul3A_27 = vector.broadcast %convert_element_type3A_15 : vector<1000x1xf32> to vector<1000x32xf32>
    %mul3A_28 = arith.mulf %add3A_26, %mul3A_27 : vector<1000x32xf32>
    %get3A_29 = arith.constant 0 : index
    %get3A_30 = arith.constant 0 : index
    %get3A_31 = arith.constant 0 : index
    %get3A_32 = vector.load %arg3[%get3A_29, %get3A_30, %get3A_31] : memref<1x1000x32xf32, #tpu.memory_space<vmem>>, vector<1x1000x32xf32>
    %get3A_33 = vector.shape_cast %get3A_32 : vector<1x1000x32xf32> to vector<1000x32xf32>
    %mul3A_34 = vector.broadcast %div3A_12 : vector<1000x1xf32> to vector<1000x32xf32>
    %mul3A_35 = arith.mulf %get3A_33, %mul3A_34 : vector<1000x32xf32>
    %slice3A_36 = vector.extract_strided_slice %get3A_18 {offsets = [0, 32], sizes = [1, 32], strides = [1, 1]} : vector<1x64xf32> to vector<1x32xf32>
    %add3A_37 = vector.broadcast %slice3A_36 : vector<1x32xf32> to vector<1000x32xf32>
    %add3A_38 = arith.addf %mul3A_35, %add3A_37 : vector<1000x32xf32>
    %mul3A_39 = vector.broadcast %convert_element_type3A_15 : vector<1000x1xf32> to vector<1000x32xf32>
    %mul3A_40 = arith.mulf %add3A_38, %mul3A_39 : vector<1000x32xf32>
    %concatenate3A = tpu.concatenate %mul3A_28, %mul3A_40 in 1 : vector<1000x32xf32>, vector<1000x32xf32> -> vector<1000x64xf32>
    %get3A_41 = arith.constant 0 : index
    %get3A_42 = arith.constant 0 : index
    %get3A_43 = vector.load %arg7[%get3A_41, %get3A_42] : memref<64x64xf32, #tpu.memory_space<vmem>>, vector<64x64xf32>
    %dot_general3A = arith.constant dense<0.000000e+00> : vector<1000x64xf32>
    %dot_general3A_44 = tpu.matmul %concatenate3A, %get3A_43, %dot_general3A {dimension_numbers = #tpu.dot_dimension_numbers<[1], [0], [0], [1], [0, 0, 1, 1], [], []>, precision = #tpu.contract_precision<fp32>, transpose_lhs_hint = false} : vector<1000x64xf32>, vector<64x64xf32>, vector<1000x64xf32> -> vector<1000x64xf32>
    %get3A_45 = arith.constant 0 : index
    %get3A_46 = arith.constant 0 : index
    %get3A_47 = vector.load %arg1[%get3A_45, %get3A_46] : memref<1000x64xf32, #tpu.memory_space<vmem>>, vector<1000x64xf32>
    %add3A_48 = arith.addf %dot_general3A_44, %get3A_47 : vector<1000x64xf32>
    %max3A_49 = arith.constant 0.000000e+00 : f32
    %max3A_50 = vector.broadcast %max3A_49 : f32 to vector<1000x64xf32>
    %max3A_51 = arith.maximumf %add3A_48, %max3A_50 : vector<1000x64xf32>
    %swap3A = arith.constant 0 : index
    %swap3A_52 = arith.constant 0 : index
    %swap3A_53 = vector.load %arg8[%swap3A, %swap3A_52] : memref<1000x64xf32, #tpu.memory_space<vmem>>, vector<1000x64xf32>
    tpu.vector_store %arg8[%swap3A, %swap3A_52], %max3A_51 {strides = array<i32>} : memref<1000x64xf32, #tpu.memory_space<vmem>>, vector<1000x64xf32>,
    return
  }
  func.func @transform_0(%arg0: i32) -> (i32, i32) {
    %c0_i32 = arith.constant 0 : i32
    %c0_i32_0 = arith.constant 0 : i32
    return %arg0, %c0_i32 : i32, i32
  }
  func.func @transform_1(%arg0: i32) -> (i32, i32, i32) {
    %min3A = arith.constant 24 : i32
    %min3A_0 = arith.minsi %arg0, %min3A : i32
    %c0_i32 = arith.constant 0 : i32
    %c0_i32_1 = arith.constant 0 : i32
    %c0_i32_2 = arith.constant 0 : i32
    return %c0_i32, %min3A_0, %c0_i32_1 : i32, i32, i32
  }
  func.func @transform_2(%arg0: i32) -> (i32, i32, i32) {
    %min3A = arith.constant 24 : i32
    %min3A_0 = arith.minsi %arg0, %min3A : i32
    %c1_i32 = arith.constant 1 : i32
    %c0_i32 = arith.constant 0 : i32
    %c0_i32_1 = arith.constant 0 : i32
    return %c1_i32, %min3A_0, %c0_i32 : i32, i32, i32
  }
  func.func @transform_3(%arg0: i32) -> (i32, i32, i32) {
    %c0_i32 = arith.constant 0 : i32
    %c0_i32_0 = arith.constant 0 : i32
    %c0_i32_1 = arith.constant 0 : i32
    return %c0_i32, %arg0, %c0_i32_0 : i32, i32, i32
  }
  func.func @transform_4(%arg0: i32) -> (i32, i32, i32) {
    %c1_i32 = arith.constant 1 : i32
    %c0_i32 = arith.constant 0 : i32
    %c0_i32_0 = arith.constant 0 : i32
    return %c1_i32, %arg0, %c0_i32 : i32, i32, i32
  }
  func.func @transform_5(%arg0: i32) -> (i32, i32) {
    %c0_i32 = arith.constant 0 : i32
    %c0_i32_0 = arith.constant 0 : i32
    %c0_i32_1 = arith.constant 0 : i32
    return %c0_i32, %c0_i32_0 : i32, i32
  }
  func.func @transform_6(%arg0: i32) -> (i32, i32) {
    %c0_i32 = arith.constant 0 : i32
    %c0_i32_0 = arith.constant 0 : i32
    %c0_i32_1 = arith.constant 0 : i32
    return %c0_i32, %c0_i32_0 : i32, i32
  }
  func.func @transform_7(%arg0: i32) -> (i32, i32) {
    %c0_i32 = arith.constant 0 : i32
    %c0_i32_0 = arith.constant 0 : i32
    return %arg0, %c0_i32 : i32, i32
  }
}

module attributes {stable_mosaic.version = 14 : i64} {
  func.func @body(%arg0: i32, %arg1: memref<1000x64xf32, #tpu.memory_space<vmem>>, %arg2: memref<64x64xf32, #tpu.memory_space<vmem>>, %arg3: memref<1000x64xf32, #tpu.memory_space<vmem>>) attributes {dimension_semantics = [#tpu.dimension_semantics<arbitrary>], iteration_bounds = array<i64: 25>, scalar_prefetch = 0 : i64, scratch_operands = 0 : i64, tpu.core_type = #tpu.core_type<tc>, window_params = [{transform_indices = @transform_0, window_bounds = array<i64: 1000, 64>}, {pipeline_mode = #tpu.pipeline_mode<synchronous>, transform_indices = @transform_1, window_bounds = array<i64: 64, 64>}, {transform_indices = @transform_2, window_bounds = array<i64: 1000, 64>}]} {
    %get3A = arith.constant 0 : index
    %get3A_0 = arith.constant 0 : index
    %get3A_1 = vector.load %arg1[%get3A, %get3A_0] : memref<1000x64xf32, #tpu.memory_space<vmem>>, vector<1000x64xf32>
    %get3A_2 = arith.constant 0 : index
    %get3A_3 = arith.constant 0 : index
    %get3A_4 = vector.load %arg2[%get3A_2, %get3A_3] : memref<64x64xf32, #tpu.memory_space<vmem>>, vector<64x64xf32>
    %dot_general3A = arith.constant dense<0.000000e+00> : vector<1000x64xf32>
    %dot_general3A_5 = tpu.matmul %get3A_1, %get3A_4, %dot_general3A {dimension_numbers = #tpu.dot_dimension_numbers<[1], [0], [0], [1], [0, 0, 1, 1], [], []>, precision = #tpu.contract_precision<fp32>, transpose_lhs_hint = false} : vector<1000x64xf32>, vector<64x64xf32>, vector<1000x64xf32> -> vector<1000x64xf32>
    %swap3A = arith.constant 0 : index
    %swap3A_6 = arith.constant 0 : index
    %swap3A_7 = vector.load %arg3[%swap3A, %swap3A_6] : memref<1000x64xf32, #tpu.memory_space<vmem>>, vector<1000x64xf32>
    tpu.vector_store %arg3[%swap3A, %swap3A_6], %dot_general3A_5 {strides = array<i32>} : memref<1000x64xf32, #tpu.memory_space<vmem>>, vector<1000x64xf32>,
    return
  }
  func.func @transform_0(%arg0: i32) -> (i32, i32) {
    %c0_i32 = arith.constant 0 : i32
    %c0_i32_0 = arith.constant 0 : i32
    return %arg0, %c0_i32 : i32, i32
  }
  func.func @transform_1(%arg0: i32) -> (i32, i32) {
    %c0_i32 = arith.constant 0 : i32
    %c0_i32_0 = arith.constant 0 : i32
    %c0_i32_1 = arith.constant 0 : i32
    return %c0_i32, %c0_i32_0 : i32, i32
  }
  func.func @transform_2(%arg0: i32) -> (i32, i32) {
    %c0_i32 = arith.constant 0 : i32
    %c0_i32_0 = arith.constant 0 : i32
    return %arg0, %c0_i32 : i32, i32
  }
}

module attributes {stable_mosaic.version = 14 : i64} {
  func.func @_dense_body(%arg0: i32, %arg1: memref<1000x64xf32, #tpu.memory_space<vmem>>, %arg2: memref<64x64xf32, #tpu.memory_space<vmem>>, %arg3: memref<1x64xf32, #tpu.memory_space<vmem>>, %arg4: memref<1000x64xf32, #tpu.memory_space<vmem>>) attributes {dimension_semantics = [#tpu.dimension_semantics<arbitrary>], iteration_bounds = array<i64: 50>, scalar_prefetch = 0 : i64, scratch_operands = 0 : i64, tpu.core_type = #tpu.core_type<tc>, window_params = [{transform_indices = @transform_0, window_bounds = array<i64: 1000, 64>}, {pipeline_mode = #tpu.pipeline_mode<synchronous>, transform_indices = @transform_1, window_bounds = array<i64: 64, 64>}, {pipeline_mode = #tpu.pipeline_mode<synchronous>, transform_indices = @transform_2, window_bounds = array<i64: 1, 64>}, {transform_indices = @transform_3, window_bounds = array<i64: 1000, 64>}]} {
    %get3A = arith.constant 0 : index
    %get3A_0 = arith.constant 0 : index
    %get3A_1 = vector.load %arg1[%get3A, %get3A_0] : memref<1000x64xf32, #tpu.memory_space<vmem>>, vector<1000x64xf32>
    %get3A_2 = arith.constant 0 : index
    %get3A_3 = arith.constant 0 : index
    %get3A_4 = vector.load %arg2[%get3A_2, %get3A_3] : memref<64x64xf32, #tpu.memory_space<vmem>>, vector<64x64xf32>
    %dot_general3A = arith.constant dense<0.000000e+00> : vector<1000x64xf32>
    %dot_general3A_5 = tpu.matmul %get3A_1, %get3A_4, %dot_general3A {dimension_numbers = #tpu.dot_dimension_numbers<[1], [0], [0], [1], [0, 0, 1, 1], [], []>, precision = #tpu.contract_precision<fp32>, transpose_lhs_hint = false} : vector<1000x64xf32>, vector<64x64xf32>, vector<1000x64xf32> -> vector<1000x64xf32>
    %get3A_6 = arith.constant 0 : index
    %get3A_7 = arith.constant 0 : index
    %get3A_8 = vector.load %arg3[%get3A_6, %get3A_7] : memref<1x64xf32, #tpu.memory_space<vmem>>, vector<1x64xf32>
    %add3A = vector.broadcast %get3A_8 : vector<1x64xf32> to vector<1000x64xf32>
    %add3A_9 = arith.addf %dot_general3A_5, %add3A : vector<1000x64xf32>
    %swap3A = arith.constant 0 : index
    %swap3A_10 = arith.constant 0 : index
    %swap3A_11 = vector.load %arg4[%swap3A, %swap3A_10] : memref<1000x64xf32, #tpu.memory_space<vmem>>, vector<1000x64xf32>
    tpu.vector_store %arg4[%swap3A, %swap3A_10], %add3A_9 {strides = array<i32>} : memref<1000x64xf32, #tpu.memory_space<vmem>>, vector<1000x64xf32>,
    return
  }
  func.func @transform_0(%arg0: i32) -> (i32, i32) {
    %c0_i32 = arith.constant 0 : i32
    %c0_i32_0 = arith.constant 0 : i32
    return %arg0, %c0_i32 : i32, i32
  }
  func.func @transform_1(%arg0: i32) -> (i32, i32) {
    %c0_i32 = arith.constant 0 : i32
    %c0_i32_0 = arith.constant 0 : i32
    %c0_i32_1 = arith.constant 0 : i32
    return %c0_i32, %c0_i32_0 : i32, i32
  }
  func.func @transform_2(%arg0: i32) -> (i32, i32) {
    %c0_i32 = arith.constant 0 : i32
    %c0_i32_0 = arith.constant 0 : i32
    %c0_i32_1 = arith.constant 0 : i32
    return %c0_i32, %c0_i32_0 : i32, i32
  }
  func.func @transform_3(%arg0: i32) -> (i32, i32) {
    %c0_i32 = arith.constant 0 : i32
    %c0_i32_0 = arith.constant 0 : i32
    return %arg0, %c0_i32 : i32, i32
  }
}

module attributes {stable_mosaic.version = 14 : i64} {
  func.func @_upd_body(%arg0: i32, %arg1: memref<1000x64xf32, #tpu.memory_space<vmem>>, %arg2: memref<1x1000x32xf32, #tpu.memory_space<vmem>>, %arg3: memref<1x1000x32xf32, #tpu.memory_space<vmem>>, %arg4: memref<1x1000x16xf32, #tpu.memory_space<vmem>>, %arg5: memref<1x1000x16xf32, #tpu.memory_space<vmem>>, %arg6: memref<1x64xf32, #tpu.memory_space<vmem>>, %arg7: memref<64x64xf32, #tpu.memory_space<vmem>>, %arg8: memref<1000x64xf32, #tpu.memory_space<vmem>>) attributes {dimension_semantics = [#tpu.dimension_semantics<arbitrary>], iteration_bounds = array<i64: 50>, scalar_prefetch = 0 : i64, scratch_operands = 0 : i64, tpu.core_type = #tpu.core_type<tc>, window_params = [{transform_indices = @transform_0, window_bounds = array<i64: 1000, 64>}, {transform_indices = @transform_1, window_bounds = array<i64: 1, 1000, 32>}, {transform_indices = @transform_2, window_bounds = array<i64: 1, 1000, 32>}, {transform_indices = @transform_3, window_bounds = array<i64: 1, 1000, 16>}, {transform_indices = @transform_4, window_bounds = array<i64: 1, 1000, 16>}, {pipeline_mode = #tpu.pipeline_mode<synchronous>, transform_indices = @transform_5, window_bounds = array<i64: 1, 64>}, {pipeline_mode = #tpu.pipeline_mode<synchronous>, transform_indices = @transform_6, window_bounds = array<i64: 64, 64>}, {transform_indices = @transform_7, window_bounds = array<i64: 1000, 64>}]} {
    %get3A = arith.constant 0 : index
    %get3A_0 = arith.constant 0 : index
    %get3A_1 = arith.constant 0 : index
    %get3A_2 = vector.load %arg4[%get3A, %get3A_0, %get3A_1] : memref<1x1000x16xf32, #tpu.memory_space<vmem>>, vector<1x1000x1xf32>
    %get3A_3 = vector.shape_cast %get3A_2 : vector<1x1000x1xf32> to vector<1000x1xf32>
    %get3A_4 = arith.constant 0 : index
    %get3A_5 = arith.constant 0 : index
    %get3A_6 = arith.constant 0 : index
    %get3A_7 = vector.load %arg5[%get3A_4, %get3A_5, %get3A_6] : memref<1x1000x16xf32, #tpu.memory_space<vmem>>, vector<1x1000x1xf32>
    %get3A_8 = vector.shape_cast %get3A_7 : vector<1x1000x1xf32> to vector<1000x1xf32>
    %add3A = arith.addf %get3A_3, %get3A_8 : vector<1000x1xf32>
    %max3A = arith.constant 1.000000e+00 : f32
    %max3A_9 = vector.broadcast %max3A : f32 to vector<1000x1xf32>
    %max3A_10 = arith.maximumf %add3A, %max3A_9 : vector<1000x1xf32>
    %div3A = arith.constant 1.000000e+00 : f32
    %div3A_11 = vector.broadcast %div3A : f32 to vector<1000x1xf32>
    %div3A_12 = arith.divf %div3A_11, %max3A_10 : vector<1000x1xf32>
    %gt3A = arith.constant 0.000000e+00 : f32
    %gt3A_13 = vector.broadcast %gt3A : f32 to vector<1000x1xf32>
    %gt3A_14 = arith.cmpf ogt, %add3A, %gt3A_13 : vector<1000x1xf32>
    %convert_element_type3A = arith.extui %gt3A_14 : vector<1000x1xi1> to vector<1000x1xi32>
    %convert_element_type3A_15 = arith.sitofp %convert_element_type3A : vector<1000x1xi32> to vector<1000x1xf32>
    %get3A_16 = arith.constant 0 : index
    %get3A_17 = arith.constant 0 : index
    %get3A_18 = vector.load %arg6[%get3A_16, %get3A_17] : memref<1x64xf32, #tpu.memory_space<vmem>>, vector<1x64xf32>
    %get3A_19 = arith.constant 0 : index
    %get3A_20 = arith.constant 0 : index
    %get3A_21 = arith.constant 0 : index
    %get3A_22 = vector.load %arg2[%get3A_19, %get3A_20, %get3A_21] : memref<1x1000x32xf32, #tpu.memory_space<vmem>>, vector<1x1000x32xf32>
    %get3A_23 = vector.shape_cast %get3A_22 : vector<1x1000x32xf32> to vector<1000x32xf32>
    %mul3A = vector.broadcast %div3A_12 : vector<1000x1xf32> to vector<1000x32xf32>
    %mul3A_24 = arith.mulf %get3A_23, %mul3A : vector<1000x32xf32>
    %slice3A = vector.extract_strided_slice %get3A_18 {offsets = [0, 0], sizes = [1, 32], strides = [1, 1]} : vector<1x64xf32> to vector<1x32xf32>
    %add3A_25 = vector.broadcast %slice3A : vector<1x32xf32> to vector<1000x32xf32>
    %add3A_26 = arith.addf %mul3A_24, %add3A_25 : vector<1000x32xf32>
    %mul3A_27 = vector.broadcast %convert_element_type3A_15 : vector<1000x1xf32> to vector<1000x32xf32>
    %mul3A_28 = arith.mulf %add3A_26, %mul3A_27 : vector<1000x32xf32>
    %get3A_29 = arith.constant 0 : index
    %get3A_30 = arith.constant 0 : index
    %get3A_31 = arith.constant 0 : index
    %get3A_32 = vector.load %arg3[%get3A_29, %get3A_30, %get3A_31] : memref<1x1000x32xf32, #tpu.memory_space<vmem>>, vector<1x1000x32xf32>
    %get3A_33 = vector.shape_cast %get3A_32 : vector<1x1000x32xf32> to vector<1000x32xf32>
    %mul3A_34 = vector.broadcast %div3A_12 : vector<1000x1xf32> to vector<1000x32xf32>
    %mul3A_35 = arith.mulf %get3A_33, %mul3A_34 : vector<1000x32xf32>
    %slice3A_36 = vector.extract_strided_slice %get3A_18 {offsets = [0, 32], sizes = [1, 32], strides = [1, 1]} : vector<1x64xf32> to vector<1x32xf32>
    %add3A_37 = vector.broadcast %slice3A_36 : vector<1x32xf32> to vector<1000x32xf32>
    %add3A_38 = arith.addf %mul3A_35, %add3A_37 : vector<1000x32xf32>
    %mul3A_39 = vector.broadcast %convert_element_type3A_15 : vector<1000x1xf32> to vector<1000x32xf32>
    %mul3A_40 = arith.mulf %add3A_38, %mul3A_39 : vector<1000x32xf32>
    %concatenate3A = tpu.concatenate %mul3A_28, %mul3A_40 in 1 : vector<1000x32xf32>, vector<1000x32xf32> -> vector<1000x64xf32>
    %get3A_41 = arith.constant 0 : index
    %get3A_42 = arith.constant 0 : index
    %get3A_43 = vector.load %arg7[%get3A_41, %get3A_42] : memref<64x64xf32, #tpu.memory_space<vmem>>, vector<64x64xf32>
    %dot_general3A = arith.constant dense<0.000000e+00> : vector<1000x64xf32>
    %dot_general3A_44 = tpu.matmul %concatenate3A, %get3A_43, %dot_general3A {dimension_numbers = #tpu.dot_dimension_numbers<[1], [0], [0], [1], [0, 0, 1, 1], [], []>, precision = #tpu.contract_precision<fp32>, transpose_lhs_hint = false} : vector<1000x64xf32>, vector<64x64xf32>, vector<1000x64xf32> -> vector<1000x64xf32>
    %get3A_45 = arith.constant 0 : index
    %get3A_46 = arith.constant 0 : index
    %get3A_47 = vector.load %arg1[%get3A_45, %get3A_46] : memref<1000x64xf32, #tpu.memory_space<vmem>>, vector<1000x64xf32>
    %add3A_48 = arith.addf %dot_general3A_44, %get3A_47 : vector<1000x64xf32>
    %max3A_49 = arith.constant 0.000000e+00 : f32
    %max3A_50 = vector.broadcast %max3A_49 : f32 to vector<1000x64xf32>
    %max3A_51 = arith.maximumf %add3A_48, %max3A_50 : vector<1000x64xf32>
    %swap3A = arith.constant 0 : index
    %swap3A_52 = arith.constant 0 : index
    %swap3A_53 = vector.load %arg8[%swap3A, %swap3A_52] : memref<1000x64xf32, #tpu.memory_space<vmem>>, vector<1000x64xf32>
    tpu.vector_store %arg8[%swap3A, %swap3A_52], %max3A_51 {strides = array<i32>} : memref<1000x64xf32, #tpu.memory_space<vmem>>, vector<1000x64xf32>,
    return
  }
  func.func @transform_0(%arg0: i32) -> (i32, i32) {
    %c0_i32 = arith.constant 0 : i32
    %c0_i32_0 = arith.constant 0 : i32
    return %arg0, %c0_i32 : i32, i32
  }
  func.func @transform_1(%arg0: i32) -> (i32, i32, i32) {
    %min3A = arith.constant 24 : i32
    %min3A_0 = arith.minsi %arg0, %min3A : i32
    %c0_i32 = arith.constant 0 : i32
    %c0_i32_1 = arith.constant 0 : i32
    %c0_i32_2 = arith.constant 0 : i32
    return %c0_i32, %min3A_0, %c0_i32_1 : i32, i32, i32
  }
  func.func @transform_2(%arg0: i32) -> (i32, i32, i32) {
    %min3A = arith.constant 24 : i32
    %min3A_0 = arith.minsi %arg0, %min3A : i32
    %c1_i32 = arith.constant 1 : i32
    %c0_i32 = arith.constant 0 : i32
    %c0_i32_1 = arith.constant 0 : i32
    return %c1_i32, %min3A_0, %c0_i32 : i32, i32, i32
  }
  func.func @transform_3(%arg0: i32) -> (i32, i32, i32) {
    %c0_i32 = arith.constant 0 : i32
    %c0_i32_0 = arith.constant 0 : i32
    %c0_i32_1 = arith.constant 0 : i32
    return %c0_i32, %arg0, %c0_i32_0 : i32, i32, i32
  }
  func.func @transform_4(%arg0: i32) -> (i32, i32, i32) {
    %c1_i32 = arith.constant 1 : i32
    %c0_i32 = arith.constant 0 : i32
    %c0_i32_0 = arith.constant 0 : i32
    return %c1_i32, %arg0, %c0_i32 : i32, i32, i32
  }
  func.func @transform_5(%arg0: i32) -> (i32, i32) {
    %c0_i32 = arith.constant 0 : i32
    %c0_i32_0 = arith.constant 0 : i32
    %c0_i32_1 = arith.constant 0 : i32
    return %c0_i32, %c0_i32_0 : i32, i32
  }
  func.func @transform_6(%arg0: i32) -> (i32, i32) {
    %c0_i32 = arith.constant 0 : i32
    %c0_i32_0 = arith.constant 0 : i32
    %c0_i32_1 = arith.constant 0 : i32
    return %c0_i32, %c0_i32_0 : i32, i32
  }
  func.func @transform_7(%arg0: i32) -> (i32, i32) {
    %c0_i32 = arith.constant 0 : i32
    %c0_i32_0 = arith.constant 0 : i32
    return %arg0, %c0_i32 : i32, i32
  }
}

module attributes {stable_mosaic.version = 14 : i64} {
  func.func @body(%arg0: i32, %arg1: memref<1000x64xf32, #tpu.memory_space<vmem>>, %arg2: memref<64x64xf32, #tpu.memory_space<vmem>>, %arg3: memref<1000x64xf32, #tpu.memory_space<vmem>>) attributes {dimension_semantics = [#tpu.dimension_semantics<arbitrary>], iteration_bounds = array<i64: 50>, scalar_prefetch = 0 : i64, scratch_operands = 0 : i64, tpu.core_type = #tpu.core_type<tc>, window_params = [{transform_indices = @transform_0, window_bounds = array<i64: 1000, 64>}, {pipeline_mode = #tpu.pipeline_mode<synchronous>, transform_indices = @transform_1, window_bounds = array<i64: 64, 64>}, {transform_indices = @transform_2, window_bounds = array<i64: 1000, 64>}]} {
    %get3A = arith.constant 0 : index
    %get3A_0 = arith.constant 0 : index
    %get3A_1 = vector.load %arg1[%get3A, %get3A_0] : memref<1000x64xf32, #tpu.memory_space<vmem>>, vector<1000x64xf32>
    %get3A_2 = arith.constant 0 : index
    %get3A_3 = arith.constant 0 : index
    %get3A_4 = vector.load %arg2[%get3A_2, %get3A_3] : memref<64x64xf32, #tpu.memory_space<vmem>>, vector<64x64xf32>
    %dot_general3A = arith.constant dense<0.000000e+00> : vector<1000x64xf32>
    %dot_general3A_5 = tpu.matmul %get3A_1, %get3A_4, %dot_general3A {dimension_numbers = #tpu.dot_dimension_numbers<[1], [0], [0], [1], [0, 0, 1, 1], [], []>, precision = #tpu.contract_precision<fp32>, transpose_lhs_hint = false} : vector<1000x64xf32>, vector<64x64xf32>, vector<1000x64xf32> -> vector<1000x64xf32>
    %swap3A = arith.constant 0 : index
    %swap3A_6 = arith.constant 0 : index
    %swap3A_7 = vector.load %arg3[%swap3A, %swap3A_6] : memref<1000x64xf32, #tpu.memory_space<vmem>>, vector<1000x64xf32>
    tpu.vector_store %arg3[%swap3A, %swap3A_6], %dot_general3A_5 {strides = array<i32>} : memref<1000x64xf32, #tpu.memory_space<vmem>>, vector<1000x64xf32>,
    return
  }
  func.func @transform_0(%arg0: i32) -> (i32, i32) {
    %c0_i32 = arith.constant 0 : i32
    %c0_i32_0 = arith.constant 0 : i32
    return %arg0, %c0_i32 : i32, i32
  }
  func.func @transform_1(%arg0: i32) -> (i32, i32) {
    %c0_i32 = arith.constant 0 : i32
    %c0_i32_0 = arith.constant 0 : i32
    %c0_i32_1 = arith.constant 0 : i32
    return %c0_i32, %c0_i32_0 : i32, i32
  }
  func.func @transform_2(%arg0: i32) -> (i32, i32) {
    %c0_i32 = arith.constant 0 : i32
    %c0_i32_0 = arith.constant 0 : i32
    return %arg0, %c0_i32 : i32, i32
  }
}

module attributes {stable_mosaic.version = 14 : i64} {
  func.func @_upd_body(%arg0: i32, %arg1: memref<1000x64xf32, #tpu.memory_space<vmem>>, %arg2: memref<1x1000x32xf32, #tpu.memory_space<vmem>>, %arg3: memref<1x1000x32xf32, #tpu.memory_space<vmem>>, %arg4: memref<1x1000x16xf32, #tpu.memory_space<vmem>>, %arg5: memref<1x1000x16xf32, #tpu.memory_space<vmem>>, %arg6: memref<1x64xf32, #tpu.memory_space<vmem>>, %arg7: memref<64x64xf32, #tpu.memory_space<vmem>>, %arg8: memref<1000x64xf32, #tpu.memory_space<vmem>>) attributes {dimension_semantics = [#tpu.dimension_semantics<arbitrary>], iteration_bounds = array<i64: 50>, scalar_prefetch = 0 : i64, scratch_operands = 0 : i64, tpu.core_type = #tpu.core_type<tc>, window_params = [{transform_indices = @transform_0, window_bounds = array<i64: 1000, 64>}, {transform_indices = @transform_1, window_bounds = array<i64: 1, 1000, 32>}, {transform_indices = @transform_2, window_bounds = array<i64: 1, 1000, 32>}, {transform_indices = @transform_3, window_bounds = array<i64: 1, 1000, 16>}, {transform_indices = @transform_4, window_bounds = array<i64: 1, 1000, 16>}, {pipeline_mode = #tpu.pipeline_mode<synchronous>, transform_indices = @transform_5, window_bounds = array<i64: 1, 64>}, {pipeline_mode = #tpu.pipeline_mode<synchronous>, transform_indices = @transform_6, window_bounds = array<i64: 64, 64>}, {transform_indices = @transform_7, window_bounds = array<i64: 1000, 64>}]} {
    %get3A = arith.constant 0 : index
    %get3A_0 = arith.constant 0 : index
    %get3A_1 = arith.constant 0 : index
    %get3A_2 = vector.load %arg4[%get3A, %get3A_0, %get3A_1] : memref<1x1000x16xf32, #tpu.memory_space<vmem>>, vector<1x1000x1xf32>
    %get3A_3 = vector.shape_cast %get3A_2 : vector<1x1000x1xf32> to vector<1000x1xf32>
    %get3A_4 = arith.constant 0 : index
    %get3A_5 = arith.constant 0 : index
    %get3A_6 = arith.constant 0 : index
    %get3A_7 = vector.load %arg5[%get3A_4, %get3A_5, %get3A_6] : memref<1x1000x16xf32, #tpu.memory_space<vmem>>, vector<1x1000x1xf32>
    %get3A_8 = vector.shape_cast %get3A_7 : vector<1x1000x1xf32> to vector<1000x1xf32>
    %add3A = arith.addf %get3A_3, %get3A_8 : vector<1000x1xf32>
    %max3A = arith.constant 1.000000e+00 : f32
    %max3A_9 = vector.broadcast %max3A : f32 to vector<1000x1xf32>
    %max3A_10 = arith.maximumf %add3A, %max3A_9 : vector<1000x1xf32>
    %div3A = arith.constant 1.000000e+00 : f32
    %div3A_11 = vector.broadcast %div3A : f32 to vector<1000x1xf32>
    %div3A_12 = arith.divf %div3A_11, %max3A_10 : vector<1000x1xf32>
    %gt3A = arith.constant 0.000000e+00 : f32
    %gt3A_13 = vector.broadcast %gt3A : f32 to vector<1000x1xf32>
    %gt3A_14 = arith.cmpf ogt, %add3A, %gt3A_13 : vector<1000x1xf32>
    %convert_element_type3A = arith.extui %gt3A_14 : vector<1000x1xi1> to vector<1000x1xi32>
    %convert_element_type3A_15 = arith.sitofp %convert_element_type3A : vector<1000x1xi32> to vector<1000x1xf32>
    %get3A_16 = arith.constant 0 : index
    %get3A_17 = arith.constant 0 : index
    %get3A_18 = vector.load %arg6[%get3A_16, %get3A_17] : memref<1x64xf32, #tpu.memory_space<vmem>>, vector<1x64xf32>
    %get3A_19 = arith.constant 0 : index
    %get3A_20 = arith.constant 0 : index
    %get3A_21 = arith.constant 0 : index
    %get3A_22 = vector.load %arg2[%get3A_19, %get3A_20, %get3A_21] : memref<1x1000x32xf32, #tpu.memory_space<vmem>>, vector<1x1000x32xf32>
    %get3A_23 = vector.shape_cast %get3A_22 : vector<1x1000x32xf32> to vector<1000x32xf32>
    %mul3A = vector.broadcast %div3A_12 : vector<1000x1xf32> to vector<1000x32xf32>
    %mul3A_24 = arith.mulf %get3A_23, %mul3A : vector<1000x32xf32>
    %slice3A = vector.extract_strided_slice %get3A_18 {offsets = [0, 0], sizes = [1, 32], strides = [1, 1]} : vector<1x64xf32> to vector<1x32xf32>
    %add3A_25 = vector.broadcast %slice3A : vector<1x32xf32> to vector<1000x32xf32>
    %add3A_26 = arith.addf %mul3A_24, %add3A_25 : vector<1000x32xf32>
    %mul3A_27 = vector.broadcast %convert_element_type3A_15 : vector<1000x1xf32> to vector<1000x32xf32>
    %mul3A_28 = arith.mulf %add3A_26, %mul3A_27 : vector<1000x32xf32>
    %get3A_29 = arith.constant 0 : index
    %get3A_30 = arith.constant 0 : index
    %get3A_31 = arith.constant 0 : index
    %get3A_32 = vector.load %arg3[%get3A_29, %get3A_30, %get3A_31] : memref<1x1000x32xf32, #tpu.memory_space<vmem>>, vector<1x1000x32xf32>
    %get3A_33 = vector.shape_cast %get3A_32 : vector<1x1000x32xf32> to vector<1000x32xf32>
    %mul3A_34 = vector.broadcast %div3A_12 : vector<1000x1xf32> to vector<1000x32xf32>
    %mul3A_35 = arith.mulf %get3A_33, %mul3A_34 : vector<1000x32xf32>
    %slice3A_36 = vector.extract_strided_slice %get3A_18 {offsets = [0, 32], sizes = [1, 32], strides = [1, 1]} : vector<1x64xf32> to vector<1x32xf32>
    %add3A_37 = vector.broadcast %slice3A_36 : vector<1x32xf32> to vector<1000x32xf32>
    %add3A_38 = arith.addf %mul3A_35, %add3A_37 : vector<1000x32xf32>
    %mul3A_39 = vector.broadcast %convert_element_type3A_15 : vector<1000x1xf32> to vector<1000x32xf32>
    %mul3A_40 = arith.mulf %add3A_38, %mul3A_39 : vector<1000x32xf32>
    %concatenate3A = tpu.concatenate %mul3A_28, %mul3A_40 in 1 : vector<1000x32xf32>, vector<1000x32xf32> -> vector<1000x64xf32>
    %get3A_41 = arith.constant 0 : index
    %get3A_42 = arith.constant 0 : index
    %get3A_43 = vector.load %arg7[%get3A_41, %get3A_42] : memref<64x64xf32, #tpu.memory_space<vmem>>, vector<64x64xf32>
    %dot_general3A = arith.constant dense<0.000000e+00> : vector<1000x64xf32>
    %dot_general3A_44 = tpu.matmul %concatenate3A, %get3A_43, %dot_general3A {dimension_numbers = #tpu.dot_dimension_numbers<[1], [0], [0], [1], [0, 0, 1, 1], [], []>, precision = #tpu.contract_precision<fp32>, transpose_lhs_hint = false} : vector<1000x64xf32>, vector<64x64xf32>, vector<1000x64xf32> -> vector<1000x64xf32>
    %get3A_45 = arith.constant 0 : index
    %get3A_46 = arith.constant 0 : index
    %get3A_47 = vector.load %arg1[%get3A_45, %get3A_46] : memref<1000x64xf32, #tpu.memory_space<vmem>>, vector<1000x64xf32>
    %add3A_48 = arith.addf %dot_general3A_44, %get3A_47 : vector<1000x64xf32>
    %max3A_49 = arith.constant 0.000000e+00 : f32
    %max3A_50 = vector.broadcast %max3A_49 : f32 to vector<1000x64xf32>
    %max3A_51 = arith.maximumf %add3A_48, %max3A_50 : vector<1000x64xf32>
    %swap3A = arith.constant 0 : index
    %swap3A_52 = arith.constant 0 : index
    %swap3A_53 = vector.load %arg8[%swap3A, %swap3A_52] : memref<1000x64xf32, #tpu.memory_space<vmem>>, vector<1000x64xf32>
    tpu.vector_store %arg8[%swap3A, %swap3A_52], %max3A_51 {strides = array<i32>} : memref<1000x64xf32, #tpu.memory_space<vmem>>, vector<1000x64xf32>,
    return
  }
  func.func @transform_0(%arg0: i32) -> (i32, i32) {
    %c0_i32 = arith.constant 0 : i32
    %c0_i32_0 = arith.constant 0 : i32
    return %arg0, %c0_i32 : i32, i32
  }
  func.func @transform_1(%arg0: i32) -> (i32, i32, i32) {
    %min3A = arith.constant 49 : i32
    %min3A_0 = arith.minsi %arg0, %min3A : i32
    %c0_i32 = arith.constant 0 : i32
    %c0_i32_1 = arith.constant 0 : i32
    %c0_i32_2 = arith.constant 0 : i32
    return %c0_i32, %min3A_0, %c0_i32_1 : i32, i32, i32
  }
  func.func @transform_2(%arg0: i32) -> (i32, i32, i32) {
    %min3A = arith.constant 49 : i32
    %min3A_0 = arith.minsi %arg0, %min3A : i32
    %c1_i32 = arith.constant 1 : i32
    %c0_i32 = arith.constant 0 : i32
    %c0_i32_1 = arith.constant 0 : i32
    return %c1_i32, %min3A_0, %c0_i32 : i32, i32, i32
  }
  func.func @transform_3(%arg0: i32) -> (i32, i32, i32) {
    %c0_i32 = arith.constant 0 : i32
    %c0_i32_0 = arith.constant 0 : i32
    %c0_i32_1 = arith.constant 0 : i32
    return %c0_i32, %arg0, %c0_i32_0 : i32, i32, i32
  }
  func.func @transform_4(%arg0: i32) -> (i32, i32, i32) {
    %c1_i32 = arith.constant 1 : i32
    %c0_i32 = arith.constant 0 : i32
    %c0_i32_0 = arith.constant 0 : i32
    return %c1_i32, %arg0, %c0_i32 : i32, i32, i32
  }
  func.func @transform_5(%arg0: i32) -> (i32, i32) {
    %c0_i32 = arith.constant 0 : i32
    %c0_i32_0 = arith.constant 0 : i32
    %c0_i32_1 = arith.constant 0 : i32
    return %c0_i32, %c0_i32_0 : i32, i32
  }
  func.func @transform_6(%arg0: i32) -> (i32, i32) {
    %c0_i32 = arith.constant 0 : i32
    %c0_i32_0 = arith.constant 0 : i32
    %c0_i32_1 = arith.constant 0 : i32
    return %c0_i32, %c0_i32_0 : i32, i32
  }
  func.func @transform_7(%arg0: i32) -> (i32, i32) {
    %c0_i32 = arith.constant 0 : i32
    %c0_i32_0 = arith.constant 0 : i32
    return %arg0, %c0_i32 : i32, i32
  }
}

module attributes {stable_mosaic.version = 14 : i64} {
  func.func @_colsum_body(%arg0: i32, %arg1: memref<1000x64xf32, #tpu.memory_space<vmem>>, %arg2: memref<1x64xf32, #tpu.memory_space<vmem>>) attributes {dimension_semantics = [#tpu.dimension_semantics<arbitrary>], iteration_bounds = array<i64: 25>, scalar_prefetch = 0 : i64, scratch_operands = 0 : i64, tpu.core_type = #tpu.core_type<tc>, window_params = [{transform_indices = @transform_0, window_bounds = array<i64: 1000, 64>}, {pipeline_mode = #tpu.pipeline_mode<synchronous>, transform_indices = @transform_1, window_bounds = array<i64: 1, 64>}]} {
    %eq3A = arith.constant 0 : i32
    %eq3A_0 = arith.cmpi eq, %arg0, %eq3A : i32
    %convert_element_type3A = arith.extui %eq3A_0 : i1 to i32
    %cond3A = arith.constant 0 : i32
    %cond3A_1 = arith.cmpi ne, %convert_element_type3A, %cond3A : i32
    scf.if %cond3A_1 {
      %broadcast_in_dim3A_10 = arith.constant 0.000000e+00 : f32
      %broadcast_in_dim3A_11 = vector.broadcast %broadcast_in_dim3A_10 : f32 to vector<1x64xf32>
      %swap3A_12 = arith.constant 0 : index
      %swap3A_13 = arith.constant 0 : index
      %swap3A_14 = vector.load %arg2[%swap3A_12, %swap3A_13] : memref<1x64xf32, #tpu.memory_space<vmem>>, vector<1x64xf32>
      tpu.vector_store %arg2[%swap3A_12, %swap3A_13], %broadcast_in_dim3A_11 {strides = array<i32>} : memref<1x64xf32, #tpu.memory_space<vmem>>, vector<1x64xf32>,
    } else {
    }
    %get3A = arith.constant 0 : index
    %get3A_2 = arith.constant 0 : index
    %get3A_3 = vector.load %arg2[%get3A, %get3A_2] : memref<1x64xf32, #tpu.memory_space<vmem>>, vector<1x64xf32>
    %get3A_4 = arith.constant 0 : index
    %get3A_5 = arith.constant 0 : index
    %get3A_6 = vector.load %arg1[%get3A_4, %get3A_5] : memref<1000x64xf32, #tpu.memory_space<vmem>>, vector<1000x64xf32>
    %reduce_sum3A = arith.constant dense<0.000000e+00> : vector<64xf32>
    %reduce_sum3A_7 = vector.multi_reduction <add>, %get3A_6, %reduce_sum3A [0] : vector<1000x64xf32> to vector<64xf32>
    %broadcast_in_dim3A = vector.shape_cast %reduce_sum3A_7 : vector<64xf32> to vector<1x64xf32>
    %add3A = arith.addf %get3A_3, %broadcast_in_dim3A : vector<1x64xf32>
    %swap3A = arith.constant 0 : index
    %swap3A_8 = arith.constant 0 : index
    %swap3A_9 = vector.load %arg2[%swap3A, %swap3A_8] : memref<1x64xf32, #tpu.memory_space<vmem>>, vector<1x64xf32>
    tpu.vector_store %arg2[%swap3A, %swap3A_8], %add3A {strides = array<i32>} : memref<1x64xf32, #tpu.memory_space<vmem>>, vector<1x64xf32>,
    return
  }
  func.func @transform_0(%arg0: i32) -> (i32, i32) {
    %c0_i32 = arith.constant 0 : i32
    %c0_i32_0 = arith.constant 0 : i32
    return %arg0, %c0_i32 : i32, i32
  }
  func.func @transform_1(%arg0: i32) -> (i32, i32) {
    %c0_i32 = arith.constant 0 : i32
    %c0_i32_0 = arith.constant 0 : i32
    %c0_i32_1 = arith.constant 0 : i32
    return %c0_i32, %c0_i32_0 : i32, i32
  }
}

module attributes {stable_mosaic.version = 14 : i64} {
  func.func @_colsum_body(%arg0: i32, %arg1: memref<1000x64xf32, #tpu.memory_space<vmem>>, %arg2: memref<1x64xf32, #tpu.memory_space<vmem>>) attributes {dimension_semantics = [#tpu.dimension_semantics<arbitrary>], iteration_bounds = array<i64: 50>, scalar_prefetch = 0 : i64, scratch_operands = 0 : i64, tpu.core_type = #tpu.core_type<tc>, window_params = [{transform_indices = @transform_0, window_bounds = array<i64: 1000, 64>}, {pipeline_mode = #tpu.pipeline_mode<synchronous>, transform_indices = @transform_1, window_bounds = array<i64: 1, 64>}]} {
    %eq3A = arith.constant 0 : i32
    %eq3A_0 = arith.cmpi eq, %arg0, %eq3A : i32
    %convert_element_type3A = arith.extui %eq3A_0 : i1 to i32
    %cond3A = arith.constant 0 : i32
    %cond3A_1 = arith.cmpi ne, %convert_element_type3A, %cond3A : i32
    scf.if %cond3A_1 {
      %broadcast_in_dim3A_10 = arith.constant 0.000000e+00 : f32
      %broadcast_in_dim3A_11 = vector.broadcast %broadcast_in_dim3A_10 : f32 to vector<1x64xf32>
      %swap3A_12 = arith.constant 0 : index
      %swap3A_13 = arith.constant 0 : index
      %swap3A_14 = vector.load %arg2[%swap3A_12, %swap3A_13] : memref<1x64xf32, #tpu.memory_space<vmem>>, vector<1x64xf32>
      tpu.vector_store %arg2[%swap3A_12, %swap3A_13], %broadcast_in_dim3A_11 {strides = array<i32>} : memref<1x64xf32, #tpu.memory_space<vmem>>, vector<1x64xf32>,
    } else {
    }
    %get3A = arith.constant 0 : index
    %get3A_2 = arith.constant 0 : index
    %get3A_3 = vector.load %arg2[%get3A, %get3A_2] : memref<1x64xf32, #tpu.memory_space<vmem>>, vector<1x64xf32>
    %get3A_4 = arith.constant 0 : index
    %get3A_5 = arith.constant 0 : index
    %get3A_6 = vector.load %arg1[%get3A_4, %get3A_5] : memref<1000x64xf32, #tpu.memory_space<vmem>>, vector<1000x64xf32>
    %reduce_sum3A = arith.constant dense<0.000000e+00> : vector<64xf32>
    %reduce_sum3A_7 = vector.multi_reduction <add>, %get3A_6, %reduce_sum3A [0] : vector<1000x64xf32> to vector<64xf32>
    %broadcast_in_dim3A = vector.shape_cast %reduce_sum3A_7 : vector<64xf32> to vector<1x64xf32>
    %add3A = arith.addf %get3A_3, %broadcast_in_dim3A : vector<1x64xf32>
    %swap3A = arith.constant 0 : index
    %swap3A_8 = arith.constant 0 : index
    %swap3A_9 = vector.load %arg2[%swap3A, %swap3A_8] : memref<1x64xf32, #tpu.memory_space<vmem>>, vector<1x64xf32>
    tpu.vector_store %arg2[%swap3A, %swap3A_8], %add3A {strides = array<i32>} : memref<1x64xf32, #tpu.memory_space<vmem>>, vector<1x64xf32>,
    return
  }
  func.func @transform_0(%arg0: i32) -> (i32, i32) {
    %c0_i32 = arith.constant 0 : i32
    %c0_i32_0 = arith.constant 0 : i32
    return %arg0, %c0_i32 : i32, i32
  }
  func.func @transform_1(%arg0: i32) -> (i32, i32) {
    %c0_i32 = arith.constant 0 : i32
    %c0_i32_0 = arith.constant 0 : i32
    %c0_i32_1 = arith.constant 0 : i32
    return %c0_i32, %c0_i32_0 : i32, i32
  }
}

module attributes {stable_mosaic.version = 14 : i64} {
  func.func @_mlp_body(%arg0: memref<1x64xf32, #tpu.memory_space<vmem>>, %arg1: memref<1x64xf32, #tpu.memory_space<vmem>>, %arg2: memref<1x4xf32, #tpu.memory_space<vmem>>, %arg3: memref<132x64xf32, #tpu.memory_space<vmem>>, %arg4: memref<1x64xf32, #tpu.memory_space<vmem>>, %arg5: memref<64x32xf32, #tpu.memory_space<vmem>>, %arg6: memref<1x32xf32, #tpu.memory_space<vmem>>, %arg7: memref<32x1xf32, #tpu.memory_space<vmem>>, %arg8: memref<1x1xf32, #tpu.memory_space<vmem>>, %arg9: memref<1x1xf32, #tpu.memory_space<vmem>>) attributes {dimension_semantics = [], scalar_prefetch = 0 : i64, scratch_operands = 0 : i64, tpu.core_type = #tpu.core_type<tc>} {
    %get3A = arith.constant 0 : index
    %get3A_0 = arith.constant 0 : index
    %get3A_1 = vector.load %arg0[%get3A, %get3A_0] : memref<1x64xf32, #tpu.memory_space<vmem>>, vector<1x64xf32>
    %mul3A = arith.constant 2.000000e-05 : f32
    %mul3A_2 = vector.broadcast %mul3A : f32 to vector<1x64xf32>
    %mul3A_3 = arith.mulf %get3A_1, %mul3A_2 : vector<1x64xf32>
    %get3A_4 = arith.constant 0 : index
    %get3A_5 = arith.constant 0 : index
    %get3A_6 = vector.load %arg1[%get3A_4, %get3A_5] : memref<1x64xf32, #tpu.memory_space<vmem>>, vector<1x64xf32>
    %mul3A_7 = arith.constant 4.000000e-05 : f32
    %mul3A_8 = vector.broadcast %mul3A_7 : f32 to vector<1x64xf32>
    %mul3A_9 = arith.mulf %get3A_6, %mul3A_8 : vector<1x64xf32>
    %get3A_10 = arith.constant 0 : index
    %get3A_11 = arith.constant 0 : index
    %get3A_12 = vector.load %arg2[%get3A_10, %get3A_11] : memref<1x4xf32, #tpu.memory_space<vmem>>, vector<1x4xf32>
    %concatenate3A = tpu.concatenate %mul3A_3, %mul3A_9, %get3A_12 in 1 : vector<1x64xf32>, vector<1x64xf32>, vector<1x4xf32> -> vector<1x132xf32>
    %get3A_13 = arith.constant 0 : index
    %get3A_14 = arith.constant 0 : index
    %get3A_15 = vector.load %arg3[%get3A_13, %get3A_14] : memref<132x64xf32, #tpu.memory_space<vmem>>, vector<132x64xf32>
    %dot_general3A = arith.constant dense<0.000000e+00> : vector<1x64xf32>
    %dot_general3A_16 = tpu.matmul %concatenate3A, %get3A_15, %dot_general3A {dimension_numbers = #tpu.dot_dimension_numbers<[1], [0], [0], [1], [0, 0, 1, 1], [], []>, precision = #tpu.contract_precision<fp32>, transpose_lhs_hint = false} : vector<1x132xf32>, vector<132x64xf32>, vector<1x64xf32> -> vector<1x64xf32>
    %get3A_17 = arith.constant 0 : index
    %get3A_18 = arith.constant 0 : index
    %get3A_19 = vector.load %arg4[%get3A_17, %get3A_18] : memref<1x64xf32, #tpu.memory_space<vmem>>, vector<1x64xf32>
    %add3A = arith.addf %dot_general3A_16, %get3A_19 : vector<1x64xf32>
    %max3A = arith.constant 0.000000e+00 : f32
    %max3A_20 = vector.broadcast %max3A : f32 to vector<1x64xf32>
    %max3A_21 = arith.maximumf %add3A, %max3A_20 : vector<1x64xf32>
    %get3A_22 = arith.constant 0 : index
    %get3A_23 = arith.constant 0 : index
    %get3A_24 = vector.load %arg5[%get3A_22, %get3A_23] : memref<64x32xf32, #tpu.memory_space<vmem>>, vector<64x32xf32>
    %dot_general3A_25 = arith.constant dense<0.000000e+00> : vector<1x32xf32>
    %dot_general3A_26 = tpu.matmul %max3A_21, %get3A_24, %dot_general3A_25 {dimension_numbers = #tpu.dot_dimension_numbers<[1], [0], [0], [1], [0, 0, 1, 1], [], []>, precision = #tpu.contract_precision<fp32>, transpose_lhs_hint = false} : vector<1x64xf32>, vector<64x32xf32>, vector<1x32xf32> -> vector<1x32xf32>
    %get3A_27 = arith.constant 0 : index
    %get3A_28 = arith.constant 0 : index
    %get3A_29 = vector.load %arg6[%get3A_27, %get3A_28] : memref<1x32xf32, #tpu.memory_space<vmem>>, vector<1x32xf32>
    %add3A_30 = arith.addf %dot_general3A_26, %get3A_29 : vector<1x32xf32>
    %max3A_31 = arith.constant 0.000000e+00 : f32
    %max3A_32 = vector.broadcast %max3A_31 : f32 to vector<1x32xf32>
    %max3A_33 = arith.maximumf %add3A_30, %max3A_32 : vector<1x32xf32>
    %get3A_34 = arith.constant 0 : index
    %get3A_35 = arith.constant 0 : index
    %get3A_36 = vector.load %arg7[%get3A_34, %get3A_35] : memref<32x1xf32, #tpu.memory_space<vmem>>, vector<32x1xf32>
    %dot_general3A_37 = arith.constant dense<0.000000e+00> : vector<1x1xf32>
    %dot_general3A_38 = tpu.matmul %max3A_33, %get3A_36, %dot_general3A_37 {dimension_numbers = #tpu.dot_dimension_numbers<[1], [0], [0], [1], [0, 0, 1, 1], [], []>, precision = #tpu.contract_precision<fp32>, transpose_lhs_hint = false} : vector<1x32xf32>, vector<32x1xf32>, vector<1x1xf32> -> vector<1x1xf32>
    %get3A_39 = arith.constant 0 : index
    %get3A_40 = arith.constant 0 : index
    %get3A_41 = vector.load %arg8[%get3A_39, %get3A_40] : memref<1x1xf32, #tpu.memory_space<vmem>>, vector<1x1xf32>
    %add3A_42 = arith.addf %dot_general3A_38, %get3A_41 : vector<1x1xf32>
    %swap3A = arith.constant 0 : index
    %swap3A_43 = arith.constant 0 : index
    %swap3A_44 = vector.load %arg9[%swap3A, %swap3A_43] : memref<1x1xf32, #tpu.memory_space<vmem>>, vector<1x1xf32>
    tpu.vector_store %arg9[%swap3A, %swap3A_43], %add3A_42 {strides = array<i32>} : memref<1x1xf32, #tpu.memory_space<vmem>>, vector<1x1xf32>,
    return
  }
}

</mosaic_0001>

<sc_bundles>
// kernel: kernel.46.cloned.1.call-start
scs
__scs_entry_jumppad:
0x0: {  	(pc) =	sbr.rel $0x88, $3  }
0x1: {  	(tag) =	ssettag $0x0;
	lr =	simm.s32 $0x1  }
0x2: {  	[smem:$0x3F6D] =	sst lr;
	_ =	strace $0xD0000000  }
0x3: {  	_ = 	snop  }
0x4: {  	_ = 	snop  }
0x5: {  	_ = 	snop  }
0x6: {  	_ = 	snop  }
0x7: {  	_ = 	snop  }
__scs_overlays_trampoline_lowered:
0x8: {  	[smem:$0x3F7C] =	sst s0  }
0x9: {  	[smem:$0x3F7D] =	sst s1  }
0xa: {  	[smem:$0x3F7E] =	sst s2  }
0xb: {  	[smem:$0x3F7F] =	sst s3  }
0xc: {  	[smem:$0x3F80] =	sst s4  }
0xd: {  	[smem:$0x3F81] =	sst s5  }
0xe: {  	[smem:$0x3F82] =	sst s6  }
0xf: {  	[smem:$0x3F83] =	sst s7  }
0x10: {  	[smem:$0x3F84] =	sst s8  }
0x11: {  	[smem:$0x3F85] =	sst s9;
	s0 =	simm.s32 @!p0 $0x0  }
0x12: {  	s1 =	sld [smem:$0x3F6B];
	s0 =	simm.s32 @p0 $0x1  }
0x13: {  	[smem:$0x3F86] =	sst s0;
	s0 =	simm.s32 @!p1 $0x0  }
0x14: {  	s2 =	sld [smem:$0x3F6A];
	s0 =	simm.s32 @p1 $0x1  }
0x15: {  	[smem:$0x3F87] =	sst s0;
	s0 =	simm.s32 @!p2 $0x0  }
0x16: {  	s3 =	sld [smem:$0x3FDB];
	s0 =	simm.s32 @p2 $0x1  }
0x17: {  	s4 =	simm.s32 $0x1BF5;
	[smem:$0x3F89] =	sst s0  }
0x18: {  	s0 =	sld [smem:$0x3F6C];
	_ =	swait.ge [sflag:s4], $0x0  }
0x19: {  	s7 =	sld [smem:$0x3F6D]  }
0x1a: {  	s8 =	sadd.s32 $0xFFFFE003, lr  }
0x1b: {  	s9 =	sadd.s32 $0xFFFFFEF7, lr;
	s5 =	simm.s32 $0xFFFFFFFF;
	p2 =	slt.u32 s8, $0xFFFFF086  }
0x1c: {  	p1 =	slt.u32 s9, $0xF7A;
	s5 =	simm.s32 @!p2 $0x0  }
0x1d: {  	s5 =	simm.s32 @p1 $0x1;
	p0 =	seq.s32 s7, s2  }
0x1e: {  	s7 =	smul.u32 @!p0 $0xF7A, s2;
	p2 =	seq.s32 @!p0 s5, $0x0  }
0x1f: {  	s9 =	smul.u32 $0xF7A, s1;
	s8 =	simm.s32 @!p0 $0x1BF5;
	p2 =	por !p2, p0  }
0x20: {  	[sflag:s8] =	ssyncset.s32 @!p0 $0xFFFFF086;
	s6 =	sadd.s32 @!p0 s3, s7;
	s7 =	simm.s32 @!p0 $0x108  }
0x21: {  	s3 =	sadd.s32 s3, s9;
	s6 =	sadd.s32 @!p0 $0x88, s6;
	s7 =	simm.s32 @p2 $0x1082  }
0x22: {  	[simem:s7], [sflag:s8] =	dma.local @!p0 [hbm:s6], $0xF7A  }
0x23: {  	s9 =	sor.u32 $0xD0000000, s2;
	s6 =	simm.s32 $0x108;
	_ =	swait.ge @!p0 [sflag:s8], $0x0  }
0x24: {  	s3 =	sadd.s32 $0x88, s3;
	s6 =	simm.s32 @!p1 $0x1082;
	[sflag:s4] =	ssyncset.s32 $0xFFFFF086  }
0x25: {  	[simem:s6], [sflag:s4] =	dma.local [hbm:s3], $0xF7A  }
0x26: {  	[smem:$0x3F6D] =	sst s1;
	(tag) =	ssettag s2;
	_ =	strace s9  }
0x27: {  	s1 =	sld [smem:$0x3F7D]  }
0x28: {  	s2 =	sld [smem:$0x3F7E]  }
0x29: {  	s4 =	sld [smem:$0x3F80]  }
0x2a: {  	p0 =	seq.s32 s5, $0x0;
	s5 =	sld [smem:$0x3F81]  }
0x2b: {  	s6 =	sld [smem:$0x3F82]  }
0x2c: {  	s7 =	sld [smem:$0x3F83]  }
0x2d: {  	s3 =	simm.s32 $0x108;
	s8 =	sld [smem:$0x3F84]  }
0x2e: {  	s3 =	simm.s32 @!p0 $0x1082;
	s9 =	sld [smem:$0x3F85]  }
0x2f: {  	lr =	sadd.s32 s0, s3;
	s0 =	sld [smem:$0x3F7C]  }
0x30: {  	s3 =	sld [smem:$0x3F7F]  }
0x31: {  	[smem:$0x3F88] =	sst s10  }
0x32: {  	s10 =	sld [smem:$0x3F86];
	_ =	sdelay $0x3  }
0x33: {  	p0 =	seq.s32 s10, $0x1;
	s10 =	sld [smem:$0x3F88];
	_ =	sdelay $0x3  }
0x34: {  	[smem:$0x3F88] =	sst s10  }
0x35: {  	s10 =	sld [smem:$0x3F87];
	_ =	sdelay $0x3  }
0x36: {  	p1 =	seq.s32 s10, $0x1;
	s10 =	sld [smem:$0x3F88];
	_ =	sdelay $0x3  }
0x37: {  	[smem:$0x3F88] =	sst s10  }
0x38: {  	s10 =	sld [smem:$0x3F89]  }
0x39: {  	_ = 	snop;
	(pc) =	sbr.ind lr, $3  }
0x3a: {  	_ = 	snop  }
0x3b: {  	_ = 	snop  }
0x3c: {  	p2 =	seq.s32 s10, $0x1;
	s10 =	sld [smem:$0x3F88]  }
0x3d: {  	_ =	shalt  }
0x3e: {  	_ =	shalt  }
0x3f: {  	_ =	shalt  }
0x40: {  	_ =	shalt  }
0x41: {  	_ =	shalt  }
0x42: {  	_ =	shalt  }
0x43: {  	_ =	shalt  }
0x44: {  	_ =	shalt  }
0x45: {  	_ =	shalt  }
0x46: {  	_ =	shalt  }
0x47: {  	_ =	shalt  }
0x48: {  	_ =	shalt  }
0x49: {  	_ =	shalt  }
0x4a: {  	_ =	shalt  }
0x4b: {  	_ =	shalt  }
0x4c: {  	_ =	shalt  }
0x4d: {  	_ =	shalt  }
0x4e: {  	_ =	shalt  }
0x4f: {  	_ =	shalt  }
0x50: {  	_ =	shalt  }
0x51: {  	_ =	shalt  }
0x52: {  	_ =	shalt  }
0x53: {  	_ =	shalt  }
0x54: {  	_ =	shalt  }
0x55: {  	_ =	shalt  }
0x56: {  	_ =	shalt  }
0x57: {  	_ =	shalt  }
0x58: {  	_ =	shalt  }
0x59: {  	_ =	shalt  }
0x5a: {  	_ =	shalt  }
0x5b: {  	_ =	shalt  }
0x5c: {  	_ =	shalt  }
0x5d: {  	_ =	shalt  }
0x5e: {  	_ =	shalt  }
0x5f: {  	_ =	shalt  }
0x60: {  	_ =	shalt  }
0x61: {  	_ =	shalt  }
0x62: {  	_ =	shalt  }
0x63: {  	_ =	shalt  }
0x64: {  	_ =	shalt  }
0x65: {  	_ =	shalt  }
0x66: {  	_ =	shalt  }
0x67: {  	_ =	shalt  }
0x68: {  	_ =	shalt  }
0x69: {  	_ =	shalt  }
0x6a: {  	_ =	shalt  }
0x6b: {  	_ =	shalt  }
0x6c: {  	_ =	shalt  }
0x6d: {  	_ =	shalt  }
0x6e: {  	_ =	shalt  }
0x6f: {  	_ =	shalt  }
0x70: {  	_ =	shalt  }
0x71: {  	_ =	shalt  }
0x72: {  	_ =	shalt  }
0x73: {  	_ =	shalt  }
0x74: {  	_ =	shalt  }
0x75: {  	_ =	shalt  }
0x76: {  	_ =	shalt  }
0x77: {  	_ =	shalt  }
0x78: {  	_ =	shalt  }
0x79: {  	_ =	shalt  }
0x7a: {  	_ =	shalt  }
0x7b: {  	_ =	shalt  }
0x7c: {  	_ =	shalt  }
0x7d: {  	_ =	shalt  }
0x7e: {  	_ =	shalt  }
0x7f: {  	_ =	shalt  }
0x80: {  	_ =	shalt  }
0x81: {  	_ =	shalt  }
0x82: {  	_ =	shalt  }
0x83: {  	_ =	shalt  }
0x84: {  	_ =	shalt  }
0x85: {  	_ =	shalt  }
0x86: {  	_ =	shalt  }
0x87: {  	_ =	shalt  }
.Lfunc_end0:
.L_simem_size_0:
called_computation_lowered:
.L_overlay_start_0:
0x88: {  	s2 =	sld [smem:$0x3FD9]  }
0x89: {  	s3 =	sld [smem:$0x3FFE];
	_ =	sdelay $0x1  }
0x8a: {  	s1 =	srdreg.scid  }
0x8b: {  	s0 =	sand.u32 $0x1, s1  }
0x8c: {  	s17 =	sshll.u32 s0, $0xA;
	s2 =	sadd.s32 s3, s2  }
0x8d: {  	s2 =	sadd.s32 s2, s17  }
0x8e: {  	[smem:$0x3F94] =	sst s2  }
0x8f: {  	_ = 	snop  }
0x90: {  	(tm) =	ssettm $0x1  }
0x91: {  	s18 =	sld [smem:$0x3FFB];
	_ =	sdelay $0x3  }
0x92: {  	_ =	strace s18  }
0x93: {  	s2 =	sld [smem:$0x3FFC];
	_ =	sdelay $0x3  }
0x94: {  	_ =	strace s2  }
0x95: {  	s2 =	sld [smem:$0x3FFD];
	_ =	sdelay $0x3  }
0x96: {  	_ =	strace s2  }
0x97: {  	_ =	strace $0x8FFFFFFF  }
0x98: {  	s19 =	sld [smem:$0x3FDB];
	_ =	sdelay $0x1  }
0x99: {  	s20 =	simm.s32 $_scs_section_size  }
0x9a: {  	s4 =	simm.s32 $_size__tile_overlayer_lowered;
	s5 =	simm.s32 $_tile_overlayer_lowered  }
0x9b: {  	s6 =	simm.s32 $0x1BFF;
	s21 =	sshll.u32 s5, $0x1;
	s3 =	sadd.s32 s20, s19  }
0x9c: {  	s22 =	simm.s32 $0x0;
	s4 =	sshll.u32 s4, $0x1;
	s5 =	sadd.s32 s21, s3  }
0x9d: {  	[timem:s22], [sflag:s6] =	dma.local [hbm:s5], s4  }
0x9e: {  	_ =	swait.ge [sflag:s6], s4  }
0x9f: {  	s4 =	ssub.s32 $0x0, s4;
	[sflag:s6] =	ssyncset.done $0x0  }
0xa0: {  	[sflag:s6] =	ssyncadd.s32 s4;
	_ =	sdelay $0x1  }
0xa1: {  	s23 =	simm.s32 $0x1B8B  }
0xa2: {  	_ =	swait.ge [sflag:s23], $0x1  }
0xa3: {  	[sflag:s23] =	ssyncset.done $0x0  }
0xa4: {  	[sflag:s23] =	ssyncadd.s32 $0xFFFFFFFF  }
0xa5: {  	s4 =	sld [smem:$0x0]  }
0xa6: {  	s5 =	sand.u32 $0xFFFFFFFE, s1  }
0xa7: {  	p0 =	sne.s32 s1, s5  }
0xa8: {  	s5 =	sshll.u32 @p0 s5, $0xE  }
0xa9: {  	s5 =	sadd.s32 @p0 $0x11B8D, s5;
	s6 =	sshll.u32 @p0 s4, $0x11  }
0xaa: {  	s5 =	sor.u32 @p0 s6, s5  }
0xab: {  	[sflag:s5] =	ssyncadd.remote.s32 @p0 $0x1;
	_ =	sdelay $0x1  }
0xac: {  	s5 =	simm.s32 @p0 $0x1B8D  }
0xad: {  	_ =	swait.eq @p0 [sflag:s5], $0x1  }
0xae: {  	[sflag:s5] =	ssyncadd.s32 @p0 $0xFFFFFFFF  }
0xaf: {  	s6 =	sshll.u32 @!p0 s1, $0xE  }
0xb0: {  	s6 =	sor.u32 @!p0 $0x4000, s6;
	s5 =	simm.s32 @!p0 $0x1B8D  }
0xb1: {  	s4 =	sshll.u32 @!p0 s4, $0x11;
	s6 =	sadd.s32 @!p0 $0x11B8D, s6;
	_ =	swait.eq @!p0 [sflag:s5], $0x1  }
0xb2: {  	s4 =	sor.u32 @!p0 s4, s6;
	[sflag:s5] =	ssyncadd.s32 @!p0 $0xFFFFFFFF  }
0xb3: {  	s25 =	simm.s32 $0x1B8E;
	s24 =	sld [smem:$0x3FFE];
	[sflag:s4] =	ssyncadd.remote.s32 @!p0 $0x1  }
0xb4: {  	s26 =	simm.s32 $execute0_lowered;
	[smem:$0x3FD2] =	sst s25  }
0xb5: {  	s5 =	sshll.u32 s26, $0x1;
	_ =	strace $0x80000049;
	[dreg:$0x1] =	wrdreg $0xFFFFFFFF  }
0xb6: {  	s28 =	simm.s32 $_size_execute0_lowered;
	s3 =	sadd.s32 s3, s5;
	[dreg:$0x0] =	wrdreg $0x0  }
0xb7: {  	s5 =	sshll.u32 s28, $0x1;
	[dreg:$0x2] =	wrdreg s3  }
0xb8: {  	[dreg:$0x3] =	wrdreg s5  }
0xb9: {  	[dreg:$0x4] =	wrdreg $0xC0  }
0xba: {  	_ =	task [dreg:s22], $0x5FFFF  }
0xbb: {  	[dreg:$0x1] =	wrdreg $0xFFFFFFFF  }
0xbc: {  	[dreg:$0x0] =	wrdreg $0x60  }
0xbd: {  	[dreg:$0x2] =	wrdreg s24  }
0xbe: {  	[dreg:$0x3] =	wrdreg $0x22000  }
0xbf: {  	[dreg:$0x4] =	wrdreg $0xA  }
0xc0: {  	_ =	task.clear_ibuf [dreg:s22], $0x5FFFF;
	_ =	strace $0x90000049  }
0xc1: {  	s29 =	simm.s32 $0xA;
	_ =	strace $0x8000004B  }
0xc2: {  	_ =	swait.ge [sflag:s29], $0x1  }
0xc3: {  	[sflag:s29] =	ssyncadd.s32 $0xFFFFFFFF  }
0xc4: {  	_ =	strace $0x9000004B  }
0xc5: {  	_ =	sfence  }
0xc6: {  	s30 =	sld [smem:$0x0];
	_ =	sdelay $0x2  }
0xc7: {  	s31 =	sshll.u32 s1, $0xD;
	s1 =	sshrl.u32 s1, $0x2  }
0xc8: {  	s4 =	sand.u32 $0x4000, s31;
	s1 =	sadd.s32 s1, s30  }
0xc9: {  	s0 =	sor.u32 s4, s0;
	s1 =	sshll.u32 s1, $0x11  }
0xca: {  	s0 =	sor.u32 s1, s0  }
0xcb: {  	s0 =	sadd.s32 $0x8F2B, s0  }
0xcc: {  	[sflag:s0] =	ssyncadd.remote.s32 $0x1  }
0xcd: {  	_ =	sfence.sel $0xFFFF  }
0xce: {  	[dreg:$0x0] =	wrdreg $0xFFFFFFFF;
	(pc) =	sbr.abs _section_cstart, $3  }
0xcf: {  	[dreg:$0x1] =	wrdreg $0xFFFFFFFF  }
0xd0: {  	_ =	task.clear_ibuf [dreg:s22], $0x2FFFF;
	_ =	strace $0x9FFFFFFF  }
0xd1: {  	(tm) =	ssettm $0x7FFFFFFF  }
tec
execute0_lowered:
.L_overlay_start_1:
0x0: {  	(tag) =	ssettag $0x1  }
0x1: {  	s13 =	rddreg [dreg:$0x0]  }
0x2: {  	s2 =	rddreg [dreg:$0x1];
	s1 =	stileid.u32  }
0x3: {  	s0 =	rddreg [dreg:$0x2];
	s3 =	simm.s32 $0x0;
	s14 =	smul.u32 $0x6200, s1  }
0x4: {  	[smem:$0x7FF] =	sst s3;
	s4 =	sadd.s32 $0x71C00, s13  }
0x5: {  	s5 =	sshll.u32 s1, $0x6;
	_ =	strace $0x8000004A;
	s6 =	sadd.s32 s14, s2  }
0x6: {  	s5 =	sor.u32 $0x1C02, s5;
	s7 =	sshrl.u32 s6, $0x3;
	s6 =	simm.s32 $0x2  }
0x7: {  	[spmem:s7], [sflag:s5] =	dma.local [hbm:s4], $0xC40  }
0x8: {  	_ =	swait.ge [sflag:s6], $0xC40  }
0x9: {  	s8 =	srdreg.scid;
	s9 =	simm.s32 $0x200;
	[sflag:s6] =	ssyncset.done $0x0  }
0xa: {  	s15 =	sand.u32 $0x1, s8;
	s8 =	sadd.s32 $0x72A00, s13;
	[sflag:s6] =	ssyncadd.s32 $0xFFFFF3C0  }
0xb: {  	[tilespmem:s9], [sflag:$0x2] =	stream.linear.gather [hbm4b:s8+s3], $0x2000, $0x38;
	[tilespmem:$0x8400] =	vst v63  }
0xc: {  	s11 =	sshll.u32 s1, $0x7;
	s10 =	sshll.u32 s15, $0xB;
	_ =	swait.ge [sflag:s6], $0x2000  }
0xd: {  	s10 =	sor.u32 s11, s10;
	[sflag:s6] =	ssyncset.done $0x0  }
0xe: {  	s12 =	sadd.s32 s10, s13;
	[sflag:s6] =	ssyncadd.s32 $0xFFFFE000  }
0xf: {  	s10 =	sadd.s32 $0x3E200, s12;
	[bflag:$0x0] =	sbarrier.arrive $0xFFFF  }
0x10: {  	[tilespmem:s3], [sflag:$0x2] =	stream.linear.gather [hbm4b:s10+s3], $0x200, $0x38;
	[tilespmem:$0x8400] =	vst v63  }
0x11: {  	_ =	swait.ge [sflag:s6], $0x200  }
0x12: {  	[sflag:s6] =	ssyncset.done $0x0  }
0x13: {  	s11 =	simm.s32 $0x1;
	[sflag:s6] =	ssyncadd.s32 $0xFFFFFE00  }
0x14: {  	[spmem:s2] =	stream.indirect.scatter.add.f32 [tilespmem:s9], [sflag:$0x1], $0x10, s3, s9, $0xb8;
	[tilespmem:$0x8400] =	vst v63  }
0x15: {  	_ =	swait.ge [sflag:s11], $0x2000  }
0x16: {  	[sflag:s11] =	ssyncset.done $0x0  }
0x17: {  	s16 =	smul.u32 $0x62000, s15;
	s12 =	sadd.s32 $0x3E240, s12;
	[sflag:s11] =	ssyncadd.s32 $0xFFFFE000  }
0x18: {  	[tilespmem:s3], [sflag:$0x2] =	stream.linear.gather [hbm4b:s12+s3], $0x200, $0x38;
	[tilespmem:$0x8400] =	vst v63  }
0x19: {  	s15 =	ssub.s32 $0x2, s15;
	_ =	swait.ge [sflag:s6], $0x200  }
0x1a: {  	s30 =	sshrl.u32 s15, $0x1;
	s14 =	sadd.s32 s14, s16;
	[sflag:s6] =	ssyncset.done $0x0  }
0x1b: {  	s31 =	ssub.s32 s15, s30;
	s14 =	sshrl.u32 s14, $0x3;
	[sflag:s6] =	ssyncadd.s32 $0xFFFFFE00  }
0x1c: {  	[spmem:s2] =	stream.indirect.scatter.add.f32 [tilespmem:s9], [sflag:$0x1], $0x10, s3, s9, $0xb8;
	[tilespmem:$0x8400] =	vst v63  }
0x1d: {  	s13 =	sadd.s32 s14, s13;
	s14 =	smax.u32 s31, $0x1;
	_ =	swait.ge [sflag:s11], $0x2000  }
0x1e: {  	p0 =	sne.s32 s14, $0x1;
	[sflag:s11] =	ssyncset.done $0x0  }
.Ltmp0:
0x1f: {  	[sflag:s11] =	ssyncadd.s32 $0xFFFFE000;
	(pc) =	sbr.rel @!p0 .LBB2_2-.Ltmp0, $4  }
0x20: {  	s13 =	sadd.s32 $0x72E00, s13;
	[bflag:$0x0] =	sbarrier.arrive $0xFFFF  }
0x21: {  	[hbm:s13], [sflag:s5] =	dma.local [spmem:s7], $0xC40  }
0x22: {  	_ =	swait.ge [sflag:s6], $0xC40  }
0x23: {  	s14 =	sadd.s32 $0xFFFFFFFF, s14;
	[sflag:s6] =	ssyncset.done $0x0  }
.LBB2_1:
0x24: {  	p0 =	sne.s32 s14, $0x1;
	s14 =	sadd.s32 $0xFFFFFFFF, s14;
	[sflag:s6] =	ssyncadd.s32 $0xFFFFF3C0  }
0x25: {  	[spmem:s7], [sflag:s5] =	dma.local [hbm:s4], $0xC40  }
0x26: {  	_ =	swait.ge [sflag:s6], $0xC40  }
0x27: {  	[sflag:s6] =	ssyncset.done $0x0  }
0x28: {  	[sflag:s6] =	ssyncadd.s32 $0xFFFFF3C0  }
0x29: {  	[tilespmem:s9], [sflag:$0x2] =	stream.linear.gather [hbm4b:s8+s3], $0x2000, $0x38;
	[tilespmem:$0x8400] =	vst v63  }
0x2a: {  	_ =	swait.ge [sflag:s6], $0x2000  }
0x2b: {  	[sflag:s6] =	ssyncset.done $0x0  }
0x2c: {  	[sflag:s6] =	ssyncadd.s32 $0xFFFFE000  }
0x2d: {  	[bflag:$0x0] =	sbarrier.arrive $0xFFFF  }
0x2e: {  	[tilespmem:s3], [sflag:$0x2] =	stream.linear.gather [hbm4b:s10+s3], $0x200, $0x38;
	[tilespmem:$0x8400] =	vst v63  }
0x2f: {  	_ =	swait.ge [sflag:s6], $0x200  }
0x30: {  	[sflag:s6] =	ssyncset.done $0x0  }
0x31: {  	[sflag:s6] =	ssyncadd.s32 $0xFFFFFE00  }
0x32: {  	[spmem:s2] =	stream.indirect.scatter.add.f32 [tilespmem:s9], [sflag:$0x1], $0x10, s3, s9, $0xb8;
	[tilespmem:$0x8400] =	vst v63  }
0x33: {  	_ =	swait.ge [sflag:s11], $0x2000  }
0x34: {  	[sflag:s11] =	ssyncset.done $0x0  }
0x35: {  	[sflag:s11] =	ssyncadd.s32 $0xFFFFE000  }
0x36: {  	[tilespmem:s3], [sflag:$0x2] =	stream.linear.gather [hbm4b:s12+s3], $0x200, $0x38;
	[tilespmem:$0x8400] =	vst v63  }
0x37: {  	_ =	swait.ge [sflag:s6], $0x200  }
0x38: {  	[sflag:s6] =	ssyncset.done $0x0  }
0x39: {  	[sflag:s6] =	ssyncadd.s32 $0xFFFFFE00  }
0x3a: {  	[spmem:s2] =	stream.indirect.scatter.add.f32 [tilespmem:s9], [sflag:$0x1], $0x10, s3, s9, $0xb8;
	[tilespmem:$0x8400] =	vst v63  }
0x3b: {  	_ =	swait.ge [sflag:s11], $0x2000  }
0x3c: {  	[sflag:s11] =	ssyncset.done $0x0  }
.Ltmp1:
0x3d: {  	[sflag:s11] =	ssyncadd.s32 $0xFFFFE000;
	(pc) =	sbr.rel @p0 .LBB2_1-.Ltmp1, $4  }
0x3e: {  	[bflag:$0x0] =	sbarrier.arrive $0xFFFF  }
0x3f: {  	[hbm:s13], [sflag:s5] =	dma.local [spmem:s7], $0xC40  }
0x40: {  	_ =	swait.ge [sflag:s6], $0xC40  }
0x41: {  	[sflag:s6] =	ssyncset.done $0x0  }
.LBB2_2:
0x42: {  	[sflag:s6] =	ssyncadd.s32 $0xFFFFF3C0  }
0x43: {  	_ =	sfence.sel $0x180000  }
0x44: {  	[bflag:$0x0] =	sbarrier.arrive $0xFFFF  }
0x45: {  	p0 =	sne.s32 s1, $0x0;
	_ =	strace $0x9000004A  }
0x46: {  	s0 =	sadd.s32 @!p0 $0x100000, s0;
	[bflag:$0x2] =	sbarrier.arrive $0xFFFF  }
0x47: {  	[sflag:s0] =	ssyncadd.tile.s32 @!p0 $0x1;
	_ =	shalt  }
.Lfunc_end2:
_tile_overlayer_lowered:
.L_overlay_start_2:
0x48: {  	(tag) =	ssettag $0x2  }
0x49: {  	s0 =	rddreg [dreg:$0x0];
	s2 =	stileid.u32  }
0x4a: {  	s1 =	rddreg [dreg:$0x1];
	p0 =	sne.s32 s2, $0x0  }
0x4b: {  	s3 =	rddreg [dreg:$0x2];
	[bflag:$0x3] =	sbarrier.arrive $0xFFFF;
	s2 =	simm.s32 @!p0 $0x1C02  }
0x4c: {  	[timem:s3], [sflag:s2] =	dma.local @!p0 [hbm:s0], s1  }
0x4d: {  	s0 =	simm.s32 @!p0 $0x2  }
0x4e: {  	_ =	swait.ge @!p0 [sflag:s0], s1  }
0x4f: {  	s1 =	ssub.s32 @!p0 $0x0, s1;
	[sflag:s0] =	ssyncset.done @!p0 $0x0  }
0x50: {  	[sflag:s0] =	ssyncadd.s32 @!p0 s1  }
0x51: {  	[bflag:$0x3] =	sbarrier.arrive $0xFFFF  }
0x52: {  	_ =	shalt  }

// kernel: kernel.49.cloned.1.call-start
scs
__scs_entry_jumppad:
0x0: {  	(pc) =	sbr.rel $0x88, $3  }
0x1: {  	(tag) =	ssettag $0x0;
	lr =	simm.s32 $0x1  }
0x2: {  	[smem:$0x3F6D] =	sst lr;
	_ =	strace $0xD0000000  }
0x3: {  	_ = 	snop  }
0x4: {  	_ = 	snop  }
0x5: {  	_ = 	snop  }
0x6: {  	_ = 	snop  }
0x7: {  	_ = 	snop  }
__scs_overlays_trampoline_lowered:
0x8: {  	[smem:$0x3F7C] =	sst s0  }
0x9: {  	[smem:$0x3F7D] =	sst s1  }
0xa: {  	[smem:$0x3F7E] =	sst s2  }
0xb: {  	[smem:$0x3F7F] =	sst s3  }
0xc: {  	[smem:$0x3F80] =	sst s4  }
0xd: {  	[smem:$0x3F81] =	sst s5  }
0xe: {  	[smem:$0x3F82] =	sst s6  }
0xf: {  	[smem:$0x3F83] =	sst s7  }
0x10: {  	[smem:$0x3F84] =	sst s8  }
0x11: {  	[smem:$0x3F85] =	sst s9;
	s0 =	simm.s32 @!p0 $0x0  }
0x12: {  	s1 =	sld [smem:$0x3F6B];
	s0 =	simm.s32 @p0 $0x1  }
0x13: {  	[smem:$0x3F86] =	sst s0;
	s0 =	simm.s32 @!p1 $0x0  }
0x14: {  	s2 =	sld [smem:$0x3F6A];
	s0 =	simm.s32 @p1 $0x1  }
0x15: {  	[smem:$0x3F87] =	sst s0;
	s0 =	simm.s32 @!p2 $0x0  }
0x16: {  	s3 =	sld [smem:$0x3FDB];
	s0 =	simm.s32 @p2 $0x1  }
0x17: {  	s4 =	simm.s32 $0x1BF5;
	[smem:$0x3F89] =	sst s0  }
0x18: {  	s0 =	sld [smem:$0x3F6C];
	_ =	swait.ge [sflag:s4], $0x0  }
0x19: {  	s7 =	sld [smem:$0x3F6D]  }
0x1a: {  	s8 =	sadd.s32 $0xFFFFE003, lr  }
0x1b: {  	s9 =	sadd.s32 $0xFFFFFEF7, lr;
	s5 =	simm.s32 $0xFFFFFFFF;
	p2 =	slt.u32 s8, $0xFFFFF086  }
0x1c: {  	p1 =	slt.u32 s9, $0xF7A;
	s5 =	simm.s32 @!p2 $0x0  }
0x1d: {  	s5 =	simm.s32 @p1 $0x1;
	p0 =	seq.s32 s7, s2  }
0x1e: {  	s7 =	smul.u32 @!p0 $0xF7A, s2;
	p2 =	seq.s32 @!p0 s5, $0x0  }
0x1f: {  	s9 =	smul.u32 $0xF7A, s1;
	s8 =	simm.s32 @!p0 $0x1BF5;
	p2 =	por !p2, p0  }
0x20: {  	[sflag:s8] =	ssyncset.s32 @!p0 $0xFFFFF086;
	s6 =	sadd.s32 @!p0 s3, s7;
	s7 =	simm.s32 @!p0 $0x108  }
0x21: {  	s3 =	sadd.s32 s3, s9;
	s6 =	sadd.s32 @!p0 $0x88, s6;
	s7 =	simm.s32 @p2 $0x1082  }
0x22: {  	[simem:s7], [sflag:s8] =	dma.local @!p0 [hbm:s6], $0xF7A  }
0x23: {  	s9 =	sor.u32 $0xD0000000, s2;
	s6 =	simm.s32 $0x108;
	_ =	swait.ge @!p0 [sflag:s8], $0x0  }
0x24: {  	s3 =	sadd.s32 $0x88, s3;
	s6 =	simm.s32 @!p1 $0x1082;
	[sflag:s4] =	ssyncset.s32 $0xFFFFF086  }
0x25: {  	[simem:s6], [sflag:s4] =	dma.local [hbm:s3], $0xF7A  }
0x26: {  	[smem:$0x3F6D] =	sst s1;
	(tag) =	ssettag s2;
	_ =	strace s9  }
0x27: {  	s1 =	sld [smem:$0x3F7D]  }
0x28: {  	s2 =	sld [smem:$0x3F7E]  }
0x29: {  	s4 =	sld [smem:$0x3F80]  }
0x2a: {  	p0 =	seq.s32 s5, $0x0;
	s5 =	sld [smem:$0x3F81]  }
0x2b: {  	s6 =	sld [smem:$0x3F82]  }
0x2c: {  	s7 =	sld [smem:$0x3F83]  }
0x2d: {  	s3 =	simm.s32 $0x108;
	s8 =	sld [smem:$0x3F84]  }
0x2e: {  	s3 =	simm.s32 @!p0 $0x1082;
	s9 =	sld [smem:$0x3F85]  }
0x2f: {  	lr =	sadd.s32 s0, s3;
	s0 =	sld [smem:$0x3F7C]  }
0x30: {  	s3 =	sld [smem:$0x3F7F]  }
0x31: {  	[smem:$0x3F88] =	sst s10  }
0x32: {  	s10 =	sld [smem:$0x3F86];
	_ =	sdelay $0x3  }
0x33: {  	p0 =	seq.s32 s10, $0x1;
	s10 =	sld [smem:$0x3F88];
	_ =	sdelay $0x3  }
0x34: {  	[smem:$0x3F88] =	sst s10  }
0x35: {  	s10 =	sld [smem:$0x3F87];
	_ =	sdelay $0x3  }
0x36: {  	p1 =	seq.s32 s10, $0x1;
	s10 =	sld [smem:$0x3F88];
	_ =	sdelay $0x3  }
0x37: {  	[smem:$0x3F88] =	sst s10  }
0x38: {  	s10 =	sld [smem:$0x3F89]  }
0x39: {  	_ = 	snop;
	(pc) =	sbr.ind lr, $3  }
0x3a: {  	_ = 	snop  }
0x3b: {  	_ = 	snop  }
0x3c: {  	p2 =	seq.s32 s10, $0x1;
	s10 =	sld [smem:$0x3F88]  }
0x3d: {  	_ =	shalt  }
0x3e: {  	_ =	shalt  }
0x3f: {  	_ =	shalt  }
0x40: {  	_ =	shalt  }
0x41: {  	_ =	shalt  }
0x42: {  	_ =	shalt  }
0x43: {  	_ =	shalt  }
0x44: {  	_ =	shalt  }
0x45: {  	_ =	shalt  }
0x46: {  	_ =	shalt  }
0x47: {  	_ =	shalt  }
0x48: {  	_ =	shalt  }
0x49: {  	_ =	shalt  }
0x4a: {  	_ =	shalt  }
0x4b: {  	_ =	shalt  }
0x4c: {  	_ =	shalt  }
0x4d: {  	_ =	shalt  }
0x4e: {  	_ =	shalt  }
0x4f: {  	_ =	shalt  }
0x50: {  	_ =	shalt  }
0x51: {  	_ =	shalt  }
0x52: {  	_ =	shalt  }
0x53: {  	_ =	shalt  }
0x54: {  	_ =	shalt  }
0x55: {  	_ =	shalt  }
0x56: {  	_ =	shalt  }
0x57: {  	_ =	shalt  }
0x58: {  	_ =	shalt  }
0x59: {  	_ =	shalt  }
0x5a: {  	_ =	shalt  }
0x5b: {  	_ =	shalt  }
0x5c: {  	_ =	shalt  }
0x5d: {  	_ =	shalt  }
0x5e: {  	_ =	shalt  }
0x5f: {  	_ =	shalt  }
0x60: {  	_ =	shalt  }
0x61: {  	_ =	shalt  }
0x62: {  	_ =	shalt  }
0x63: {  	_ =	shalt  }
0x64: {  	_ =	shalt  }
0x65: {  	_ =	shalt  }
0x66: {  	_ =	shalt  }
0x67: {  	_ =	shalt  }
0x68: {  	_ =	shalt  }
0x69: {  	_ =	shalt  }
0x6a: {  	_ =	shalt  }
0x6b: {  	_ =	shalt  }
0x6c: {  	_ =	shalt  }
0x6d: {  	_ =	shalt  }
0x6e: {  	_ =	shalt  }
0x6f: {  	_ =	shalt  }
0x70: {  	_ =	shalt  }
0x71: {  	_ =	shalt  }
0x72: {  	_ =	shalt  }
0x73: {  	_ =	shalt  }
0x74: {  	_ =	shalt  }
0x75: {  	_ =	shalt  }
0x76: {  	_ =	shalt  }
0x77: {  	_ =	shalt  }
0x78: {  	_ =	shalt  }
0x79: {  	_ =	shalt  }
0x7a: {  	_ =	shalt  }
0x7b: {  	_ =	shalt  }
0x7c: {  	_ =	shalt  }
0x7d: {  	_ =	shalt  }
0x7e: {  	_ =	shalt  }
0x7f: {  	_ =	shalt  }
0x80: {  	_ =	shalt  }
0x81: {  	_ =	shalt  }
0x82: {  	_ =	shalt  }
0x83: {  	_ =	shalt  }
0x84: {  	_ =	shalt  }
0x85: {  	_ =	shalt  }
0x86: {  	_ =	shalt  }
0x87: {  	_ =	shalt  }
.Lfunc_end0:
.L_simem_size_0:
called_computation.1_lowered:
.L_overlay_start_0:
0x88: {  	s2 =	sld [smem:$0x3FD9]  }
0x89: {  	s3 =	sld [smem:$0x3FFE];
	_ =	sdelay $0x1  }
0x8a: {  	s1 =	srdreg.scid  }
0x8b: {  	s0 =	sand.u32 $0x1, s1  }
0x8c: {  	s17 =	sshll.u32 s0, $0xA;
	s2 =	sadd.s32 s3, s2  }
0x8d: {  	s2 =	sadd.s32 s2, s17  }
0x8e: {  	[smem:$0x3F94] =	sst s2  }
0x8f: {  	_ = 	snop  }
0x90: {  	(tm) =	ssettm $0x1  }
0x91: {  	s18 =	sld [smem:$0x3FFB];
	_ =	sdelay $0x3  }
0x92: {  	_ =	strace s18  }
0x93: {  	s2 =	sld [smem:$0x3FFC];
	_ =	sdelay $0x3  }
0x94: {  	_ =	strace s2  }
0x95: {  	s2 =	sld [smem:$0x3FFD];
	_ =	sdelay $0x3  }
0x96: {  	_ =	strace s2  }
0x97: {  	_ =	strace $0x8FFFFFFF  }
0x98: {  	s19 =	sld [smem:$0x3FDB];
	_ =	sdelay $0x1  }
0x99: {  	s20 =	simm.s32 $_scs_section_size  }
0x9a: {  	s4 =	simm.s32 $_size__tile_overlayer_lowered;
	s5 =	simm.s32 $_tile_overlayer_lowered  }
0x9b: {  	s6 =	simm.s32 $0x1BFF;
	s21 =	sshll.u32 s5, $0x1;
	s3 =	sadd.s32 s20, s19  }
0x9c: {  	s22 =	simm.s32 $0x0;
	s4 =	sshll.u32 s4, $0x1;
	s5 =	sadd.s32 s21, s3  }
0x9d: {  	[timem:s22], [sflag:s6] =	dma.local [hbm:s5], s4  }
0x9e: {  	_ =	swait.ge [sflag:s6], s4  }
0x9f: {  	s4 =	ssub.s32 $0x0, s4;
	[sflag:s6] =	ssyncset.done $0x0  }
0xa0: {  	[sflag:s6] =	ssyncadd.s32 s4;
	_ =	sdelay $0x1  }
0xa1: {  	s23 =	simm.s32 $0x1B8B  }
0xa2: {  	_ =	swait.ge [sflag:s23], $0x1  }
0xa3: {  	[sflag:s23] =	ssyncset.done $0x0  }
0xa4: {  	[sflag:s23] =	ssyncadd.s32 $0xFFFFFFFF  }
0xa5: {  	s4 =	sld [smem:$0x0]  }
0xa6: {  	s5 =	sand.u32 $0xFFFFFFFE, s1  }
0xa7: {  	p0 =	sne.s32 s1, s5  }
0xa8: {  	s5 =	sshll.u32 @p0 s5, $0xE  }
0xa9: {  	s5 =	sadd.s32 @p0 $0x11B8D, s5;
	s6 =	sshll.u32 @p0 s4, $0x11  }
0xaa: {  	s5 =	sor.u32 @p0 s6, s5  }
0xab: {  	[sflag:s5] =	ssyncadd.remote.s32 @p0 $0x1;
	_ =	sdelay $0x1  }
0xac: {  	s5 =	simm.s32 @p0 $0x1B8D  }
0xad: {  	_ =	swait.eq @p0 [sflag:s5], $0x1  }
0xae: {  	[sflag:s5] =	ssyncadd.s32 @p0 $0xFFFFFFFF  }
0xaf: {  	s6 =	sshll.u32 @!p0 s1, $0xE  }
0xb0: {  	s6 =	sor.u32 @!p0 $0x4000, s6;
	s5 =	simm.s32 @!p0 $0x1B8D  }
0xb1: {  	s4 =	sshll.u32 @!p0 s4, $0x11;
	s6 =	sadd.s32 @!p0 $0x11B8D, s6;
	_ =	swait.eq @!p0 [sflag:s5], $0x1  }
0xb2: {  	s4 =	sor.u32 @!p0 s4, s6;
	[sflag:s5] =	ssyncadd.s32 @!p0 $0xFFFFFFFF  }
0xb3: {  	s25 =	simm.s32 $0x1B8E;
	s24 =	sld [smem:$0x3FFE];
	[sflag:s4] =	ssyncadd.remote.s32 @!p0 $0x1  }
0xb4: {  	s26 =	simm.s32 $execute0_lowered;
	[smem:$0x3FD2] =	sst s25  }
0xb5: {  	s5 =	sshll.u32 s26, $0x1;
	_ =	strace $0x8000004C;
	[dreg:$0x1] =	wrdreg $0xFFFFFFFF  }
0xb6: {  	s28 =	simm.s32 $_size_execute0_lowered;
	s3 =	sadd.s32 s3, s5;
	[dreg:$0x0] =	wrdreg $0x0  }
0xb7: {  	s5 =	sshll.u32 s28, $0x1;
	[dreg:$0x2] =	wrdreg s3  }
0xb8: {  	[dreg:$0x3] =	wrdreg s5  }
0xb9: {  	[dreg:$0x4] =	wrdreg $0xC0  }
0xba: {  	_ =	task [dreg:s22], $0x5FFFF  }
0xbb: {  	[dreg:$0x1] =	wrdreg $0xFFFFFFFF  }
0xbc: {  	[dreg:$0x0] =	wrdreg $0x60  }
0xbd: {  	[dreg:$0x2] =	wrdreg s24  }
0xbe: {  	[dreg:$0x3] =	wrdreg $0x22000  }
0xbf: {  	[dreg:$0x4] =	wrdreg $0x9  }
0xc0: {  	_ =	task.clear_ibuf [dreg:s22], $0x5FFFF;
	_ =	strace $0x9000004C  }
0xc1: {  	s29 =	simm.s32 $0x9;
	_ =	strace $0x8000004E  }
0xc2: {  	_ =	swait.ge [sflag:s29], $0x1  }
0xc3: {  	[sflag:s29] =	ssyncadd.s32 $0xFFFFFFFF  }
0xc4: {  	_ =	strace $0x9000004E  }
0xc5: {  	_ =	sfence  }
0xc6: {  	s30 =	sld [smem:$0x0];
	_ =	sdelay $0x2  }
0xc7: {  	s31 =	sshll.u32 s1, $0xD;
	s1 =	sshrl.u32 s1, $0x2  }
0xc8: {  	s4 =	sand.u32 $0x4000, s31;
	s1 =	sadd.s32 s1, s30  }
0xc9: {  	s0 =	sor.u32 s4, s0;
	s1 =	sshll.u32 s1, $0x11  }
0xca: {  	s0 =	sor.u32 s1, s0  }
0xcb: {  	s0 =	sadd.s32 $0x8F2B, s0  }
0xcc: {  	[sflag:s0] =	ssyncadd.remote.s32 $0x1  }
0xcd: {  	_ =	sfence.sel $0xFFFF  }
0xce: {  	[dreg:$0x0] =	wrdreg $0xFFFFFFFF;
	(pc) =	sbr.abs _section_cstart, $3  }
0xcf: {  	[dreg:$0x1] =	wrdreg $0xFFFFFFFF  }
0xd0: {  	_ =	task.clear_ibuf [dreg:s22], $0x2FFFF;
	_ =	strace $0x9FFFFFFF  }
0xd1: {  	(tm) =	ssettm $0x7FFFFFFF  }
tec
execute0_lowered:
.L_overlay_start_1:
0x0: {  	(tag) =	ssettag $0x1  }
0x1: {  	s13 =	rddreg [dreg:$0x0]  }
0x2: {  	s2 =	rddreg [dreg:$0x1];
	s1 =	stileid.u32  }
0x3: {  	s0 =	rddreg [dreg:$0x2];
	s3 =	simm.s32 $0x0;
	s14 =	smul.u32 $0xC380, s1  }
0x4: {  	[smem:$0x7FF] =	sst s3;
	s4 =	sadd.s32 $0x8D600, s13  }
0x5: {  	s5 =	sshll.u32 s1, $0x6;
	_ =	strace $0x8000004D;
	s6 =	sadd.s32 s14, s2  }
0x6: {  	s5 =	sor.u32 $0x1C02, s5;
	s7 =	sshrl.u32 s6, $0x3;
	s6 =	simm.s32 $0x2  }
0x7: {  	[spmem:s7], [sflag:s5] =	dma.local [hbm:s4], $0x1870  }
0x8: {  	_ =	swait.ge [sflag:s6], $0x1870  }
0x9: {  	s8 =	srdreg.scid;
	s9 =	simm.s32 $0x200;
	[sflag:s6] =	ssyncset.done $0x0  }
0xa: {  	s15 =	sand.u32 $0x1, s8;
	s8 =	sadd.s32 $0x72A00, s13;
	[sflag:s6] =	ssyncadd.s32 $0xFFFFE790  }
0xb: {  	[tilespmem:s9], [sflag:$0x2] =	stream.linear.gather [hbm4b:s8+s3], $0x2000, $0x38;
	[tilespmem:$0xE580] =	vst v63  }
0xc: {  	s11 =	sshll.u32 s1, $0x7;
	s10 =	sshll.u32 s15, $0xB;
	_ =	swait.ge [sflag:s6], $0x2000  }
0xd: {  	s10 =	sor.u32 s11, s10;
	[sflag:s6] =	ssyncset.done $0x0  }
0xe: {  	s12 =	sadd.s32 s10, s13;
	[sflag:s6] =	ssyncadd.s32 $0xFFFFE000  }
0xf: {  	s10 =	sadd.s32 $0x8B600, s12;
	[bflag:$0x0] =	sbarrier.arrive $0xFFFF  }
0x10: {  	[tilespmem:s3], [sflag:$0x2] =	stream.linear.gather [hbm4b:s10+s3], $0x200, $0x38;
	[tilespmem:$0xE580] =	vst v63  }
0x11: {  	_ =	swait.ge [sflag:s6], $0x200  }
0x12: {  	[sflag:s6] =	ssyncset.done $0x0  }
0x13: {  	s11 =	simm.s32 $0x1;
	[sflag:s6] =	ssyncadd.s32 $0xFFFFFE00  }
0x14: {  	[spmem:s2] =	stream.indirect.scatter.add.f32 [tilespmem:s9], [sflag:$0x1], $0x10, s3, s9, $0xb8;
	[tilespmem:$0xE580] =	vst v63  }
0x15: {  	_ =	swait.ge [sflag:s11], $0x2000  }
0x16: {  	[sflag:s11] =	ssyncset.done $0x0  }
0x17: {  	s16 =	smul.u32 $0xC3800, s15;
	s12 =	sadd.s32 $0x8B640, s12;
	[sflag:s11] =	ssyncadd.s32 $0xFFFFE000  }
0x18: {  	[tilespmem:s3], [sflag:$0x2] =	stream.linear.gather [hbm4b:s12+s3], $0x200, $0x38;
	[tilespmem:$0xE580] =	vst v63  }
0x19: {  	s15 =	ssub.s32 $0x2, s15;
	_ =	swait.ge [sflag:s6], $0x200  }
0x1a: {  	s30 =	sshrl.u32 s15, $0x1;
	s14 =	sadd.s32 s14, s16;
	[sflag:s6] =	ssyncset.done $0x0  }
0x1b: {  	s31 =	ssub.s32 s15, s30;
	s14 =	sshrl.u32 s14, $0x3;
	[sflag:s6] =	ssyncadd.s32 $0xFFFFFE00  }
0x1c: {  	[spmem:s2] =	stream.indirect.scatter.add.f32 [tilespmem:s9], [sflag:$0x1], $0x10, s3, s9, $0xb8;
	[tilespmem:$0xE580] =	vst v63  }
0x1d: {  	s13 =	sadd.s32 s14, s13;
	s14 =	smax.u32 s31, $0x1;
	_ =	swait.ge [sflag:s11], $0x2000  }
0x1e: {  	p0 =	sne.s32 s14, $0x1;
	[sflag:s11] =	ssyncset.done $0x0  }
.Ltmp0:
0x1f: {  	[sflag:s11] =	ssyncadd.s32 $0xFFFFE000;
	(pc) =	sbr.rel @!p0 .LBB2_2-.Ltmp0, $4  }
0x20: {  	s13 =	sadd.s32 $0x8F000, s13;
	[bflag:$0x0] =	sbarrier.arrive $0xFFFF  }
0x21: {  	[hbm:s13], [sflag:s5] =	dma.local [spmem:s7], $0x1870  }
0x22: {  	_ =	swait.ge [sflag:s6], $0x1870  }
0x23: {  	s14 =	sadd.s32 $0xFFFFFFFF, s14;
	[sflag:s6] =	ssyncset.done $0x0  }
.LBB2_1:
0x24: {  	p0 =	sne.s32 s14, $0x1;
	s14 =	sadd.s32 $0xFFFFFFFF, s14;
	[sflag:s6] =	ssyncadd.s32 $0xFFFFE790  }
0x25: {  	[spmem:s7], [sflag:s5] =	dma.local [hbm:s4], $0x1870  }
0x26: {  	_ =	swait.ge [sflag:s6], $0x1870  }
0x27: {  	[sflag:s6] =	ssyncset.done $0x0  }
0x28: {  	[sflag:s6] =	ssyncadd.s32 $0xFFFFE790  }
0x29: {  	[tilespmem:s9], [sflag:$0x2] =	stream.linear.gather [hbm4b:s8+s3], $0x2000, $0x38;
	[tilespmem:$0xE580] =	vst v63  }
0x2a: {  	_ =	swait.ge [sflag:s6], $0x2000  }
0x2b: {  	[sflag:s6] =	ssyncset.done $0x0  }
0x2c: {  	[sflag:s6] =	ssyncadd.s32 $0xFFFFE000  }
0x2d: {  	[bflag:$0x0] =	sbarrier.arrive $0xFFFF  }
0x2e: {  	[tilespmem:s3], [sflag:$0x2] =	stream.linear.gather [hbm4b:s10+s3], $0x200, $0x38;
	[tilespmem:$0xE580] =	vst v63  }
0x2f: {  	_ =	swait.ge [sflag:s6], $0x200  }
0x30: {  	[sflag:s6] =	ssyncset.done $0x0  }
0x31: {  	[sflag:s6] =	ssyncadd.s32 $0xFFFFFE00  }
0x32: {  	[spmem:s2] =	stream.indirect.scatter.add.f32 [tilespmem:s9], [sflag:$0x1], $0x10, s3, s9, $0xb8;
	[tilespmem:$0xE580] =	vst v63  }
0x33: {  	_ =	swait.ge [sflag:s11], $0x2000  }
0x34: {  	[sflag:s11] =	ssyncset.done $0x0  }
0x35: {  	[sflag:s11] =	ssyncadd.s32 $0xFFFFE000  }
0x36: {  	[tilespmem:s3], [sflag:$0x2] =	stream.linear.gather [hbm4b:s12+s3], $0x200, $0x38;
	[tilespmem:$0xE580] =	vst v63  }
0x37: {  	_ =	swait.ge [sflag:s6], $0x200  }
0x38: {  	[sflag:s6] =	ssyncset.done $0x0  }
0x39: {  	[sflag:s6] =	ssyncadd.s32 $0xFFFFFE00  }
0x3a: {  	[spmem:s2] =	stream.indirect.scatter.add.f32 [tilespmem:s9], [sflag:$0x1], $0x10, s3, s9, $0xb8;
	[tilespmem:$0xE580] =	vst v63  }
0x3b: {  	_ =	swait.ge [sflag:s11], $0x2000  }
0x3c: {  	[sflag:s11] =	ssyncset.done $0x0  }
.Ltmp1:
0x3d: {  	[sflag:s11] =	ssyncadd.s32 $0xFFFFE000;
	(pc) =	sbr.rel @p0 .LBB2_1-.Ltmp1, $4  }
0x3e: {  	[bflag:$0x0] =	sbarrier.arrive $0xFFFF  }
0x3f: {  	[hbm:s13], [sflag:s5] =	dma.local [spmem:s7], $0x1870  }
0x40: {  	_ =	swait.ge [sflag:s6], $0x1870  }
0x41: {  	[sflag:s6] =	ssyncset.done $0x0  }
.LBB2_2:
0x42: {  	[sflag:s6] =	ssyncadd.s32 $0xFFFFE790  }
0x43: {  	_ =	sfence.sel $0x180000  }
0x44: {  	[bflag:$0x0] =	sbarrier.arrive $0xFFFF  }
0x45: {  	p0 =	sne.s32 s1, $0x0;
	_ =	strace $0x9000004D  }
0x46: {  	s0 =	sadd.s32 @!p0 $0x100000, s0;
	[bflag:$0x2] =	sbarrier.arrive $0xFFFF  }
0x47: {  	[sflag:s0] =	ssyncadd.tile.s32 @!p0 $0x1;
	_ =	shalt  }
.Lfunc_end2:
_tile_overlayer_lowered:
.L_overlay_start_2:
0x48: {  	(tag) =	ssettag $0x2  }
0x49: {  	s0 =	rddreg [dreg:$0x0];
	s2 =	stileid.u32  }
0x4a: {  	s1 =	rddreg [dreg:$0x1];
	p0 =	sne.s32 s2, $0x0  }
0x4b: {  	s3 =	rddreg [dreg:$0x2];
	[bflag:$0x3] =	sbarrier.arrive $0xFFFF;
	s2 =	simm.s32 @!p0 $0x1C02  }
0x4c: {  	[timem:s3], [sflag:s2] =	dma.local @!p0 [hbm:s0], s1  }
0x4d: {  	s0 =	simm.s32 @!p0 $0x2  }
0x4e: {  	_ =	swait.ge @!p0 [sflag:s0], s1  }
0x4f: {  	s1 =	ssub.s32 @!p0 $0x0, s1;
	[sflag:s0] =	ssyncset.done @!p0 $0x0  }
0x50: {  	[sflag:s0] =	ssyncadd.s32 @!p0 s1  }
0x51: {  	[bflag:$0x3] =	sbarrier.arrive $0xFFFF  }
0x52: {  	_ =	shalt  }

// kernel: kernel.52.cloned.1.call-start
scs
__scs_entry_jumppad:
0x0: {  	(pc) =	sbr.rel $0x88, $3  }
0x1: {  	(tag) =	ssettag $0x0;
	lr =	simm.s32 $0x1  }
0x2: {  	[smem:$0x3F6D] =	sst lr;
	_ =	strace $0xD0000000  }
0x3: {  	_ = 	snop  }
0x4: {  	_ = 	snop  }
0x5: {  	_ = 	snop  }
0x6: {  	_ = 	snop  }
0x7: {  	_ = 	snop  }
__scs_overlays_trampoline_lowered:
0x8: {  	[smem:$0x3F7C] =	sst s0  }
0x9: {  	[smem:$0x3F7D] =	sst s1  }
0xa: {  	[smem:$0x3F7E] =	sst s2  }
0xb: {  	[smem:$0x3F7F] =	sst s3  }
0xc: {  	[smem:$0x3F80] =	sst s4  }
0xd: {  	[smem:$0x3F81] =	sst s5  }
0xe: {  	[smem:$0x3F82] =	sst s6  }
0xf: {  	[smem:$0x3F83] =	sst s7  }
0x10: {  	[smem:$0x3F84] =	sst s8  }
0x11: {  	[smem:$0x3F85] =	sst s9;
	s0 =	simm.s32 @!p0 $0x0  }
0x12: {  	s1 =	sld [smem:$0x3F6B];
	s0 =	simm.s32 @p0 $0x1  }
0x13: {  	[smem:$0x3F86] =	sst s0;
	s0 =	simm.s32 @!p1 $0x0  }
0x14: {  	s2 =	sld [smem:$0x3F6A];
	s0 =	simm.s32 @p1 $0x1  }
0x15: {  	[smem:$0x3F87] =	sst s0;
	s0 =	simm.s32 @!p2 $0x0  }
0x16: {  	s3 =	sld [smem:$0x3FDB];
	s0 =	simm.s32 @p2 $0x1  }
0x17: {  	s4 =	simm.s32 $0x1BF5;
	[smem:$0x3F89] =	sst s0  }
0x18: {  	s0 =	sld [smem:$0x3F6C];
	_ =	swait.ge [sflag:s4], $0x0  }
0x19: {  	s7 =	sld [smem:$0x3F6D]  }
0x1a: {  	s8 =	sadd.s32 $0xFFFFE003, lr  }
0x1b: {  	s9 =	sadd.s32 $0xFFFFFEF7, lr;
	s5 =	simm.s32 $0xFFFFFFFF;
	p2 =	slt.u32 s8, $0xFFFFF086  }
0x1c: {  	p1 =	slt.u32 s9, $0xF7A;
	s5 =	simm.s32 @!p2 $0x0  }
0x1d: {  	s5 =	simm.s32 @p1 $0x1;
	p0 =	seq.s32 s7, s2  }
0x1e: {  	s7 =	smul.u32 @!p0 $0xF7A, s2;
	p2 =	seq.s32 @!p0 s5, $0x0  }
0x1f: {  	s9 =	smul.u32 $0xF7A, s1;
	s8 =	simm.s32 @!p0 $0x1BF5;
	p2 =	por !p2, p0  }
0x20: {  	[sflag:s8] =	ssyncset.s32 @!p0 $0xFFFFF086;
	s6 =	sadd.s32 @!p0 s3, s7;
	s7 =	simm.s32 @!p0 $0x108  }
0x21: {  	s3 =	sadd.s32 s3, s9;
	s6 =	sadd.s32 @!p0 $0x88, s6;
	s7 =	simm.s32 @p2 $0x1082  }
0x22: {  	[simem:s7], [sflag:s8] =	dma.local @!p0 [hbm:s6], $0xF7A  }
0x23: {  	s9 =	sor.u32 $0xD0000000, s2;
	s6 =	simm.s32 $0x108;
	_ =	swait.ge @!p0 [sflag:s8], $0x0  }
0x24: {  	s3 =	sadd.s32 $0x88, s3;
	s6 =	simm.s32 @!p1 $0x1082;
	[sflag:s4] =	ssyncset.s32 $0xFFFFF086  }
0x25: {  	[simem:s6], [sflag:s4] =	dma.local [hbm:s3], $0xF7A  }
0x26: {  	[smem:$0x3F6D] =	sst s1;
	(tag) =	ssettag s2;
	_ =	strace s9  }
0x27: {  	s1 =	sld [smem:$0x3F7D]  }
0x28: {  	s2 =	sld [smem:$0x3F7E]  }
0x29: {  	s4 =	sld [smem:$0x3F80]  }
0x2a: {  	p0 =	seq.s32 s5, $0x0;
	s5 =	sld [smem:$0x3F81]  }
0x2b: {  	s6 =	sld [smem:$0x3F82]  }
0x2c: {  	s7 =	sld [smem:$0x3F83]  }
0x2d: {  	s3 =	simm.s32 $0x108;
	s8 =	sld [smem:$0x3F84]  }
0x2e: {  	s3 =	simm.s32 @!p0 $0x1082;
	s9 =	sld [smem:$0x3F85]  }
0x2f: {  	lr =	sadd.s32 s0, s3;
	s0 =	sld [smem:$0x3F7C]  }
0x30: {  	s3 =	sld [smem:$0x3F7F]  }
0x31: {  	[smem:$0x3F88] =	sst s10  }
0x32: {  	s10 =	sld [smem:$0x3F86];
	_ =	sdelay $0x3  }
0x33: {  	p0 =	seq.s32 s10, $0x1;
	s10 =	sld [smem:$0x3F88];
	_ =	sdelay $0x3  }
0x34: {  	[smem:$0x3F88] =	sst s10  }
0x35: {  	s10 =	sld [smem:$0x3F87];
	_ =	sdelay $0x3  }
0x36: {  	p1 =	seq.s32 s10, $0x1;
	s10 =	sld [smem:$0x3F88];
	_ =	sdelay $0x3  }
0x37: {  	[smem:$0x3F88] =	sst s10  }
0x38: {  	s10 =	sld [smem:$0x3F89]  }
0x39: {  	_ = 	snop;
	(pc) =	sbr.ind lr, $3  }
0x3a: {  	_ = 	snop  }
0x3b: {  	_ = 	snop  }
0x3c: {  	p2 =	seq.s32 s10, $0x1;
	s10 =	sld [smem:$0x3F88]  }
0x3d: {  	_ =	shalt  }
0x3e: {  	_ =	shalt  }
0x3f: {  	_ =	shalt  }
0x40: {  	_ =	shalt  }
0x41: {  	_ =	shalt  }
0x42: {  	_ =	shalt  }
0x43: {  	_ =	shalt  }
0x44: {  	_ =	shalt  }
0x45: {  	_ =	shalt  }
0x46: {  	_ =	shalt  }
0x47: {  	_ =	shalt  }
0x48: {  	_ =	shalt  }
0x49: {  	_ =	shalt  }
0x4a: {  	_ =	shalt  }
0x4b: {  	_ =	shalt  }
0x4c: {  	_ =	shalt  }
0x4d: {  	_ =	shalt  }
0x4e: {  	_ =	shalt  }
0x4f: {  	_ =	shalt  }
0x50: {  	_ =	shalt  }
0x51: {  	_ =	shalt  }
0x52: {  	_ =	shalt  }
0x53: {  	_ =	shalt  }
0x54: {  	_ =	shalt  }
0x55: {  	_ =	shalt  }
0x56: {  	_ =	shalt  }
0x57: {  	_ =	shalt  }
0x58: {  	_ =	shalt  }
0x59: {  	_ =	shalt  }
0x5a: {  	_ =	shalt  }
0x5b: {  	_ =	shalt  }
0x5c: {  	_ =	shalt  }
0x5d: {  	_ =	shalt  }
0x5e: {  	_ =	shalt  }
0x5f: {  	_ =	shalt  }
0x60: {  	_ =	shalt  }
0x61: {  	_ =	shalt  }
0x62: {  	_ =	shalt  }
0x63: {  	_ =	shalt  }
0x64: {  	_ =	shalt  }
0x65: {  	_ =	shalt  }
0x66: {  	_ =	shalt  }
0x67: {  	_ =	shalt  }
0x68: {  	_ =	shalt  }
0x69: {  	_ =	shalt  }
0x6a: {  	_ =	shalt  }
0x6b: {  	_ =	shalt  }
0x6c: {  	_ =	shalt  }
0x6d: {  	_ =	shalt  }
0x6e: {  	_ =	shalt  }
0x6f: {  	_ =	shalt  }
0x70: {  	_ =	shalt  }
0x71: {  	_ =	shalt  }
0x72: {  	_ =	shalt  }
0x73: {  	_ =	shalt  }
0x74: {  	_ =	shalt  }
0x75: {  	_ =	shalt  }
0x76: {  	_ =	shalt  }
0x77: {  	_ =	shalt  }
0x78: {  	_ =	shalt  }
0x79: {  	_ =	shalt  }
0x7a: {  	_ =	shalt  }
0x7b: {  	_ =	shalt  }
0x7c: {  	_ =	shalt  }
0x7d: {  	_ =	shalt  }
0x7e: {  	_ =	shalt  }
0x7f: {  	_ =	shalt  }
0x80: {  	_ =	shalt  }
0x81: {  	_ =	shalt  }
0x82: {  	_ =	shalt  }
0x83: {  	_ =	shalt  }
0x84: {  	_ =	shalt  }
0x85: {  	_ =	shalt  }
0x86: {  	_ =	shalt  }
0x87: {  	_ =	shalt  }
.Lfunc_end0:
.L_simem_size_0:
called_computation.2_lowered:
.L_overlay_start_0:
0x88: {  	s2 =	sld [smem:$0x3FD9]  }
0x89: {  	s3 =	sld [smem:$0x3FFE];
	_ =	sdelay $0x1  }
0x8a: {  	s1 =	srdreg.scid  }
0x8b: {  	s0 =	sand.u32 $0x1, s1  }
0x8c: {  	s17 =	sshll.u32 s0, $0xA;
	s2 =	sadd.s32 s3, s2  }
0x8d: {  	s2 =	sadd.s32 s2, s17  }
0x8e: {  	[smem:$0x3F94] =	sst s2  }
0x8f: {  	_ = 	snop  }
0x90: {  	(tm) =	ssettm $0x1  }
0x91: {  	s18 =	sld [smem:$0x3FFB];
	_ =	sdelay $0x3  }
0x92: {  	_ =	strace s18  }
0x93: {  	s2 =	sld [smem:$0x3FFC];
	_ =	sdelay $0x3  }
0x94: {  	_ =	strace s2  }
0x95: {  	s2 =	sld [smem:$0x3FFD];
	_ =	sdelay $0x3  }
0x96: {  	_ =	strace s2  }
0x97: {  	_ =	strace $0x8FFFFFFF  }
0x98: {  	s19 =	sld [smem:$0x3FDB];
	_ =	sdelay $0x1  }
0x99: {  	s20 =	simm.s32 $_scs_section_size  }
0x9a: {  	s4 =	simm.s32 $_size__tile_overlayer_lowered;
	s5 =	simm.s32 $_tile_overlayer_lowered  }
0x9b: {  	s6 =	simm.s32 $0x1BFF;
	s21 =	sshll.u32 s5, $0x1;
	s3 =	sadd.s32 s20, s19  }
0x9c: {  	s22 =	simm.s32 $0x0;
	s4 =	sshll.u32 s4, $0x1;
	s5 =	sadd.s32 s21, s3  }
0x9d: {  	[timem:s22], [sflag:s6] =	dma.local [hbm:s5], s4  }
0x9e: {  	_ =	swait.ge [sflag:s6], s4  }
0x9f: {  	s4 =	ssub.s32 $0x0, s4;
	[sflag:s6] =	ssyncset.done $0x0  }
0xa0: {  	[sflag:s6] =	ssyncadd.s32 s4;
	_ =	sdelay $0x1  }
0xa1: {  	s23 =	simm.s32 $0x1B8B  }
0xa2: {  	_ =	swait.ge [sflag:s23], $0x1  }
0xa3: {  	[sflag:s23] =	ssyncset.done $0x0  }
0xa4: {  	[sflag:s23] =	ssyncadd.s32 $0xFFFFFFFF  }
0xa5: {  	s4 =	sld [smem:$0x0]  }
0xa6: {  	s5 =	sand.u32 $0xFFFFFFFE, s1  }
0xa7: {  	p0 =	sne.s32 s1, s5  }
0xa8: {  	s5 =	sshll.u32 @p0 s5, $0xE  }
0xa9: {  	s5 =	sadd.s32 @p0 $0x11B8D, s5;
	s6 =	sshll.u32 @p0 s4, $0x11  }
0xaa: {  	s5 =	sor.u32 @p0 s6, s5  }
0xab: {  	[sflag:s5] =	ssyncadd.remote.s32 @p0 $0x1;
	_ =	sdelay $0x1  }
0xac: {  	s5 =	simm.s32 @p0 $0x1B8D  }
0xad: {  	_ =	swait.eq @p0 [sflag:s5], $0x1  }
0xae: {  	[sflag:s5] =	ssyncadd.s32 @p0 $0xFFFFFFFF  }
0xaf: {  	s6 =	sshll.u32 @!p0 s1, $0xE  }
0xb0: {  	s6 =	sor.u32 @!p0 $0x4000, s6;
	s5 =	simm.s32 @!p0 $0x1B8D  }
0xb1: {  	s4 =	sshll.u32 @!p0 s4, $0x11;
	s6 =	sadd.s32 @!p0 $0x11B8D, s6;
	_ =	swait.eq @!p0 [sflag:s5], $0x1  }
0xb2: {  	s4 =	sor.u32 @!p0 s4, s6;
	[sflag:s5] =	ssyncadd.s32 @!p0 $0xFFFFFFFF  }
0xb3: {  	s25 =	simm.s32 $0x1B8E;
	s24 =	sld [smem:$0x3FFE];
	[sflag:s4] =	ssyncadd.remote.s32 @!p0 $0x1  }
0xb4: {  	s26 =	simm.s32 $execute0_lowered;
	[smem:$0x3FD2] =	sst s25  }
0xb5: {  	s5 =	sshll.u32 s26, $0x1;
	_ =	strace $0x80000052;
	[dreg:$0x1] =	wrdreg $0xFFFFFFFF  }
0xb6: {  	s28 =	simm.s32 $_size_execute0_lowered;
	s3 =	sadd.s32 s3, s5;
	[dreg:$0x0] =	wrdreg $0x0  }
0xb7: {  	s5 =	sshll.u32 s28, $0x1;
	[dreg:$0x2] =	wrdreg s3  }
0xb8: {  	[dreg:$0x3] =	wrdreg s5  }
0xb9: {  	[dreg:$0x4] =	wrdreg $0xC0  }
0xba: {  	_ =	task [dreg:s22], $0x5FFFF  }
0xbb: {  	[dreg:$0x1] =	wrdreg $0xFFFFFFFF  }
0xbc: {  	[dreg:$0x0] =	wrdreg $0x60  }
0xbd: {  	[dreg:$0x2] =	wrdreg s24  }
0xbe: {  	[dreg:$0x3] =	wrdreg $0x22000  }
0xbf: {  	[dreg:$0x4] =	wrdreg $0xA  }
0xc0: {  	_ =	task.clear_ibuf [dreg:s22], $0x5FFFF;
	_ =	strace $0x90000052  }
0xc1: {  	s29 =	simm.s32 $0xA;
	_ =	strace $0x80000054  }
0xc2: {  	_ =	swait.ge [sflag:s29], $0x1  }
0xc3: {  	[sflag:s29] =	ssyncadd.s32 $0xFFFFFFFF  }
0xc4: {  	_ =	strace $0x90000054  }
0xc5: {  	_ =	sfence  }
0xc6: {  	s30 =	sld [smem:$0x0];
	_ =	sdelay $0x2  }
0xc7: {  	s31 =	sshll.u32 s1, $0xD;
	s1 =	sshrl.u32 s1, $0x2  }
0xc8: {  	s4 =	sand.u32 $0x4000, s31;
	s1 =	sadd.s32 s1, s30  }
0xc9: {  	s0 =	sor.u32 s4, s0;
	s1 =	sshll.u32 s1, $0x11  }
0xca: {  	s0 =	sor.u32 s1, s0  }
0xcb: {  	s0 =	sadd.s32 $0x8F2B, s0  }
0xcc: {  	[sflag:s0] =	ssyncadd.remote.s32 $0x1  }
0xcd: {  	_ =	sfence.sel $0xFFFF  }
0xce: {  	[dreg:$0x0] =	wrdreg $0xFFFFFFFF;
	(pc) =	sbr.abs _section_cstart, $3  }
0xcf: {  	[dreg:$0x1] =	wrdreg $0xFFFFFFFF  }
0xd0: {  	_ =	task.clear_ibuf [dreg:s22], $0x2FFFF;
	_ =	strace $0x9FFFFFFF  }
0xd1: {  	(tm) =	ssettm $0x7FFFFFFF  }
tec
execute0_lowered:
.L_overlay_start_1:
0x0: {  	(tag) =	ssettag $0x1  }
0x1: {  	s6 =	rddreg [dreg:$0x0];
	s1 =	srdreg.scid  }
0x2: {  	s0 =	stileid.u32;
	s2 =	rddreg [dreg:$0x1];
	s3 =	simm.s32 $0x0  }
0x3: {  	s7 =	sand.u32 $0x1, s1;
	s8 =	smul.u32 $0xC380, s0;
	s1 =	rddreg [dreg:$0x2]  }
0x4: {  	[smem:$0x7FF] =	sst s3;
	s4 =	smul.u32 $0xC3800, s7  }
0x5: {  	s11 =	sshll.u32 s0, $0x6;
	s5 =	smul.u32 $0xC400, s7;
	s30 =	ssub.s32 $0x2, s7  }
0x6: {  	s12 =	smul.u32 $0xC40, s0;
	_ =	strace $0x80000053;
	s7 =	sshrl.u32 s30, $0x1  }
0x7: {  	s14 =	sadd.s32 s8, s2;
	s9 =	sadd.s32 s8, s4;
	s10 =	sadd.s32 s5, s6  }
0x8: {  	s4 =	sadd.s32 $0x8D600, s6;
	s5 =	sadd.s32 $0x72A00, s6;
	s13 =	ssub.s32 s30, s7  }
0x9: {  	s9 =	sshrl.u32 s9, $0x3;
	s8 =	smax.u32 s13, $0x1;
	s31 =	sadd.s32 s12, s10  }
0xa: {  	s10 =	sshrl.u32 s14, $0x3;
	s12 =	simm.s32 $0x200;
	s13 =	simm.s32 $0x1  }
0xb: {  	s14 =	simm.s32 $0x0;
	s9 =	sadd.s32 s9, s6;
	s6 =	sor.u32 $0x1C02, s11  }
0xc: {  	s11 =	simm.s32 $0x2;
	s7 =	sadd.s32 $0x1F3C00, s9;
	s9 =	sadd.s32 $0x72E00, s31  }
.LBB2_1:
0xd: {  	[spmem:s10], [sflag:s6] =	dma.local [hbm:s4], $0x1870  }
0xe: {  	_ =	swait.ge [sflag:s11], $0x1870  }
0xf: {  	[sflag:s11] =	ssyncset.done $0x0  }
0x10: {  	[sflag:s11] =	ssyncadd.s32 $0xFFFFE790  }
0x11: {  	[tilespmem:s12], [sflag:$0x2] =	stream.linear.gather [hbm4b:s5+s3], $0x2000, $0x38;
	[tilespmem:$0xE580] =	vst v63  }
0x12: {  	_ =	swait.ge [sflag:s11], $0x2000  }
0x13: {  	[sflag:s11] =	ssyncset.done $0x0  }
0x14: {  	[sflag:s11] =	ssyncadd.s32 $0xFFFFE000  }
0x15: {  	s15 =	sadd.s32 $0x0, s9;
	[bflag:$0x0] =	sbarrier.arrive $0xFFFF  }
0x16: {  	[tilespmem:s3], [sflag:$0x2] =	stream.linear.gather [hbm4b:s15+s3], $0x200, $0x38;
	[tilespmem:$0xE580] =	vst v63  }
0x17: {  	_ =	swait.ge [sflag:s11], $0x200  }
0x18: {  	[sflag:s11] =	ssyncset.done $0x0  }
0x19: {  	[sflag:s11] =	ssyncadd.s32 $0xFFFFFE00  }
0x1a: {  	[spmem:s2] =	stream.indirect.scatter.add.f32 [tilespmem:s12], [sflag:$0x1], $0x10, s3, s12, $0xb8;
	[tilespmem:$0xE580] =	vst v63  }
0x1b: {  	_ =	swait.ge [sflag:s13], $0x2000  }
0x1c: {  	s16 =	simm.s32 $0x80;
	s15 =	simm.s32 $0x40;
	[sflag:s13] =	ssyncset.done $0x0  }
.LBB2_2:
0x1d: {  	s17 =	sadd.s32 s15, s9  }
0x1e: {  	[sflag:s13] =	ssyncadd.s32 $0xFFFFE000;
	s15 =	smov.u32 s16;
	s18 =	sadd.s32 $0x40, s16  }
0x1f: {  	[tilespmem:s3], [sflag:$0x2] =	stream.linear.gather [hbm4b:s17+s3], $0x200, $0x38;
	[tilespmem:$0xE580] =	vst v63  }
0x20: {  	p0 =	sne.s32 s16, $0xC00;
	_ =	swait.ge [sflag:s11], $0x200  }
.Ltmp0:
0x21: {  	[sflag:s11] =	ssyncset.done $0x0;
	(pc) =	sbr.rel @p0 .LBB2_2-.Ltmp0, $4  }
0x22: {  	[sflag:s11] =	ssyncadd.s32 $0xFFFFFE00  }
0x23: {  	[spmem:s2] =	stream.indirect.scatter.add.f32 [tilespmem:s12], [sflag:$0x1], $0x10, s3, s12, $0xb8;
	[tilespmem:$0xE580] =	vst v63  }
0x24: {  	_ =	swait.ge [sflag:s13], $0x2000  }
0x25: {  	s16 =	smov.u32 s18;
	[sflag:s13] =	ssyncset.done $0x0  }
0x26: {  	s15 =	sadd.s32 s15, s9;
	[sflag:s13] =	ssyncadd.s32 $0xFFFFE000  }
0x27: {  	[tilespmem:s3], [sflag:$0x2] =	stream.linear.gather [hbm4b:s15+s3], $0x200, $0x38;
	[tilespmem:$0xE580] =	vst v63  }
0x28: {  	_ =	swait.ge [sflag:s11], $0x200  }
0x29: {  	[sflag:s11] =	ssyncset.done $0x0  }
0x2a: {  	[sflag:s11] =	ssyncadd.s32 $0xFFFFFE00  }
0x2b: {  	[spmem:s2] =	stream.indirect.scatter.add.f32 [tilespmem:s12], [sflag:$0x1], $0x10, s3, s12, $0xb8;
	[tilespmem:$0xE580] =	vst v63  }
0x2c: {  	_ =	swait.ge [sflag:s13], $0x2000  }
0x2d: {  	s14 =	sadd.s32 $0x1, s14;
	[sflag:s13] =	ssyncset.done $0x0  }
0x2e: {  	p0 =	sne.s32 s14, s8;
	[sflag:s13] =	ssyncadd.s32 $0xFFFFE000  }
.Ltmp1:
0x2f: {  	[bflag:$0x0] =	sbarrier.arrive $0xFFFF;
	(pc) =	sbr.rel @p0 .LBB2_1-.Ltmp1, $4  }
0x30: {  	[hbm:s7], [sflag:s6] =	dma.local [spmem:s10], $0x1870  }
0x31: {  	_ =	swait.ge [sflag:s11], $0x1870  }
0x32: {  	[sflag:s11] =	ssyncset.done $0x0  }
0x33: {  	[sflag:s11] =	ssyncadd.s32 $0xFFFFE790  }
0x34: {  	_ =	sfence.sel $0x180000  }
0x35: {  	[bflag:$0x0] =	sbarrier.arrive $0xFFFF  }
0x36: {  	p0 =	sne.s32 s0, $0x0;
	_ =	strace $0x90000053  }
0x37: {  	s0 =	sadd.s32 @!p0 $0x100000, s1;
	[bflag:$0x2] =	sbarrier.arrive $0xFFFF  }
0x38: {  	[sflag:s0] =	ssyncadd.tile.s32 @!p0 $0x1;
	_ =	shalt  }
.Lfunc_end2:
_tile_overlayer_lowered:
.L_overlay_start_2:
0x39: {  	(tag) =	ssettag $0x2  }
0x3a: {  	s0 =	rddreg [dreg:$0x0];
	s2 =	stileid.u32  }
0x3b: {  	s1 =	rddreg [dreg:$0x1];
	p0 =	sne.s32 s2, $0x0  }
0x3c: {  	s3 =	rddreg [dreg:$0x2];
	[bflag:$0x3] =	sbarrier.arrive $0xFFFF;
	s2 =	simm.s32 @!p0 $0x1C02  }
0x3d: {  	[timem:s3], [sflag:s2] =	dma.local @!p0 [hbm:s0], s1  }
0x3e: {  	s0 =	simm.s32 @!p0 $0x2  }
0x3f: {  	_ =	swait.ge @!p0 [sflag:s0], s1  }
0x40: {  	s1 =	ssub.s32 @!p0 $0x0, s1;
	[sflag:s0] =	ssyncset.done @!p0 $0x0  }
0x41: {  	[sflag:s0] =	ssyncadd.s32 @!p0 s1  }
0x42: {  	[bflag:$0x3] =	sbarrier.arrive $0xFFFF  }
0x43: {  	_ =	shalt  }

// kernel: kernel.55.cloned.1.call-start
scs
__scs_entry_jumppad:
0x0: {  	(pc) =	sbr.rel $0x88, $3  }
0x1: {  	(tag) =	ssettag $0x0;
	lr =	simm.s32 $0x1  }
0x2: {  	[smem:$0x3F6D] =	sst lr;
	_ =	strace $0xD0000000  }
0x3: {  	_ = 	snop  }
0x4: {  	_ = 	snop  }
0x5: {  	_ = 	snop  }
0x6: {  	_ = 	snop  }
0x7: {  	_ = 	snop  }
__scs_overlays_trampoline_lowered:
0x8: {  	[smem:$0x3F7C] =	sst s0  }
0x9: {  	[smem:$0x3F7D] =	sst s1  }
0xa: {  	[smem:$0x3F7E] =	sst s2  }
0xb: {  	[smem:$0x3F7F] =	sst s3  }
0xc: {  	[smem:$0x3F80] =	sst s4  }
0xd: {  	[smem:$0x3F81] =	sst s5  }
0xe: {  	[smem:$0x3F82] =	sst s6  }
0xf: {  	[smem:$0x3F83] =	sst s7  }
0x10: {  	[smem:$0x3F84] =	sst s8  }
0x11: {  	[smem:$0x3F85] =	sst s9;
	s0 =	simm.s32 @!p0 $0x0  }
0x12: {  	s1 =	sld [smem:$0x3F6B];
	s0 =	simm.s32 @p0 $0x1  }
0x13: {  	[smem:$0x3F86] =	sst s0;
	s0 =	simm.s32 @!p1 $0x0  }
0x14: {  	s2 =	sld [smem:$0x3F6A];
	s0 =	simm.s32 @p1 $0x1  }
0x15: {  	[smem:$0x3F87] =	sst s0;
	s0 =	simm.s32 @!p2 $0x0  }
0x16: {  	s3 =	sld [smem:$0x3FDB];
	s0 =	simm.s32 @p2 $0x1  }
0x17: {  	s4 =	simm.s32 $0x1BF5;
	[smem:$0x3F89] =	sst s0  }
0x18: {  	s0 =	sld [smem:$0x3F6C];
	_ =	swait.ge [sflag:s4], $0x0  }
0x19: {  	s7 =	sld [smem:$0x3F6D]  }
0x1a: {  	s8 =	sadd.s32 $0xFFFFE003, lr  }
0x1b: {  	s9 =	sadd.s32 $0xFFFFFEF7, lr;
	s5 =	simm.s32 $0xFFFFFFFF;
	p2 =	slt.u32 s8, $0xFFFFF086  }
0x1c: {  	p1 =	slt.u32 s9, $0xF7A;
	s5 =	simm.s32 @!p2 $0x0  }
0x1d: {  	s5 =	simm.s32 @p1 $0x1;
	p0 =	seq.s32 s7, s2  }
0x1e: {  	s7 =	smul.u32 @!p0 $0xF7A, s2;
	p2 =	seq.s32 @!p0 s5, $0x0  }
0x1f: {  	s9 =	smul.u32 $0xF7A, s1;
	s8 =	simm.s32 @!p0 $0x1BF5;
	p2 =	por !p2, p0  }
0x20: {  	[sflag:s8] =	ssyncset.s32 @!p0 $0xFFFFF086;
	s6 =	sadd.s32 @!p0 s3, s7;
	s7 =	simm.s32 @!p0 $0x108  }
0x21: {  	s3 =	sadd.s32 s3, s9;
	s6 =	sadd.s32 @!p0 $0x88, s6;
	s7 =	simm.s32 @p2 $0x1082  }
0x22: {  	[simem:s7], [sflag:s8] =	dma.local @!p0 [hbm:s6], $0xF7A  }
0x23: {  	s9 =	sor.u32 $0xD0000000, s2;
	s6 =	simm.s32 $0x108;
	_ =	swait.ge @!p0 [sflag:s8], $0x0  }
0x24: {  	s3 =	sadd.s32 $0x88, s3;
	s6 =	simm.s32 @!p1 $0x1082;
	[sflag:s4] =	ssyncset.s32 $0xFFFFF086  }
0x25: {  	[simem:s6], [sflag:s4] =	dma.local [hbm:s3], $0xF7A  }
0x26: {  	[smem:$0x3F6D] =	sst s1;
	(tag) =	ssettag s2;
	_ =	strace s9  }
0x27: {  	s1 =	sld [smem:$0x3F7D]  }
0x28: {  	s2 =	sld [smem:$0x3F7E]  }
0x29: {  	s4 =	sld [smem:$0x3F80]  }
0x2a: {  	p0 =	seq.s32 s5, $0x0;
	s5 =	sld [smem:$0x3F81]  }
0x2b: {  	s6 =	sld [smem:$0x3F82]  }
0x2c: {  	s7 =	sld [smem:$0x3F83]  }
0x2d: {  	s3 =	simm.s32 $0x108;
	s8 =	sld [smem:$0x3F84]  }
0x2e: {  	s3 =	simm.s32 @!p0 $0x1082;
	s9 =	sld [smem:$0x3F85]  }
0x2f: {  	lr =	sadd.s32 s0, s3;
	s0 =	sld [smem:$0x3F7C]  }
0x30: {  	s3 =	sld [smem:$0x3F7F]  }
0x31: {  	[smem:$0x3F88] =	sst s10  }
0x32: {  	s10 =	sld [smem:$0x3F86];
	_ =	sdelay $0x3  }
0x33: {  	p0 =	seq.s32 s10, $0x1;
	s10 =	sld [smem:$0x3F88];
	_ =	sdelay $0x3  }
0x34: {  	[smem:$0x3F88] =	sst s10  }
0x35: {  	s10 =	sld [smem:$0x3F87];
	_ =	sdelay $0x3  }
0x36: {  	p1 =	seq.s32 s10, $0x1;
	s10 =	sld [smem:$0x3F88];
	_ =	sdelay $0x3  }
0x37: {  	[smem:$0x3F88] =	sst s10  }
0x38: {  	s10 =	sld [smem:$0x3F89]  }
0x39: {  	_ = 	snop;
	(pc) =	sbr.ind lr, $3  }
0x3a: {  	_ = 	snop  }
0x3b: {  	_ = 	snop  }
0x3c: {  	p2 =	seq.s32 s10, $0x1;
	s10 =	sld [smem:$0x3F88]  }
0x3d: {  	_ =	shalt  }
0x3e: {  	_ =	shalt  }
0x3f: {  	_ =	shalt  }
0x40: {  	_ =	shalt  }
0x41: {  	_ =	shalt  }
0x42: {  	_ =	shalt  }
0x43: {  	_ =	shalt  }
0x44: {  	_ =	shalt  }
0x45: {  	_ =	shalt  }
0x46: {  	_ =	shalt  }
0x47: {  	_ =	shalt  }
0x48: {  	_ =	shalt  }
0x49: {  	_ =	shalt  }
0x4a: {  	_ =	shalt  }
0x4b: {  	_ =	shalt  }
0x4c: {  	_ =	shalt  }
0x4d: {  	_ =	shalt  }
0x4e: {  	_ =	shalt  }
0x4f: {  	_ =	shalt  }
0x50: {  	_ =	shalt  }
0x51: {  	_ =	shalt  }
0x52: {  	_ =	shalt  }
0x53: {  	_ =	shalt  }
0x54: {  	_ =	shalt  }
0x55: {  	_ =	shalt  }
0x56: {  	_ =	shalt  }
0x57: {  	_ =	shalt  }
0x58: {  	_ =	shalt  }
0x59: {  	_ =	shalt  }
0x5a: {  	_ =	shalt  }
0x5b: {  	_ =	shalt  }
0x5c: {  	_ =	shalt  }
0x5d: {  	_ =	shalt  }
0x5e: {  	_ =	shalt  }
0x5f: {  	_ =	shalt  }
0x60: {  	_ =	shalt  }
0x61: {  	_ =	shalt  }
0x62: {  	_ =	shalt  }
0x63: {  	_ =	shalt  }
0x64: {  	_ =	shalt  }
0x65: {  	_ =	shalt  }
0x66: {  	_ =	shalt  }
0x67: {  	_ =	shalt  }
0x68: {  	_ =	shalt  }
0x69: {  	_ =	shalt  }
0x6a: {  	_ =	shalt  }
0x6b: {  	_ =	shalt  }
0x6c: {  	_ =	shalt  }
0x6d: {  	_ =	shalt  }
0x6e: {  	_ =	shalt  }
0x6f: {  	_ =	shalt  }
0x70: {  	_ =	shalt  }
0x71: {  	_ =	shalt  }
0x72: {  	_ =	shalt  }
0x73: {  	_ =	shalt  }
0x74: {  	_ =	shalt  }
0x75: {  	_ =	shalt  }
0x76: {  	_ =	shalt  }
0x77: {  	_ =	shalt  }
0x78: {  	_ =	shalt  }
0x79: {  	_ =	shalt  }
0x7a: {  	_ =	shalt  }
0x7b: {  	_ =	shalt  }
0x7c: {  	_ =	shalt  }
0x7d: {  	_ =	shalt  }
0x7e: {  	_ =	shalt  }
0x7f: {  	_ =	shalt  }
0x80: {  	_ =	shalt  }
0x81: {  	_ =	shalt  }
0x82: {  	_ =	shalt  }
0x83: {  	_ =	shalt  }
0x84: {  	_ =	shalt  }
0x85: {  	_ =	shalt  }
0x86: {  	_ =	shalt  }
0x87: {  	_ =	shalt  }
.Lfunc_end0:
.L_simem_size_0:
called_computation.3_lowered:
.L_overlay_start_0:
0x88: {  	s2 =	sld [smem:$0x3FD9]  }
0x89: {  	s3 =	sld [smem:$0x3FFE];
	_ =	sdelay $0x1  }
0x8a: {  	s1 =	srdreg.scid  }
0x8b: {  	s0 =	sand.u32 $0x1, s1  }
0x8c: {  	s16 =	sshll.u32 s0, $0xA;
	s2 =	sadd.s32 s3, s2  }
0x8d: {  	s2 =	sadd.s32 s2, s16  }
0x8e: {  	[smem:$0x3F94] =	sst s2  }
0x8f: {  	_ = 	snop  }
0x90: {  	(tm) =	ssettm $0x1  }
0x91: {  	s17 =	sld [smem:$0x3FFB];
	_ =	sdelay $0x3  }
0x92: {  	_ =	strace s17  }
0x93: {  	s2 =	sld [smem:$0x3FFC];
	_ =	sdelay $0x3  }
0x94: {  	_ =	strace s2  }
0x95: {  	s2 =	sld [smem:$0x3FFD];
	_ =	sdelay $0x3  }
0x96: {  	_ =	strace s2  }
0x97: {  	_ =	strace $0x8FFFFFFF  }
0x98: {  	s18 =	sld [smem:$0x3FDB];
	_ =	sdelay $0x1  }
0x99: {  	s19 =	simm.s32 $_scs_section_size  }
0x9a: {  	s4 =	simm.s32 $_size__tile_overlayer_lowered;
	s5 =	simm.s32 $_tile_overlayer_lowered  }
0x9b: {  	s22 =	simm.s32 $0x1BFF;
	s21 =	sshll.u32 s5, $0x1;
	s2 =	sadd.s32 s19, s18  }
0x9c: {  	s6 =	simm.s32 $0x0;
	s20 =	sshll.u32 s4, $0x1;
	s4 =	sadd.s32 s21, s2  }
0x9d: {  	[timem:s6], [sflag:s22] =	dma.local [hbm:s4], s20  }
0x9e: {  	_ =	swait.ge [sflag:s22], s20  }
0x9f: {  	s3 =	ssub.s32 $0x0, s20;
	[sflag:s22] =	ssyncset.done $0x0  }
0xa0: {  	[sflag:s22] =	ssyncadd.s32 s3;
	_ =	sdelay $0x1  }
0xa1: {  	s23 =	simm.s32 $0x1B8B  }
0xa2: {  	_ =	swait.ge [sflag:s23], $0x1  }
0xa3: {  	[sflag:s23] =	ssyncset.done $0x0  }
0xa4: {  	s25 =	simm.s32 $0x1B8E;
	s24 =	sld [smem:$0x3FFE];
	[sflag:s23] =	ssyncadd.s32 $0xFFFFFFFF  }
0xa5: {  	s26 =	simm.s32 $execute0_lowered;
	[smem:$0x3FD2] =	sst s25  }
0xa6: {  	s4 =	sshll.u32 s26, $0x1;
	_ =	strace $0x80000046;
	[dreg:$0x1] =	wrdreg $0xFFFFFFFF  }
0xa7: {  	s28 =	simm.s32 $_size_execute0_lowered;
	s2 =	sadd.s32 s2, s4;
	[dreg:$0x0] =	wrdreg $0x0  }
0xa8: {  	s4 =	sshll.u32 s28, $0x1;
	[dreg:$0x2] =	wrdreg s2  }
0xa9: {  	[dreg:$0x3] =	wrdreg s4  }
0xaa: {  	[dreg:$0x4] =	wrdreg $0xC0  }
0xab: {  	_ =	task [dreg:s6], $0x5FFFF  }
0xac: {  	[dreg:$0x1] =	wrdreg $0xFFFFFFFF  }
0xad: {  	[dreg:$0x0] =	wrdreg $0x60  }
0xae: {  	[dreg:$0x2] =	wrdreg s24  }
0xaf: {  	[dreg:$0x3] =	wrdreg $0x110000  }
0xb0: {  	[dreg:$0x4] =	wrdreg $0xB  }
0xb1: {  	_ =	task.clear_ibuf [dreg:s6], $0x5FFFF;
	_ =	strace $0x90000046  }
0xb2: {  	s29 =	simm.s32 $0xB;
	_ =	strace $0x80000048  }
0xb3: {  	_ =	swait.ge [sflag:s29], $0x1  }
0xb4: {  	[sflag:s29] =	ssyncadd.s32 $0xFFFFFFFF  }
0xb5: {  	_ =	strace $0x90000048  }
0xb6: {  	_ =	sfence  }
0xb7: {  	s30 =	sld [smem:$0x0];
	_ =	sdelay $0x2  }
0xb8: {  	s31 =	sshll.u32 s1, $0xD;
	s1 =	sshrl.u32 s1, $0x2  }
0xb9: {  	s3 =	sand.u32 $0x4000, s31;
	s1 =	sadd.s32 s1, s30  }
0xba: {  	s0 =	sor.u32 s3, s0;
	s1 =	sshll.u32 s1, $0x11  }
0xbb: {  	s0 =	sor.u32 s1, s0  }
0xbc: {  	s0 =	sadd.s32 $0x8F2B, s0  }
0xbd: {  	[sflag:s0] =	ssyncadd.remote.s32 $0x1  }
0xbe: {  	_ =	sfence.sel $0xFFFF  }
0xbf: {  	[dreg:$0x0] =	wrdreg $0xFFFFFFFF;
	(pc) =	sbr.abs _section_cstart, $3  }
0xc0: {  	[dreg:$0x1] =	wrdreg $0xFFFFFFFF  }
0xc1: {  	_ =	task.clear_ibuf [dreg:s6], $0x2FFFF;
	_ =	strace $0x9FFFFFFF  }
0xc2: {  	(tm) =	ssettm $0x7FFFFFFF  }
0xc3: {  	_ =	shalt  }
tec
execute0_lowered:
.L_overlay_start_1:
0x0: {  	(tag) =	ssettag $0x1  }
0x1: {  	s15 =	rddreg [dreg:$0x0]  }
0x2: {  	s2 =	rddreg [dreg:$0x1];
	s1 =	stileid.u32  }
0x3: {  	s0 =	rddreg [dreg:$0x2];
	s3 =	simm.s32 $0x0;
	s16 =	smul.u32 $0xC400, s1  }
0x4: {  	s8 =	srdreg.scid;
	[smem:$0x7FF] =	sst s3;
	s4 =	sadd.s32 $0x3F200, s15  }
0x5: {  	s5 =	sshll.u32 s1, $0x6;
	_ =	strace $0x80000047;
	s6 =	sadd.s32 s16, s2  }
0x6: {  	s5 =	sor.u32 $0x1C03, s5;
	s7 =	sshrl.u32 s6, $0x3;
	s6 =	simm.s32 $0x3  }
0x7: {  	[spmem:s7], [sflag:s5] =	dma.local [hbm:s4], $0x1880  }
0x8: {  	s9 =	sshll.u32 s1, $0x8;
	s17 =	sand.u32 $0x1, s8;
	_ =	swait.ge [sflag:s6], $0x1880  }
0x9: {  	s9 =	sadd.s32 s9, s15;
	s8 =	sshll.u32 s17, $0xC;
	[sflag:s6] =	ssyncset.done $0x0  }
0xa: {  	s8 =	sadd.s32 s8, s9;
	[sflag:s6] =	ssyncadd.s32 $0xFFFFE780  }
0xb: {  	s8 =	sadd.s32 $0x3C200, s8;
	[bflag:$0x0] =	sbarrier.arrive $0xFFFF  }
0xc: {  	[tilespmem:s3], [sflag:$0x3] =	stream.linear.gather [hbm4b:s8+s3], $0x800, $0x38;
	[tilespmem:$0x1D400] =	vst v63  }
0xd: {  	_ =	swait.ge [sflag:s6], $0x800  }
0xe: {  	[sflag:s6] =	ssyncset.done $0x0  }
0xf: {  	s10 =	simm.s32 $0x800;
	s9 =	sadd.s32 $0x3E200, s9;
	[sflag:s6] =	ssyncadd.s32 $0xFFFFF800  }
0x10: {  	[tilespmem:s10], [sflag:$0x3] =	stream.linear.gather [hbm4b:s9+s3], $0x800, $0x38;
	[tilespmem:$0x1D400] =	vst v63  }
0x11: {  	_ =	swait.ge [sflag:s6], $0x800  }
0x12: {  	s12 =	simm.s32 $0x1000;
	s13 =	simm.s32 $0x1;
	[sflag:s6] =	ssyncset.done $0x0  }
0x13: {  	s11 =	sadd.s32 $0xB400, s15;
	s18 =	smul.u32 $0xC4000, s17;
	[sflag:s6] =	ssyncadd.s32 $0xFFFFF800  }
0x14: {  	[tilespmem:s12], [sflag:$0x1] =	stream.indirect.gather [hbm4b:s11+s10], $0x20, s3, s10, $0xb8;
	[tilespmem:$0x1D400] =	vst v63  }
0x15: {  	s14 =	simm.s32 $0x2;
	s17 =	ssub.s32 $0x2, s17;
	_ =	swait.ge [sflag:s13], $0x10000  }
0x16: {  	s30 =	sshrl.u32 s17, $0x1;
	s16 =	sadd.s32 s16, s18;
	[sflag:s13] =	ssyncset.done $0x0  }
0x17: {  	s31 =	ssub.s32 s17, s30;
	s16 =	sshrl.u32 s16, $0x3;
	[sflag:s13] =	ssyncadd.s32 $0xFFFF0000  }
0x18: {  	[spmem:s2] =	stream.indirect.scatter.add.f32 [tilespmem:s12], [sflag:$0x2], $0x20, s10, s10, $0xb8;
	[tilespmem:$0x1D400] =	vst v63  }
0x19: {  	s15 =	sadd.s32 s16, s15;
	s16 =	smax.u32 s31, $0x1;
	_ =	swait.ge [sflag:s14], $0x10000  }
0x1a: {  	p0 =	sne.s32 s16, $0x1;
	[sflag:s14] =	ssyncset.done $0x0  }
.Ltmp0:
0x1b: {  	[sflag:s14] =	ssyncadd.s32 $0xFFFF0000;
	(pc) =	sbr.rel @!p0 .LBB2_2-.Ltmp0, $4  }
0x1c: {  	s15 =	sadd.s32 $0x40C00, s15;
	[bflag:$0x0] =	sbarrier.arrive $0xFFFF  }
0x1d: {  	[hbm:s15], [sflag:s5] =	dma.local [spmem:s7], $0x1880  }
0x1e: {  	_ =	swait.ge [sflag:s6], $0x1880  }
0x1f: {  	s16 =	sadd.s32 $0xFFFFFFFF, s16;
	[sflag:s6] =	ssyncset.done $0x0  }
.LBB2_1:
0x20: {  	p0 =	sne.s32 s16, $0x1;
	s16 =	sadd.s32 $0xFFFFFFFF, s16;
	[sflag:s6] =	ssyncadd.s32 $0xFFFFE780  }
0x21: {  	[spmem:s7], [sflag:s5] =	dma.local [hbm:s4], $0x1880  }
0x22: {  	_ =	swait.ge [sflag:s6], $0x1880  }
0x23: {  	[sflag:s6] =	ssyncset.done $0x0  }
0x24: {  	[sflag:s6] =	ssyncadd.s32 $0xFFFFE780  }
0x25: {  	[bflag:$0x0] =	sbarrier.arrive $0xFFFF  }
0x26: {  	[tilespmem:s3], [sflag:$0x3] =	stream.linear.gather [hbm4b:s8+s3], $0x800, $0x38;
	[tilespmem:$0x1D400] =	vst v63  }
0x27: {  	_ =	swait.ge [sflag:s6], $0x800  }
0x28: {  	[sflag:s6] =	ssyncset.done $0x0  }
0x29: {  	[sflag:s6] =	ssyncadd.s32 $0xFFFFF800  }
0x2a: {  	[tilespmem:s10], [sflag:$0x3] =	stream.linear.gather [hbm4b:s9+s3], $0x800, $0x38;
	[tilespmem:$0x1D400] =	vst v63  }
0x2b: {  	_ =	swait.ge [sflag:s6], $0x800  }
0x2c: {  	[sflag:s6] =	ssyncset.done $0x0  }
0x2d: {  	[sflag:s6] =	ssyncadd.s32 $0xFFFFF800  }
0x2e: {  	[tilespmem:s12], [sflag:$0x1] =	stream.indirect.gather [hbm4b:s11+s10], $0x20, s3, s10, $0xb8;
	[tilespmem:$0x1D400] =	vst v63  }
0x2f: {  	_ =	swait.ge [sflag:s13], $0x10000  }
0x30: {  	[sflag:s13] =	ssyncset.done $0x0  }
0x31: {  	[sflag:s13] =	ssyncadd.s32 $0xFFFF0000  }
0x32: {  	[spmem:s2] =	stream.indirect.scatter.add.f32 [tilespmem:s12], [sflag:$0x2], $0x20, s10, s10, $0xb8;
	[tilespmem:$0x1D400] =	vst v63  }
0x33: {  	_ =	swait.ge [sflag:s14], $0x10000  }
0x34: {  	[sflag:s14] =	ssyncset.done $0x0  }
.Ltmp1:
0x35: {  	[sflag:s14] =	ssyncadd.s32 $0xFFFF0000;
	(pc) =	sbr.rel @p0 .LBB2_1-.Ltmp1, $4  }
0x36: {  	[bflag:$0x0] =	sbarrier.arrive $0xFFFF  }
0x37: {  	[hbm:s15], [sflag:s5] =	dma.local [spmem:s7], $0x1880  }
0x38: {  	_ =	swait.ge [sflag:s6], $0x1880  }
0x39: {  	[sflag:s6] =	ssyncset.done $0x0  }
.LBB2_2:
0x3a: {  	[sflag:s6] =	ssyncadd.s32 $0xFFFFE780  }
0x3b: {  	_ =	sfence.sel $0x180000  }
0x3c: {  	[bflag:$0x0] =	sbarrier.arrive $0xFFFF  }
0x3d: {  	p0 =	sne.s32 s1, $0x0;
	_ =	strace $0x90000047  }
0x3e: {  	s0 =	sadd.s32 @!p0 $0x100000, s0;
	[bflag:$0x2] =	sbarrier.arrive $0xFFFF  }
0x3f: {  	[sflag:s0] =	ssyncadd.tile.s32 @!p0 $0x1;
	_ =	shalt  }
.Lfunc_end2:
_tile_overlayer_lowered:
.L_overlay_start_2:
0x40: {  	(tag) =	ssettag $0x2  }
0x41: {  	s0 =	rddreg [dreg:$0x0];
	s2 =	stileid.u32  }
0x42: {  	s1 =	rddreg [dreg:$0x1];
	p0 =	sne.s32 s2, $0x0  }
0x43: {  	s3 =	rddreg [dreg:$0x2];
	[bflag:$0x3] =	sbarrier.arrive $0xFFFF;
	s2 =	simm.s32 @!p0 $0x1C03  }
0x44: {  	[timem:s3], [sflag:s2] =	dma.local @!p0 [hbm:s0], s1  }
0x45: {  	s0 =	simm.s32 @!p0 $0x3  }
0x46: {  	_ =	swait.ge @!p0 [sflag:s0], s1  }
0x47: {  	s1 =	ssub.s32 @!p0 $0x0, s1;
	[sflag:s0] =	ssyncset.done @!p0 $0x0  }
0x48: {  	[sflag:s0] =	ssyncadd.s32 @!p0 s1  }
0x49: {  	[bflag:$0x3] =	sbarrier.arrive $0xFFFF  }
0x4a: {  	_ =	shalt  }

// kernel: kernel.58.cloned.1.call-start
scs
__scs_entry_jumppad:
0x0: {  	(pc) =	sbr.rel $0x88, $3  }
0x1: {  	(tag) =	ssettag $0x0;
	lr =	simm.s32 $0x1  }
0x2: {  	[smem:$0x3F6D] =	sst lr;
	_ =	strace $0xD0000000  }
0x3: {  	_ = 	snop  }
0x4: {  	_ = 	snop  }
0x5: {  	_ = 	snop  }
0x6: {  	_ = 	snop  }
0x7: {  	_ = 	snop  }
__scs_overlays_trampoline_lowered:
0x8: {  	[smem:$0x3F7C] =	sst s0  }
0x9: {  	[smem:$0x3F7D] =	sst s1  }
0xa: {  	[smem:$0x3F7E] =	sst s2  }
0xb: {  	[smem:$0x3F7F] =	sst s3  }
0xc: {  	[smem:$0x3F80] =	sst s4  }
0xd: {  	[smem:$0x3F81] =	sst s5  }
0xe: {  	[smem:$0x3F82] =	sst s6  }
0xf: {  	[smem:$0x3F83] =	sst s7  }
0x10: {  	[smem:$0x3F84] =	sst s8  }
0x11: {  	[smem:$0x3F85] =	sst s9;
	s0 =	simm.s32 @!p0 $0x0  }
0x12: {  	s1 =	sld [smem:$0x3F6B];
	s0 =	simm.s32 @p0 $0x1  }
0x13: {  	[smem:$0x3F86] =	sst s0;
	s0 =	simm.s32 @!p1 $0x0  }
0x14: {  	s2 =	sld [smem:$0x3F6A];
	s0 =	simm.s32 @p1 $0x1  }
0x15: {  	[smem:$0x3F87] =	sst s0;
	s0 =	simm.s32 @!p2 $0x0  }
0x16: {  	s3 =	sld [smem:$0x3FDB];
	s0 =	simm.s32 @p2 $0x1  }
0x17: {  	s4 =	simm.s32 $0x1BF5;
	[smem:$0x3F89] =	sst s0  }
0x18: {  	s0 =	sld [smem:$0x3F6C];
	_ =	swait.ge [sflag:s4], $0x0  }
0x19: {  	s7 =	sld [smem:$0x3F6D]  }
0x1a: {  	s8 =	sadd.s32 $0xFFFFE003, lr  }
0x1b: {  	s9 =	sadd.s32 $0xFFFFFEF7, lr;
	s5 =	simm.s32 $0xFFFFFFFF;
	p2 =	slt.u32 s8, $0xFFFFF086  }
0x1c: {  	p1 =	slt.u32 s9, $0xF7A;
	s5 =	simm.s32 @!p2 $0x0  }
0x1d: {  	s5 =	simm.s32 @p1 $0x1;
	p0 =	seq.s32 s7, s2  }
0x1e: {  	s7 =	smul.u32 @!p0 $0xF7A, s2;
	p2 =	seq.s32 @!p0 s5, $0x0  }
0x1f: {  	s9 =	smul.u32 $0xF7A, s1;
	s8 =	simm.s32 @!p0 $0x1BF5;
	p2 =	por !p2, p0  }
0x20: {  	[sflag:s8] =	ssyncset.s32 @!p0 $0xFFFFF086;
	s6 =	sadd.s32 @!p0 s3, s7;
	s7 =	simm.s32 @!p0 $0x108  }
0x21: {  	s3 =	sadd.s32 s3, s9;
	s6 =	sadd.s32 @!p0 $0x88, s6;
	s7 =	simm.s32 @p2 $0x1082  }
0x22: {  	[simem:s7], [sflag:s8] =	dma.local @!p0 [hbm:s6], $0xF7A  }
0x23: {  	s9 =	sor.u32 $0xD0000000, s2;
	s6 =	simm.s32 $0x108;
	_ =	swait.ge @!p0 [sflag:s8], $0x0  }
0x24: {  	s3 =	sadd.s32 $0x88, s3;
	s6 =	simm.s32 @!p1 $0x1082;
	[sflag:s4] =	ssyncset.s32 $0xFFFFF086  }
0x25: {  	[simem:s6], [sflag:s4] =	dma.local [hbm:s3], $0xF7A  }
0x26: {  	[smem:$0x3F6D] =	sst s1;
	(tag) =	ssettag s2;
	_ =	strace s9  }
0x27: {  	s1 =	sld [smem:$0x3F7D]  }
0x28: {  	s2 =	sld [smem:$0x3F7E]  }
0x29: {  	s4 =	sld [smem:$0x3F80]  }
0x2a: {  	p0 =	seq.s32 s5, $0x0;
	s5 =	sld [smem:$0x3F81]  }
0x2b: {  	s6 =	sld [smem:$0x3F82]  }
0x2c: {  	s7 =	sld [smem:$0x3F83]  }
0x2d: {  	s3 =	simm.s32 $0x108;
	s8 =	sld [smem:$0x3F84]  }
0x2e: {  	s3 =	simm.s32 @!p0 $0x1082;
	s9 =	sld [smem:$0x3F85]  }
0x2f: {  	lr =	sadd.s32 s0, s3;
	s0 =	sld [smem:$0x3F7C]  }
0x30: {  	s3 =	sld [smem:$0x3F7F]  }
0x31: {  	[smem:$0x3F88] =	sst s10  }
0x32: {  	s10 =	sld [smem:$0x3F86];
	_ =	sdelay $0x3  }
0x33: {  	p0 =	seq.s32 s10, $0x1;
	s10 =	sld [smem:$0x3F88];
	_ =	sdelay $0x3  }
0x34: {  	[smem:$0x3F88] =	sst s10  }
0x35: {  	s10 =	sld [smem:$0x3F87];
	_ =	sdelay $0x3  }
0x36: {  	p1 =	seq.s32 s10, $0x1;
	s10 =	sld [smem:$0x3F88];
	_ =	sdelay $0x3  }
0x37: {  	[smem:$0x3F88] =	sst s10  }
0x38: {  	s10 =	sld [smem:$0x3F89]  }
0x39: {  	_ = 	snop;
	(pc) =	sbr.ind lr, $3  }
0x3a: {  	_ = 	snop  }
0x3b: {  	_ = 	snop  }
0x3c: {  	p2 =	seq.s32 s10, $0x1;
	s10 =	sld [smem:$0x3F88]  }
0x3d: {  	_ =	shalt  }
0x3e: {  	_ =	shalt  }
0x3f: {  	_ =	shalt  }
0x40: {  	_ =	shalt  }
0x41: {  	_ =	shalt  }
0x42: {  	_ =	shalt  }
0x43: {  	_ =	shalt  }
0x44: {  	_ =	shalt  }
0x45: {  	_ =	shalt  }
0x46: {  	_ =	shalt  }
0x47: {  	_ =	shalt  }
0x48: {  	_ =	shalt  }
0x49: {  	_ =	shalt  }
0x4a: {  	_ =	shalt  }
0x4b: {  	_ =	shalt  }
0x4c: {  	_ =	shalt  }
0x4d: {  	_ =	shalt  }
0x4e: {  	_ =	shalt  }
0x4f: {  	_ =	shalt  }
0x50: {  	_ =	shalt  }
0x51: {  	_ =	shalt  }
0x52: {  	_ =	shalt  }
0x53: {  	_ =	shalt  }
0x54: {  	_ =	shalt  }
0x55: {  	_ =	shalt  }
0x56: {  	_ =	shalt  }
0x57: {  	_ =	shalt  }
0x58: {  	_ =	shalt  }
0x59: {  	_ =	shalt  }
0x5a: {  	_ =	shalt  }
0x5b: {  	_ =	shalt  }
0x5c: {  	_ =	shalt  }
0x5d: {  	_ =	shalt  }
0x5e: {  	_ =	shalt  }
0x5f: {  	_ =	shalt  }
0x60: {  	_ =	shalt  }
0x61: {  	_ =	shalt  }
0x62: {  	_ =	shalt  }
0x63: {  	_ =	shalt  }
0x64: {  	_ =	shalt  }
0x65: {  	_ =	shalt  }
0x66: {  	_ =	shalt  }
0x67: {  	_ =	shalt  }
0x68: {  	_ =	shalt  }
0x69: {  	_ =	shalt  }
0x6a: {  	_ =	shalt  }
0x6b: {  	_ =	shalt  }
0x6c: {  	_ =	shalt  }
0x6d: {  	_ =	shalt  }
0x6e: {  	_ =	shalt  }
0x6f: {  	_ =	shalt  }
0x70: {  	_ =	shalt  }
0x71: {  	_ =	shalt  }
0x72: {  	_ =	shalt  }
0x73: {  	_ =	shalt  }
0x74: {  	_ =	shalt  }
0x75: {  	_ =	shalt  }
0x76: {  	_ =	shalt  }
0x77: {  	_ =	shalt  }
0x78: {  	_ =	shalt  }
0x79: {  	_ =	shalt  }
0x7a: {  	_ =	shalt  }
0x7b: {  	_ =	shalt  }
0x7c: {  	_ =	shalt  }
0x7d: {  	_ =	shalt  }
0x7e: {  	_ =	shalt  }
0x7f: {  	_ =	shalt  }
0x80: {  	_ =	shalt  }
0x81: {  	_ =	shalt  }
0x82: {  	_ =	shalt  }
0x83: {  	_ =	shalt  }
0x84: {  	_ =	shalt  }
0x85: {  	_ =	shalt  }
0x86: {  	_ =	shalt  }
0x87: {  	_ =	shalt  }
.Lfunc_end0:
.L_simem_size_0:
called_computation.4_lowered:
.L_overlay_start_0:
0x88: {  	s2 =	sld [smem:$0x3FD9]  }
0x89: {  	s3 =	sld [smem:$0x3FFE];
	_ =	sdelay $0x1  }
0x8a: {  	s1 =	srdreg.scid  }
0x8b: {  	s0 =	sand.u32 $0x1, s1  }
0x8c: {  	s17 =	sshll.u32 s0, $0xA;
	s2 =	sadd.s32 s3, s2  }
0x8d: {  	s2 =	sadd.s32 s2, s17  }
0x8e: {  	[smem:$0x3F94] =	sst s2  }
0x8f: {  	_ = 	snop  }
0x90: {  	(tm) =	ssettm $0x1  }
0x91: {  	s18 =	sld [smem:$0x3FFB];
	_ =	sdelay $0x3  }
0x92: {  	_ =	strace s18  }
0x93: {  	s2 =	sld [smem:$0x3FFC];
	_ =	sdelay $0x3  }
0x94: {  	_ =	strace s2  }
0x95: {  	s2 =	sld [smem:$0x3FFD];
	_ =	sdelay $0x3  }
0x96: {  	_ =	strace s2  }
0x97: {  	_ =	strace $0x8FFFFFFF  }
0x98: {  	s19 =	sld [smem:$0x3FDB];
	_ =	sdelay $0x1  }
0x99: {  	s20 =	simm.s32 $_scs_section_size  }
0x9a: {  	s4 =	simm.s32 $_size__tile_overlayer_lowered;
	s5 =	simm.s32 $_tile_overlayer_lowered  }
0x9b: {  	s6 =	simm.s32 $0x1BFF;
	s21 =	sshll.u32 s5, $0x1;
	s3 =	sadd.s32 s20, s19  }
0x9c: {  	s22 =	simm.s32 $0x0;
	s4 =	sshll.u32 s4, $0x1;
	s5 =	sadd.s32 s21, s3  }
0x9d: {  	[timem:s22], [sflag:s6] =	dma.local [hbm:s5], s4  }
0x9e: {  	_ =	swait.ge [sflag:s6], s4  }
0x9f: {  	s4 =	ssub.s32 $0x0, s4;
	[sflag:s6] =	ssyncset.done $0x0  }
0xa0: {  	[sflag:s6] =	ssyncadd.s32 s4;
	_ =	sdelay $0x1  }
0xa1: {  	s23 =	simm.s32 $0x1B8B  }
0xa2: {  	_ =	swait.ge [sflag:s23], $0x1  }
0xa3: {  	[sflag:s23] =	ssyncset.done $0x0  }
0xa4: {  	[sflag:s23] =	ssyncadd.s32 $0xFFFFFFFF  }
0xa5: {  	s4 =	sld [smem:$0x0]  }
0xa6: {  	s5 =	sand.u32 $0xFFFFFFFE, s1  }
0xa7: {  	p0 =	sne.s32 s1, s5  }
0xa8: {  	s5 =	sshll.u32 @p0 s5, $0xE  }
0xa9: {  	s5 =	sadd.s32 @p0 $0x11B8D, s5;
	s6 =	sshll.u32 @p0 s4, $0x11  }
0xaa: {  	s5 =	sor.u32 @p0 s6, s5  }
0xab: {  	[sflag:s5] =	ssyncadd.remote.s32 @p0 $0x1;
	_ =	sdelay $0x1  }
0xac: {  	s5 =	simm.s32 @p0 $0x1B8D  }
0xad: {  	_ =	swait.eq @p0 [sflag:s5], $0x1  }
0xae: {  	[sflag:s5] =	ssyncadd.s32 @p0 $0xFFFFFFFF  }
0xaf: {  	s6 =	sshll.u32 @!p0 s1, $0xE  }
0xb0: {  	s6 =	sor.u32 @!p0 $0x4000, s6;
	s5 =	simm.s32 @!p0 $0x1B8D  }
0xb1: {  	s4 =	sshll.u32 @!p0 s4, $0x11;
	s6 =	sadd.s32 @!p0 $0x11B8D, s6;
	_ =	swait.eq @!p0 [sflag:s5], $0x1  }
0xb2: {  	s4 =	sor.u32 @!p0 s4, s6;
	[sflag:s5] =	ssyncadd.s32 @!p0 $0xFFFFFFFF  }
0xb3: {  	s25 =	simm.s32 $0x1B8E;
	s24 =	sld [smem:$0x3FFE];
	[sflag:s4] =	ssyncadd.remote.s32 @!p0 $0x1  }
0xb4: {  	s26 =	simm.s32 $execute0_lowered;
	[smem:$0x3FD2] =	sst s25  }
0xb5: {  	s5 =	sshll.u32 s26, $0x1;
	_ =	strace $0x8000004F;
	[dreg:$0x1] =	wrdreg $0xFFFFFFFF  }
0xb6: {  	s28 =	simm.s32 $_size_execute0_lowered;
	s3 =	sadd.s32 s3, s5;
	[dreg:$0x0] =	wrdreg $0x0  }
0xb7: {  	s5 =	sshll.u32 s28, $0x1;
	[dreg:$0x2] =	wrdreg s3  }
0xb8: {  	[dreg:$0x3] =	wrdreg s5  }
0xb9: {  	[dreg:$0x4] =	wrdreg $0xC0  }
0xba: {  	_ =	task [dreg:s22], $0x5FFFF  }
0xbb: {  	[dreg:$0x1] =	wrdreg $0xFFFFFFFF  }
0xbc: {  	[dreg:$0x0] =	wrdreg $0x60  }
0xbd: {  	[dreg:$0x2] =	wrdreg s24  }
0xbe: {  	[dreg:$0x3] =	wrdreg $0x110000  }
0xbf: {  	[dreg:$0x4] =	wrdreg $0xB  }
0xc0: {  	_ =	task.clear_ibuf [dreg:s22], $0x5FFFF;
	_ =	strace $0x9000004F  }
0xc1: {  	s29 =	simm.s32 $0xB;
	_ =	strace $0x80000051  }
0xc2: {  	_ =	swait.ge [sflag:s29], $0x1  }
0xc3: {  	[sflag:s29] =	ssyncadd.s32 $0xFFFFFFFF  }
0xc4: {  	_ =	strace $0x90000051  }
0xc5: {  	_ =	sfence  }
0xc6: {  	s30 =	sld [smem:$0x0];
	_ =	sdelay $0x2  }
0xc7: {  	s31 =	sshll.u32 s1, $0xD;
	s1 =	sshrl.u32 s1, $0x2  }
0xc8: {  	s4 =	sand.u32 $0x4000, s31;
	s1 =	sadd.s32 s1, s30  }
0xc9: {  	s0 =	sor.u32 s4, s0;
	s1 =	sshll.u32 s1, $0x11  }
0xca: {  	s0 =	sor.u32 s1, s0  }
0xcb: {  	s0 =	sadd.s32 $0x8F2B, s0  }
0xcc: {  	[sflag:s0] =	ssyncadd.remote.s32 $0x1  }
0xcd: {  	_ =	sfence.sel $0xFFFF  }
0xce: {  	[dreg:$0x0] =	wrdreg $0xFFFFFFFF;
	(pc) =	sbr.abs _section_cstart, $3  }
0xcf: {  	[dreg:$0x1] =	wrdreg $0xFFFFFFFF  }
0xd0: {  	_ =	task.clear_ibuf [dreg:s22], $0x2FFFF;
	_ =	strace $0x9FFFFFFF  }
0xd1: {  	(tm) =	ssettm $0x7FFFFFFF  }
tec
execute0_lowered:
.L_overlay_start_1:
0x0: {  	(tag) =	ssettag $0x1  }
0x1: {  	s15 =	rddreg [dreg:$0x0]  }
0x2: {  	s2 =	rddreg [dreg:$0x1];
	s1 =	stileid.u32  }
0x3: {  	s0 =	rddreg [dreg:$0x2];
	s3 =	simm.s32 $0x0;
	s16 =	smul.u32 $0xC400, s1  }
0x4: {  	s8 =	srdreg.scid;
	[smem:$0x7FF] =	sst s3;
	s4 =	sadd.s32 $0x3F200, s15  }
0x5: {  	s5 =	sshll.u32 s1, $0x6;
	_ =	strace $0x80000050;
	s6 =	sadd.s32 s16, s2  }
0x6: {  	s5 =	sor.u32 $0x1C03, s5;
	s7 =	sshrl.u32 s6, $0x3;
	s6 =	simm.s32 $0x3  }
0x7: {  	[spmem:s7], [sflag:s5] =	dma.local [hbm:s4], $0x1880  }
0x8: {  	s9 =	sshll.u32 s1, $0x8;
	s17 =	sand.u32 $0x1, s8;
	_ =	swait.ge [sflag:s6], $0x1880  }
0x9: {  	s9 =	sadd.s32 s9, s15;
	s8 =	sshll.u32 s17, $0xC;
	[sflag:s6] =	ssyncset.done $0x0  }
0xa: {  	s8 =	sadd.s32 s8, s9;
	[sflag:s6] =	ssyncadd.s32 $0xFFFFE780  }
0xb: {  	s8 =	sadd.s32 $0xBFE00, s8;
	[bflag:$0x0] =	sbarrier.arrive $0xFFFF  }
0xc: {  	[tilespmem:s3], [sflag:$0x3] =	stream.linear.gather [hbm4b:s8+s3], $0x800, $0x38;
	[tilespmem:$0x1D400] =	vst v63  }
0xd: {  	_ =	swait.ge [sflag:s6], $0x800  }
0xe: {  	[sflag:s6] =	ssyncset.done $0x0  }
0xf: {  	s10 =	simm.s32 $0x800;
	s9 =	sadd.s32 $0x8C600, s9;
	[sflag:s6] =	ssyncadd.s32 $0xFFFFF800  }
0x10: {  	[tilespmem:s10], [sflag:$0x3] =	stream.linear.gather [hbm4b:s9+s3], $0x800, $0x38;
	[tilespmem:$0x1D400] =	vst v63  }
0x11: {  	_ =	swait.ge [sflag:s6], $0x800  }
0x12: {  	s12 =	simm.s32 $0x1000;
	s13 =	simm.s32 $0x1;
	[sflag:s6] =	ssyncset.done $0x0  }
0x13: {  	s11 =	sadd.s32 $0xB400, s15;
	s18 =	smul.u32 $0xC4000, s17;
	[sflag:s6] =	ssyncadd.s32 $0xFFFFF800  }
0x14: {  	[tilespmem:s12], [sflag:$0x1] =	stream.indirect.gather [hbm4b:s11+s10], $0x20, s3, s10, $0xb8;
	[tilespmem:$0x1D400] =	vst v63  }
0x15: {  	s14 =	simm.s32 $0x2;
	s17 =	ssub.s32 $0x2, s17;
	_ =	swait.ge [sflag:s13], $0x10000  }
0x16: {  	s30 =	sshrl.u32 s17, $0x1;
	s16 =	sadd.s32 s16, s18;
	[sflag:s13] =	ssyncset.done $0x0  }
0x17: {  	s31 =	ssub.s32 s17, s30;
	s16 =	sshrl.u32 s16, $0x3;
	[sflag:s13] =	ssyncadd.s32 $0xFFFF0000  }
0x18: {  	[spmem:s2] =	stream.indirect.scatter.add.f32 [tilespmem:s12], [sflag:$0x2], $0x20, s10, s10, $0xb8;
	[tilespmem:$0x1D400] =	vst v63  }
0x19: {  	s15 =	sadd.s32 s16, s15;
	s16 =	smax.u32 s31, $0x1;
	_ =	swait.ge [sflag:s14], $0x10000  }
0x1a: {  	p0 =	sne.s32 s16, $0x1;
	[sflag:s14] =	ssyncset.done $0x0  }
.Ltmp0:
0x1b: {  	[sflag:s14] =	ssyncadd.s32 $0xFFFF0000;
	(pc) =	sbr.rel @!p0 .LBB2_2-.Ltmp0, $4  }
0x1c: {  	s15 =	sadd.s32 $0x40C00, s15;
	[bflag:$0x0] =	sbarrier.arrive $0xFFFF  }
0x1d: {  	[hbm:s15], [sflag:s5] =	dma.local [spmem:s7], $0x1880  }
0x1e: {  	_ =	swait.ge [sflag:s6], $0x1880  }
0x1f: {  	s16 =	sadd.s32 $0xFFFFFFFF, s16;
	[sflag:s6] =	ssyncset.done $0x0  }
.LBB2_1:
0x20: {  	p0 =	sne.s32 s16, $0x1;
	s16 =	sadd.s32 $0xFFFFFFFF, s16;
	[sflag:s6] =	ssyncadd.s32 $0xFFFFE780  }
0x21: {  	[spmem:s7], [sflag:s5] =	dma.local [hbm:s4], $0x1880  }
0x22: {  	_ =	swait.ge [sflag:s6], $0x1880  }
0x23: {  	[sflag:s6] =	ssyncset.done $0x0  }
0x24: {  	[sflag:s6] =	ssyncadd.s32 $0xFFFFE780  }
0x25: {  	[bflag:$0x0] =	sbarrier.arrive $0xFFFF  }
0x26: {  	[tilespmem:s3], [sflag:$0x3] =	stream.linear.gather [hbm4b:s8+s3], $0x800, $0x38;
	[tilespmem:$0x1D400] =	vst v63  }
0x27: {  	_ =	swait.ge [sflag:s6], $0x800  }
0x28: {  	[sflag:s6] =	ssyncset.done $0x0  }
0x29: {  	[sflag:s6] =	ssyncadd.s32 $0xFFFFF800  }
0x2a: {  	[tilespmem:s10], [sflag:$0x3] =	stream.linear.gather [hbm4b:s9+s3], $0x800, $0x38;
	[tilespmem:$0x1D400] =	vst v63  }
0x2b: {  	_ =	swait.ge [sflag:s6], $0x800  }
0x2c: {  	[sflag:s6] =	ssyncset.done $0x0  }
0x2d: {  	[sflag:s6] =	ssyncadd.s32 $0xFFFFF800  }
0x2e: {  	[tilespmem:s12], [sflag:$0x1] =	stream.indirect.gather [hbm4b:s11+s10], $0x20, s3, s10, $0xb8;
	[tilespmem:$0x1D400] =	vst v63  }
0x2f: {  	_ =	swait.ge [sflag:s13], $0x10000  }
0x30: {  	[sflag:s13] =	ssyncset.done $0x0  }
0x31: {  	[sflag:s13] =	ssyncadd.s32 $0xFFFF0000  }
0x32: {  	[spmem:s2] =	stream.indirect.scatter.add.f32 [tilespmem:s12], [sflag:$0x2], $0x20, s10, s10, $0xb8;
	[tilespmem:$0x1D400] =	vst v63  }
0x33: {  	_ =	swait.ge [sflag:s14], $0x10000  }
0x34: {  	[sflag:s14] =	ssyncset.done $0x0  }
.Ltmp1:
0x35: {  	[sflag:s14] =	ssyncadd.s32 $0xFFFF0000;
	(pc) =	sbr.rel @p0 .LBB2_1-.Ltmp1, $4  }
0x36: {  	[bflag:$0x0] =	sbarrier.arrive $0xFFFF  }
0x37: {  	[hbm:s15], [sflag:s5] =	dma.local [spmem:s7], $0x1880  }
0x38: {  	_ =	swait.ge [sflag:s6], $0x1880  }
0x39: {  	[sflag:s6] =	ssyncset.done $0x0  }
.LBB2_2:
0x3a: {  	[sflag:s6] =	ssyncadd.s32 $0xFFFFE780  }
0x3b: {  	_ =	sfence.sel $0x180000  }
0x3c: {  	[bflag:$0x0] =	sbarrier.arrive $0xFFFF  }
0x3d: {  	p0 =	sne.s32 s1, $0x0;
	_ =	strace $0x90000050  }
0x3e: {  	s0 =	sadd.s32 @!p0 $0x100000, s0;
	[bflag:$0x2] =	sbarrier.arrive $0xFFFF  }
0x3f: {  	[sflag:s0] =	ssyncadd.tile.s32 @!p0 $0x1;
	_ =	shalt  }
.Lfunc_end2:
_tile_overlayer_lowered:
.L_overlay_start_2:
0x40: {  	(tag) =	ssettag $0x2  }
0x41: {  	s0 =	rddreg [dreg:$0x0];
	s2 =	stileid.u32  }
0x42: {  	s1 =	rddreg [dreg:$0x1];
	p0 =	sne.s32 s2, $0x0  }
0x43: {  	s3 =	rddreg [dreg:$0x2];
	[bflag:$0x3] =	sbarrier.arrive $0xFFFF;
	s2 =	simm.s32 @!p0 $0x1C03  }
0x44: {  	[timem:s3], [sflag:s2] =	dma.local @!p0 [hbm:s0], s1  }
0x45: {  	s0 =	simm.s32 @!p0 $0x3  }
0x46: {  	_ =	swait.ge @!p0 [sflag:s0], s1  }
0x47: {  	s1 =	ssub.s32 @!p0 $0x0, s1;
	[sflag:s0] =	ssyncset.done @!p0 $0x0  }
0x48: {  	[sflag:s0] =	ssyncadd.s32 @!p0 s1  }
0x49: {  	[bflag:$0x3] =	sbarrier.arrive $0xFFFF  }
0x4a: {  	_ =	shalt  }

// kernel: kernel.61.cloned.1.call-start
scs
__scs_entry_jumppad:
0x0: {  	(pc) =	sbr.rel $0x88, $3  }
0x1: {  	(tag) =	ssettag $0x0;
	lr =	simm.s32 $0x1  }
0x2: {  	[smem:$0x3F6D] =	sst lr;
	_ =	strace $0xD0000000  }
0x3: {  	_ = 	snop  }
0x4: {  	_ = 	snop  }
0x5: {  	_ = 	snop  }
0x6: {  	_ = 	snop  }
0x7: {  	_ = 	snop  }
__scs_overlays_trampoline_lowered:
0x8: {  	[smem:$0x3F7C] =	sst s0  }
0x9: {  	[smem:$0x3F7D] =	sst s1  }
0xa: {  	[smem:$0x3F7E] =	sst s2  }
0xb: {  	[smem:$0x3F7F] =	sst s3  }
0xc: {  	[smem:$0x3F80] =	sst s4  }
0xd: {  	[smem:$0x3F81] =	sst s5  }
0xe: {  	[smem:$0x3F82] =	sst s6  }
0xf: {  	[smem:$0x3F83] =	sst s7  }
0x10: {  	[smem:$0x3F84] =	sst s8  }
0x11: {  	[smem:$0x3F85] =	sst s9;
	s0 =	simm.s32 @!p0 $0x0  }
0x12: {  	s1 =	sld [smem:$0x3F6B];
	s0 =	simm.s32 @p0 $0x1  }
0x13: {  	[smem:$0x3F86] =	sst s0;
	s0 =	simm.s32 @!p1 $0x0  }
0x14: {  	s2 =	sld [smem:$0x3F6A];
	s0 =	simm.s32 @p1 $0x1  }
0x15: {  	[smem:$0x3F87] =	sst s0;
	s0 =	simm.s32 @!p2 $0x0  }
0x16: {  	s3 =	sld [smem:$0x3FDB];
	s0 =	simm.s32 @p2 $0x1  }
0x17: {  	s4 =	simm.s32 $0x1BF5;
	[smem:$0x3F89] =	sst s0  }
0x18: {  	s0 =	sld [smem:$0x3F6C];
	_ =	swait.ge [sflag:s4], $0x0  }
0x19: {  	s7 =	sld [smem:$0x3F6D]  }
0x1a: {  	s8 =	sadd.s32 $0xFFFFE003, lr  }
0x1b: {  	s9 =	sadd.s32 $0xFFFFFEF7, lr;
	s5 =	simm.s32 $0xFFFFFFFF;
	p2 =	slt.u32 s8, $0xFFFFF086  }
0x1c: {  	p1 =	slt.u32 s9, $0xF7A;
	s5 =	simm.s32 @!p2 $0x0  }
0x1d: {  	s5 =	simm.s32 @p1 $0x1;
	p0 =	seq.s32 s7, s2  }
0x1e: {  	s7 =	smul.u32 @!p0 $0xF7A, s2;
	p2 =	seq.s32 @!p0 s5, $0x0  }
0x1f: {  	s9 =	smul.u32 $0xF7A, s1;
	s8 =	simm.s32 @!p0 $0x1BF5;
	p2 =	por !p2, p0  }
0x20: {  	[sflag:s8] =	ssyncset.s32 @!p0 $0xFFFFF086;
	s6 =	sadd.s32 @!p0 s3, s7;
	s7 =	simm.s32 @!p0 $0x108  }
0x21: {  	s3 =	sadd.s32 s3, s9;
	s6 =	sadd.s32 @!p0 $0x88, s6;
	s7 =	simm.s32 @p2 $0x1082  }
0x22: {  	[simem:s7], [sflag:s8] =	dma.local @!p0 [hbm:s6], $0xF7A  }
0x23: {  	s9 =	sor.u32 $0xD0000000, s2;
	s6 =	simm.s32 $0x108;
	_ =	swait.ge @!p0 [sflag:s8], $0x0  }
0x24: {  	s3 =	sadd.s32 $0x88, s3;
	s6 =	simm.s32 @!p1 $0x1082;
	[sflag:s4] =	ssyncset.s32 $0xFFFFF086  }
0x25: {  	[simem:s6], [sflag:s4] =	dma.local [hbm:s3], $0xF7A  }
0x26: {  	[smem:$0x3F6D] =	sst s1;
	(tag) =	ssettag s2;
	_ =	strace s9  }
0x27: {  	s1 =	sld [smem:$0x3F7D]  }
0x28: {  	s2 =	sld [smem:$0x3F7E]  }
0x29: {  	s4 =	sld [smem:$0x3F80]  }
0x2a: {  	p0 =	seq.s32 s5, $0x0;
	s5 =	sld [smem:$0x3F81]  }
0x2b: {  	s6 =	sld [smem:$0x3F82]  }
0x2c: {  	s7 =	sld [smem:$0x3F83]  }
0x2d: {  	s3 =	simm.s32 $0x108;
	s8 =	sld [smem:$0x3F84]  }
0x2e: {  	s3 =	simm.s32 @!p0 $0x1082;
	s9 =	sld [smem:$0x3F85]  }
0x2f: {  	lr =	sadd.s32 s0, s3;
	s0 =	sld [smem:$0x3F7C]  }
0x30: {  	s3 =	sld [smem:$0x3F7F]  }
0x31: {  	[smem:$0x3F88] =	sst s10  }
0x32: {  	s10 =	sld [smem:$0x3F86];
	_ =	sdelay $0x3  }
0x33: {  	p0 =	seq.s32 s10, $0x1;
	s10 =	sld [smem:$0x3F88];
	_ =	sdelay $0x3  }
0x34: {  	[smem:$0x3F88] =	sst s10  }
0x35: {  	s10 =	sld [smem:$0x3F87];
	_ =	sdelay $0x3  }
0x36: {  	p1 =	seq.s32 s10, $0x1;
	s10 =	sld [smem:$0x3F88];
	_ =	sdelay $0x3  }
0x37: {  	[smem:$0x3F88] =	sst s10  }
0x38: {  	s10 =	sld [smem:$0x3F89]  }
0x39: {  	_ = 	snop;
	(pc) =	sbr.ind lr, $3  }
0x3a: {  	_ = 	snop  }
0x3b: {  	_ = 	snop  }
0x3c: {  	p2 =	seq.s32 s10, $0x1;
	s10 =	sld [smem:$0x3F88]  }
0x3d: {  	_ =	shalt  }
0x3e: {  	_ =	shalt  }
0x3f: {  	_ =	shalt  }
0x40: {  	_ =	shalt  }
0x41: {  	_ =	shalt  }
0x42: {  	_ =	shalt  }
0x43: {  	_ =	shalt  }
0x44: {  	_ =	shalt  }
0x45: {  	_ =	shalt  }
0x46: {  	_ =	shalt  }
0x47: {  	_ =	shalt  }
0x48: {  	_ =	shalt  }
0x49: {  	_ =	shalt  }
0x4a: {  	_ =	shalt  }
0x4b: {  	_ =	shalt  }
0x4c: {  	_ =	shalt  }
0x4d: {  	_ =	shalt  }
0x4e: {  	_ =	shalt  }
0x4f: {  	_ =	shalt  }
0x50: {  	_ =	shalt  }
0x51: {  	_ =	shalt  }
0x52: {  	_ =	shalt  }
0x53: {  	_ =	shalt  }
0x54: {  	_ =	shalt  }
0x55: {  	_ =	shalt  }
0x56: {  	_ =	shalt  }
0x57: {  	_ =	shalt  }
0x58: {  	_ =	shalt  }
0x59: {  	_ =	shalt  }
0x5a: {  	_ =	shalt  }
0x5b: {  	_ =	shalt  }
0x5c: {  	_ =	shalt  }
0x5d: {  	_ =	shalt  }
0x5e: {  	_ =	shalt  }
0x5f: {  	_ =	shalt  }
0x60: {  	_ =	shalt  }
0x61: {  	_ =	shalt  }
0x62: {  	_ =	shalt  }
0x63: {  	_ =	shalt  }
0x64: {  	_ =	shalt  }
0x65: {  	_ =	shalt  }
0x66: {  	_ =	shalt  }
0x67: {  	_ =	shalt  }
0x68: {  	_ =	shalt  }
0x69: {  	_ =	shalt  }
0x6a: {  	_ =	shalt  }
0x6b: {  	_ =	shalt  }
0x6c: {  	_ =	shalt  }
0x6d: {  	_ =	shalt  }
0x6e: {  	_ =	shalt  }
0x6f: {  	_ =	shalt  }
0x70: {  	_ =	shalt  }
0x71: {  	_ =	shalt  }
0x72: {  	_ =	shalt  }
0x73: {  	_ =	shalt  }
0x74: {  	_ =	shalt  }
0x75: {  	_ =	shalt  }
0x76: {  	_ =	shalt  }
0x77: {  	_ =	shalt  }
0x78: {  	_ =	shalt  }
0x79: {  	_ =	shalt  }
0x7a: {  	_ =	shalt  }
0x7b: {  	_ =	shalt  }
0x7c: {  	_ =	shalt  }
0x7d: {  	_ =	shalt  }
0x7e: {  	_ =	shalt  }
0x7f: {  	_ =	shalt  }
0x80: {  	_ =	shalt  }
0x81: {  	_ =	shalt  }
0x82: {  	_ =	shalt  }
0x83: {  	_ =	shalt  }
0x84: {  	_ =	shalt  }
0x85: {  	_ =	shalt  }
0x86: {  	_ =	shalt  }
0x87: {  	_ =	shalt  }
.Lfunc_end0:
.L_simem_size_0:
called_computation.5_lowered:
.L_overlay_start_0:
0x88: {  	s2 =	sld [smem:$0x3FD9]  }
0x89: {  	s3 =	sld [smem:$0x3FFE];
	_ =	sdelay $0x1  }
0x8a: {  	s1 =	srdreg.scid  }
0x8b: {  	s0 =	sand.u32 $0x1, s1  }
0x8c: {  	s17 =	sshll.u32 s0, $0xA;
	s2 =	sadd.s32 s3, s2  }
0x8d: {  	s2 =	sadd.s32 s2, s17  }
0x8e: {  	[smem:$0x3F94] =	sst s2  }
0x8f: {  	_ = 	snop  }
0x90: {  	(tm) =	ssettm $0x1  }
0x91: {  	s18 =	sld [smem:$0x3FFB];
	_ =	sdelay $0x3  }
0x92: {  	_ =	strace s18  }
0x93: {  	s2 =	sld [smem:$0x3FFC];
	_ =	sdelay $0x3  }
0x94: {  	_ =	strace s2  }
0x95: {  	s2 =	sld [smem:$0x3FFD];
	_ =	sdelay $0x3  }
0x96: {  	_ =	strace s2  }
0x97: {  	_ =	strace $0x8FFFFFFF  }
0x98: {  	s19 =	sld [smem:$0x3FDB];
	_ =	sdelay $0x1  }
0x99: {  	s20 =	simm.s32 $_scs_section_size  }
0x9a: {  	s4 =	simm.s32 $_size__tile_overlayer_lowered;
	s5 =	simm.s32 $_tile_overlayer_lowered  }
0x9b: {  	s6 =	simm.s32 $0x1BFF;
	s21 =	sshll.u32 s5, $0x1;
	s3 =	sadd.s32 s20, s19  }
0x9c: {  	s22 =	simm.s32 $0x0;
	s4 =	sshll.u32 s4, $0x1;
	s5 =	sadd.s32 s21, s3  }
0x9d: {  	[timem:s22], [sflag:s6] =	dma.local [hbm:s5], s4  }
0x9e: {  	_ =	swait.ge [sflag:s6], s4  }
0x9f: {  	s4 =	ssub.s32 $0x0, s4;
	[sflag:s6] =	ssyncset.done $0x0  }
0xa0: {  	[sflag:s6] =	ssyncadd.s32 s4;
	_ =	sdelay $0x1  }
0xa1: {  	s23 =	simm.s32 $0x1B8B  }
0xa2: {  	_ =	swait.ge [sflag:s23], $0x1  }
0xa3: {  	[sflag:s23] =	ssyncset.done $0x0  }
0xa4: {  	[sflag:s23] =	ssyncadd.s32 $0xFFFFFFFF  }
0xa5: {  	s4 =	sld [smem:$0x0]  }
0xa6: {  	s5 =	sand.u32 $0xFFFFFFFE, s1  }
0xa7: {  	p0 =	sne.s32 s1, s5  }
0xa8: {  	s5 =	sshll.u32 @p0 s5, $0xE  }
0xa9: {  	s5 =	sadd.s32 @p0 $0x11B8D, s5;
	s6 =	sshll.u32 @p0 s4, $0x11  }
0xaa: {  	s5 =	sor.u32 @p0 s6, s5  }
0xab: {  	[sflag:s5] =	ssyncadd.remote.s32 @p0 $0x1;
	_ =	sdelay $0x1  }
0xac: {  	s5 =	simm.s32 @p0 $0x1B8D  }
0xad: {  	_ =	swait.eq @p0 [sflag:s5], $0x1  }
0xae: {  	[sflag:s5] =	ssyncadd.s32 @p0 $0xFFFFFFFF  }
0xaf: {  	s6 =	sshll.u32 @!p0 s1, $0xE  }
0xb0: {  	s6 =	sor.u32 @!p0 $0x4000, s6;
	s5 =	simm.s32 @!p0 $0x1B8D  }
0xb1: {  	s4 =	sshll.u32 @!p0 s4, $0x11;
	s6 =	sadd.s32 @!p0 $0x11B8D, s6;
	_ =	swait.eq @!p0 [sflag:s5], $0x1  }
0xb2: {  	s4 =	sor.u32 @!p0 s4, s6;
	[sflag:s5] =	ssyncadd.s32 @!p0 $0xFFFFFFFF  }
0xb3: {  	s25 =	simm.s32 $0x1B8E;
	s24 =	sld [smem:$0x3FFE];
	[sflag:s4] =	ssyncadd.remote.s32 @!p0 $0x1  }
0xb4: {  	s26 =	simm.s32 $execute0_lowered;
	[smem:$0x3FD2] =	sst s25  }
0xb5: {  	s5 =	sshll.u32 s26, $0x1;
	_ =	strace $0x80000055;
	[dreg:$0x1] =	wrdreg $0xFFFFFFFF  }
0xb6: {  	s28 =	simm.s32 $_size_execute0_lowered;
	s3 =	sadd.s32 s3, s5;
	[dreg:$0x0] =	wrdreg $0x0  }
0xb7: {  	s5 =	sshll.u32 s28, $0x1;
	[dreg:$0x2] =	wrdreg s3  }
0xb8: {  	[dreg:$0x3] =	wrdreg s5  }
0xb9: {  	[dreg:$0x4] =	wrdreg $0xC0  }
0xba: {  	_ =	task [dreg:s22], $0x5FFFF  }
0xbb: {  	[dreg:$0x1] =	wrdreg $0xFFFFFFFF  }
0xbc: {  	[dreg:$0x0] =	wrdreg $0x60  }
0xbd: {  	[dreg:$0x2] =	wrdreg s24  }
0xbe: {  	[dreg:$0x3] =	wrdreg $0x44000  }
0xbf: {  	[dreg:$0x4] =	wrdreg $0x9  }
0xc0: {  	_ =	task.clear_ibuf [dreg:s22], $0x5FFFF;
	_ =	strace $0x90000055  }
0xc1: {  	s29 =	simm.s32 $0x9;
	_ =	strace $0x80000057  }
0xc2: {  	_ =	swait.ge [sflag:s29], $0x1  }
0xc3: {  	[sflag:s29] =	ssyncadd.s32 $0xFFFFFFFF  }
0xc4: {  	_ =	strace $0x90000057  }
0xc5: {  	_ =	sfence  }
0xc6: {  	s30 =	sld [smem:$0x0];
	_ =	sdelay $0x2  }
0xc7: {  	s31 =	sshll.u32 s1, $0xD;
	s1 =	sshrl.u32 s1, $0x2  }
0xc8: {  	s4 =	sand.u32 $0x4000, s31;
	s1 =	sadd.s32 s1, s30  }
0xc9: {  	s0 =	sor.u32 s4, s0;
	s1 =	sshll.u32 s1, $0x11  }
0xca: {  	s0 =	sor.u32 s1, s0  }
0xcb: {  	s0 =	sadd.s32 $0x8F2B, s0  }
0xcc: {  	[sflag:s0] =	ssyncadd.remote.s32 $0x1  }
0xcd: {  	_ =	sfence.sel $0xFFFF  }
0xce: {  	[dreg:$0x0] =	wrdreg $0xFFFFFFFF;
	(pc) =	sbr.abs _section_cstart, $3  }
0xcf: {  	[dreg:$0x1] =	wrdreg $0xFFFFFFFF  }
0xd0: {  	_ =	task.clear_ibuf [dreg:s22], $0x2FFFF;
	_ =	strace $0x9FFFFFFF  }
0xd1: {  	(tm) =	ssettm $0x7FFFFFFF  }
tec
execute0_lowered:
.L_overlay_start_1:
0x0: {  	(tag) =	ssettag $0x1  }
0x1: {  	s6 =	rddreg [dreg:$0x0]  }
0x2: {  	s0 =	srdreg.scid;
	s2 =	rddreg [dreg:$0x1]  }
0x3: {  	s1 =	rddreg [dreg:$0x2];
	s5 =	sand.u32 $0x1, s0  }
0x4: {  	s0 =	stileid.u32;
	s4 =	smul.u32 $0xC4000, s5  }
0x5: {  	s3 =	simm.s32 $0x0;
	s13 =	simm.s32 $0x200;
	s7 =	smul.u32 $0xC400, s0  }
0x6: {  	s14 =	simm.s32 $0x400;
	s15 =	simm.s32 $0x1;
	s8 =	smul.u32 $0x18700, s0  }
0x7: {  	s16 =	simm.s32 $0x2;
	[smem:$0x7FF] =	sst s3;
	s26 =	smul.u32 $0x187000, s5  }
0x8: {  	s17 =	simm.s32 $0x0;
	_ =	strace $0x80000056;
	s10 =	smul.u32 $0x1880, s0  }
0x9: {  	s29 =	ssub.s32 $0x2, s5;
	s5 =	sadd.s32 $0xB400, s6;
	s31 =	sshll.u32 s0, $0x6  }
0xa: {  	s30 =	sshrl.u32 s29, $0x1;
	s4 =	sadd.s32 s7, s4;
	s7 =	sadd.s32 s8, s26  }
0xb: {  	s28 =	sadd.s32 s10, s6;
	s10 =	ssub.s32 s29, s30;
	s12 =	sadd.s32 s8, s2  }
0xc: {  	s9 =	sshrl.u32 s4, $0x3;
	s4 =	sadd.s32 $0x255A00, s6;
	s7 =	sshrl.u32 s7, $0x3  }
0xd: {  	s8 =	smax.u32 s10, $0x1;
	s11 =	sadd.s32 s9, s6;
	s7 =	sadd.s32 s7, s6  }
0xe: {  	s6 =	sor.u32 $0x1C03, s31;
	s9 =	sadd.s32 $0x72E00, s28;
	s7 =	sadd.s32 $0x37BC00, s7  }
0xf: {  	s10 =	sadd.s32 $0x224A00, s11;
	s11 =	sshrl.u32 s12, $0x3;
	s12 =	simm.s32 $0x3  }
.LBB2_1:
0x10: {  	[spmem:s11], [sflag:s6] =	dma.local [hbm:s5], $0x30E0  }
0x11: {  	_ =	swait.ge [sflag:s12], $0x30E0  }
0x12: {  	[sflag:s12] =	ssyncset.done $0x0  }
0x13: {  	[sflag:s12] =	ssyncadd.s32 $0xFFFFCF20  }
0x14: {  	s18 =	sadd.s32 $0x0, s10;
	[bflag:$0x0] =	sbarrier.arrive $0xFFFF  }
0x15: {  	[tilespmem:s3], [sflag:$0x3] =	stream.linear.gather [hbm4b:s18+s3], $0x200, $0x38;
	[tilespmem:$0x1CB00] =	vst v63  }
0x16: {  	_ =	swait.ge [sflag:s12], $0x200  }
0x17: {  	[sflag:s12] =	ssyncset.done $0x0  }
0x18: {  	s31 =	sadd.s32 $0x0, s9;
	[sflag:s12] =	ssyncadd.s32 $0xFFFFFE00  }
0x19: {  	[tilespmem:s13], [sflag:$0x3] =	stream.linear.gather [hbm4b:s31+s3], $0x200, $0x38;
	[tilespmem:$0x1CB00] =	vst v63  }
0x1a: {  	_ =	swait.ge [sflag:s12], $0x200  }
0x1b: {  	[sflag:s12] =	ssyncset.done $0x0  }
0x1c: {  	[sflag:s12] =	ssyncadd.s32 $0xFFFFFE00  }
0x1d: {  	[tilespmem:s14], [sflag:$0x1] =	stream.indirect.gather [hbm4b:s4+s13], $0x20, s3, s13, $0xb8;
	[tilespmem:$0x1CB00] =	vst v63  }
0x1e: {  	_ =	swait.ge [sflag:s15], $0x4000  }
0x1f: {  	[sflag:s15] =	ssyncset.done $0x0  }
0x20: {  	[sflag:s15] =	ssyncadd.s32 $0xFFFFC000  }
0x21: {  	[spmem:s2] =	stream.indirect.scatter.add.f32 [tilespmem:s14], [sflag:$0x2], $0x20, s13, s13, $0xb8;
	[tilespmem:$0x1CB00] =	vst v63  }
0x22: {  	_ =	swait.ge [sflag:s16], $0x4000  }
0x23: {  	s19 =	simm.s32 $0x80;
	s18 =	simm.s32 $0x40;
	[sflag:s16] =	ssyncset.done $0x0  }
.LBB2_2:
0x24: {  	s20 =	sadd.s32 s18, s10  }
0x25: {  	[sflag:s16] =	ssyncadd.s32 $0xFFFFC000;
	s21 =	smov.u32 s19;
	s22 =	sadd.s32 $0x40, s19  }
0x26: {  	[tilespmem:s3], [sflag:$0x3] =	stream.linear.gather [hbm4b:s20+s3], $0x200, $0x38;
	[tilespmem:$0x1CB00] =	vst v63  }
0x27: {  	p0 =	sne.s32 s19, $0x1840;
	_ =	swait.ge [sflag:s12], $0x200  }
0x28: {  	[sflag:s12] =	ssyncset.done $0x0  }
0x29: {  	s19 =	sadd.s32 s18, s9;
	s18 =	smov.u32 s21;
	[sflag:s12] =	ssyncadd.s32 $0xFFFFFE00  }
0x2a: {  	[tilespmem:s13], [sflag:$0x3] =	stream.linear.gather [hbm4b:s19+s3], $0x200, $0x38;
	[tilespmem:$0x1CB00] =	vst v63  }
0x2b: {  	_ =	swait.ge [sflag:s12], $0x200  }
0x2c: {  	[sflag:s12] =	ssyncset.done $0x0  }
0x2d: {  	[sflag:s12] =	ssyncadd.s32 $0xFFFFFE00  }
0x2e: {  	[tilespmem:s14], [sflag:$0x1] =	stream.indirect.gather [hbm4b:s4+s13], $0x20, s3, s13, $0xb8;
	[tilespmem:$0x1CB00] =	vst v63  }
0x2f: {  	_ =	swait.ge [sflag:s15], $0x4000  }
.Ltmp0:
0x30: {  	[sflag:s15] =	ssyncset.done $0x0;
	(pc) =	sbr.rel @p0 .LBB2_2-.Ltmp0, $4  }
0x31: {  	[sflag:s15] =	ssyncadd.s32 $0xFFFFC000  }
0x32: {  	[spmem:s2] =	stream.indirect.scatter.add.f32 [tilespmem:s14], [sflag:$0x2], $0x20, s13, s13, $0xb8;
	[tilespmem:$0x1CB00] =	vst v63  }
0x33: {  	_ =	swait.ge [sflag:s16], $0x4000  }
0x34: {  	s19 =	smov.u32 s22;
	[sflag:s16] =	ssyncset.done $0x0  }
0x35: {  	s19 =	sadd.s32 s18, s10;
	[sflag:s16] =	ssyncadd.s32 $0xFFFFC000  }
0x36: {  	[tilespmem:s3], [sflag:$0x3] =	stream.linear.gather [hbm4b:s19+s3], $0x200, $0x38;
	[tilespmem:$0x1CB00] =	vst v63  }
0x37: {  	_ =	swait.ge [sflag:s12], $0x200  }
0x38: {  	[sflag:s12] =	ssyncset.done $0x0  }
0x39: {  	s31 =	sadd.s32 s18, s9;
	[sflag:s12] =	ssyncadd.s32 $0xFFFFFE00  }
0x3a: {  	[tilespmem:s13], [sflag:$0x3] =	stream.linear.gather [hbm4b:s31+s3], $0x200, $0x38;
	[tilespmem:$0x1CB00] =	vst v63  }
0x3b: {  	_ =	swait.ge [sflag:s12], $0x200  }
0x3c: {  	[sflag:s12] =	ssyncset.done $0x0  }
0x3d: {  	[sflag:s12] =	ssyncadd.s32 $0xFFFFFE00  }
0x3e: {  	[tilespmem:s14], [sflag:$0x1] =	stream.indirect.gather [hbm4b:s4+s13], $0x20, s3, s13, $0xb8;
	[tilespmem:$0x1CB00] =	vst v63  }
0x3f: {  	_ =	swait.ge [sflag:s15], $0x4000  }
0x40: {  	[sflag:s15] =	ssyncset.done $0x0  }
0x41: {  	[sflag:s15] =	ssyncadd.s32 $0xFFFFC000  }
0x42: {  	[spmem:s2] =	stream.indirect.scatter.add.f32 [tilespmem:s14], [sflag:$0x2], $0x20, s13, s13, $0xb8;
	[tilespmem:$0x1CB00] =	vst v63  }
0x43: {  	_ =	swait.ge [sflag:s16], $0x4000  }
0x44: {  	s17 =	sadd.s32 $0x1, s17;
	[sflag:s16] =	ssyncset.done $0x0  }
0x45: {  	p0 =	sne.s32 s17, s8;
	[sflag:s16] =	ssyncadd.s32 $0xFFFFC000  }
.Ltmp1:
0x46: {  	[bflag:$0x0] =	sbarrier.arrive $0xFFFF;
	(pc) =	sbr.rel @p0 .LBB2_1-.Ltmp1, $4  }
0x47: {  	[hbm:s7], [sflag:s6] =	dma.local [spmem:s11], $0x30E0  }
0x48: {  	_ =	swait.ge [sflag:s12], $0x30E0  }
0x49: {  	[sflag:s12] =	ssyncset.done $0x0  }
0x4a: {  	[sflag:s12] =	ssyncadd.s32 $0xFFFFCF20  }
0x4b: {  	_ =	sfence.sel $0x180000  }
0x4c: {  	[bflag:$0x0] =	sbarrier.arrive $0xFFFF  }
0x4d: {  	p0 =	sne.s32 s0, $0x0;
	_ =	strace $0x90000056  }
0x4e: {  	s0 =	sadd.s32 @!p0 $0x100000, s1;
	[bflag:$0x2] =	sbarrier.arrive $0xFFFF  }
0x4f: {  	[sflag:s0] =	ssyncadd.tile.s32 @!p0 $0x1;
	_ =	shalt  }
.Lfunc_end2:
_tile_overlayer_lowered:
.L_overlay_start_2:
0x50: {  	(tag) =	ssettag $0x2  }
0x51: {  	s0 =	rddreg [dreg:$0x0];
	s2 =	stileid.u32  }
0x52: {  	s1 =	rddreg [dreg:$0x1];
	p0 =	sne.s32 s2, $0x0  }
0x53: {  	s3 =	rddreg [dreg:$0x2];
	[bflag:$0x3] =	sbarrier.arrive $0xFFFF;
	s2 =	simm.s32 @!p0 $0x1C03  }
0x54: {  	[timem:s3], [sflag:s2] =	dma.local @!p0 [hbm:s0], s1  }
0x55: {  	s0 =	simm.s32 @!p0 $0x3  }
0x56: {  	_ =	swait.ge @!p0 [sflag:s0], s1  }
0x57: {  	s1 =	ssub.s32 @!p0 $0x0, s1;
	[sflag:s0] =	ssyncset.done @!p0 $0x0  }
0x58: {  	[sflag:s0] =	ssyncadd.s32 @!p0 s1  }
0x59: {  	[bflag:$0x3] =	sbarrier.arrive $0xFFFF  }
0x5a: {  	_ =	shalt  }

// kernel: kernel.64.cloned.1.call-start
scs
__scs_entry_jumppad:
0x0: {  	(pc) =	sbr.rel $0x88, $3  }
0x1: {  	(tag) =	ssettag $0x0;
	lr =	simm.s32 $0x1  }
0x2: {  	[smem:$0x3F6D] =	sst lr;
	_ =	strace $0xD0000000  }
0x3: {  	_ = 	snop  }
0x4: {  	_ = 	snop  }
0x5: {  	_ = 	snop  }
0x6: {  	_ = 	snop  }
0x7: {  	_ = 	snop  }
__scs_overlays_trampoline_lowered:
0x8: {  	[smem:$0x3F7C] =	sst s0  }
0x9: {  	[smem:$0x3F7D] =	sst s1  }
0xa: {  	[smem:$0x3F7E] =	sst s2  }
0xb: {  	[smem:$0x3F7F] =	sst s3  }
0xc: {  	[smem:$0x3F80] =	sst s4  }
0xd: {  	[smem:$0x3F81] =	sst s5  }
0xe: {  	[smem:$0x3F82] =	sst s6  }
0xf: {  	[smem:$0x3F83] =	sst s7  }
0x10: {  	[smem:$0x3F84] =	sst s8  }
0x11: {  	[smem:$0x3F85] =	sst s9;
	s0 =	simm.s32 @!p0 $0x0  }
0x12: {  	s1 =	sld [smem:$0x3F6B];
	s0 =	simm.s32 @p0 $0x1  }
0x13: {  	[smem:$0x3F86] =	sst s0;
	s0 =	simm.s32 @!p1 $0x0  }
0x14: {  	s2 =	sld [smem:$0x3F6A];
	s0 =	simm.s32 @p1 $0x1  }
0x15: {  	[smem:$0x3F87] =	sst s0;
	s0 =	simm.s32 @!p2 $0x0  }
0x16: {  	s3 =	sld [smem:$0x3FDB];
	s0 =	simm.s32 @p2 $0x1  }
0x17: {  	s4 =	simm.s32 $0x1BF5;
	[smem:$0x3F89] =	sst s0  }
0x18: {  	s0 =	sld [smem:$0x3F6C];
	_ =	swait.ge [sflag:s4], $0x0  }
0x19: {  	s7 =	sld [smem:$0x3F6D]  }
0x1a: {  	s8 =	sadd.s32 $0xFFFFE003, lr  }
0x1b: {  	s9 =	sadd.s32 $0xFFFFFEF7, lr;
	s5 =	simm.s32 $0xFFFFFFFF;
	p2 =	slt.u32 s8, $0xFFFFF086  }
0x1c: {  	p1 =	slt.u32 s9, $0xF7A;
	s5 =	simm.s32 @!p2 $0x0  }
0x1d: {  	s5 =	simm.s32 @p1 $0x1;
	p0 =	seq.s32 s7, s2  }
0x1e: {  	s7 =	smul.u32 @!p0 $0xF7A, s2;
	p2 =	seq.s32 @!p0 s5, $0x0  }
0x1f: {  	s9 =	smul.u32 $0xF7A, s1;
	s8 =	simm.s32 @!p0 $0x1BF5;
	p2 =	por !p2, p0  }
0x20: {  	[sflag:s8] =	ssyncset.s32 @!p0 $0xFFFFF086;
	s6 =	sadd.s32 @!p0 s3, s7;
	s7 =	simm.s32 @!p0 $0x108  }
0x21: {  	s3 =	sadd.s32 s3, s9;
	s6 =	sadd.s32 @!p0 $0x88, s6;
	s7 =	simm.s32 @p2 $0x1082  }
0x22: {  	[simem:s7], [sflag:s8] =	dma.local @!p0 [hbm:s6], $0xF7A  }
0x23: {  	s9 =	sor.u32 $0xD0000000, s2;
	s6 =	simm.s32 $0x108;
	_ =	swait.ge @!p0 [sflag:s8], $0x0  }
0x24: {  	s3 =	sadd.s32 $0x88, s3;
	s6 =	simm.s32 @!p1 $0x1082;
	[sflag:s4] =	ssyncset.s32 $0xFFFFF086  }
0x25: {  	[simem:s6], [sflag:s4] =	dma.local [hbm:s3], $0xF7A  }
0x26: {  	[smem:$0x3F6D] =	sst s1;
	(tag) =	ssettag s2;
	_ =	strace s9  }
0x27: {  	s1 =	sld [smem:$0x3F7D]  }
0x28: {  	s2 =	sld [smem:$0x3F7E]  }
0x29: {  	s4 =	sld [smem:$0x3F80]  }
0x2a: {  	p0 =	seq.s32 s5, $0x0;
	s5 =	sld [smem:$0x3F81]  }
0x2b: {  	s6 =	sld [smem:$0x3F82]  }
0x2c: {  	s7 =	sld [smem:$0x3F83]  }
0x2d: {  	s3 =	simm.s32 $0x108;
	s8 =	sld [smem:$0x3F84]  }
0x2e: {  	s3 =	simm.s32 @!p0 $0x1082;
	s9 =	sld [smem:$0x3F85]  }
0x2f: {  	lr =	sadd.s32 s0, s3;
	s0 =	sld [smem:$0x3F7C]  }
0x30: {  	s3 =	sld [smem:$0x3F7F]  }
0x31: {  	[smem:$0x3F88] =	sst s10  }
0x32: {  	s10 =	sld [smem:$0x3F86];
	_ =	sdelay $0x3  }
0x33: {  	p0 =	seq.s32 s10, $0x1;
	s10 =	sld [smem:$0x3F88];
	_ =	sdelay $0x3  }
0x34: {  	[smem:$0x3F88] =	sst s10  }
0x35: {  	s10 =	sld [smem:$0x3F87];
	_ =	sdelay $0x3  }
0x36: {  	p1 =	seq.s32 s10, $0x1;
	s10 =	sld [smem:$0x3F88];
	_ =	sdelay $0x3  }
0x37: {  	[smem:$0x3F88] =	sst s10  }
0x38: {  	s10 =	sld [smem:$0x3F89]  }
0x39: {  	_ = 	snop;
	(pc) =	sbr.ind lr, $3  }
0x3a: {  	_ = 	snop  }
0x3b: {  	_ = 	snop  }
0x3c: {  	p2 =	seq.s32 s10, $0x1;
	s10 =	sld [smem:$0x3F88]  }
0x3d: {  	_ =	shalt  }
0x3e: {  	_ =	shalt  }
0x3f: {  	_ =	shalt  }
0x40: {  	_ =	shalt  }
0x41: {  	_ =	shalt  }
0x42: {  	_ =	shalt  }
0x43: {  	_ =	shalt  }
0x44: {  	_ =	shalt  }
0x45: {  	_ =	shalt  }
0x46: {  	_ =	shalt  }
0x47: {  	_ =	shalt  }
0x48: {  	_ =	shalt  }
0x49: {  	_ =	shalt  }
0x4a: {  	_ =	shalt  }
0x4b: {  	_ =	shalt  }
0x4c: {  	_ =	shalt  }
0x4d: {  	_ =	shalt  }
0x4e: {  	_ =	shalt  }
0x4f: {  	_ =	shalt  }
0x50: {  	_ =	shalt  }
0x51: {  	_ =	shalt  }
0x52: {  	_ =	shalt  }
0x53: {  	_ =	shalt  }
0x54: {  	_ =	shalt  }
0x55: {  	_ =	shalt  }
0x56: {  	_ =	shalt  }
0x57: {  	_ =	shalt  }
0x58: {  	_ =	shalt  }
0x59: {  	_ =	shalt  }
0x5a: {  	_ =	shalt  }
0x5b: {  	_ =	shalt  }
0x5c: {  	_ =	shalt  }
0x5d: {  	_ =	shalt  }
0x5e: {  	_ =	shalt  }
0x5f: {  	_ =	shalt  }
0x60: {  	_ =	shalt  }
0x61: {  	_ =	shalt  }
0x62: {  	_ =	shalt  }
0x63: {  	_ =	shalt  }
0x64: {  	_ =	shalt  }
0x65: {  	_ =	shalt  }
0x66: {  	_ =	shalt  }
0x67: {  	_ =	shalt  }
0x68: {  	_ =	shalt  }
0x69: {  	_ =	shalt  }
0x6a: {  	_ =	shalt  }
0x6b: {  	_ =	shalt  }
0x6c: {  	_ =	shalt  }
0x6d: {  	_ =	shalt  }
0x6e: {  	_ =	shalt  }
0x6f: {  	_ =	shalt  }
0x70: {  	_ =	shalt  }
0x71: {  	_ =	shalt  }
0x72: {  	_ =	shalt  }
0x73: {  	_ =	shalt  }
0x74: {  	_ =	shalt  }
0x75: {  	_ =	shalt  }
0x76: {  	_ =	shalt  }
0x77: {  	_ =	shalt  }
0x78: {  	_ =	shalt  }
0x79: {  	_ =	shalt  }
0x7a: {  	_ =	shalt  }
0x7b: {  	_ =	shalt  }
0x7c: {  	_ =	shalt  }
0x7d: {  	_ =	shalt  }
0x7e: {  	_ =	shalt  }
0x7f: {  	_ =	shalt  }
0x80: {  	_ =	shalt  }
0x81: {  	_ =	shalt  }
0x82: {  	_ =	shalt  }
0x83: {  	_ =	shalt  }
0x84: {  	_ =	shalt  }
0x85: {  	_ =	shalt  }
0x86: {  	_ =	shalt  }
0x87: {  	_ =	shalt  }
.Lfunc_end0:
.L_simem_size_0:
called_computation.6_lowered:
.L_overlay_start_0:
0x88: {  	s2 =	sld [smem:$0x3FD9]  }
0x89: {  	s3 =	sld [smem:$0x3FFE];
	_ =	sdelay $0x1  }
0x8a: {  	s1 =	srdreg.scid  }
0x8b: {  	s0 =	sand.u32 $0x1, s1  }
0x8c: {  	s16 =	sshll.u32 s0, $0xA;
	s2 =	sadd.s32 s3, s2  }
0x8d: {  	s2 =	sadd.s32 s2, s16  }
0x8e: {  	[smem:$0x3F94] =	sst s2  }
0x8f: {  	_ = 	snop  }
0x90: {  	(tm) =	ssettm $0x1  }
0x91: {  	s17 =	sld [smem:$0x3FFB];
	_ =	sdelay $0x3  }
0x92: {  	_ =	strace s17  }
0x93: {  	s2 =	sld [smem:$0x3FFC];
	_ =	sdelay $0x3  }
0x94: {  	_ =	strace s2  }
0x95: {  	s2 =	sld [smem:$0x3FFD];
	_ =	sdelay $0x3  }
0x96: {  	_ =	strace s2  }
0x97: {  	_ =	strace $0x8FFFFFFF  }
0x98: {  	s18 =	sld [smem:$0x3FDB];
	_ =	sdelay $0x1  }
0x99: {  	s19 =	simm.s32 $_scs_section_size  }
0x9a: {  	s4 =	simm.s32 $_size__tile_overlayer_lowered;
	s5 =	simm.s32 $_tile_overlayer_lowered  }
0x9b: {  	s22 =	simm.s32 $0x1BFF;
	s21 =	sshll.u32 s5, $0x1;
	s2 =	sadd.s32 s19, s18  }
0x9c: {  	s6 =	simm.s32 $0x0;
	s20 =	sshll.u32 s4, $0x1;
	s4 =	sadd.s32 s21, s2  }
0x9d: {  	[timem:s6], [sflag:s22] =	dma.local [hbm:s4], s20  }
0x9e: {  	_ =	swait.ge [sflag:s22], s20  }
0x9f: {  	s3 =	ssub.s32 $0x0, s20;
	[sflag:s22] =	ssyncset.done $0x0  }
0xa0: {  	[sflag:s22] =	ssyncadd.s32 s3;
	_ =	sdelay $0x1  }
0xa1: {  	s23 =	simm.s32 $0x1B8B  }
0xa2: {  	_ =	swait.ge [sflag:s23], $0x1  }
0xa3: {  	[sflag:s23] =	ssyncset.done $0x0  }
0xa4: {  	s25 =	simm.s32 $0x1B8E;
	s24 =	sld [smem:$0x3FFE];
	[sflag:s23] =	ssyncadd.s32 $0xFFFFFFFF  }
0xa5: {  	s26 =	simm.s32 $execute0_lowered;
	[smem:$0x3FD2] =	sst s25  }
0xa6: {  	s4 =	sshll.u32 s26, $0x1;
	_ =	strace $0x80000058;
	[dreg:$0x1] =	wrdreg $0xFFFFFFFF  }
0xa7: {  	s28 =	simm.s32 $_size_execute0_lowered;
	s2 =	sadd.s32 s2, s4;
	[dreg:$0x0] =	wrdreg $0x0  }
0xa8: {  	s4 =	sshll.u32 s28, $0x1;
	[dreg:$0x2] =	wrdreg s2  }
0xa9: {  	[dreg:$0x3] =	wrdreg s4  }
0xaa: {  	[dreg:$0x4] =	wrdreg $0xC0  }
0xab: {  	_ =	task [dreg:s6], $0x5FFFF  }
0xac: {  	[dreg:$0x1] =	wrdreg $0xFFFFFFFF  }
0xad: {  	[dreg:$0x0] =	wrdreg $0x60  }
0xae: {  	[dreg:$0x2] =	wrdreg s24  }
0xaf: {  	[dreg:$0x3] =	wrdreg $0x110000  }
0xb0: {  	[dreg:$0x4] =	wrdreg $0x9  }
0xb1: {  	_ =	task.clear_ibuf [dreg:s6], $0x5FFFF;
	_ =	strace $0x90000058  }
0xb2: {  	s29 =	simm.s32 $0x9;
	_ =	strace $0x8000005A  }
0xb3: {  	_ =	swait.ge [sflag:s29], $0x1  }
0xb4: {  	[sflag:s29] =	ssyncadd.s32 $0xFFFFFFFF  }
0xb5: {  	_ =	strace $0x9000005A  }
0xb6: {  	_ =	sfence  }
0xb7: {  	s30 =	sld [smem:$0x0];
	_ =	sdelay $0x2  }
0xb8: {  	s31 =	sshll.u32 s1, $0xD;
	s1 =	sshrl.u32 s1, $0x2  }
0xb9: {  	s3 =	sand.u32 $0x4000, s31;
	s1 =	sadd.s32 s1, s30  }
0xba: {  	s0 =	sor.u32 s3, s0;
	s1 =	sshll.u32 s1, $0x11  }
0xbb: {  	s0 =	sor.u32 s1, s0  }
0xbc: {  	s0 =	sadd.s32 $0x8F2B, s0  }
0xbd: {  	[sflag:s0] =	ssyncadd.remote.s32 $0x1  }
0xbe: {  	_ =	sfence.sel $0xFFFF  }
0xbf: {  	[dreg:$0x0] =	wrdreg $0xFFFFFFFF;
	(pc) =	sbr.abs _section_cstart, $3  }
0xc0: {  	[dreg:$0x1] =	wrdreg $0xFFFFFFFF  }
0xc1: {  	_ =	task.clear_ibuf [dreg:s6], $0x2FFFF;
	_ =	strace $0x9FFFFFFF  }
0xc2: {  	(tm) =	ssettm $0x7FFFFFFF  }
0xc3: {  	_ =	shalt  }
tec
execute0_lowered:
.L_overlay_start_1:
0x0: {  	(tag) =	ssettag $0x1  }
0x1: {  	s15 =	rddreg [dreg:$0x0]  }
0x2: {  	s2 =	rddreg [dreg:$0x1];
	s1 =	stileid.u32  }
0x3: {  	s0 =	rddreg [dreg:$0x2];
	s3 =	simm.s32 $0x0;
	s16 =	smul.u32 $0xC400, s1  }
0x4: {  	s8 =	srdreg.scid;
	[smem:$0x7FF] =	sst s3;
	s4 =	sadd.s32 $0x3F200, s15  }
0x5: {  	s5 =	sshll.u32 s1, $0x6;
	_ =	strace $0x80000059;
	s6 =	sadd.s32 s16, s2  }
0x6: {  	s5 =	sor.u32 $0x1C03, s5;
	s7 =	sshrl.u32 s6, $0x3;
	s6 =	simm.s32 $0x3  }
0x7: {  	[spmem:s7], [sflag:s5] =	dma.local [hbm:s4], $0x1880  }
0x8: {  	s9 =	sshll.u32 s1, $0x8;
	s17 =	sand.u32 $0x1, s8;
	_ =	swait.ge [sflag:s6], $0x1880  }
0x9: {  	s9 =	sadd.s32 s9, s15;
	s8 =	sshll.u32 s17, $0xC;
	[sflag:s6] =	ssyncset.done $0x0  }
0xa: {  	s8 =	sadd.s32 s8, s9;
	[sflag:s6] =	ssyncadd.s32 $0xFFFFE780  }
0xb: {  	s8 =	sadd.s32 $0x3C200, s8;
	[bflag:$0x0] =	sbarrier.arrive $0xFFFF  }
0xc: {  	[tilespmem:s3], [sflag:$0x3] =	stream.linear.gather [hbm4b:s8+s3], $0x800, $0x38;
	[tilespmem:$0x1D400] =	vst v63  }
0xd: {  	_ =	swait.ge [sflag:s6], $0x800  }
0xe: {  	[sflag:s6] =	ssyncset.done $0x0  }
0xf: {  	s10 =	simm.s32 $0x800;
	s9 =	sadd.s32 $0x3E200, s9;
	[sflag:s6] =	ssyncadd.s32 $0xFFFFF800  }
0x10: {  	[tilespmem:s10], [sflag:$0x3] =	stream.linear.gather [hbm4b:s9+s3], $0x800, $0x38;
	[tilespmem:$0x1D400] =	vst v63  }
0x11: {  	_ =	swait.ge [sflag:s6], $0x800  }
0x12: {  	s12 =	simm.s32 $0x1000;
	s13 =	simm.s32 $0x1;
	[sflag:s6] =	ssyncset.done $0x0  }
0x13: {  	s11 =	sadd.s32 $0x1F3C00, s15;
	s18 =	smul.u32 $0xC4000, s17;
	[sflag:s6] =	ssyncadd.s32 $0xFFFFF800  }
0x14: {  	[tilespmem:s12], [sflag:$0x1] =	stream.indirect.gather [hbm4b:s11+s10], $0x20, s3, s10, $0xb8;
	[tilespmem:$0x1D400] =	vst v63  }
0x15: {  	s14 =	simm.s32 $0x2;
	s17 =	ssub.s32 $0x2, s17;
	_ =	swait.ge [sflag:s13], $0x10000  }
0x16: {  	s30 =	sshrl.u32 s17, $0x1;
	s16 =	sadd.s32 s16, s18;
	[sflag:s13] =	ssyncset.done $0x0  }
0x17: {  	s31 =	ssub.s32 s17, s30;
	s16 =	sshrl.u32 s16, $0x3;
	[sflag:s13] =	ssyncadd.s32 $0xFFFF0000  }
0x18: {  	[spmem:s2] =	stream.indirect.scatter.add.f32 [tilespmem:s12], [sflag:$0x2], $0x20, s10, s10, $0xb8;
	[tilespmem:$0x1D400] =	vst v63  }
0x19: {  	s15 =	sadd.s32 s16, s15;
	s16 =	smax.u32 s31, $0x1;
	_ =	swait.ge [sflag:s14], $0x10000  }
0x1a: {  	p0 =	sne.s32 s16, $0x1;
	[sflag:s14] =	ssyncset.done $0x0  }
.Ltmp0:
0x1b: {  	[sflag:s14] =	ssyncadd.s32 $0xFFFF0000;
	(pc) =	sbr.rel @!p0 .LBB2_2-.Ltmp0, $4  }
0x1c: {  	s15 =	sadd.s32 $0x40C00, s15;
	[bflag:$0x0] =	sbarrier.arrive $0xFFFF  }
0x1d: {  	[hbm:s15], [sflag:s5] =	dma.local [spmem:s7], $0x1880  }
0x1e: {  	_ =	swait.ge [sflag:s6], $0x1880  }
0x1f: {  	s16 =	sadd.s32 $0xFFFFFFFF, s16;
	[sflag:s6] =	ssyncset.done $0x0  }
.LBB2_1:
0x20: {  	p0 =	sne.s32 s16, $0x1;
	s16 =	sadd.s32 $0xFFFFFFFF, s16;
	[sflag:s6] =	ssyncadd.s32 $0xFFFFE780  }
0x21: {  	[spmem:s7], [sflag:s5] =	dma.local [hbm:s4], $0x1880  }
0x22: {  	_ =	swait.ge [sflag:s6], $0x1880  }
0x23: {  	[sflag:s6] =	ssyncset.done $0x0  }
0x24: {  	[sflag:s6] =	ssyncadd.s32 $0xFFFFE780  }
0x25: {  	[bflag:$0x0] =	sbarrier.arrive $0xFFFF  }
0x26: {  	[tilespmem:s3], [sflag:$0x3] =	stream.linear.gather [hbm4b:s8+s3], $0x800, $0x38;
	[tilespmem:$0x1D400] =	vst v63  }
0x27: {  	_ =	swait.ge [sflag:s6], $0x800  }
0x28: {  	[sflag:s6] =	ssyncset.done $0x0  }
0x29: {  	[sflag:s6] =	ssyncadd.s32 $0xFFFFF800  }
0x2a: {  	[tilespmem:s10], [sflag:$0x3] =	stream.linear.gather [hbm4b:s9+s3], $0x800, $0x38;
	[tilespmem:$0x1D400] =	vst v63  }
0x2b: {  	_ =	swait.ge [sflag:s6], $0x800  }
0x2c: {  	[sflag:s6] =	ssyncset.done $0x0  }
0x2d: {  	[sflag:s6] =	ssyncadd.s32 $0xFFFFF800  }
0x2e: {  	[tilespmem:s12], [sflag:$0x1] =	stream.indirect.gather [hbm4b:s11+s10], $0x20, s3, s10, $0xb8;
	[tilespmem:$0x1D400] =	vst v63  }
0x2f: {  	_ =	swait.ge [sflag:s13], $0x10000  }
0x30: {  	[sflag:s13] =	ssyncset.done $0x0  }
0x31: {  	[sflag:s13] =	ssyncadd.s32 $0xFFFF0000  }
0x32: {  	[spmem:s2] =	stream.indirect.scatter.add.f32 [tilespmem:s12], [sflag:$0x2], $0x20, s10, s10, $0xb8;
	[tilespmem:$0x1D400] =	vst v63  }
0x33: {  	_ =	swait.ge [sflag:s14], $0x10000  }
0x34: {  	[sflag:s14] =	ssyncset.done $0x0  }
.Ltmp1:
0x35: {  	[sflag:s14] =	ssyncadd.s32 $0xFFFF0000;
	(pc) =	sbr.rel @p0 .LBB2_1-.Ltmp1, $4  }
0x36: {  	[bflag:$0x0] =	sbarrier.arrive $0xFFFF  }
0x37: {  	[hbm:s15], [sflag:s5] =	dma.local [spmem:s7], $0x1880  }
0x38: {  	_ =	swait.ge [sflag:s6], $0x1880  }
0x39: {  	[sflag:s6] =	ssyncset.done $0x0  }
.LBB2_2:
0x3a: {  	[sflag:s6] =	ssyncadd.s32 $0xFFFFE780  }
0x3b: {  	_ =	sfence.sel $0x180000  }
0x3c: {  	[bflag:$0x0] =	sbarrier.arrive $0xFFFF  }
0x3d: {  	p0 =	sne.s32 s1, $0x0;
	_ =	strace $0x90000059  }
0x3e: {  	s0 =	sadd.s32 @!p0 $0x100000, s0;
	[bflag:$0x2] =	sbarrier.arrive $0xFFFF  }
0x3f: {  	[sflag:s0] =	ssyncadd.tile.s32 @!p0 $0x1;
	_ =	shalt  }
.Lfunc_end2:
_tile_overlayer_lowered:
.L_overlay_start_2:
0x40: {  	(tag) =	ssettag $0x2  }
0x41: {  	s0 =	rddreg [dreg:$0x0];
	s2 =	stileid.u32  }
0x42: {  	s1 =	rddreg [dreg:$0x1];
	p0 =	sne.s32 s2, $0x0  }
0x43: {  	s3 =	rddreg [dreg:$0x2];
	[bflag:$0x3] =	sbarrier.arrive $0xFFFF;
	s2 =	simm.s32 @!p0 $0x1C03  }
0x44: {  	[timem:s3], [sflag:s2] =	dma.local @!p0 [hbm:s0], s1  }
0x45: {  	s0 =	simm.s32 @!p0 $0x3  }
0x46: {  	_ =	swait.ge @!p0 [sflag:s0], s1  }
0x47: {  	s1 =	ssub.s32 @!p0 $0x0, s1;
	[sflag:s0] =	ssyncset.done @!p0 $0x0  }
0x48: {  	[sflag:s0] =	ssyncadd.s32 @!p0 s1  }
0x49: {  	[bflag:$0x3] =	sbarrier.arrive $0xFFFF  }
0x4a: {  	_ =	shalt  }

// kernel: kernel.67.cloned.1.call-start
scs
__scs_entry_jumppad:
0x0: {  	(pc) =	sbr.rel $0x88, $3  }
0x1: {  	(tag) =	ssettag $0x0;
	lr =	simm.s32 $0x1  }
0x2: {  	[smem:$0x3F6D] =	sst lr;
	_ =	strace $0xD0000000  }
0x3: {  	_ = 	snop  }
0x4: {  	_ = 	snop  }
0x5: {  	_ = 	snop  }
0x6: {  	_ = 	snop  }
0x7: {  	_ = 	snop  }
__scs_overlays_trampoline_lowered:
0x8: {  	[smem:$0x3F7C] =	sst s0  }
0x9: {  	[smem:$0x3F7D] =	sst s1  }
0xa: {  	[smem:$0x3F7E] =	sst s2  }
0xb: {  	[smem:$0x3F7F] =	sst s3  }
0xc: {  	[smem:$0x3F80] =	sst s4  }
0xd: {  	[smem:$0x3F81] =	sst s5  }
0xe: {  	[smem:$0x3F82] =	sst s6  }
0xf: {  	[smem:$0x3F83] =	sst s7  }
0x10: {  	[smem:$0x3F84] =	sst s8  }
0x11: {  	[smem:$0x3F85] =	sst s9;
	s0 =	simm.s32 @!p0 $0x0  }
0x12: {  	s1 =	sld [smem:$0x3F6B];
	s0 =	simm.s32 @p0 $0x1  }
0x13: {  	[smem:$0x3F86] =	sst s0;
	s0 =	simm.s32 @!p1 $0x0  }
0x14: {  	s2 =	sld [smem:$0x3F6A];
	s0 =	simm.s32 @p1 $0x1  }
0x15: {  	[smem:$0x3F87] =	sst s0;
	s0 =	simm.s32 @!p2 $0x0  }
0x16: {  	s3 =	sld [smem:$0x3FDB];
	s0 =	simm.s32 @p2 $0x1  }
0x17: {  	s4 =	simm.s32 $0x1BF5;
	[smem:$0x3F89] =	sst s0  }
0x18: {  	s0 =	sld [smem:$0x3F6C];
	_ =	swait.ge [sflag:s4], $0x0  }
0x19: {  	s7 =	sld [smem:$0x3F6D]  }
0x1a: {  	s8 =	sadd.s32 $0xFFFFE003, lr  }
0x1b: {  	s9 =	sadd.s32 $0xFFFFFEF7, lr;
	s5 =	simm.s32 $0xFFFFFFFF;
	p2 =	slt.u32 s8, $0xFFFFF086  }
0x1c: {  	p1 =	slt.u32 s9, $0xF7A;
	s5 =	simm.s32 @!p2 $0x0  }
0x1d: {  	s5 =	simm.s32 @p1 $0x1;
	p0 =	seq.s32 s7, s2  }
0x1e: {  	s7 =	smul.u32 @!p0 $0xF7A, s2;
	p2 =	seq.s32 @!p0 s5, $0x0  }
0x1f: {  	s9 =	smul.u32 $0xF7A, s1;
	s8 =	simm.s32 @!p0 $0x1BF5;
	p2 =	por !p2, p0  }
0x20: {  	[sflag:s8] =	ssyncset.s32 @!p0 $0xFFFFF086;
	s6 =	sadd.s32 @!p0 s3, s7;
	s7 =	simm.s32 @!p0 $0x108  }
0x21: {  	s3 =	sadd.s32 s3, s9;
	s6 =	sadd.s32 @!p0 $0x88, s6;
	s7 =	simm.s32 @p2 $0x1082  }
0x22: {  	[simem:s7], [sflag:s8] =	dma.local @!p0 [hbm:s6], $0xF7A  }
0x23: {  	s9 =	sor.u32 $0xD0000000, s2;
	s6 =	simm.s32 $0x108;
	_ =	swait.ge @!p0 [sflag:s8], $0x0  }
0x24: {  	s3 =	sadd.s32 $0x88, s3;
	s6 =	simm.s32 @!p1 $0x1082;
	[sflag:s4] =	ssyncset.s32 $0xFFFFF086  }
0x25: {  	[simem:s6], [sflag:s4] =	dma.local [hbm:s3], $0xF7A  }
0x26: {  	[smem:$0x3F6D] =	sst s1;
	(tag) =	ssettag s2;
	_ =	strace s9  }
0x27: {  	s1 =	sld [smem:$0x3F7D]  }
0x28: {  	s2 =	sld [smem:$0x3F7E]  }
0x29: {  	s4 =	sld [smem:$0x3F80]  }
0x2a: {  	p0 =	seq.s32 s5, $0x0;
	s5 =	sld [smem:$0x3F81]  }
0x2b: {  	s6 =	sld [smem:$0x3F82]  }
0x2c: {  	s7 =	sld [smem:$0x3F83]  }
0x2d: {  	s3 =	simm.s32 $0x108;
	s8 =	sld [smem:$0x3F84]  }
0x2e: {  	s3 =	simm.s32 @!p0 $0x1082;
	s9 =	sld [smem:$0x3F85]  }
0x2f: {  	lr =	sadd.s32 s0, s3;
	s0 =	sld [smem:$0x3F7C]  }
0x30: {  	s3 =	sld [smem:$0x3F7F]  }
0x31: {  	[smem:$0x3F88] =	sst s10  }
0x32: {  	s10 =	sld [smem:$0x3F86];
	_ =	sdelay $0x3  }
0x33: {  	p0 =	seq.s32 s10, $0x1;
	s10 =	sld [smem:$0x3F88];
	_ =	sdelay $0x3  }
0x34: {  	[smem:$0x3F88] =	sst s10  }
0x35: {  	s10 =	sld [smem:$0x3F87];
	_ =	sdelay $0x3  }
0x36: {  	p1 =	seq.s32 s10, $0x1;
	s10 =	sld [smem:$0x3F88];
	_ =	sdelay $0x3  }
0x37: {  	[smem:$0x3F88] =	sst s10  }
0x38: {  	s10 =	sld [smem:$0x3F89]  }
0x39: {  	_ = 	snop;
	(pc) =	sbr.ind lr, $3  }
0x3a: {  	_ = 	snop  }
0x3b: {  	_ = 	snop  }
0x3c: {  	p2 =	seq.s32 s10, $0x1;
	s10 =	sld [smem:$0x3F88]  }
0x3d: {  	_ =	shalt  }
0x3e: {  	_ =	shalt  }
0x3f: {  	_ =	shalt  }
0x40: {  	_ =	shalt  }
0x41: {  	_ =	shalt  }
0x42: {  	_ =	shalt  }
0x43: {  	_ =	shalt  }
0x44: {  	_ =	shalt  }
0x45: {  	_ =	shalt  }
0x46: {  	_ =	shalt  }
0x47: {  	_ =	shalt  }
0x48: {  	_ =	shalt  }
0x49: {  	_ =	shalt  }
0x4a: {  	_ =	shalt  }
0x4b: {  	_ =	shalt  }
0x4c: {  	_ =	shalt  }
0x4d: {  	_ =	shalt  }
0x4e: {  	_ =	shalt  }
0x4f: {  	_ =	shalt  }
0x50: {  	_ =	shalt  }
0x51: {  	_ =	shalt  }
0x52: {  	_ =	shalt  }
0x53: {  	_ =	shalt  }
0x54: {  	_ =	shalt  }
0x55: {  	_ =	shalt  }
0x56: {  	_ =	shalt  }
0x57: {  	_ =	shalt  }
0x58: {  	_ =	shalt  }
0x59: {  	_ =	shalt  }
0x5a: {  	_ =	shalt  }
0x5b: {  	_ =	shalt  }
0x5c: {  	_ =	shalt  }
0x5d: {  	_ =	shalt  }
0x5e: {  	_ =	shalt  }
0x5f: {  	_ =	shalt  }
0x60: {  	_ =	shalt  }
0x61: {  	_ =	shalt  }
0x62: {  	_ =	shalt  }
0x63: {  	_ =	shalt  }
0x64: {  	_ =	shalt  }
0x65: {  	_ =	shalt  }
0x66: {  	_ =	shalt  }
0x67: {  	_ =	shalt  }
0x68: {  	_ =	shalt  }
0x69: {  	_ =	shalt  }
0x6a: {  	_ =	shalt  }
0x6b: {  	_ =	shalt  }
0x6c: {  	_ =	shalt  }
0x6d: {  	_ =	shalt  }
0x6e: {  	_ =	shalt  }
0x6f: {  	_ =	shalt  }
0x70: {  	_ =	shalt  }
0x71: {  	_ =	shalt  }
0x72: {  	_ =	shalt  }
0x73: {  	_ =	shalt  }
0x74: {  	_ =	shalt  }
0x75: {  	_ =	shalt  }
0x76: {  	_ =	shalt  }
0x77: {  	_ =	shalt  }
0x78: {  	_ =	shalt  }
0x79: {  	_ =	shalt  }
0x7a: {  	_ =	shalt  }
0x7b: {  	_ =	shalt  }
0x7c: {  	_ =	shalt  }
0x7d: {  	_ =	shalt  }
0x7e: {  	_ =	shalt  }
0x7f: {  	_ =	shalt  }
0x80: {  	_ =	shalt  }
0x81: {  	_ =	shalt  }
0x82: {  	_ =	shalt  }
0x83: {  	_ =	shalt  }
0x84: {  	_ =	shalt  }
0x85: {  	_ =	shalt  }
0x86: {  	_ =	shalt  }
0x87: {  	_ =	shalt  }
.Lfunc_end0:
.L_simem_size_0:
called_computation.7_lowered:
.L_overlay_start_0:
0x88: {  	s2 =	sld [smem:$0x3FD9]  }
0x89: {  	s3 =	sld [smem:$0x3FFE];
	_ =	sdelay $0x1  }
0x8a: {  	s1 =	srdreg.scid  }
0x8b: {  	s0 =	sand.u32 $0x1, s1  }
0x8c: {  	s16 =	sshll.u32 s0, $0xA;
	s2 =	sadd.s32 s3, s2  }
0x8d: {  	s2 =	sadd.s32 s2, s16  }
0x8e: {  	[smem:$0x3F94] =	sst s2  }
0x8f: {  	_ = 	snop  }
0x90: {  	(tm) =	ssettm $0x1  }
0x91: {  	s17 =	sld [smem:$0x3FFB];
	_ =	sdelay $0x3  }
0x92: {  	_ =	strace s17  }
0x93: {  	s2 =	sld [smem:$0x3FFC];
	_ =	sdelay $0x3  }
0x94: {  	_ =	strace s2  }
0x95: {  	s2 =	sld [smem:$0x3FFD];
	_ =	sdelay $0x3  }
0x96: {  	_ =	strace s2  }
0x97: {  	_ =	strace $0x8FFFFFFF  }
0x98: {  	s18 =	sld [smem:$0x3FDB];
	_ =	sdelay $0x1  }
0x99: {  	s19 =	simm.s32 $_scs_section_size  }
0x9a: {  	s4 =	simm.s32 $_size__tile_overlayer_lowered;
	s5 =	simm.s32 $_tile_overlayer_lowered  }
0x9b: {  	s22 =	simm.s32 $0x1BFF;
	s21 =	sshll.u32 s5, $0x1;
	s2 =	sadd.s32 s19, s18  }
0x9c: {  	s6 =	simm.s32 $0x0;
	s20 =	sshll.u32 s4, $0x1;
	s4 =	sadd.s32 s21, s2  }
0x9d: {  	[timem:s6], [sflag:s22] =	dma.local [hbm:s4], s20  }
0x9e: {  	_ =	swait.ge [sflag:s22], s20  }
0x9f: {  	s3 =	ssub.s32 $0x0, s20;
	[sflag:s22] =	ssyncset.done $0x0  }
0xa0: {  	[sflag:s22] =	ssyncadd.s32 s3;
	_ =	sdelay $0x1  }
0xa1: {  	s23 =	simm.s32 $0x1B8B  }
0xa2: {  	_ =	swait.ge [sflag:s23], $0x1  }
0xa3: {  	[sflag:s23] =	ssyncset.done $0x0  }
0xa4: {  	s25 =	simm.s32 $0x1B8E;
	s24 =	sld [smem:$0x3FFE];
	[sflag:s23] =	ssyncadd.s32 $0xFFFFFFFF  }
0xa5: {  	s26 =	simm.s32 $execute0_lowered;
	[smem:$0x3FD2] =	sst s25  }
0xa6: {  	s4 =	sshll.u32 s26, $0x1;
	_ =	strace $0x8000005B;
	[dreg:$0x1] =	wrdreg $0xFFFFFFFF  }
0xa7: {  	s28 =	simm.s32 $_size_execute0_lowered;
	s2 =	sadd.s32 s2, s4;
	[dreg:$0x0] =	wrdreg $0x0  }
0xa8: {  	s4 =	sshll.u32 s28, $0x1;
	[dreg:$0x2] =	wrdreg s2  }
0xa9: {  	[dreg:$0x3] =	wrdreg s4  }
0xaa: {  	[dreg:$0x4] =	wrdreg $0xC0  }
0xab: {  	_ =	task [dreg:s6], $0x5FFFF  }
0xac: {  	[dreg:$0x1] =	wrdreg $0xFFFFFFFF  }
0xad: {  	[dreg:$0x0] =	wrdreg $0x60  }
0xae: {  	[dreg:$0x2] =	wrdreg s24  }
0xaf: {  	[dreg:$0x3] =	wrdreg $0x110000  }
0xb0: {  	[dreg:$0x4] =	wrdreg $0x9  }
0xb1: {  	_ =	task.clear_ibuf [dreg:s6], $0x5FFFF;
	_ =	strace $0x9000005B  }
0xb2: {  	s29 =	simm.s32 $0x9;
	_ =	strace $0x8000005D  }
0xb3: {  	_ =	swait.ge [sflag:s29], $0x1  }
0xb4: {  	[sflag:s29] =	ssyncadd.s32 $0xFFFFFFFF  }
0xb5: {  	_ =	strace $0x9000005D  }
0xb6: {  	_ =	sfence  }
0xb7: {  	s30 =	sld [smem:$0x0];
	_ =	sdelay $0x2  }
0xb8: {  	s31 =	sshll.u32 s1, $0xD;
	s1 =	sshrl.u32 s1, $0x2  }
0xb9: {  	s3 =	sand.u32 $0x4000, s31;
	s1 =	sadd.s32 s1, s30  }
0xba: {  	s0 =	sor.u32 s3, s0;
	s1 =	sshll.u32 s1, $0x11  }
0xbb: {  	s0 =	sor.u32 s1, s0  }
0xbc: {  	s0 =	sadd.s32 $0x8F2B, s0  }
0xbd: {  	[sflag:s0] =	ssyncadd.remote.s32 $0x1  }
0xbe: {  	_ =	sfence.sel $0xFFFF  }
0xbf: {  	[dreg:$0x0] =	wrdreg $0xFFFFFFFF;
	(pc) =	sbr.abs _section_cstart, $3  }
0xc0: {  	[dreg:$0x1] =	wrdreg $0xFFFFFFFF  }
0xc1: {  	_ =	task.clear_ibuf [dreg:s6], $0x2FFFF;
	_ =	strace $0x9FFFFFFF  }
0xc2: {  	(tm) =	ssettm $0x7FFFFFFF  }
0xc3: {  	_ =	shalt  }
tec
execute0_lowered:
.L_overlay_start_1:
0x0: {  	(tag) =	ssettag $0x1  }
0x1: {  	s15 =	rddreg [dreg:$0x0]  }
0x2: {  	s2 =	rddreg [dreg:$0x1];
	s1 =	stileid.u32  }
0x3: {  	s0 =	rddreg [dreg:$0x2];
	s3 =	simm.s32 $0x0;
	s16 =	smul.u32 $0xC400, s1  }
0x4: {  	s8 =	srdreg.scid;
	[smem:$0x7FF] =	sst s3;
	s4 =	sadd.s32 $0x3F200, s15  }
0x5: {  	s5 =	sshll.u32 s1, $0x6;
	_ =	strace $0x8000005C;
	s6 =	sadd.s32 s16, s2  }
0x6: {  	s5 =	sor.u32 $0x1C03, s5;
	s7 =	sshrl.u32 s6, $0x3;
	s6 =	simm.s32 $0x3  }
0x7: {  	[spmem:s7], [sflag:s5] =	dma.local [hbm:s4], $0x1880  }
0x8: {  	s9 =	sshll.u32 s1, $0x8;
	s17 =	sand.u32 $0x1, s8;
	_ =	swait.ge [sflag:s6], $0x1880  }
0x9: {  	s9 =	sadd.s32 s9, s15;
	s8 =	sshll.u32 s17, $0xC;
	[sflag:s6] =	ssyncset.done $0x0  }
0xa: {  	s8 =	sadd.s32 s8, s9;
	[sflag:s6] =	ssyncadd.s32 $0xFFFFE780  }
0xb: {  	s8 =	sadd.s32 $0xBFE00, s8;
	[bflag:$0x0] =	sbarrier.arrive $0xFFFF  }
0xc: {  	[tilespmem:s3], [sflag:$0x3] =	stream.linear.gather [hbm4b:s8+s3], $0x800, $0x38;
	[tilespmem:$0x1D400] =	vst v63  }
0xd: {  	_ =	swait.ge [sflag:s6], $0x800  }
0xe: {  	[sflag:s6] =	ssyncset.done $0x0  }
0xf: {  	s10 =	simm.s32 $0x800;
	s9 =	sadd.s32 $0x8C600, s9;
	[sflag:s6] =	ssyncadd.s32 $0xFFFFF800  }
0x10: {  	[tilespmem:s10], [sflag:$0x3] =	stream.linear.gather [hbm4b:s9+s3], $0x800, $0x38;
	[tilespmem:$0x1D400] =	vst v63  }
0x11: {  	_ =	swait.ge [sflag:s6], $0x800  }
0x12: {  	s12 =	simm.s32 $0x1000;
	s13 =	simm.s32 $0x1;
	[sflag:s6] =	ssyncset.done $0x0  }
0x13: {  	s11 =	sadd.s32 $0x40C00, s15;
	s18 =	smul.u32 $0xC4000, s17;
	[sflag:s6] =	ssyncadd.s32 $0xFFFFF800  }
0x14: {  	[tilespmem:s12], [sflag:$0x1] =	stream.indirect.gather [hbm4b:s11+s10], $0x20, s3, s10, $0xb8;
	[tilespmem:$0x1D400] =	vst v63  }
0x15: {  	s14 =	simm.s32 $0x2;
	s17 =	ssub.s32 $0x2, s17;
	_ =	swait.ge [sflag:s13], $0x10000  }
0x16: {  	s30 =	sshrl.u32 s17, $0x1;
	s16 =	sadd.s32 s16, s18;
	[sflag:s13] =	ssyncset.done $0x0  }
0x17: {  	s31 =	ssub.s32 s17, s30;
	s16 =	sshrl.u32 s16, $0x3;
	[sflag:s13] =	ssyncadd.s32 $0xFFFF0000  }
0x18: {  	[spmem:s2] =	stream.indirect.scatter.add.f32 [tilespmem:s12], [sflag:$0x2], $0x20, s10, s10, $0xb8;
	[tilespmem:$0x1D400] =	vst v63  }
0x19: {  	s15 =	sadd.s32 s16, s15;
	s16 =	smax.u32 s31, $0x1;
	_ =	swait.ge [sflag:s14], $0x10000  }
0x1a: {  	p0 =	sne.s32 s16, $0x1;
	[sflag:s14] =	ssyncset.done $0x0  }
.Ltmp0:
0x1b: {  	[sflag:s14] =	ssyncadd.s32 $0xFFFF0000;
	(pc) =	sbr.rel @!p0 .LBB2_2-.Ltmp0, $4  }
0x1c: {  	s15 =	sadd.s32 $0x8D600, s15;
	[bflag:$0x0] =	sbarrier.arrive $0xFFFF  }
0x1d: {  	[hbm:s15], [sflag:s5] =	dma.local [spmem:s7], $0x1880  }
0x1e: {  	_ =	swait.ge [sflag:s6], $0x1880  }
0x1f: {  	s16 =	sadd.s32 $0xFFFFFFFF, s16;
	[sflag:s6] =	ssyncset.done $0x0  }
.LBB2_1:
0x20: {  	p0 =	sne.s32 s16, $0x1;
	s16 =	sadd.s32 $0xFFFFFFFF, s16;
	[sflag:s6] =	ssyncadd.s32 $0xFFFFE780  }
0x21: {  	[spmem:s7], [sflag:s5] =	dma.local [hbm:s4], $0x1880  }
0x22: {  	_ =	swait.ge [sflag:s6], $0x1880  }
0x23: {  	[sflag:s6] =	ssyncset.done $0x0  }
0x24: {  	[sflag:s6] =	ssyncadd.s32 $0xFFFFE780  }
0x25: {  	[bflag:$0x0] =	sbarrier.arrive $0xFFFF  }
0x26: {  	[tilespmem:s3], [sflag:$0x3] =	stream.linear.gather [hbm4b:s8+s3], $0x800, $0x38;
	[tilespmem:$0x1D400] =	vst v63  }
0x27: {  	_ =	swait.ge [sflag:s6], $0x800  }
0x28: {  	[sflag:s6] =	ssyncset.done $0x0  }
0x29: {  	[sflag:s6] =	ssyncadd.s32 $0xFFFFF800  }
0x2a: {  	[tilespmem:s10], [sflag:$0x3] =	stream.linear.gather [hbm4b:s9+s3], $0x800, $0x38;
	[tilespmem:$0x1D400] =	vst v63  }
0x2b: {  	_ =	swait.ge [sflag:s6], $0x800  }
0x2c: {  	[sflag:s6] =	ssyncset.done $0x0  }
0x2d: {  	[sflag:s6] =	ssyncadd.s32 $0xFFFFF800  }
0x2e: {  	[tilespmem:s12], [sflag:$0x1] =	stream.indirect.gather [hbm4b:s11+s10], $0x20, s3, s10, $0xb8;
	[tilespmem:$0x1D400] =	vst v63  }
0x2f: {  	_ =	swait.ge [sflag:s13], $0x10000  }
0x30: {  	[sflag:s13] =	ssyncset.done $0x0  }
0x31: {  	[sflag:s13] =	ssyncadd.s32 $0xFFFF0000  }
0x32: {  	[spmem:s2] =	stream.indirect.scatter.add.f32 [tilespmem:s12], [sflag:$0x2], $0x20, s10, s10, $0xb8;
	[tilespmem:$0x1D400] =	vst v63  }
0x33: {  	_ =	swait.ge [sflag:s14], $0x10000  }
0x34: {  	[sflag:s14] =	ssyncset.done $0x0  }
.Ltmp1:
0x35: {  	[sflag:s14] =	ssyncadd.s32 $0xFFFF0000;
	(pc) =	sbr.rel @p0 .LBB2_1-.Ltmp1, $4  }
0x36: {  	[bflag:$0x0] =	sbarrier.arrive $0xFFFF  }
0x37: {  	[hbm:s15], [sflag:s5] =	dma.local [spmem:s7], $0x1880  }
0x38: {  	_ =	swait.ge [sflag:s6], $0x1880  }
0x39: {  	[sflag:s6] =	ssyncset.done $0x0  }
.LBB2_2:
0x3a: {  	[sflag:s6] =	ssyncadd.s32 $0xFFFFE780  }
0x3b: {  	_ =	sfence.sel $0x180000  }
0x3c: {  	[bflag:$0x0] =	sbarrier.arrive $0xFFFF  }
0x3d: {  	p0 =	sne.s32 s1, $0x0;
	_ =	strace $0x9000005C  }
0x3e: {  	s0 =	sadd.s32 @!p0 $0x100000, s0;
	[bflag:$0x2] =	sbarrier.arrive $0xFFFF  }
0x3f: {  	[sflag:s0] =	ssyncadd.tile.s32 @!p0 $0x1;
	_ =	shalt  }
.Lfunc_end2:
_tile_overlayer_lowered:
.L_overlay_start_2:
0x40: {  	(tag) =	ssettag $0x2  }
0x41: {  	s0 =	rddreg [dreg:$0x0];
	s2 =	stileid.u32  }
0x42: {  	s1 =	rddreg [dreg:$0x1];
	p0 =	sne.s32 s2, $0x0  }
0x43: {  	s3 =	rddreg [dreg:$0x2];
	[bflag:$0x3] =	sbarrier.arrive $0xFFFF;
	s2 =	simm.s32 @!p0 $0x1C03  }
0x44: {  	[timem:s3], [sflag:s2] =	dma.local @!p0 [hbm:s0], s1  }
0x45: {  	s0 =	simm.s32 @!p0 $0x3  }
0x46: {  	_ =	swait.ge @!p0 [sflag:s0], s1  }
0x47: {  	s1 =	ssub.s32 @!p0 $0x0, s1;
	[sflag:s0] =	ssyncset.done @!p0 $0x0  }
0x48: {  	[sflag:s0] =	ssyncadd.s32 @!p0 s1  }
0x49: {  	[bflag:$0x3] =	sbarrier.arrive $0xFFFF  }
0x4a: {  	_ =	shalt  }

// kernel: kernel.70.cloned.1.call-start
scs
__scs_entry_jumppad:
0x0: {  	(pc) =	sbr.rel $0x88, $3  }
0x1: {  	(tag) =	ssettag $0x0;
	lr =	simm.s32 $0x1  }
0x2: {  	[smem:$0x3F6D] =	sst lr;
	_ =	strace $0xD0000000  }
0x3: {  	_ = 	snop  }
0x4: {  	_ = 	snop  }
0x5: {  	_ = 	snop  }
0x6: {  	_ = 	snop  }
0x7: {  	_ = 	snop  }
__scs_overlays_trampoline_lowered:
0x8: {  	[smem:$0x3F7C] =	sst s0  }
0x9: {  	[smem:$0x3F7D] =	sst s1  }
0xa: {  	[smem:$0x3F7E] =	sst s2  }
0xb: {  	[smem:$0x3F7F] =	sst s3  }
0xc: {  	[smem:$0x3F80] =	sst s4  }
0xd: {  	[smem:$0x3F81] =	sst s5  }
0xe: {  	[smem:$0x3F82] =	sst s6  }
0xf: {  	[smem:$0x3F83] =	sst s7  }
0x10: {  	[smem:$0x3F84] =	sst s8  }
0x11: {  	[smem:$0x3F85] =	sst s9;
	s0 =	simm.s32 @!p0 $0x0  }
0x12: {  	s1 =	sld [smem:$0x3F6B];
	s0 =	simm.s32 @p0 $0x1  }
0x13: {  	[smem:$0x3F86] =	sst s0;
	s0 =	simm.s32 @!p1 $0x0  }
0x14: {  	s2 =	sld [smem:$0x3F6A];
	s0 =	simm.s32 @p1 $0x1  }
0x15: {  	[smem:$0x3F87] =	sst s0;
	s0 =	simm.s32 @!p2 $0x0  }
0x16: {  	s3 =	sld [smem:$0x3FDB];
	s0 =	simm.s32 @p2 $0x1  }
0x17: {  	s4 =	simm.s32 $0x1BF5;
	[smem:$0x3F89] =	sst s0  }
0x18: {  	s0 =	sld [smem:$0x3F6C];
	_ =	swait.ge [sflag:s4], $0x0  }
0x19: {  	s7 =	sld [smem:$0x3F6D]  }
0x1a: {  	s8 =	sadd.s32 $0xFFFFE003, lr  }
0x1b: {  	s9 =	sadd.s32 $0xFFFFFEF7, lr;
	s5 =	simm.s32 $0xFFFFFFFF;
	p2 =	slt.u32 s8, $0xFFFFF086  }
0x1c: {  	p1 =	slt.u32 s9, $0xF7A;
	s5 =	simm.s32 @!p2 $0x0  }
0x1d: {  	s5 =	simm.s32 @p1 $0x1;
	p0 =	seq.s32 s7, s2  }
0x1e: {  	s7 =	smul.u32 @!p0 $0xF7A, s2;
	p2 =	seq.s32 @!p0 s5, $0x0  }
0x1f: {  	s9 =	smul.u32 $0xF7A, s1;
	s8 =	simm.s32 @!p0 $0x1BF5;
	p2 =	por !p2, p0  }
0x20: {  	[sflag:s8] =	ssyncset.s32 @!p0 $0xFFFFF086;
	s6 =	sadd.s32 @!p0 s3, s7;
	s7 =	simm.s32 @!p0 $0x108  }
0x21: {  	s3 =	sadd.s32 s3, s9;
	s6 =	sadd.s32 @!p0 $0x88, s6;
	s7 =	simm.s32 @p2 $0x1082  }
0x22: {  	[simem:s7], [sflag:s8] =	dma.local @!p0 [hbm:s6], $0xF7A  }
0x23: {  	s9 =	sor.u32 $0xD0000000, s2;
	s6 =	simm.s32 $0x108;
	_ =	swait.ge @!p0 [sflag:s8], $0x0  }
0x24: {  	s3 =	sadd.s32 $0x88, s3;
	s6 =	simm.s32 @!p1 $0x1082;
	[sflag:s4] =	ssyncset.s32 $0xFFFFF086  }
0x25: {  	[simem:s6], [sflag:s4] =	dma.local [hbm:s3], $0xF7A  }
0x26: {  	[smem:$0x3F6D] =	sst s1;
	(tag) =	ssettag s2;
	_ =	strace s9  }
0x27: {  	s1 =	sld [smem:$0x3F7D]  }
0x28: {  	s2 =	sld [smem:$0x3F7E]  }
0x29: {  	s4 =	sld [smem:$0x3F80]  }
0x2a: {  	p0 =	seq.s32 s5, $0x0;
	s5 =	sld [smem:$0x3F81]  }
0x2b: {  	s6 =	sld [smem:$0x3F82]  }
0x2c: {  	s7 =	sld [smem:$0x3F83]  }
0x2d: {  	s3 =	simm.s32 $0x108;
	s8 =	sld [smem:$0x3F84]  }
0x2e: {  	s3 =	simm.s32 @!p0 $0x1082;
	s9 =	sld [smem:$0x3F85]  }
0x2f: {  	lr =	sadd.s32 s0, s3;
	s0 =	sld [smem:$0x3F7C]  }
0x30: {  	s3 =	sld [smem:$0x3F7F]  }
0x31: {  	[smem:$0x3F88] =	sst s10  }
0x32: {  	s10 =	sld [smem:$0x3F86];
	_ =	sdelay $0x3  }
0x33: {  	p0 =	seq.s32 s10, $0x1;
	s10 =	sld [smem:$0x3F88];
	_ =	sdelay $0x3  }
0x34: {  	[smem:$0x3F88] =	sst s10  }
0x35: {  	s10 =	sld [smem:$0x3F87];
	_ =	sdelay $0x3  }
0x36: {  	p1 =	seq.s32 s10, $0x1;
	s10 =	sld [smem:$0x3F88];
	_ =	sdelay $0x3  }
0x37: {  	[smem:$0x3F88] =	sst s10  }
0x38: {  	s10 =	sld [smem:$0x3F89]  }
0x39: {  	_ = 	snop;
	(pc) =	sbr.ind lr, $3  }
0x3a: {  	_ = 	snop  }
0x3b: {  	_ = 	snop  }
0x3c: {  	p2 =	seq.s32 s10, $0x1;
	s10 =	sld [smem:$0x3F88]  }
0x3d: {  	_ =	shalt  }
0x3e: {  	_ =	shalt  }
0x3f: {  	_ =	shalt  }
0x40: {  	_ =	shalt  }
0x41: {  	_ =	shalt  }
0x42: {  	_ =	shalt  }
0x43: {  	_ =	shalt  }
0x44: {  	_ =	shalt  }
0x45: {  	_ =	shalt  }
0x46: {  	_ =	shalt  }
0x47: {  	_ =	shalt  }
0x48: {  	_ =	shalt  }
0x49: {  	_ =	shalt  }
0x4a: {  	_ =	shalt  }
0x4b: {  	_ =	shalt  }
0x4c: {  	_ =	shalt  }
0x4d: {  	_ =	shalt  }
0x4e: {  	_ =	shalt  }
0x4f: {  	_ =	shalt  }
0x50: {  	_ =	shalt  }
0x51: {  	_ =	shalt  }
0x52: {  	_ =	shalt  }
0x53: {  	_ =	shalt  }
0x54: {  	_ =	shalt  }
0x55: {  	_ =	shalt  }
0x56: {  	_ =	shalt  }
0x57: {  	_ =	shalt  }
0x58: {  	_ =	shalt  }
0x59: {  	_ =	shalt  }
0x5a: {  	_ =	shalt  }
0x5b: {  	_ =	shalt  }
0x5c: {  	_ =	shalt  }
0x5d: {  	_ =	shalt  }
0x5e: {  	_ =	shalt  }
0x5f: {  	_ =	shalt  }
0x60: {  	_ =	shalt  }
0x61: {  	_ =	shalt  }
0x62: {  	_ =	shalt  }
0x63: {  	_ =	shalt  }
0x64: {  	_ =	shalt  }
0x65: {  	_ =	shalt  }
0x66: {  	_ =	shalt  }
0x67: {  	_ =	shalt  }
0x68: {  	_ =	shalt  }
0x69: {  	_ =	shalt  }
0x6a: {  	_ =	shalt  }
0x6b: {  	_ =	shalt  }
0x6c: {  	_ =	shalt  }
0x6d: {  	_ =	shalt  }
0x6e: {  	_ =	shalt  }
0x6f: {  	_ =	shalt  }
0x70: {  	_ =	shalt  }
0x71: {  	_ =	shalt  }
0x72: {  	_ =	shalt  }
0x73: {  	_ =	shalt  }
0x74: {  	_ =	shalt  }
0x75: {  	_ =	shalt  }
0x76: {  	_ =	shalt  }
0x77: {  	_ =	shalt  }
0x78: {  	_ =	shalt  }
0x79: {  	_ =	shalt  }
0x7a: {  	_ =	shalt  }
0x7b: {  	_ =	shalt  }
0x7c: {  	_ =	shalt  }
0x7d: {  	_ =	shalt  }
0x7e: {  	_ =	shalt  }
0x7f: {  	_ =	shalt  }
0x80: {  	_ =	shalt  }
0x81: {  	_ =	shalt  }
0x82: {  	_ =	shalt  }
0x83: {  	_ =	shalt  }
0x84: {  	_ =	shalt  }
0x85: {  	_ =	shalt  }
0x86: {  	_ =	shalt  }
0x87: {  	_ =	shalt  }
.Lfunc_end0:
.L_simem_size_0:
called_computation.8_lowered:
.L_overlay_start_0:
0x88: {  	s2 =	sld [smem:$0x3FD9]  }
0x89: {  	s3 =	sld [smem:$0x3FFE];
	_ =	sdelay $0x1  }
0x8a: {  	s1 =	srdreg.scid  }
0x8b: {  	s0 =	sand.u32 $0x1, s1  }
0x8c: {  	s16 =	sshll.u32 s0, $0xA;
	s2 =	sadd.s32 s3, s2  }
0x8d: {  	s2 =	sadd.s32 s2, s16  }
0x8e: {  	[smem:$0x3F94] =	sst s2  }
0x8f: {  	_ = 	snop  }
0x90: {  	(tm) =	ssettm $0x1  }
0x91: {  	s17 =	sld [smem:$0x3FFB];
	_ =	sdelay $0x3  }
0x92: {  	_ =	strace s17  }
0x93: {  	s2 =	sld [smem:$0x3FFC];
	_ =	sdelay $0x3  }
0x94: {  	_ =	strace s2  }
0x95: {  	s2 =	sld [smem:$0x3FFD];
	_ =	sdelay $0x3  }
0x96: {  	_ =	strace s2  }
0x97: {  	_ =	strace $0x8FFFFFFF  }
0x98: {  	s18 =	sld [smem:$0x3FDB];
	_ =	sdelay $0x1  }
0x99: {  	s19 =	simm.s32 $_scs_section_size  }
0x9a: {  	s4 =	simm.s32 $_size__tile_overlayer_lowered;
	s5 =	simm.s32 $_tile_overlayer_lowered  }
0x9b: {  	s22 =	simm.s32 $0x1BFF;
	s21 =	sshll.u32 s5, $0x1;
	s2 =	sadd.s32 s19, s18  }
0x9c: {  	s6 =	simm.s32 $0x0;
	s20 =	sshll.u32 s4, $0x1;
	s4 =	sadd.s32 s21, s2  }
0x9d: {  	[timem:s6], [sflag:s22] =	dma.local [hbm:s4], s20  }
0x9e: {  	_ =	swait.ge [sflag:s22], s20  }
0x9f: {  	s3 =	ssub.s32 $0x0, s20;
	[sflag:s22] =	ssyncset.done $0x0  }
0xa0: {  	[sflag:s22] =	ssyncadd.s32 s3;
	_ =	sdelay $0x1  }
0xa1: {  	s23 =	simm.s32 $0x1B8B  }
0xa2: {  	_ =	swait.ge [sflag:s23], $0x1  }
0xa3: {  	[sflag:s23] =	ssyncset.done $0x0  }
0xa4: {  	s25 =	simm.s32 $0x1B8E;
	s24 =	sld [smem:$0x3FFE];
	[sflag:s23] =	ssyncadd.s32 $0xFFFFFFFF  }
0xa5: {  	s26 =	simm.s32 $execute0_lowered;
	[smem:$0x3FD2] =	sst s25  }
0xa6: {  	s4 =	sshll.u32 s26, $0x1;
	_ =	strace $0x8000005E;
	[dreg:$0x1] =	wrdreg $0xFFFFFFFF  }
0xa7: {  	s28 =	simm.s32 $_size_execute0_lowered;
	s2 =	sadd.s32 s2, s4;
	[dreg:$0x0] =	wrdreg $0x0  }
0xa8: {  	s4 =	sshll.u32 s28, $0x1;
	[dreg:$0x2] =	wrdreg s2  }
0xa9: {  	[dreg:$0x3] =	wrdreg s4  }
0xaa: {  	[dreg:$0x4] =	wrdreg $0xC0  }
0xab: {  	_ =	task [dreg:s6], $0x5FFFF  }
0xac: {  	[dreg:$0x1] =	wrdreg $0xFFFFFFFF  }
0xad: {  	[dreg:$0x0] =	wrdreg $0x60  }
0xae: {  	[dreg:$0x2] =	wrdreg s24  }
0xaf: {  	[dreg:$0x3] =	wrdreg $0x44000  }
0xb0: {  	[dreg:$0x4] =	wrdreg $0x9  }
0xb1: {  	_ =	task.clear_ibuf [dreg:s6], $0x5FFFF;
	_ =	strace $0x9000005E  }
0xb2: {  	s29 =	simm.s32 $0x9;
	_ =	strace $0x80000060  }
0xb3: {  	_ =	swait.ge [sflag:s29], $0x1  }
0xb4: {  	[sflag:s29] =	ssyncadd.s32 $0xFFFFFFFF  }
0xb5: {  	_ =	strace $0x90000060  }
0xb6: {  	_ =	sfence  }
0xb7: {  	s30 =	sld [smem:$0x0];
	_ =	sdelay $0x2  }
0xb8: {  	s31 =	sshll.u32 s1, $0xD;
	s1 =	sshrl.u32 s1, $0x2  }
0xb9: {  	s3 =	sand.u32 $0x4000, s31;
	s1 =	sadd.s32 s1, s30  }
0xba: {  	s0 =	sor.u32 s3, s0;
	s1 =	sshll.u32 s1, $0x11  }
0xbb: {  	s0 =	sor.u32 s1, s0  }
0xbc: {  	s0 =	sadd.s32 $0x8F2B, s0  }
0xbd: {  	[sflag:s0] =	ssyncadd.remote.s32 $0x1  }
0xbe: {  	_ =	sfence.sel $0xFFFF  }
0xbf: {  	[dreg:$0x0] =	wrdreg $0xFFFFFFFF;
	(pc) =	sbr.abs _section_cstart, $3  }
0xc0: {  	[dreg:$0x1] =	wrdreg $0xFFFFFFFF  }
0xc1: {  	_ =	task.clear_ibuf [dreg:s6], $0x2FFFF;
	_ =	strace $0x9FFFFFFF  }
0xc2: {  	(tm) =	ssettm $0x7FFFFFFF  }
0xc3: {  	_ =	shalt  }
tec
execute0_lowered:
.L_overlay_start_1:
0x0: {  	(tag) =	ssettag $0x1  }
0x1: {  	s6 =	rddreg [dreg:$0x0]  }
0x2: {  	s0 =	srdreg.scid;
	s2 =	rddreg [dreg:$0x1]  }
0x3: {  	s1 =	rddreg [dreg:$0x2];
	s5 =	sand.u32 $0x1, s0  }
0x4: {  	s0 =	stileid.u32;
	s4 =	smul.u32 $0xC4000, s5  }
0x5: {  	s3 =	simm.s32 $0x0;
	s13 =	simm.s32 $0x200;
	s7 =	smul.u32 $0xC400, s0  }
0x6: {  	s14 =	simm.s32 $0x400;
	s15 =	simm.s32 $0x1;
	s8 =	smul.u32 $0x18700, s0  }
0x7: {  	s16 =	simm.s32 $0x2;
	[smem:$0x7FF] =	sst s3;
	s26 =	smul.u32 $0x187000, s5  }
0x8: {  	s17 =	simm.s32 $0x0;
	_ =	strace $0x8000005F;
	s10 =	smul.u32 $0x1880, s0  }
0x9: {  	s29 =	ssub.s32 $0x2, s5;
	s5 =	sadd.s32 $0xB400, s6;
	s31 =	sshll.u32 s0, $0x6  }
0xa: {  	s30 =	sshrl.u32 s29, $0x1;
	s4 =	sadd.s32 s7, s4;
	s7 =	sadd.s32 s8, s26  }
0xb: {  	s28 =	sadd.s32 s10, s6;
	s10 =	ssub.s32 s29, s30;
	s12 =	sadd.s32 s8, s2  }
0xc: {  	s9 =	sshrl.u32 s4, $0x3;
	s4 =	sadd.s32 $0xC1E00, s6;
	s7 =	sshrl.u32 s7, $0x3  }
0xd: {  	s8 =	smax.u32 s10, $0x1;
	s11 =	sadd.s32 s9, s6;
	s7 =	sadd.s32 s7, s6  }
0xe: {  	s6 =	sor.u32 $0x1C03, s31;
	s9 =	sadd.s32 $0x72E00, s28;
	s7 =	sadd.s32 $0x5C6200, s7  }
0xf: {  	s10 =	sadd.s32 $0x224A00, s11;
	s11 =	sshrl.u32 s12, $0x3;
	s12 =	simm.s32 $0x3  }
.LBB2_1:
0x10: {  	[spmem:s11], [sflag:s6] =	dma.local [hbm:s5], $0x30E0  }
0x11: {  	_ =	swait.ge [sflag:s12], $0x30E0  }
0x12: {  	[sflag:s12] =	ssyncset.done $0x0  }
0x13: {  	[sflag:s12] =	ssyncadd.s32 $0xFFFFCF20  }
0x14: {  	s18 =	sadd.s32 $0x0, s10;
	[bflag:$0x0] =	sbarrier.arrive $0xFFFF  }
0x15: {  	[tilespmem:s3], [sflag:$0x3] =	stream.linear.gather [hbm4b:s18+s3], $0x200, $0x38;
	[tilespmem:$0x1CB00] =	vst v63  }
0x16: {  	_ =	swait.ge [sflag:s12], $0x200  }
0x17: {  	[sflag:s12] =	ssyncset.done $0x0  }
0x18: {  	s31 =	sadd.s32 $0x0, s9;
	[sflag:s12] =	ssyncadd.s32 $0xFFFFFE00  }
0x19: {  	[tilespmem:s13], [sflag:$0x3] =	stream.linear.gather [hbm4b:s31+s3], $0x200, $0x38;
	[tilespmem:$0x1CB00] =	vst v63  }
0x1a: {  	_ =	swait.ge [sflag:s12], $0x200  }
0x1b: {  	[sflag:s12] =	ssyncset.done $0x0  }
0x1c: {  	[sflag:s12] =	ssyncadd.s32 $0xFFFFFE00  }
0x1d: {  	[tilespmem:s14], [sflag:$0x1] =	stream.indirect.gather [hbm4b:s4+s13], $0x20, s3, s13, $0xb8;
	[tilespmem:$0x1CB00] =	vst v63  }
0x1e: {  	_ =	swait.ge [sflag:s15], $0x4000  }
0x1f: {  	[sflag:s15] =	ssyncset.done $0x0  }
0x20: {  	[sflag:s15] =	ssyncadd.s32 $0xFFFFC000  }
0x21: {  	[spmem:s2] =	stream.indirect.scatter.add.f32 [tilespmem:s14], [sflag:$0x2], $0x20, s13, s13, $0xb8;
	[tilespmem:$0x1CB00] =	vst v63  }
0x22: {  	_ =	swait.ge [sflag:s16], $0x4000  }
0x23: {  	s19 =	simm.s32 $0x80;
	s18 =	simm.s32 $0x40;
	[sflag:s16] =	ssyncset.done $0x0  }
.LBB2_2:
0x24: {  	s20 =	sadd.s32 s18, s10  }
0x25: {  	[sflag:s16] =	ssyncadd.s32 $0xFFFFC000;
	s21 =	smov.u32 s19;
	s22 =	sadd.s32 $0x40, s19  }
0x26: {  	[tilespmem:s3], [sflag:$0x3] =	stream.linear.gather [hbm4b:s20+s3], $0x200, $0x38;
	[tilespmem:$0x1CB00] =	vst v63  }
0x27: {  	p0 =	sne.s32 s19, $0x1840;
	_ =	swait.ge [sflag:s12], $0x200  }
0x28: {  	[sflag:s12] =	ssyncset.done $0x0  }
0x29: {  	s19 =	sadd.s32 s18, s9;
	s18 =	smov.u32 s21;
	[sflag:s12] =	ssyncadd.s32 $0xFFFFFE00  }
0x2a: {  	[tilespmem:s13], [sflag:$0x3] =	stream.linear.gather [hbm4b:s19+s3], $0x200, $0x38;
	[tilespmem:$0x1CB00] =	vst v63  }
0x2b: {  	_ =	swait.ge [sflag:s12], $0x200  }
0x2c: {  	[sflag:s12] =	ssyncset.done $0x0  }
0x2d: {  	[sflag:s12] =	ssyncadd.s32 $0xFFFFFE00  }
0x2e: {  	[tilespmem:s14], [sflag:$0x1] =	stream.indirect.gather [hbm4b:s4+s13], $0x20, s3, s13, $0xb8;
	[tilespmem:$0x1CB00] =	vst v63  }
0x2f: {  	_ =	swait.ge [sflag:s15], $0x4000  }
.Ltmp0:
0x30: {  	[sflag:s15] =	ssyncset.done $0x0;
	(pc) =	sbr.rel @p0 .LBB2_2-.Ltmp0, $4  }
0x31: {  	[sflag:s15] =	ssyncadd.s32 $0xFFFFC000  }
0x32: {  	[spmem:s2] =	stream.indirect.scatter.add.f32 [tilespmem:s14], [sflag:$0x2], $0x20, s13, s13, $0xb8;
	[tilespmem:$0x1CB00] =	vst v63  }
0x33: {  	_ =	swait.ge [sflag:s16], $0x4000  }
0x34: {  	s19 =	smov.u32 s22;
	[sflag:s16] =	ssyncset.done $0x0  }
0x35: {  	s19 =	sadd.s32 s18, s10;
	[sflag:s16] =	ssyncadd.s32 $0xFFFFC000  }
0x36: {  	[tilespmem:s3], [sflag:$0x3] =	stream.linear.gather [hbm4b:s19+s3], $0x200, $0x38;
	[tilespmem:$0x1CB00] =	vst v63  }
0x37: {  	_ =	swait.ge [sflag:s12], $0x200  }
0x38: {  	[sflag:s12] =	ssyncset.done $0x0  }
0x39: {  	s31 =	sadd.s32 s18, s9;
	[sflag:s12] =	ssyncadd.s32 $0xFFFFFE00  }
0x3a: {  	[tilespmem:s13], [sflag:$0x3] =	stream.linear.gather [hbm4b:s31+s3], $0x200, $0x38;
	[tilespmem:$0x1CB00] =	vst v63  }
0x3b: {  	_ =	swait.ge [sflag:s12], $0x200  }
0x3c: {  	[sflag:s12] =	ssyncset.done $0x0  }
0x3d: {  	[sflag:s12] =	ssyncadd.s32 $0xFFFFFE00  }
0x3e: {  	[tilespmem:s14], [sflag:$0x1] =	stream.indirect.gather [hbm4b:s4+s13], $0x20, s3, s13, $0xb8;
	[tilespmem:$0x1CB00] =	vst v63  }
0x3f: {  	_ =	swait.ge [sflag:s15], $0x4000  }
0x40: {  	[sflag:s15] =	ssyncset.done $0x0  }
0x41: {  	[sflag:s15] =	ssyncadd.s32 $0xFFFFC000  }
0x42: {  	[spmem:s2] =	stream.indirect.scatter.add.f32 [tilespmem:s14], [sflag:$0x2], $0x20, s13, s13, $0xb8;
	[tilespmem:$0x1CB00] =	vst v63  }
0x43: {  	_ =	swait.ge [sflag:s16], $0x4000  }
0x44: {  	s17 =	sadd.s32 $0x1, s17;
	[sflag:s16] =	ssyncset.done $0x0  }
0x45: {  	p0 =	sne.s32 s17, s8;
	[sflag:s16] =	ssyncadd.s32 $0xFFFFC000  }
.Ltmp1:
0x46: {  	[bflag:$0x0] =	sbarrier.arrive $0xFFFF;
	(pc) =	sbr.rel @p0 .LBB2_1-.Ltmp1, $4  }
0x47: {  	[hbm:s7], [sflag:s6] =	dma.local [spmem:s11], $0x30E0  }
0x48: {  	_ =	swait.ge [sflag:s12], $0x30E0  }
0x49: {  	[sflag:s12] =	ssyncset.done $0x0  }
0x4a: {  	[sflag:s12] =	ssyncadd.s32 $0xFFFFCF20  }
0x4b: {  	_ =	sfence.sel $0x180000  }
0x4c: {  	[bflag:$0x0] =	sbarrier.arrive $0xFFFF  }
0x4d: {  	p0 =	sne.s32 s0, $0x0;
	_ =	strace $0x9000005F  }
0x4e: {  	s0 =	sadd.s32 @!p0 $0x100000, s1;
	[bflag:$0x2] =	sbarrier.arrive $0xFFFF  }
0x4f: {  	[sflag:s0] =	ssyncadd.tile.s32 @!p0 $0x1;
	_ =	shalt  }
.Lfunc_end2:
_tile_overlayer_lowered:
.L_overlay_start_2:
0x50: {  	(tag) =	ssettag $0x2  }
0x51: {  	s0 =	rddreg [dreg:$0x0];
	s2 =	stileid.u32  }
0x52: {  	s1 =	rddreg [dreg:$0x1];
	p0 =	sne.s32 s2, $0x0  }
0x53: {  	s3 =	rddreg [dreg:$0x2];
	[bflag:$0x3] =	sbarrier.arrive $0xFFFF;
	s2 =	simm.s32 @!p0 $0x1C03  }
0x54: {  	[timem:s3], [sflag:s2] =	dma.local @!p0 [hbm:s0], s1  }
0x55: {  	s0 =	simm.s32 @!p0 $0x3  }
0x56: {  	_ =	swait.ge @!p0 [sflag:s0], s1  }
0x57: {  	s1 =	ssub.s32 @!p0 $0x0, s1;
	[sflag:s0] =	ssyncset.done @!p0 $0x0  }
0x58: {  	[sflag:s0] =	ssyncadd.s32 @!p0 s1  }
0x59: {  	[bflag:$0x3] =	sbarrier.arrive $0xFFFF  }
0x5a: {  	_ =	shalt  }

// kernel: kernel.73.cloned.1.call-start
scs
__scs_entry_jumppad:
0x0: {  	(pc) =	sbr.rel $0x88, $3  }
0x1: {  	(tag) =	ssettag $0x0;
	lr =	simm.s32 $0x1  }
0x2: {  	[smem:$0x3F6D] =	sst lr;
	_ =	strace $0xD0000000  }
0x3: {  	_ = 	snop  }
0x4: {  	_ = 	snop  }
0x5: {  	_ = 	snop  }
0x6: {  	_ = 	snop  }
0x7: {  	_ = 	snop  }
__scs_overlays_trampoline_lowered:
0x8: {  	[smem:$0x3F7C] =	sst s0  }
0x9: {  	[smem:$0x3F7D] =	sst s1  }
0xa: {  	[smem:$0x3F7E] =	sst s2  }
0xb: {  	[smem:$0x3F7F] =	sst s3  }
0xc: {  	[smem:$0x3F80] =	sst s4  }
0xd: {  	[smem:$0x3F81] =	sst s5  }
0xe: {  	[smem:$0x3F82] =	sst s6  }
0xf: {  	[smem:$0x3F83] =	sst s7  }
0x10: {  	[smem:$0x3F84] =	sst s8  }
0x11: {  	[smem:$0x3F85] =	sst s9;
	s0 =	simm.s32 @!p0 $0x0  }
0x12: {  	s1 =	sld [smem:$0x3F6B];
	s0 =	simm.s32 @p0 $0x1  }
0x13: {  	[smem:$0x3F86] =	sst s0;
	s0 =	simm.s32 @!p1 $0x0  }
0x14: {  	s2 =	sld [smem:$0x3F6A];
	s0 =	simm.s32 @p1 $0x1  }
0x15: {  	[smem:$0x3F87] =	sst s0;
	s0 =	simm.s32 @!p2 $0x0  }
0x16: {  	s3 =	sld [smem:$0x3FDB];
	s0 =	simm.s32 @p2 $0x1  }
0x17: {  	s4 =	simm.s32 $0x1BF5;
	[smem:$0x3F89] =	sst s0  }
0x18: {  	s0 =	sld [smem:$0x3F6C];
	_ =	swait.ge [sflag:s4], $0x0  }
0x19: {  	s7 =	sld [smem:$0x3F6D]  }
0x1a: {  	s8 =	sadd.s32 $0xFFFFE003, lr  }
0x1b: {  	s9 =	sadd.s32 $0xFFFFFEF7, lr;
	s5 =	simm.s32 $0xFFFFFFFF;
	p2 =	slt.u32 s8, $0xFFFFF086  }
0x1c: {  	p1 =	slt.u32 s9, $0xF7A;
	s5 =	simm.s32 @!p2 $0x0  }
0x1d: {  	s5 =	simm.s32 @p1 $0x1;
	p0 =	seq.s32 s7, s2  }
0x1e: {  	s7 =	smul.u32 @!p0 $0xF7A, s2;
	p2 =	seq.s32 @!p0 s5, $0x0  }
0x1f: {  	s9 =	smul.u32 $0xF7A, s1;
	s8 =	simm.s32 @!p0 $0x1BF5;
	p2 =	por !p2, p0  }
0x20: {  	[sflag:s8] =	ssyncset.s32 @!p0 $0xFFFFF086;
	s6 =	sadd.s32 @!p0 s3, s7;
	s7 =	simm.s32 @!p0 $0x108  }
0x21: {  	s3 =	sadd.s32 s3, s9;
	s6 =	sadd.s32 @!p0 $0x88, s6;
	s7 =	simm.s32 @p2 $0x1082  }
0x22: {  	[simem:s7], [sflag:s8] =	dma.local @!p0 [hbm:s6], $0xF7A  }
0x23: {  	s9 =	sor.u32 $0xD0000000, s2;
	s6 =	simm.s32 $0x108;
	_ =	swait.ge @!p0 [sflag:s8], $0x0  }
0x24: {  	s3 =	sadd.s32 $0x88, s3;
	s6 =	simm.s32 @!p1 $0x1082;
	[sflag:s4] =	ssyncset.s32 $0xFFFFF086  }
0x25: {  	[simem:s6], [sflag:s4] =	dma.local [hbm:s3], $0xF7A  }
0x26: {  	[smem:$0x3F6D] =	sst s1;
	(tag) =	ssettag s2;
	_ =	strace s9  }
0x27: {  	s1 =	sld [smem:$0x3F7D]  }
0x28: {  	s2 =	sld [smem:$0x3F7E]  }
0x29: {  	s4 =	sld [smem:$0x3F80]  }
0x2a: {  	p0 =	seq.s32 s5, $0x0;
	s5 =	sld [smem:$0x3F81]  }
0x2b: {  	s6 =	sld [smem:$0x3F82]  }
0x2c: {  	s7 =	sld [smem:$0x3F83]  }
0x2d: {  	s3 =	simm.s32 $0x108;
	s8 =	sld [smem:$0x3F84]  }
0x2e: {  	s3 =	simm.s32 @!p0 $0x1082;
	s9 =	sld [smem:$0x3F85]  }
0x2f: {  	lr =	sadd.s32 s0, s3;
	s0 =	sld [smem:$0x3F7C]  }
0x30: {  	s3 =	sld [smem:$0x3F7F]  }
0x31: {  	[smem:$0x3F88] =	sst s10  }
0x32: {  	s10 =	sld [smem:$0x3F86];
	_ =	sdelay $0x3  }
0x33: {  	p0 =	seq.s32 s10, $0x1;
	s10 =	sld [smem:$0x3F88];
	_ =	sdelay $0x3  }
0x34: {  	[smem:$0x3F88] =	sst s10  }
0x35: {  	s10 =	sld [smem:$0x3F87];
	_ =	sdelay $0x3  }
0x36: {  	p1 =	seq.s32 s10, $0x1;
	s10 =	sld [smem:$0x3F88];
	_ =	sdelay $0x3  }
0x37: {  	[smem:$0x3F88] =	sst s10  }
0x38: {  	s10 =	sld [smem:$0x3F89]  }
0x39: {  	_ = 	snop;
	(pc) =	sbr.ind lr, $3  }
0x3a: {  	_ = 	snop  }
0x3b: {  	_ = 	snop  }
0x3c: {  	p2 =	seq.s32 s10, $0x1;
	s10 =	sld [smem:$0x3F88]  }
0x3d: {  	_ =	shalt  }
0x3e: {  	_ =	shalt  }
0x3f: {  	_ =	shalt  }
0x40: {  	_ =	shalt  }
0x41: {  	_ =	shalt  }
0x42: {  	_ =	shalt  }
0x43: {  	_ =	shalt  }
0x44: {  	_ =	shalt  }
0x45: {  	_ =	shalt  }
0x46: {  	_ =	shalt  }
0x47: {  	_ =	shalt  }
0x48: {  	_ =	shalt  }
0x49: {  	_ =	shalt  }
0x4a: {  	_ =	shalt  }
0x4b: {  	_ =	shalt  }
0x4c: {  	_ =	shalt  }
0x4d: {  	_ =	shalt  }
0x4e: {  	_ =	shalt  }
0x4f: {  	_ =	shalt  }
0x50: {  	_ =	shalt  }
0x51: {  	_ =	shalt  }
0x52: {  	_ =	shalt  }
0x53: {  	_ =	shalt  }
0x54: {  	_ =	shalt  }
0x55: {  	_ =	shalt  }
0x56: {  	_ =	shalt  }
0x57: {  	_ =	shalt  }
0x58: {  	_ =	shalt  }
0x59: {  	_ =	shalt  }
0x5a: {  	_ =	shalt  }
0x5b: {  	_ =	shalt  }
0x5c: {  	_ =	shalt  }
0x5d: {  	_ =	shalt  }
0x5e: {  	_ =	shalt  }
0x5f: {  	_ =	shalt  }
0x60: {  	_ =	shalt  }
0x61: {  	_ =	shalt  }
0x62: {  	_ =	shalt  }
0x63: {  	_ =	shalt  }
0x64: {  	_ =	shalt  }
0x65: {  	_ =	shalt  }
0x66: {  	_ =	shalt  }
0x67: {  	_ =	shalt  }
0x68: {  	_ =	shalt  }
0x69: {  	_ =	shalt  }
0x6a: {  	_ =	shalt  }
0x6b: {  	_ =	shalt  }
0x6c: {  	_ =	shalt  }
0x6d: {  	_ =	shalt  }
0x6e: {  	_ =	shalt  }
0x6f: {  	_ =	shalt  }
0x70: {  	_ =	shalt  }
0x71: {  	_ =	shalt  }
0x72: {  	_ =	shalt  }
0x73: {  	_ =	shalt  }
0x74: {  	_ =	shalt  }
0x75: {  	_ =	shalt  }
0x76: {  	_ =	shalt  }
0x77: {  	_ =	shalt  }
0x78: {  	_ =	shalt  }
0x79: {  	_ =	shalt  }
0x7a: {  	_ =	shalt  }
0x7b: {  	_ =	shalt  }
0x7c: {  	_ =	shalt  }
0x7d: {  	_ =	shalt  }
0x7e: {  	_ =	shalt  }
0x7f: {  	_ =	shalt  }
0x80: {  	_ =	shalt  }
0x81: {  	_ =	shalt  }
0x82: {  	_ =	shalt  }
0x83: {  	_ =	shalt  }
0x84: {  	_ =	shalt  }
0x85: {  	_ =	shalt  }
0x86: {  	_ =	shalt  }
0x87: {  	_ =	shalt  }
.Lfunc_end0:
.L_simem_size_0:
called_computation.9_lowered:
.L_overlay_start_0:
0x88: {  	s2 =	sld [smem:$0x3FD9]  }
0x89: {  	s3 =	sld [smem:$0x3FFE];
	_ =	sdelay $0x1  }
0x8a: {  	s1 =	srdreg.scid  }
0x8b: {  	s0 =	sand.u32 $0x1, s1  }
0x8c: {  	s16 =	sshll.u32 s0, $0xA;
	s2 =	sadd.s32 s3, s2  }
0x8d: {  	s2 =	sadd.s32 s2, s16  }
0x8e: {  	[smem:$0x3F94] =	sst s2  }
0x8f: {  	_ = 	snop  }
0x90: {  	(tm) =	ssettm $0x1  }
0x91: {  	s17 =	sld [smem:$0x3FFB];
	_ =	sdelay $0x3  }
0x92: {  	_ =	strace s17  }
0x93: {  	s2 =	sld [smem:$0x3FFC];
	_ =	sdelay $0x3  }
0x94: {  	_ =	strace s2  }
0x95: {  	s2 =	sld [smem:$0x3FFD];
	_ =	sdelay $0x3  }
0x96: {  	_ =	strace s2  }
0x97: {  	_ =	strace $0x8FFFFFFF  }
0x98: {  	s18 =	sld [smem:$0x3FDB];
	_ =	sdelay $0x1  }
0x99: {  	s19 =	simm.s32 $_scs_section_size  }
0x9a: {  	s4 =	simm.s32 $_size__tile_overlayer_lowered;
	s5 =	simm.s32 $_tile_overlayer_lowered  }
0x9b: {  	s22 =	simm.s32 $0x1BFF;
	s21 =	sshll.u32 s5, $0x1;
	s2 =	sadd.s32 s19, s18  }
0x9c: {  	s6 =	simm.s32 $0x0;
	s20 =	sshll.u32 s4, $0x1;
	s4 =	sadd.s32 s21, s2  }
0x9d: {  	[timem:s6], [sflag:s22] =	dma.local [hbm:s4], s20  }
0x9e: {  	_ =	swait.ge [sflag:s22], s20  }
0x9f: {  	s3 =	ssub.s32 $0x0, s20;
	[sflag:s22] =	ssyncset.done $0x0  }
0xa0: {  	[sflag:s22] =	ssyncadd.s32 s3;
	_ =	sdelay $0x1  }
0xa1: {  	s23 =	simm.s32 $0x1B8B  }
0xa2: {  	_ =	swait.ge [sflag:s23], $0x1  }
0xa3: {  	[sflag:s23] =	ssyncset.done $0x0  }
0xa4: {  	s25 =	simm.s32 $0x1B8E;
	s24 =	sld [smem:$0x3FFE];
	[sflag:s23] =	ssyncadd.s32 $0xFFFFFFFF  }
0xa5: {  	s26 =	simm.s32 $execute0_lowered;
	[smem:$0x3FD2] =	sst s25  }
0xa6: {  	s4 =	sshll.u32 s26, $0x1;
	_ =	strace $0x80000061;
	[dreg:$0x1] =	wrdreg $0xFFFFFFFF  }
0xa7: {  	s28 =	simm.s32 $_size_execute0_lowered;
	s2 =	sadd.s32 s2, s4;
	[dreg:$0x0] =	wrdreg $0x0  }
0xa8: {  	s4 =	sshll.u32 s28, $0x1;
	[dreg:$0x2] =	wrdreg s2  }
0xa9: {  	[dreg:$0x3] =	wrdreg s4  }
0xaa: {  	[dreg:$0x4] =	wrdreg $0xC0  }
0xab: {  	_ =	task [dreg:s6], $0x5FFFF  }
0xac: {  	[dreg:$0x1] =	wrdreg $0xFFFFFFFF  }
0xad: {  	[dreg:$0x0] =	wrdreg $0x60  }
0xae: {  	[dreg:$0x2] =	wrdreg s24  }
0xaf: {  	[dreg:$0x3] =	wrdreg $0x110000  }
0xb0: {  	[dreg:$0x4] =	wrdreg $0x9  }
0xb1: {  	_ =	task.clear_ibuf [dreg:s6], $0x5FFFF;
	_ =	strace $0x90000061  }
0xb2: {  	s29 =	simm.s32 $0x9;
	_ =	strace $0x80000063  }
0xb3: {  	_ =	swait.ge [sflag:s29], $0x1  }
0xb4: {  	[sflag:s29] =	ssyncadd.s32 $0xFFFFFFFF  }
0xb5: {  	_ =	strace $0x90000063  }
0xb6: {  	_ =	sfence  }
0xb7: {  	s30 =	sld [smem:$0x0];
	_ =	sdelay $0x2  }
0xb8: {  	s31 =	sshll.u32 s1, $0xD;
	s1 =	sshrl.u32 s1, $0x2  }
0xb9: {  	s3 =	sand.u32 $0x4000, s31;
	s1 =	sadd.s32 s1, s30  }
0xba: {  	s0 =	sor.u32 s3, s0;
	s1 =	sshll.u32 s1, $0x11  }
0xbb: {  	s0 =	sor.u32 s1, s0  }
0xbc: {  	s0 =	sadd.s32 $0x8F2B, s0  }
0xbd: {  	[sflag:s0] =	ssyncadd.remote.s32 $0x1  }
0xbe: {  	_ =	sfence.sel $0xFFFF  }
0xbf: {  	[dreg:$0x0] =	wrdreg $0xFFFFFFFF;
	(pc) =	sbr.abs _section_cstart, $3  }
0xc0: {  	[dreg:$0x1] =	wrdreg $0xFFFFFFFF  }
0xc1: {  	_ =	task.clear_ibuf [dreg:s6], $0x2FFFF;
	_ =	strace $0x9FFFFFFF  }
0xc2: {  	(tm) =	ssettm $0x7FFFFFFF  }
0xc3: {  	_ =	shalt  }
tec
execute0_lowered:
.L_overlay_start_1:
0x0: {  	(tag) =	ssettag $0x1  }
0x1: {  	s15 =	rddreg [dreg:$0x0]  }
0x2: {  	s2 =	rddreg [dreg:$0x1];
	s1 =	stileid.u32  }
0x3: {  	s0 =	rddreg [dreg:$0x2];
	s3 =	simm.s32 $0x0;
	s16 =	smul.u32 $0xC400, s1  }
0x4: {  	s8 =	srdreg.scid;
	[smem:$0x7FF] =	sst s3;
	s4 =	sadd.s32 $0x3F200, s15  }
0x5: {  	s5 =	sshll.u32 s1, $0x6;
	_ =	strace $0x80000062;
	s6 =	sadd.s32 s16, s2  }
0x6: {  	s5 =	sor.u32 $0x1C03, s5;
	s7 =	sshrl.u32 s6, $0x3;
	s6 =	simm.s32 $0x3  }
0x7: {  	[spmem:s7], [sflag:s5] =	dma.local [hbm:s4], $0x1880  }
0x8: {  	s9 =	sshll.u32 s1, $0x8;
	s17 =	sand.u32 $0x1, s8;
	_ =	swait.ge [sflag:s6], $0x1880  }
0x9: {  	s9 =	sadd.s32 s9, s15;
	s8 =	sshll.u32 s17, $0xC;
	[sflag:s6] =	ssyncset.done $0x0  }
0xa: {  	s8 =	sadd.s32 s8, s9;
	[sflag:s6] =	ssyncadd.s32 $0xFFFFE780  }
0xb: {  	s8 =	sadd.s32 $0x3C200, s8;
	[bflag:$0x0] =	sbarrier.arrive $0xFFFF  }
0xc: {  	[tilespmem:s3], [sflag:$0x3] =	stream.linear.gather [hbm4b:s8+s3], $0x800, $0x38;
	[tilespmem:$0x1D400] =	vst v63  }
0xd: {  	_ =	swait.ge [sflag:s6], $0x800  }
0xe: {  	[sflag:s6] =	ssyncset.done $0x0  }
0xf: {  	s10 =	simm.s32 $0x800;
	s9 =	sadd.s32 $0x3E200, s9;
	[sflag:s6] =	ssyncadd.s32 $0xFFFFF800  }
0x10: {  	[tilespmem:s10], [sflag:$0x3] =	stream.linear.gather [hbm4b:s9+s3], $0x800, $0x38;
	[tilespmem:$0x1D400] =	vst v63  }
0x11: {  	_ =	swait.ge [sflag:s6], $0x800  }
0x12: {  	s12 =	simm.s32 $0x1000;
	s13 =	simm.s32 $0x1;
	[sflag:s6] =	ssyncset.done $0x0  }
0x13: {  	s11 =	sadd.s32 $0x40C00, s15;
	s18 =	smul.u32 $0xC4000, s17;
	[sflag:s6] =	ssyncadd.s32 $0xFFFFF800  }
0x14: {  	[tilespmem:s12], [sflag:$0x1] =	stream.indirect.gather [hbm4b:s11+s10], $0x20, s3, s10, $0xb8;
	[tilespmem:$0x1D400] =	vst v63  }
0x15: {  	s14 =	simm.s32 $0x2;
	s17 =	ssub.s32 $0x2, s17;
	_ =	swait.ge [sflag:s13], $0x10000  }
0x16: {  	s30 =	sshrl.u32 s17, $0x1;
	s16 =	sadd.s32 s16, s18;
	[sflag:s13] =	ssyncset.done $0x0  }
0x17: {  	s31 =	ssub.s32 s17, s30;
	s16 =	sshrl.u32 s16, $0x3;
	[sflag:s13] =	ssyncadd.s32 $0xFFFF0000  }
0x18: {  	[spmem:s2] =	stream.indirect.scatter.add.f32 [tilespmem:s12], [sflag:$0x2], $0x20, s10, s10, $0xb8;
	[tilespmem:$0x1D400] =	vst v63  }
0x19: {  	s15 =	sadd.s32 s16, s15;
	s16 =	smax.u32 s31, $0x1;
	_ =	swait.ge [sflag:s14], $0x10000  }
0x1a: {  	p0 =	sne.s32 s16, $0x1;
	[sflag:s14] =	ssyncset.done $0x0  }
.Ltmp0:
0x1b: {  	[sflag:s14] =	ssyncadd.s32 $0xFFFF0000;
	(pc) =	sbr.rel @!p0 .LBB2_2-.Ltmp0, $4  }
0x1c: {  	s15 =	sadd.s32 $0x8D600, s15;
	[bflag:$0x0] =	sbarrier.arrive $0xFFFF  }
0x1d: {  	[hbm:s15], [sflag:s5] =	dma.local [spmem:s7], $0x1880  }
0x1e: {  	_ =	swait.ge [sflag:s6], $0x1880  }
0x1f: {  	s16 =	sadd.s32 $0xFFFFFFFF, s16;
	[sflag:s6] =	ssyncset.done $0x0  }
.LBB2_1:
0x20: {  	p0 =	sne.s32 s16, $0x1;
	s16 =	sadd.s32 $0xFFFFFFFF, s16;
	[sflag:s6] =	ssyncadd.s32 $0xFFFFE780  }
0x21: {  	[spmem:s7], [sflag:s5] =	dma.local [hbm:s4], $0x1880  }
0x22: {  	_ =	swait.ge [sflag:s6], $0x1880  }
0x23: {  	[sflag:s6] =	ssyncset.done $0x0  }
0x24: {  	[sflag:s6] =	ssyncadd.s32 $0xFFFFE780  }
0x25: {  	[bflag:$0x0] =	sbarrier.arrive $0xFFFF  }
0x26: {  	[tilespmem:s3], [sflag:$0x3] =	stream.linear.gather [hbm4b:s8+s3], $0x800, $0x38;
	[tilespmem:$0x1D400] =	vst v63  }
0x27: {  	_ =	swait.ge [sflag:s6], $0x800  }
0x28: {  	[sflag:s6] =	ssyncset.done $0x0  }
0x29: {  	[sflag:s6] =	ssyncadd.s32 $0xFFFFF800  }
0x2a: {  	[tilespmem:s10], [sflag:$0x3] =	stream.linear.gather [hbm4b:s9+s3], $0x800, $0x38;
	[tilespmem:$0x1D400] =	vst v63  }
0x2b: {  	_ =	swait.ge [sflag:s6], $0x800  }
0x2c: {  	[sflag:s6] =	ssyncset.done $0x0  }
0x2d: {  	[sflag:s6] =	ssyncadd.s32 $0xFFFFF800  }
0x2e: {  	[tilespmem:s12], [sflag:$0x1] =	stream.indirect.gather [hbm4b:s11+s10], $0x20, s3, s10, $0xb8;
	[tilespmem:$0x1D400] =	vst v63  }
0x2f: {  	_ =	swait.ge [sflag:s13], $0x10000  }
0x30: {  	[sflag:s13] =	ssyncset.done $0x0  }
0x31: {  	[sflag:s13] =	ssyncadd.s32 $0xFFFF0000  }
0x32: {  	[spmem:s2] =	stream.indirect.scatter.add.f32 [tilespmem:s12], [sflag:$0x2], $0x20, s10, s10, $0xb8;
	[tilespmem:$0x1D400] =	vst v63  }
0x33: {  	_ =	swait.ge [sflag:s14], $0x10000  }
0x34: {  	[sflag:s14] =	ssyncset.done $0x0  }
.Ltmp1:
0x35: {  	[sflag:s14] =	ssyncadd.s32 $0xFFFF0000;
	(pc) =	sbr.rel @p0 .LBB2_1-.Ltmp1, $4  }
0x36: {  	[bflag:$0x0] =	sbarrier.arrive $0xFFFF  }
0x37: {  	[hbm:s15], [sflag:s5] =	dma.local [spmem:s7], $0x1880  }
0x38: {  	_ =	swait.ge [sflag:s6], $0x1880  }
0x39: {  	[sflag:s6] =	ssyncset.done $0x0  }
.LBB2_2:
0x3a: {  	[sflag:s6] =	ssyncadd.s32 $0xFFFFE780  }
0x3b: {  	_ =	sfence.sel $0x180000  }
0x3c: {  	[bflag:$0x0] =	sbarrier.arrive $0xFFFF  }
0x3d: {  	p0 =	sne.s32 s1, $0x0;
	_ =	strace $0x90000062  }
0x3e: {  	s0 =	sadd.s32 @!p0 $0x100000, s0;
	[bflag:$0x2] =	sbarrier.arrive $0xFFFF  }
0x3f: {  	[sflag:s0] =	ssyncadd.tile.s32 @!p0 $0x1;
	_ =	shalt  }
.Lfunc_end2:
_tile_overlayer_lowered:
.L_overlay_start_2:
0x40: {  	(tag) =	ssettag $0x2  }
0x41: {  	s0 =	rddreg [dreg:$0x0];
	s2 =	stileid.u32  }
0x42: {  	s1 =	rddreg [dreg:$0x1];
	p0 =	sne.s32 s2, $0x0  }
0x43: {  	s3 =	rddreg [dreg:$0x2];
	[bflag:$0x3] =	sbarrier.arrive $0xFFFF;
	s2 =	simm.s32 @!p0 $0x1C03  }
0x44: {  	[timem:s3], [sflag:s2] =	dma.local @!p0 [hbm:s0], s1  }
0x45: {  	s0 =	simm.s32 @!p0 $0x3  }
0x46: {  	_ =	swait.ge @!p0 [sflag:s0], s1  }
0x47: {  	s1 =	ssub.s32 @!p0 $0x0, s1;
	[sflag:s0] =	ssyncset.done @!p0 $0x0  }
0x48: {  	[sflag:s0] =	ssyncadd.s32 @!p0 s1  }
0x49: {  	[bflag:$0x3] =	sbarrier.arrive $0xFFFF  }
0x4a: {  	_ =	shalt  }

// kernel: kernel.76.cloned.1.call-start
scs
__scs_entry_jumppad:
0x0: {  	(pc) =	sbr.rel $0x88, $3  }
0x1: {  	(tag) =	ssettag $0x0;
	lr =	simm.s32 $0x1  }
0x2: {  	[smem:$0x3F6D] =	sst lr;
	_ =	strace $0xD0000000  }
0x3: {  	_ = 	snop  }
0x4: {  	_ = 	snop  }
0x5: {  	_ = 	snop  }
0x6: {  	_ = 	snop  }
0x7: {  	_ = 	snop  }
__scs_overlays_trampoline_lowered:
0x8: {  	[smem:$0x3F7C] =	sst s0  }
0x9: {  	[smem:$0x3F7D] =	sst s1  }
0xa: {  	[smem:$0x3F7E] =	sst s2  }
0xb: {  	[smem:$0x3F7F] =	sst s3  }
0xc: {  	[smem:$0x3F80] =	sst s4  }
0xd: {  	[smem:$0x3F81] =	sst s5  }
0xe: {  	[smem:$0x3F82] =	sst s6  }
0xf: {  	[smem:$0x3F83] =	sst s7  }
0x10: {  	[smem:$0x3F84] =	sst s8  }
0x11: {  	[smem:$0x3F85] =	sst s9;
	s0 =	simm.s32 @!p0 $0x0  }
0x12: {  	s1 =	sld [smem:$0x3F6B];
	s0 =	simm.s32 @p0 $0x1  }
0x13: {  	[smem:$0x3F86] =	sst s0;
	s0 =	simm.s32 @!p1 $0x0  }
0x14: {  	s2 =	sld [smem:$0x3F6A];
	s0 =	simm.s32 @p1 $0x1  }
0x15: {  	[smem:$0x3F87] =	sst s0;
	s0 =	simm.s32 @!p2 $0x0  }
0x16: {  	s3 =	sld [smem:$0x3FDB];
	s0 =	simm.s32 @p2 $0x1  }
0x17: {  	s4 =	simm.s32 $0x1BF5;
	[smem:$0x3F89] =	sst s0  }
0x18: {  	s0 =	sld [smem:$0x3F6C];
	_ =	swait.ge [sflag:s4], $0x0  }
0x19: {  	s7 =	sld [smem:$0x3F6D]  }
0x1a: {  	s8 =	sadd.s32 $0xFFFFE003, lr  }
0x1b: {  	s9 =	sadd.s32 $0xFFFFFEF7, lr;
	s5 =	simm.s32 $0xFFFFFFFF;
	p2 =	slt.u32 s8, $0xFFFFF086  }
0x1c: {  	p1 =	slt.u32 s9, $0xF7A;
	s5 =	simm.s32 @!p2 $0x0  }
0x1d: {  	s5 =	simm.s32 @p1 $0x1;
	p0 =	seq.s32 s7, s2  }
0x1e: {  	s7 =	smul.u32 @!p0 $0xF7A, s2;
	p2 =	seq.s32 @!p0 s5, $0x0  }
0x1f: {  	s9 =	smul.u32 $0xF7A, s1;
	s8 =	simm.s32 @!p0 $0x1BF5;
	p2 =	por !p2, p0  }
0x20: {  	[sflag:s8] =	ssyncset.s32 @!p0 $0xFFFFF086;
	s6 =	sadd.s32 @!p0 s3, s7;
	s7 =	simm.s32 @!p0 $0x108  }
0x21: {  	s3 =	sadd.s32 s3, s9;
	s6 =	sadd.s32 @!p0 $0x88, s6;
	s7 =	simm.s32 @p2 $0x1082  }
0x22: {  	[simem:s7], [sflag:s8] =	dma.local @!p0 [hbm:s6], $0xF7A  }
0x23: {  	s9 =	sor.u32 $0xD0000000, s2;
	s6 =	simm.s32 $0x108;
	_ =	swait.ge @!p0 [sflag:s8], $0x0  }
0x24: {  	s3 =	sadd.s32 $0x88, s3;
	s6 =	simm.s32 @!p1 $0x1082;
	[sflag:s4] =	ssyncset.s32 $0xFFFFF086  }
0x25: {  	[simem:s6], [sflag:s4] =	dma.local [hbm:s3], $0xF7A  }
0x26: {  	[smem:$0x3F6D] =	sst s1;
	(tag) =	ssettag s2;
	_ =	strace s9  }
0x27: {  	s1 =	sld [smem:$0x3F7D]  }
0x28: {  	s2 =	sld [smem:$0x3F7E]  }
0x29: {  	s4 =	sld [smem:$0x3F80]  }
0x2a: {  	p0 =	seq.s32 s5, $0x0;
	s5 =	sld [smem:$0x3F81]  }
0x2b: {  	s6 =	sld [smem:$0x3F82]  }
0x2c: {  	s7 =	sld [smem:$0x3F83]  }
0x2d: {  	s3 =	simm.s32 $0x108;
	s8 =	sld [smem:$0x3F84]  }
0x2e: {  	s3 =	simm.s32 @!p0 $0x1082;
	s9 =	sld [smem:$0x3F85]  }
0x2f: {  	lr =	sadd.s32 s0, s3;
	s0 =	sld [smem:$0x3F7C]  }
0x30: {  	s3 =	sld [smem:$0x3F7F]  }
0x31: {  	[smem:$0x3F88] =	sst s10  }
0x32: {  	s10 =	sld [smem:$0x3F86];
	_ =	sdelay $0x3  }
0x33: {  	p0 =	seq.s32 s10, $0x1;
	s10 =	sld [smem:$0x3F88];
	_ =	sdelay $0x3  }
0x34: {  	[smem:$0x3F88] =	sst s10  }
0x35: {  	s10 =	sld [smem:$0x3F87];
	_ =	sdelay $0x3  }
0x36: {  	p1 =	seq.s32 s10, $0x1;
	s10 =	sld [smem:$0x3F88];
	_ =	sdelay $0x3  }
0x37: {  	[smem:$0x3F88] =	sst s10  }
0x38: {  	s10 =	sld [smem:$0x3F89]  }
0x39: {  	_ = 	snop;
	(pc) =	sbr.ind lr, $3  }
0x3a: {  	_ = 	snop  }
0x3b: {  	_ = 	snop  }
0x3c: {  	p2 =	seq.s32 s10, $0x1;
	s10 =	sld [smem:$0x3F88]  }
0x3d: {  	_ =	shalt  }
0x3e: {  	_ =	shalt  }
0x3f: {  	_ =	shalt  }
0x40: {  	_ =	shalt  }
0x41: {  	_ =	shalt  }
0x42: {  	_ =	shalt  }
0x43: {  	_ =	shalt  }
0x44: {  	_ =	shalt  }
0x45: {  	_ =	shalt  }
0x46: {  	_ =	shalt  }
0x47: {  	_ =	shalt  }
0x48: {  	_ =	shalt  }
0x49: {  	_ =	shalt  }
0x4a: {  	_ =	shalt  }
0x4b: {  	_ =	shalt  }
0x4c: {  	_ =	shalt  }
0x4d: {  	_ =	shalt  }
0x4e: {  	_ =	shalt  }
0x4f: {  	_ =	shalt  }
0x50: {  	_ =	shalt  }
0x51: {  	_ =	shalt  }
0x52: {  	_ =	shalt  }
0x53: {  	_ =	shalt  }
0x54: {  	_ =	shalt  }
0x55: {  	_ =	shalt  }
0x56: {  	_ =	shalt  }
0x57: {  	_ =	shalt  }
0x58: {  	_ =	shalt  }
0x59: {  	_ =	shalt  }
0x5a: {  	_ =	shalt  }
0x5b: {  	_ =	shalt  }
0x5c: {  	_ =	shalt  }
0x5d: {  	_ =	shalt  }
0x5e: {  	_ =	shalt  }
0x5f: {  	_ =	shalt  }
0x60: {  	_ =	shalt  }
0x61: {  	_ =	shalt  }
0x62: {  	_ =	shalt  }
0x63: {  	_ =	shalt  }
0x64: {  	_ =	shalt  }
0x65: {  	_ =	shalt  }
0x66: {  	_ =	shalt  }
0x67: {  	_ =	shalt  }
0x68: {  	_ =	shalt  }
0x69: {  	_ =	shalt  }
0x6a: {  	_ =	shalt  }
0x6b: {  	_ =	shalt  }
0x6c: {  	_ =	shalt  }
0x6d: {  	_ =	shalt  }
0x6e: {  	_ =	shalt  }
0x6f: {  	_ =	shalt  }
0x70: {  	_ =	shalt  }
0x71: {  	_ =	shalt  }
0x72: {  	_ =	shalt  }
0x73: {  	_ =	shalt  }
0x74: {  	_ =	shalt  }
0x75: {  	_ =	shalt  }
0x76: {  	_ =	shalt  }
0x77: {  	_ =	shalt  }
0x78: {  	_ =	shalt  }
0x79: {  	_ =	shalt  }
0x7a: {  	_ =	shalt  }
0x7b: {  	_ =	shalt  }
0x7c: {  	_ =	shalt  }
0x7d: {  	_ =	shalt  }
0x7e: {  	_ =	shalt  }
0x7f: {  	_ =	shalt  }
0x80: {  	_ =	shalt  }
0x81: {  	_ =	shalt  }
0x82: {  	_ =	shalt  }
0x83: {  	_ =	shalt  }
0x84: {  	_ =	shalt  }
0x85: {  	_ =	shalt  }
0x86: {  	_ =	shalt  }
0x87: {  	_ =	shalt  }
.Lfunc_end0:
.L_simem_size_0:
called_computation.10_lowered:
.L_overlay_start_0:
0x88: {  	s2 =	sld [smem:$0x3FD9]  }
0x89: {  	s3 =	sld [smem:$0x3FFE];
	_ =	sdelay $0x1  }
0x8a: {  	s1 =	srdreg.scid  }
0x8b: {  	s0 =	sand.u32 $0x1, s1  }
0x8c: {  	s16 =	sshll.u32 s0, $0xA;
	s2 =	sadd.s32 s3, s2  }
0x8d: {  	s2 =	sadd.s32 s2, s16  }
0x8e: {  	[smem:$0x3F94] =	sst s2  }
0x8f: {  	_ = 	snop  }
0x90: {  	(tm) =	ssettm $0x1  }
0x91: {  	s17 =	sld [smem:$0x3FFB];
	_ =	sdelay $0x3  }
0x92: {  	_ =	strace s17  }
0x93: {  	s2 =	sld [smem:$0x3FFC];
	_ =	sdelay $0x3  }
0x94: {  	_ =	strace s2  }
0x95: {  	s2 =	sld [smem:$0x3FFD];
	_ =	sdelay $0x3  }
0x96: {  	_ =	strace s2  }
0x97: {  	_ =	strace $0x8FFFFFFF  }
0x98: {  	s18 =	sld [smem:$0x3FDB];
	_ =	sdelay $0x1  }
0x99: {  	s19 =	simm.s32 $_scs_section_size  }
0x9a: {  	s4 =	simm.s32 $_size__tile_overlayer_lowered;
	s5 =	simm.s32 $_tile_overlayer_lowered  }
0x9b: {  	s22 =	simm.s32 $0x1BFF;
	s21 =	sshll.u32 s5, $0x1;
	s2 =	sadd.s32 s19, s18  }
0x9c: {  	s6 =	simm.s32 $0x0;
	s20 =	sshll.u32 s4, $0x1;
	s4 =	sadd.s32 s21, s2  }
0x9d: {  	[timem:s6], [sflag:s22] =	dma.local [hbm:s4], s20  }
0x9e: {  	_ =	swait.ge [sflag:s22], s20  }
0x9f: {  	s3 =	ssub.s32 $0x0, s20;
	[sflag:s22] =	ssyncset.done $0x0  }
0xa0: {  	[sflag:s22] =	ssyncadd.s32 s3;
	_ =	sdelay $0x1  }
0xa1: {  	s23 =	simm.s32 $0x1B8B  }
0xa2: {  	_ =	swait.ge [sflag:s23], $0x1  }
0xa3: {  	[sflag:s23] =	ssyncset.done $0x0  }
0xa4: {  	s25 =	simm.s32 $0x1B8E;
	s24 =	sld [smem:$0x3FFE];
	[sflag:s23] =	ssyncadd.s32 $0xFFFFFFFF  }
0xa5: {  	s26 =	simm.s32 $execute0_lowered;
	[smem:$0x3FD2] =	sst s25  }
0xa6: {  	s4 =	sshll.u32 s26, $0x1;
	_ =	strace $0x80000064;
	[dreg:$0x1] =	wrdreg $0xFFFFFFFF  }
0xa7: {  	s28 =	simm.s32 $_size_execute0_lowered;
	s2 =	sadd.s32 s2, s4;
	[dreg:$0x0] =	wrdreg $0x0  }
0xa8: {  	s4 =	sshll.u32 s28, $0x1;
	[dreg:$0x2] =	wrdreg s2  }
0xa9: {  	[dreg:$0x3] =	wrdreg s4  }
0xaa: {  	[dreg:$0x4] =	wrdreg $0xC0  }
0xab: {  	_ =	task [dreg:s6], $0x5FFFF  }
0xac: {  	[dreg:$0x1] =	wrdreg $0xFFFFFFFF  }
0xad: {  	[dreg:$0x0] =	wrdreg $0x60  }
0xae: {  	[dreg:$0x2] =	wrdreg s24  }
0xaf: {  	[dreg:$0x3] =	wrdreg $0x110000  }
0xb0: {  	[dreg:$0x4] =	wrdreg $0x9  }
0xb1: {  	_ =	task.clear_ibuf [dreg:s6], $0x5FFFF;
	_ =	strace $0x90000064  }
0xb2: {  	s29 =	simm.s32 $0x9;
	_ =	strace $0x80000066  }
0xb3: {  	_ =	swait.ge [sflag:s29], $0x1  }
0xb4: {  	[sflag:s29] =	ssyncadd.s32 $0xFFFFFFFF  }
0xb5: {  	_ =	strace $0x90000066  }
0xb6: {  	_ =	sfence  }
0xb7: {  	s30 =	sld [smem:$0x0];
	_ =	sdelay $0x2  }
0xb8: {  	s31 =	sshll.u32 s1, $0xD;
	s1 =	sshrl.u32 s1, $0x2  }
0xb9: {  	s3 =	sand.u32 $0x4000, s31;
	s1 =	sadd.s32 s1, s30  }
0xba: {  	s0 =	sor.u32 s3, s0;
	s1 =	sshll.u32 s1, $0x11  }
0xbb: {  	s0 =	sor.u32 s1, s0  }
0xbc: {  	s0 =	sadd.s32 $0x8F2B, s0  }
0xbd: {  	[sflag:s0] =	ssyncadd.remote.s32 $0x1  }
0xbe: {  	_ =	sfence.sel $0xFFFF  }
0xbf: {  	[dreg:$0x0] =	wrdreg $0xFFFFFFFF;
	(pc) =	sbr.abs _section_cstart, $3  }
0xc0: {  	[dreg:$0x1] =	wrdreg $0xFFFFFFFF  }
0xc1: {  	_ =	task.clear_ibuf [dreg:s6], $0x2FFFF;
	_ =	strace $0x9FFFFFFF  }
0xc2: {  	(tm) =	ssettm $0x7FFFFFFF  }
0xc3: {  	_ =	shalt  }
tec
execute0_lowered:
.L_overlay_start_1:
0x0: {  	(tag) =	ssettag $0x1  }
0x1: {  	s15 =	rddreg [dreg:$0x0]  }
0x2: {  	s2 =	rddreg [dreg:$0x1];
	s1 =	stileid.u32  }
0x3: {  	s0 =	rddreg [dreg:$0x2];
	s3 =	simm.s32 $0x0;
	s16 =	smul.u32 $0xC400, s1  }
0x4: {  	s8 =	srdreg.scid;
	[smem:$0x7FF] =	sst s3;
	s4 =	sadd.s32 $0x3F200, s15  }
0x5: {  	s5 =	sshll.u32 s1, $0x6;
	_ =	strace $0x80000065;
	s6 =	sadd.s32 s16, s2  }
0x6: {  	s5 =	sor.u32 $0x1C03, s5;
	s7 =	sshrl.u32 s6, $0x3;
	s6 =	simm.s32 $0x3  }
0x7: {  	[spmem:s7], [sflag:s5] =	dma.local [hbm:s4], $0x1880  }
0x8: {  	s9 =	sshll.u32 s1, $0x8;
	s17 =	sand.u32 $0x1, s8;
	_ =	swait.ge [sflag:s6], $0x1880  }
0x9: {  	s9 =	sadd.s32 s9, s15;
	s8 =	sshll.u32 s17, $0xC;
	[sflag:s6] =	ssyncset.done $0x0  }
0xa: {  	s8 =	sadd.s32 s8, s9;
	[sflag:s6] =	ssyncadd.s32 $0xFFFFE780  }
0xb: {  	s8 =	sadd.s32 $0xBFE00, s8;
	[bflag:$0x0] =	sbarrier.arrive $0xFFFF  }
0xc: {  	[tilespmem:s3], [sflag:$0x3] =	stream.linear.gather [hbm4b:s8+s3], $0x800, $0x38;
	[tilespmem:$0x1D400] =	vst v63  }
0xd: {  	_ =	swait.ge [sflag:s6], $0x800  }
0xe: {  	[sflag:s6] =	ssyncset.done $0x0  }
0xf: {  	s10 =	simm.s32 $0x800;
	s9 =	sadd.s32 $0x8C600, s9;
	[sflag:s6] =	ssyncadd.s32 $0xFFFFF800  }
0x10: {  	[tilespmem:s10], [sflag:$0x3] =	stream.linear.gather [hbm4b:s9+s3], $0x800, $0x38;
	[tilespmem:$0x1D400] =	vst v63  }
0x11: {  	_ =	swait.ge [sflag:s6], $0x800  }
0x12: {  	s12 =	simm.s32 $0x1000;
	s13 =	simm.s32 $0x1;
	[sflag:s6] =	ssyncset.done $0x0  }
0x13: {  	s11 =	sadd.s32 $0x40C00, s15;
	s18 =	smul.u32 $0xC4000, s17;
	[sflag:s6] =	ssyncadd.s32 $0xFFFFF800  }
0x14: {  	[tilespmem:s12], [sflag:$0x1] =	stream.indirect.gather [hbm4b:s11+s10], $0x20, s3, s10, $0xb8;
	[tilespmem:$0x1D400] =	vst v63  }
0x15: {  	s14 =	simm.s32 $0x2;
	s17 =	ssub.s32 $0x2, s17;
	_ =	swait.ge [sflag:s13], $0x10000  }
0x16: {  	s30 =	sshrl.u32 s17, $0x1;
	s16 =	sadd.s32 s16, s18;
	[sflag:s13] =	ssyncset.done $0x0  }
0x17: {  	s31 =	ssub.s32 s17, s30;
	s16 =	sshrl.u32 s16, $0x3;
	[sflag:s13] =	ssyncadd.s32 $0xFFFF0000  }
0x18: {  	[spmem:s2] =	stream.indirect.scatter.add.f32 [tilespmem:s12], [sflag:$0x2], $0x20, s10, s10, $0xb8;
	[tilespmem:$0x1D400] =	vst v63  }
0x19: {  	s15 =	sadd.s32 s16, s15;
	s16 =	smax.u32 s31, $0x1;
	_ =	swait.ge [sflag:s14], $0x10000  }
0x1a: {  	p0 =	sne.s32 s16, $0x1;
	[sflag:s14] =	ssyncset.done $0x0  }
.Ltmp0:
0x1b: {  	[sflag:s14] =	ssyncadd.s32 $0xFFFF0000;
	(pc) =	sbr.rel @!p0 .LBB2_2-.Ltmp0, $4  }
0x1c: {  	s15 =	sadd.s32 $0x8D600, s15;
	[bflag:$0x0] =	sbarrier.arrive $0xFFFF  }
0x1d: {  	[hbm:s15], [sflag:s5] =	dma.local [spmem:s7], $0x1880  }
0x1e: {  	_ =	swait.ge [sflag:s6], $0x1880  }
0x1f: {  	s16 =	sadd.s32 $0xFFFFFFFF, s16;
	[sflag:s6] =	ssyncset.done $0x0  }
.LBB2_1:
0x20: {  	p0 =	sne.s32 s16, $0x1;
	s16 =	sadd.s32 $0xFFFFFFFF, s16;
	[sflag:s6] =	ssyncadd.s32 $0xFFFFE780  }
0x21: {  	[spmem:s7], [sflag:s5] =	dma.local [hbm:s4], $0x1880  }
0x22: {  	_ =	swait.ge [sflag:s6], $0x1880  }
0x23: {  	[sflag:s6] =	ssyncset.done $0x0  }
0x24: {  	[sflag:s6] =	ssyncadd.s32 $0xFFFFE780  }
0x25: {  	[bflag:$0x0] =	sbarrier.arrive $0xFFFF  }
0x26: {  	[tilespmem:s3], [sflag:$0x3] =	stream.linear.gather [hbm4b:s8+s3], $0x800, $0x38;
	[tilespmem:$0x1D400] =	vst v63  }
0x27: {  	_ =	swait.ge [sflag:s6], $0x800  }
0x28: {  	[sflag:s6] =	ssyncset.done $0x0  }
0x29: {  	[sflag:s6] =	ssyncadd.s32 $0xFFFFF800  }
0x2a: {  	[tilespmem:s10], [sflag:$0x3] =	stream.linear.gather [hbm4b:s9+s3], $0x800, $0x38;
	[tilespmem:$0x1D400] =	vst v63  }
0x2b: {  	_ =	swait.ge [sflag:s6], $0x800  }
0x2c: {  	[sflag:s6] =	ssyncset.done $0x0  }
0x2d: {  	[sflag:s6] =	ssyncadd.s32 $0xFFFFF800  }
0x2e: {  	[tilespmem:s12], [sflag:$0x1] =	stream.indirect.gather [hbm4b:s11+s10], $0x20, s3, s10, $0xb8;
	[tilespmem:$0x1D400] =	vst v63  }
0x2f: {  	_ =	swait.ge [sflag:s13], $0x10000  }
0x30: {  	[sflag:s13] =	ssyncset.done $0x0  }
0x31: {  	[sflag:s13] =	ssyncadd.s32 $0xFFFF0000  }
0x32: {  	[spmem:s2] =	stream.indirect.scatter.add.f32 [tilespmem:s12], [sflag:$0x2], $0x20, s10, s10, $0xb8;
	[tilespmem:$0x1D400] =	vst v63  }
0x33: {  	_ =	swait.ge [sflag:s14], $0x10000  }
0x34: {  	[sflag:s14] =	ssyncset.done $0x0  }
.Ltmp1:
0x35: {  	[sflag:s14] =	ssyncadd.s32 $0xFFFF0000;
	(pc) =	sbr.rel @p0 .LBB2_1-.Ltmp1, $4  }
0x36: {  	[bflag:$0x0] =	sbarrier.arrive $0xFFFF  }
0x37: {  	[hbm:s15], [sflag:s5] =	dma.local [spmem:s7], $0x1880  }
0x38: {  	_ =	swait.ge [sflag:s6], $0x1880  }
0x39: {  	[sflag:s6] =	ssyncset.done $0x0  }
.LBB2_2:
0x3a: {  	[sflag:s6] =	ssyncadd.s32 $0xFFFFE780  }
0x3b: {  	_ =	sfence.sel $0x180000  }
0x3c: {  	[bflag:$0x0] =	sbarrier.arrive $0xFFFF  }
0x3d: {  	p0 =	sne.s32 s1, $0x0;
	_ =	strace $0x90000065  }
0x3e: {  	s0 =	sadd.s32 @!p0 $0x100000, s0;
	[bflag:$0x2] =	sbarrier.arrive $0xFFFF  }
0x3f: {  	[sflag:s0] =	ssyncadd.tile.s32 @!p0 $0x1;
	_ =	shalt  }
.Lfunc_end2:
_tile_overlayer_lowered:
.L_overlay_start_2:
0x40: {  	(tag) =	ssettag $0x2  }
0x41: {  	s0 =	rddreg [dreg:$0x0];
	s2 =	stileid.u32  }
0x42: {  	s1 =	rddreg [dreg:$0x1];
	p0 =	sne.s32 s2, $0x0  }
0x43: {  	s3 =	rddreg [dreg:$0x2];
	[bflag:$0x3] =	sbarrier.arrive $0xFFFF;
	s2 =	simm.s32 @!p0 $0x1C03  }
0x44: {  	[timem:s3], [sflag:s2] =	dma.local @!p0 [hbm:s0], s1  }
0x45: {  	s0 =	simm.s32 @!p0 $0x3  }
0x46: {  	_ =	swait.ge @!p0 [sflag:s0], s1  }
0x47: {  	s1 =	ssub.s32 @!p0 $0x0, s1;
	[sflag:s0] =	ssyncset.done @!p0 $0x0  }
0x48: {  	[sflag:s0] =	ssyncadd.s32 @!p0 s1  }
0x49: {  	[bflag:$0x3] =	sbarrier.arrive $0xFFFF  }
0x4a: {  	_ =	shalt  }

// kernel: kernel.79.cloned.1.call-start
scs
__scs_entry_jumppad:
0x0: {  	(pc) =	sbr.rel $0x88, $3  }
0x1: {  	(tag) =	ssettag $0x0;
	lr =	simm.s32 $0x1  }
0x2: {  	[smem:$0x3F6D] =	sst lr;
	_ =	strace $0xD0000000  }
0x3: {  	_ = 	snop  }
0x4: {  	_ = 	snop  }
0x5: {  	_ = 	snop  }
0x6: {  	_ = 	snop  }
0x7: {  	_ = 	snop  }
__scs_overlays_trampoline_lowered:
0x8: {  	[smem:$0x3F7C] =	sst s0  }
0x9: {  	[smem:$0x3F7D] =	sst s1  }
0xa: {  	[smem:$0x3F7E] =	sst s2  }
0xb: {  	[smem:$0x3F7F] =	sst s3  }
0xc: {  	[smem:$0x3F80] =	sst s4  }
0xd: {  	[smem:$0x3F81] =	sst s5  }
0xe: {  	[smem:$0x3F82] =	sst s6  }
0xf: {  	[smem:$0x3F83] =	sst s7  }
0x10: {  	[smem:$0x3F84] =	sst s8  }
0x11: {  	[smem:$0x3F85] =	sst s9;
	s0 =	simm.s32 @!p0 $0x0  }
0x12: {  	s1 =	sld [smem:$0x3F6B];
	s0 =	simm.s32 @p0 $0x1  }
0x13: {  	[smem:$0x3F86] =	sst s0;
	s0 =	simm.s32 @!p1 $0x0  }
0x14: {  	s2 =	sld [smem:$0x3F6A];
	s0 =	simm.s32 @p1 $0x1  }
0x15: {  	[smem:$0x3F87] =	sst s0;
	s0 =	simm.s32 @!p2 $0x0  }
0x16: {  	s3 =	sld [smem:$0x3FDB];
	s0 =	simm.s32 @p2 $0x1  }
0x17: {  	s4 =	simm.s32 $0x1BF5;
	[smem:$0x3F89] =	sst s0  }
0x18: {  	s0 =	sld [smem:$0x3F6C];
	_ =	swait.ge [sflag:s4], $0x0  }
0x19: {  	s7 =	sld [smem:$0x3F6D]  }
0x1a: {  	s8 =	sadd.s32 $0xFFFFE003, lr  }
0x1b: {  	s9 =	sadd.s32 $0xFFFFFEF7, lr;
	s5 =	simm.s32 $0xFFFFFFFF;
	p2 =	slt.u32 s8, $0xFFFFF086  }
0x1c: {  	p1 =	slt.u32 s9, $0xF7A;
	s5 =	simm.s32 @!p2 $0x0  }
0x1d: {  	s5 =	simm.s32 @p1 $0x1;
	p0 =	seq.s32 s7, s2  }
0x1e: {  	s7 =	smul.u32 @!p0 $0xF7A, s2;
	p2 =	seq.s32 @!p0 s5, $0x0  }
0x1f: {  	s9 =	smul.u32 $0xF7A, s1;
	s8 =	simm.s32 @!p0 $0x1BF5;
	p2 =	por !p2, p0  }
0x20: {  	[sflag:s8] =	ssyncset.s32 @!p0 $0xFFFFF086;
	s6 =	sadd.s32 @!p0 s3, s7;
	s7 =	simm.s32 @!p0 $0x108  }
0x21: {  	s3 =	sadd.s32 s3, s9;
	s6 =	sadd.s32 @!p0 $0x88, s6;
	s7 =	simm.s32 @p2 $0x1082  }
0x22: {  	[simem:s7], [sflag:s8] =	dma.local @!p0 [hbm:s6], $0xF7A  }
0x23: {  	s9 =	sor.u32 $0xD0000000, s2;
	s6 =	simm.s32 $0x108;
	_ =	swait.ge @!p0 [sflag:s8], $0x0  }
0x24: {  	s3 =	sadd.s32 $0x88, s3;
	s6 =	simm.s32 @!p1 $0x1082;
	[sflag:s4] =	ssyncset.s32 $0xFFFFF086  }
0x25: {  	[simem:s6], [sflag:s4] =	dma.local [hbm:s3], $0xF7A  }
0x26: {  	[smem:$0x3F6D] =	sst s1;
	(tag) =	ssettag s2;
	_ =	strace s9  }
0x27: {  	s1 =	sld [smem:$0x3F7D]  }
0x28: {  	s2 =	sld [smem:$0x3F7E]  }
0x29: {  	s4 =	sld [smem:$0x3F80]  }
0x2a: {  	p0 =	seq.s32 s5, $0x0;
	s5 =	sld [smem:$0x3F81]  }
0x2b: {  	s6 =	sld [smem:$0x3F82]  }
0x2c: {  	s7 =	sld [smem:$0x3F83]  }
0x2d: {  	s3 =	simm.s32 $0x108;
	s8 =	sld [smem:$0x3F84]  }
0x2e: {  	s3 =	simm.s32 @!p0 $0x1082;
	s9 =	sld [smem:$0x3F85]  }
0x2f: {  	lr =	sadd.s32 s0, s3;
	s0 =	sld [smem:$0x3F7C]  }
0x30: {  	s3 =	sld [smem:$0x3F7F]  }
0x31: {  	[smem:$0x3F88] =	sst s10  }
0x32: {  	s10 =	sld [smem:$0x3F86];
	_ =	sdelay $0x3  }
0x33: {  	p0 =	seq.s32 s10, $0x1;
	s10 =	sld [smem:$0x3F88];
	_ =	sdelay $0x3  }
0x34: {  	[smem:$0x3F88] =	sst s10  }
0x35: {  	s10 =	sld [smem:$0x3F87];
	_ =	sdelay $0x3  }
0x36: {  	p1 =	seq.s32 s10, $0x1;
	s10 =	sld [smem:$0x3F88];
	_ =	sdelay $0x3  }
0x37: {  	[smem:$0x3F88] =	sst s10  }
0x38: {  	s10 =	sld [smem:$0x3F89]  }
0x39: {  	_ = 	snop;
	(pc) =	sbr.ind lr, $3  }
0x3a: {  	_ = 	snop  }
0x3b: {  	_ = 	snop  }
0x3c: {  	p2 =	seq.s32 s10, $0x1;
	s10 =	sld [smem:$0x3F88]  }
0x3d: {  	_ =	shalt  }
0x3e: {  	_ =	shalt  }
0x3f: {  	_ =	shalt  }
0x40: {  	_ =	shalt  }
0x41: {  	_ =	shalt  }
0x42: {  	_ =	shalt  }
0x43: {  	_ =	shalt  }
0x44: {  	_ =	shalt  }
0x45: {  	_ =	shalt  }
0x46: {  	_ =	shalt  }
0x47: {  	_ =	shalt  }
0x48: {  	_ =	shalt  }
0x49: {  	_ =	shalt  }
0x4a: {  	_ =	shalt  }
0x4b: {  	_ =	shalt  }
0x4c: {  	_ =	shalt  }
0x4d: {  	_ =	shalt  }
0x4e: {  	_ =	shalt  }
0x4f: {  	_ =	shalt  }
0x50: {  	_ =	shalt  }
0x51: {  	_ =	shalt  }
0x52: {  	_ =	shalt  }
0x53: {  	_ =	shalt  }
0x54: {  	_ =	shalt  }
0x55: {  	_ =	shalt  }
0x56: {  	_ =	shalt  }
0x57: {  	_ =	shalt  }
0x58: {  	_ =	shalt  }
0x59: {  	_ =	shalt  }
0x5a: {  	_ =	shalt  }
0x5b: {  	_ =	shalt  }
0x5c: {  	_ =	shalt  }
0x5d: {  	_ =	shalt  }
0x5e: {  	_ =	shalt  }
0x5f: {  	_ =	shalt  }
0x60: {  	_ =	shalt  }
0x61: {  	_ =	shalt  }
0x62: {  	_ =	shalt  }
0x63: {  	_ =	shalt  }
0x64: {  	_ =	shalt  }
0x65: {  	_ =	shalt  }
0x66: {  	_ =	shalt  }
0x67: {  	_ =	shalt  }
0x68: {  	_ =	shalt  }
0x69: {  	_ =	shalt  }
0x6a: {  	_ =	shalt  }
0x6b: {  	_ =	shalt  }
0x6c: {  	_ =	shalt  }
0x6d: {  	_ =	shalt  }
0x6e: {  	_ =	shalt  }
0x6f: {  	_ =	shalt  }
0x70: {  	_ =	shalt  }
0x71: {  	_ =	shalt  }
0x72: {  	_ =	shalt  }
0x73: {  	_ =	shalt  }
0x74: {  	_ =	shalt  }
0x75: {  	_ =	shalt  }
0x76: {  	_ =	shalt  }
0x77: {  	_ =	shalt  }
0x78: {  	_ =	shalt  }
0x79: {  	_ =	shalt  }
0x7a: {  	_ =	shalt  }
0x7b: {  	_ =	shalt  }
0x7c: {  	_ =	shalt  }
0x7d: {  	_ =	shalt  }
0x7e: {  	_ =	shalt  }
0x7f: {  	_ =	shalt  }
0x80: {  	_ =	shalt  }
0x81: {  	_ =	shalt  }
0x82: {  	_ =	shalt  }
0x83: {  	_ =	shalt  }
0x84: {  	_ =	shalt  }
0x85: {  	_ =	shalt  }
0x86: {  	_ =	shalt  }
0x87: {  	_ =	shalt  }
.Lfunc_end0:
.L_simem_size_0:
called_computation.11_lowered:
.L_overlay_start_0:
0x88: {  	s2 =	sld [smem:$0x3FD9]  }
0x89: {  	s3 =	sld [smem:$0x3FFE];
	_ =	sdelay $0x1  }
0x8a: {  	s1 =	srdreg.scid  }
0x8b: {  	s0 =	sand.u32 $0x1, s1  }
0x8c: {  	s16 =	sshll.u32 s0, $0xA;
	s2 =	sadd.s32 s3, s2  }
0x8d: {  	s2 =	sadd.s32 s2, s16  }
0x8e: {  	[smem:$0x3F94] =	sst s2  }
0x8f: {  	_ = 	snop  }
0x90: {  	(tm) =	ssettm $0x1  }
0x91: {  	s17 =	sld [smem:$0x3FFB];
	_ =	sdelay $0x3  }
0x92: {  	_ =	strace s17  }
0x93: {  	s2 =	sld [smem:$0x3FFC];
	_ =	sdelay $0x3  }
0x94: {  	_ =	strace s2  }
0x95: {  	s2 =	sld [smem:$0x3FFD];
	_ =	sdelay $0x3  }
0x96: {  	_ =	strace s2  }
0x97: {  	_ =	strace $0x8FFFFFFF  }
0x98: {  	s18 =	sld [smem:$0x3FDB];
	_ =	sdelay $0x1  }
0x99: {  	s19 =	simm.s32 $_scs_section_size  }
0x9a: {  	s4 =	simm.s32 $_size__tile_overlayer_lowered;
	s5 =	simm.s32 $_tile_overlayer_lowered  }
0x9b: {  	s22 =	simm.s32 $0x1BFF;
	s21 =	sshll.u32 s5, $0x1;
	s2 =	sadd.s32 s19, s18  }
0x9c: {  	s6 =	simm.s32 $0x0;
	s20 =	sshll.u32 s4, $0x1;
	s4 =	sadd.s32 s21, s2  }
0x9d: {  	[timem:s6], [sflag:s22] =	dma.local [hbm:s4], s20  }
0x9e: {  	_ =	swait.ge [sflag:s22], s20  }
0x9f: {  	s3 =	ssub.s32 $0x0, s20;
	[sflag:s22] =	ssyncset.done $0x0  }
0xa0: {  	[sflag:s22] =	ssyncadd.s32 s3;
	_ =	sdelay $0x1  }
0xa1: {  	s23 =	simm.s32 $0x1B8B  }
0xa2: {  	_ =	swait.ge [sflag:s23], $0x1  }
0xa3: {  	[sflag:s23] =	ssyncset.done $0x0  }
0xa4: {  	s25 =	simm.s32 $0x1B8E;
	s24 =	sld [smem:$0x3FFE];
	[sflag:s23] =	ssyncadd.s32 $0xFFFFFFFF  }
0xa5: {  	s26 =	simm.s32 $execute0_lowered;
	[smem:$0x3FD2] =	sst s25  }
0xa6: {  	s4 =	sshll.u32 s26, $0x1;
	_ =	strace $0x80000067;
	[dreg:$0x1] =	wrdreg $0xFFFFFFFF  }
0xa7: {  	s28 =	simm.s32 $_size_execute0_lowered;
	s2 =	sadd.s32 s2, s4;
	[dreg:$0x0] =	wrdreg $0x0  }
0xa8: {  	s4 =	sshll.u32 s28, $0x1;
	[dreg:$0x2] =	wrdreg s2  }
0xa9: {  	[dreg:$0x3] =	wrdreg s4  }
0xaa: {  	[dreg:$0x4] =	wrdreg $0xC0  }
0xab: {  	_ =	task [dreg:s6], $0x5FFFF  }
0xac: {  	[dreg:$0x1] =	wrdreg $0xFFFFFFFF  }
0xad: {  	[dreg:$0x0] =	wrdreg $0x60  }
0xae: {  	[dreg:$0x2] =	wrdreg s24  }
0xaf: {  	[dreg:$0x3] =	wrdreg $0x44000  }
0xb0: {  	[dreg:$0x4] =	wrdreg $0x9  }
0xb1: {  	_ =	task.clear_ibuf [dreg:s6], $0x5FFFF;
	_ =	strace $0x90000067  }
0xb2: {  	s29 =	simm.s32 $0x9;
	_ =	strace $0x80000069  }
0xb3: {  	_ =	swait.ge [sflag:s29], $0x1  }
0xb4: {  	[sflag:s29] =	ssyncadd.s32 $0xFFFFFFFF  }
0xb5: {  	_ =	strace $0x90000069  }
0xb6: {  	_ =	sfence  }
0xb7: {  	s30 =	sld [smem:$0x0];
	_ =	sdelay $0x2  }
0xb8: {  	s31 =	sshll.u32 s1, $0xD;
	s1 =	sshrl.u32 s1, $0x2  }
0xb9: {  	s3 =	sand.u32 $0x4000, s31;
	s1 =	sadd.s32 s1, s30  }
0xba: {  	s0 =	sor.u32 s3, s0;
	s1 =	sshll.u32 s1, $0x11  }
0xbb: {  	s0 =	sor.u32 s1, s0  }
0xbc: {  	s0 =	sadd.s32 $0x8F2B, s0  }
0xbd: {  	[sflag:s0] =	ssyncadd.remote.s32 $0x1  }
0xbe: {  	_ =	sfence.sel $0xFFFF  }
0xbf: {  	[dreg:$0x0] =	wrdreg $0xFFFFFFFF;
	(pc) =	sbr.abs _section_cstart, $3  }
0xc0: {  	[dreg:$0x1] =	wrdreg $0xFFFFFFFF  }
0xc1: {  	_ =	task.clear_ibuf [dreg:s6], $0x2FFFF;
	_ =	strace $0x9FFFFFFF  }
0xc2: {  	(tm) =	ssettm $0x7FFFFFFF  }
0xc3: {  	_ =	shalt  }
tec
execute0_lowered:
.L_overlay_start_1:
0x0: {  	(tag) =	ssettag $0x1  }
0x1: {  	s6 =	rddreg [dreg:$0x0]  }
0x2: {  	s0 =	srdreg.scid;
	s2 =	rddreg [dreg:$0x1]  }
0x3: {  	s1 =	rddreg [dreg:$0x2];
	s5 =	sand.u32 $0x1, s0  }
0x4: {  	s0 =	stileid.u32;
	s4 =	smul.u32 $0xC4000, s5  }
0x5: {  	s3 =	simm.s32 $0x0;
	s13 =	simm.s32 $0x200;
	s7 =	smul.u32 $0xC400, s0  }
0x6: {  	s14 =	simm.s32 $0x400;
	s15 =	simm.s32 $0x1;
	s8 =	smul.u32 $0x18700, s0  }
0x7: {  	s16 =	simm.s32 $0x2;
	[smem:$0x7FF] =	sst s3;
	s26 =	smul.u32 $0x187000, s5  }
0x8: {  	s17 =	simm.s32 $0x0;
	_ =	strace $0x80000068;
	s10 =	smul.u32 $0x1880, s0  }
0x9: {  	s29 =	ssub.s32 $0x2, s5;
	s5 =	sadd.s32 $0xB400, s6;
	s31 =	sshll.u32 s0, $0x6  }
0xa: {  	s30 =	sshrl.u32 s29, $0x1;
	s4 =	sadd.s32 s7, s4;
	s7 =	sadd.s32 s8, s26  }
0xb: {  	s28 =	sadd.s32 s10, s6;
	s10 =	ssub.s32 s29, s30;
	s12 =	sadd.s32 s8, s2  }
0xc: {  	s9 =	sshrl.u32 s4, $0x3;
	s4 =	sadd.s32 $0xE600, s6;
	s7 =	sshrl.u32 s7, $0x3  }
0xd: {  	s8 =	smax.u32 s10, $0x1;
	s11 =	sadd.s32 s9, s6;
	s7 =	sadd.s32 s7, s6  }
0xe: {  	s6 =	sor.u32 $0x1C03, s31;
	s9 =	sadd.s32 $0x72E00, s28;
	s7 =	sadd.s32 $0x14EC00, s7  }
0xf: {  	s10 =	sadd.s32 $0x224A00, s11;
	s11 =	sshrl.u32 s12, $0x3;
	s12 =	simm.s32 $0x3  }
.LBB2_1:
0x10: {  	[spmem:s11], [sflag:s6] =	dma.local [hbm:s5], $0x30E0  }
0x11: {  	_ =	swait.ge [sflag:s12], $0x30E0  }
0x12: {  	[sflag:s12] =	ssyncset.done $0x0  }
0x13: {  	[sflag:s12] =	ssyncadd.s32 $0xFFFFCF20  }
0x14: {  	s18 =	sadd.s32 $0x0, s10;
	[bflag:$0x0] =	sbarrier.arrive $0xFFFF  }
0x15: {  	[tilespmem:s3], [sflag:$0x3] =	stream.linear.gather [hbm4b:s18+s3], $0x200, $0x38;
	[tilespmem:$0x1CB00] =	vst v63  }
0x16: {  	_ =	swait.ge [sflag:s12], $0x200  }
0x17: {  	[sflag:s12] =	ssyncset.done $0x0  }
0x18: {  	s31 =	sadd.s32 $0x0, s9;
	[sflag:s12] =	ssyncadd.s32 $0xFFFFFE00  }
0x19: {  	[tilespmem:s13], [sflag:$0x3] =	stream.linear.gather [hbm4b:s31+s3], $0x200, $0x38;
	[tilespmem:$0x1CB00] =	vst v63  }
0x1a: {  	_ =	swait.ge [sflag:s12], $0x200  }
0x1b: {  	[sflag:s12] =	ssyncset.done $0x0  }
0x1c: {  	[sflag:s12] =	ssyncadd.s32 $0xFFFFFE00  }
0x1d: {  	[tilespmem:s14], [sflag:$0x1] =	stream.indirect.gather [hbm4b:s4+s13], $0x20, s3, s13, $0xb8;
	[tilespmem:$0x1CB00] =	vst v63  }
0x1e: {  	_ =	swait.ge [sflag:s15], $0x4000  }
0x1f: {  	[sflag:s15] =	ssyncset.done $0x0  }
0x20: {  	[sflag:s15] =	ssyncadd.s32 $0xFFFFC000  }
0x21: {  	[spmem:s2] =	stream.indirect.scatter.add.f32 [tilespmem:s14], [sflag:$0x2], $0x20, s13, s13, $0xb8;
	[tilespmem:$0x1CB00] =	vst v63  }
0x22: {  	_ =	swait.ge [sflag:s16], $0x4000  }
0x23: {  	s19 =	simm.s32 $0x80;
	s18 =	simm.s32 $0x40;
	[sflag:s16] =	ssyncset.done $0x0  }
.LBB2_2:
0x24: {  	s20 =	sadd.s32 s18, s10  }
0x25: {  	[sflag:s16] =	ssyncadd.s32 $0xFFFFC000;
	s21 =	smov.u32 s19;
	s22 =	sadd.s32 $0x40, s19  }
0x26: {  	[tilespmem:s3], [sflag:$0x3] =	stream.linear.gather [hbm4b:s20+s3], $0x200, $0x38;
	[tilespmem:$0x1CB00] =	vst v63  }
0x27: {  	p0 =	sne.s32 s19, $0x1840;
	_ =	swait.ge [sflag:s12], $0x200  }
0x28: {  	[sflag:s12] =	ssyncset.done $0x0  }
0x29: {  	s19 =	sadd.s32 s18, s9;
	s18 =	smov.u32 s21;
	[sflag:s12] =	ssyncadd.s32 $0xFFFFFE00  }
0x2a: {  	[tilespmem:s13], [sflag:$0x3] =	stream.linear.gather [hbm4b:s19+s3], $0x200, $0x38;
	[tilespmem:$0x1CB00] =	vst v63  }
0x2b: {  	_ =	swait.ge [sflag:s12], $0x200  }
0x2c: {  	[sflag:s12] =	ssyncset.done $0x0  }
0x2d: {  	[sflag:s12] =	ssyncadd.s32 $0xFFFFFE00  }
0x2e: {  	[tilespmem:s14], [sflag:$0x1] =	stream.indirect.gather [hbm4b:s4+s13], $0x20, s3, s13, $0xb8;
	[tilespmem:$0x1CB00] =	vst v63  }
0x2f: {  	_ =	swait.ge [sflag:s15], $0x4000  }
.Ltmp0:
0x30: {  	[sflag:s15] =	ssyncset.done $0x0;
	(pc) =	sbr.rel @p0 .LBB2_2-.Ltmp0, $4  }
0x31: {  	[sflag:s15] =	ssyncadd.s32 $0xFFFFC000  }
0x32: {  	[spmem:s2] =	stream.indirect.scatter.add.f32 [tilespmem:s14], [sflag:$0x2], $0x20, s13, s13, $0xb8;
	[tilespmem:$0x1CB00] =	vst v63  }
0x33: {  	_ =	swait.ge [sflag:s16], $0x4000  }
0x34: {  	s19 =	smov.u32 s22;
	[sflag:s16] =	ssyncset.done $0x0  }
0x35: {  	s19 =	sadd.s32 s18, s10;
	[sflag:s16] =	ssyncadd.s32 $0xFFFFC000  }
0x36: {  	[tilespmem:s3], [sflag:$0x3] =	stream.linear.gather [hbm4b:s19+s3], $0x200, $0x38;
	[tilespmem:$0x1CB00] =	vst v63  }
0x37: {  	_ =	swait.ge [sflag:s12], $0x200  }
0x38: {  	[sflag:s12] =	ssyncset.done $0x0  }
0x39: {  	s31 =	sadd.s32 s18, s9;
	[sflag:s12] =	ssyncadd.s32 $0xFFFFFE00  }
0x3a: {  	[tilespmem:s13], [sflag:$0x3] =	stream.linear.gather [hbm4b:s31+s3], $0x200, $0x38;
	[tilespmem:$0x1CB00] =	vst v63  }
0x3b: {  	_ =	swait.ge [sflag:s12], $0x200  }
0x3c: {  	[sflag:s12] =	ssyncset.done $0x0  }
0x3d: {  	[sflag:s12] =	ssyncadd.s32 $0xFFFFFE00  }
0x3e: {  	[tilespmem:s14], [sflag:$0x1] =	stream.indirect.gather [hbm4b:s4+s13], $0x20, s3, s13, $0xb8;
	[tilespmem:$0x1CB00] =	vst v63  }
0x3f: {  	_ =	swait.ge [sflag:s15], $0x4000  }
0x40: {  	[sflag:s15] =	ssyncset.done $0x0  }
0x41: {  	[sflag:s15] =	ssyncadd.s32 $0xFFFFC000  }
0x42: {  	[spmem:s2] =	stream.indirect.scatter.add.f32 [tilespmem:s14], [sflag:$0x2], $0x20, s13, s13, $0xb8;
	[tilespmem:$0x1CB00] =	vst v63  }
0x43: {  	_ =	swait.ge [sflag:s16], $0x4000  }
0x44: {  	s17 =	sadd.s32 $0x1, s17;
	[sflag:s16] =	ssyncset.done $0x0  }
0x45: {  	p0 =	sne.s32 s17, s8;
	[sflag:s16] =	ssyncadd.s32 $0xFFFFC000  }
.Ltmp1:
0x46: {  	[bflag:$0x0] =	sbarrier.arrive $0xFFFF;
	(pc) =	sbr.rel @p0 .LBB2_1-.Ltmp1, $4  }
0x47: {  	[hbm:s7], [sflag:s6] =	dma.local [spmem:s11], $0x30E0  }
0x48: {  	_ =	swait.ge [sflag:s12], $0x30E0  }
0x49: {  	[sflag:s12] =	ssyncset.done $0x0  }
0x4a: {  	[sflag:s12] =	ssyncadd.s32 $0xFFFFCF20  }
0x4b: {  	_ =	sfence.sel $0x180000  }
0x4c: {  	[bflag:$0x0] =	sbarrier.arrive $0xFFFF  }
0x4d: {  	p0 =	sne.s32 s0, $0x0;
	_ =	strace $0x90000068  }
0x4e: {  	s0 =	sadd.s32 @!p0 $0x100000, s1;
	[bflag:$0x2] =	sbarrier.arrive $0xFFFF  }
0x4f: {  	[sflag:s0] =	ssyncadd.tile.s32 @!p0 $0x1;
	_ =	shalt  }
.Lfunc_end2:
_tile_overlayer_lowered:
.L_overlay_start_2:
0x50: {  	(tag) =	ssettag $0x2  }
0x51: {  	s0 =	rddreg [dreg:$0x0];
	s2 =	stileid.u32  }
0x52: {  	s1 =	rddreg [dreg:$0x1];
	p0 =	sne.s32 s2, $0x0  }
0x53: {  	s3 =	rddreg [dreg:$0x2];
	[bflag:$0x3] =	sbarrier.arrive $0xFFFF;
	s2 =	simm.s32 @!p0 $0x1C03  }
0x54: {  	[timem:s3], [sflag:s2] =	dma.local @!p0 [hbm:s0], s1  }
0x55: {  	s0 =	simm.s32 @!p0 $0x3  }
0x56: {  	_ =	swait.ge @!p0 [sflag:s0], s1  }
0x57: {  	s1 =	ssub.s32 @!p0 $0x0, s1;
	[sflag:s0] =	ssyncset.done @!p0 $0x0  }
0x58: {  	[sflag:s0] =	ssyncadd.s32 @!p0 s1  }
0x59: {  	[bflag:$0x3] =	sbarrier.arrive $0xFFFF  }
0x5a: {  	_ =	shalt  }

</sc_bundles>
